<compile_context>
chip_gen: v7x
topology: tpu7x:2x2x1
jax: 0.10.2.dev20260603
libtpu: 0.0.44.dev20260713+nightly
codegen_flags: <defaults>
</compile_context>

<pallas_src>
import functools

import jax
import jax.numpy as jnp
from jax import lax
from jax.experimental import pallas as pl
from jax.experimental.pallas import tpu as pltpu
from jax.experimental.pallas import tpu_sc as plsc

NCLS = 28
NCP = 32
M = 200
MPAD = 208
GPAD = 224
NW = 32
N = 2 * 16 * 128 * 128
CHUNK = N // NW
VREGS = CHUNK // 16
SENT = 0x3FFFFFFF

_mesh = functools.partial(
    plsc.VectorSubcoreMesh, core_axis_name="c", subcore_axis_name="s")
_cp = pltpu.CompilerParams(needs_layout_passes=False)
_cp_untiled = pltpu.CompilerParams(needs_layout_passes=False,
                                   use_tc_tiling_on_sc=False)


def _wid():
    return lax.axis_index("s") * 2 + lax.axis_index("c")


def _lane():
    return lax.iota(jnp.int32, 16)


def _k1_body(labels_hbm, loc_cnt_hbm, loc_idx_hbm, lab_v, buf_v, cnt_v, sem):
    wid = _wid()
    base = wid * CHUNK
    pltpu.sync_copy(labels_hbm.at[pl.ds(base, CHUNK)], lab_v)
    z16 = jnp.zeros((16,), jnp.int32)
    cnt_v[pl.ds(0, 16)] = z16
    cnt_v[pl.ds(16, 16)] = z16
    lane = _lane()

    def step(i, _):
        v = lab_v[pl.ds(i * 16, 16)]
        occ, lastm = plsc.scan_count(v)
        basec = plsc.load_gather(cnt_v, [v])
        pos = basec + occ - 1
        keep = pos < M
        gidx = base + i * 16 + lane
        plsc.store_scatter(buf_v, [v, jnp.minimum(pos, M - 1)], gidx,
                           mask=keep)
        plsc.store_scatter(cnt_v, [v], basec + occ, mask=lastm)
        return 0

    lax.fori_loop(0, VREGS, step, 0)
    pltpu.sync_copy(cnt_v, loc_cnt_hbm.at[wid])
    copies = [pltpu.async_copy(buf_v.at[c], loc_idx_hbm.at[c, wid], sem)
              for c in range(NCLS)]
    for d in copies:
        d.wait()


def _k1(labels_flat):
    kern = pl.kernel(
        _k1_body,
        out_type=(jax.ShapeDtypeStruct((NW, NCP), jnp.int32),
                  jax.ShapeDtypeStruct((NCLS, NW, M), jnp.int32)),
        mesh=_mesh(),
        compiler_params=_cp,
        scratch_types=[pltpu.VMEM((CHUNK,), jnp.int32),
                       pltpu.VMEM((NCLS, M), jnp.int32),
                       pltpu.VMEM((NCP,), jnp.int32),
                       pltpu.SemaphoreType.DMA],
    )
    return kern(labels_flat)


def _k15_body(loc_cnt_hbm, loc_idx_hbm, glob_hbm, cnt_hbm,
              lc_v, cls_v, pre_v, glob_v, cw_v, sem):
    wid = _wid()
    lane = _lane()
    z16 = jnp.zeros((16,), jnp.int32)
    pltpu.sync_copy(loc_cnt_hbm, lc_v)

    @pl.when(wid == 0)
    def _():
        acc0 = z16
        acc1 = z16
        for w in range(NW):
            acc0 = acc0 + lc_v[w, pl.ds(0, 16)]
            acc1 = acc1 + lc_v[w, pl.ds(16, 16)]
        cw_v[pl.ds(0, 16)] = acc0
        cw_v[pl.ds(16, 16)] = acc1
        pltpu.sync_copy(cw_v, cnt_hbm)

    @pl.when(wid < NCLS)
    def _():
        c = wid
        pltpu.sync_copy(loc_idx_hbm.at[c], cls_v)
        fc = jnp.full((16,), c, jnp.int32)
        cw0 = plsc.load_gather(lc_v, [lane, fc])
        cw1 = plsc.load_gather(lc_v, [lane + 16, fc])
        t0 = jnp.sum(cw0)
        incl0 = plsc.cumsum(cw0)
        incl1 = plsc.cumsum(cw1) + t0
        total = t0 + jnp.sum(cw1)
        pre_v[pl.ds(0, 16)] = incl0 - cw0
        pre_v[pl.ds(16, 16)] = incl1 - cw1
        cap = jnp.minimum(total, M)

        e0 = incl0 - cw0
        e1 = incl1 - cw1

        def grp(g, _):
            j = g * 16 + lane
            acc = jnp.zeros((16,), jnp.int32)
            for w in range(16):
                acc = acc + (j >= e0[w]).astype(jnp.int32)
                acc = acc + (j >= e1[w]).astype(jnp.int32)
            wsel = acc - 1
            local = j - plsc.load_gather(pre_v, [wsel])
            local = jnp.clip(local, 0, M - 1)
            val = plsc.load_gather(cls_v, [wsel, local])
            val = jnp.where(j < cap, val, SENT)
            glob_v[pl.ds(g * 16, 16)] = val
            return 0

        lax.fori_loop(0, MPAD // 16, grp, 0)
        pltpu.sync_copy(glob_v, glob_hbm.at[c])


def _k15(loc_cnt, loc_idx):
    kern = pl.kernel(
        _k15_body,
        out_type=(jax.ShapeDtypeStruct((NCLS, MPAD), jnp.int32),
                  jax.ShapeDtypeStruct((NCP,), jnp.int32)),
        mesh=_mesh(),
        compiler_params=_cp,
        scratch_types=[pltpu.VMEM((NW, NCP), jnp.int32),
                       pltpu.VMEM((NW, M), jnp.int32),
                       pltpu.VMEM((NCP,), jnp.int32),
                       pltpu.VMEM((MPAD,), jnp.int32),
                       pltpu.VMEM((NCP,), jnp.int32),
                       pltpu.SemaphoreType.DMA],
    )
    return kern(loc_cnt, loc_idx)


def _k2_body(glob_hbm, cnt_hbm, dm_hbm, featsf_hbm, mt_hbm, res_hbm,
             glob_v, cnt_v, dm_v, mt_v,
             oidx_a, oidx_p, oidx_n, ocls_p, ocls_n,
             rows_a, rows_p, rows_n, res_v, sem):
    wid = _wid()
    lane = _lane()
    z16 = jnp.zeros((16,), jnp.int32)
    zf16 = jnp.zeros((16,), jnp.float32)

    @pl.when(wid >= NCLS - 1)
    def _():
        res_v[...] = zf16
        pltpu.sync_copy(res_v, res_hbm.at[wid])

    @pl.when(wid < NCLS - 1)
    def _():
        ii = wid + 1
        pltpu.sync_copy(glob_hbm, glob_v)
        pltpu.sync_copy(cnt_hbm, cnt_v)
        pltpu.sync_copy(dm_hbm, dm_v)
        pltpu.sync_copy(mt_hbm, mt_v)
        iiv = jnp.full((16,), ii, jnp.int32)
        c0 = lane
        c1 = lane + 16
        c1c = jnp.minimum(c1, NCLS - 1)
        cnt0 = cnt_v[pl.ds(0, 16)]
        cnt1 = cnt_v[pl.ds(16, 16)]
        dr0 = plsc.load_gather(dm_v, [iiv, c0])
        dr1 = plsc.load_gather(dm_v, [iiv, c1])
        adv0 = jnp.where(dr0 == 0.0, jnp.float32(256.0), dr0)
        adv1 = jnp.where(dr1 == 0.0, jnp.float32(256.0), dr1)
        exist0 = jnp.logical_and(cnt0 > 0, c0 != 0)
        exist1 = jnp.logical_and(cnt1 > 0, c1 < NCLS)
        inf = jnp.float32(jnp.inf)
        mn = jnp.minimum(jnp.min(jnp.where(exist0, adv0, inf)),
                         jnp.min(jnp.where(exist1, adv1, inf)))
        sel0 = jnp.logical_and(exist0, adv0 == mn)
        sel1 = jnp.logical_and(exist1, adv1 == mn)
        neg0 = (c0 != 0) & (c0 != ii) & jnp.logical_not(sel0)
        neg1 = (c1 < NCLS) & (c1 != ii) & jnp.logical_not(sel1)
        pos_tot = (jnp.sum(jnp.where(sel0, cnt0, 0))
                   + jnp.sum(jnp.where(sel1, cnt1, 0)))
        neg_tot = (jnp.sum(jnp.where(neg0, cnt0, 0))
                   + jnp.sum(jnp.where(neg1, cnt1, 0)))
        cnt_ii = jnp.sum(jnp.where(c0 == ii, cnt0, 0)) + \
            jnp.sum(jnp.where(c1 == ii, cnt1, 0))
        mt = jnp.min(mt_v[...])
        ms = jnp.minimum(jnp.minimum(cnt_ii, pos_tot),
                         jnp.minimum(neg_tot, mt))

        for j2 in range(2):
            for g in range(7):
                oidx_a[j2, pl.ds(g * 16, 16)] = z16
                oidx_p[j2, pl.ds(g * 16, 16)] = z16
                oidx_n[j2, pl.ds(g * 16, 16)] = z16
        for g in range(MPAD // 16):
            ocls_p[pl.ds(g * 16, 16)] = z16
            ocls_n[pl.ds(g * 16, 16)] = z16

        def afill(g, _):
            kvec = g * 16 + lane
            val = plsc.load_gather(glob_v, [iiv, jnp.minimum(kvec, MPAD - 1)])
            mc = jnp.minimum(val, N - 1)
            row = (kvec >= 112).astype(jnp.int32)
            col = kvec - row * 112
            plsc.store_scatter(oidx_a, [row, col], mc)
            return 0

        lax.fori_loop(0, GPAD // 16, afill, 0)

        descs = [pltpu.async_copy(featsf_hbm.at[oidx_a.at[j2]],
                                  rows_a.at[j2], sem) for j2 in range(2)]

        lane0 = lane == 0
        hp0 = jnp.where(sel0, plsc.load_gather(glob_v, [c0, z16]), SENT)
        hp1 = jnp.where(sel1, plsc.load_gather(glob_v, [c1c, z16]), SENT)
        hn0 = jnp.where(neg0, plsc.load_gather(glob_v, [c0, z16]), SENT)
        hn1 = jnp.where(neg1, plsc.load_gather(glob_v, [c1c, z16]), SENT)

        def mstep(k, carry):
            hp0, hp1, pp0, pp1, hn0, hn1, pn0, pn1 = carry
            row = (k >= 112).astype(jnp.int32)
            rowv = jnp.full((16,), row, jnp.int32)
            colv = jnp.full((16,), k - row * 112, jnp.int32)
            kv = jnp.full((16,), k, jnp.int32)

            def half(h0, h1, p0, p1, memb0, memb1, oidx_ref, ocls_ref):
                m = jnp.minimum(jnp.min(h0), jnp.min(h1))
                e0 = h0 == m
                f0 = plsc.all_reduce_ffs(e0)
                f1 = plsc.all_reduce_ffs(h1 == m)
                cvec = jnp.where(jnp.any(e0), f0, f1 + 16)
                mc = jnp.full((16,), jnp.minimum(m, N - 1), jnp.int32)
                plsc.store_scatter(oidx_ref, [rowv, colv], mc, mask=lane0)
                plsc.store_scatter(ocls_ref, [kv], cvec, mask=lane0)
                a0 = jnp.logical_and(memb0, c0 == cvec)
                a1 = jnp.logical_and(memb1, c1 == cvec)
                p0n = p0 + a0.astype(jnp.int32)
                p1n = p1 + a1.astype(jnp.int32)
                g0 = plsc.load_gather(glob_v, [c0, jnp.minimum(p0n, MPAD - 1)])
                g1 = plsc.load_gather(glob_v,
                                      [c1c, jnp.minimum(p1n, MPAD - 1)])
                return (jnp.where(a0, g0, h0), jnp.where(a1, g1, h1),
                        p0n, p1n)

            hp0, hp1, pp0, pp1 = half(hp0, hp1, pp0, pp1, sel0, sel1,
                                      oidx_p, ocls_p)
            hn0, hn1, pn0, pn1 = half(hn0, hn1, pn0, pn1, neg0, neg1,
                                      oidx_n, ocls_n)
            return hp0, hp1, pp0, pp1, hn0, hn1, pn0, pn1

        lax.fori_loop(0, M, mstep,
                      (hp0, hp1, z16, z16, hn0, hn1, z16, z16))

        for (oix, rws) in ((oidx_p, rows_p),
                           (oidx_n, rows_n)):
            for j2 in range(2):
                descs.append(pltpu.async_copy(
                    featsf_hbm.at[oix.at[j2]], rws.at[j2], sem))
        for d in descs:
            d.wait()

        ms_v = jnp.full((16,), ms, jnp.int32)

        def grp(g, tl_sum):
            kvec = g * 16 + lane
            row = (kvec >= 112).astype(jnp.int32)
            col = kvec - row * 112
            accp = zf16
            accn = zf16
            for ch in range(32):
                fch = jnp.full((16,), ch, jnp.int32)
                va = plsc.load_gather(rows_a, [row, col, fch])
                vp = plsc.load_gather(rows_p, [row, col, fch])
                vn = plsc.load_gather(rows_n, [row, col, fch])
                accp = accp + va * vp
                accn = accn + va * vn
            ocp = ocls_p[pl.ds(g * 16, 16)]
            ocn = ocls_n[pl.ds(g * 16, 16)]
            dpos = plsc.load_gather(dm_v, [iiv, ocp])
            dneg = plsc.load_gather(dm_v, [iiv, ocn])
            d_ap = 1.0 - accp
            d_an = 1.0 - accn
            tl = jnp.maximum(
                d_ap - d_an + 0.1 + (dneg - dpos) * 0.125, 0.0)
            tl = jnp.where((kvec < ms_v) & (kvec < M), tl, 0.0)
            return tl_sum + jnp.sum(tl)

        tl_sum = lax.fori_loop(0, MPAD // 16, grp, jnp.float32(0.0))
        active = ms > 0
        msf_v = jnp.full((16,), jnp.maximum(ms, 1).astype(jnp.float32))
        tl_mean = jnp.where(jnp.full((16,), active),
                            jnp.full((16,), tl_sum) / msf_v, zf16)
        act_f = jnp.where(active, jnp.float32(1.0), jnp.float32(0.0))
        vals = (tl_mean * (lane == 0).astype(jnp.float32)
                + act_f * (lane == 1).astype(jnp.float32))
        res_v[...] = vals
        pltpu.sync_copy(res_v, res_hbm.at[wid])


def _k2(glob, cnt, dm_pad, featsf, mt_vec):
    kern = pl.kernel(
        _k2_body,
        out_type=jax.ShapeDtypeStruct((NW, 16), jnp.float32),
        mesh=_mesh(),
        compiler_params=_cp_untiled,
        scratch_types=[pltpu.VMEM((NCLS, MPAD), jnp.int32),
                       pltpu.VMEM((NCP,), jnp.int32),
                       pltpu.VMEM((NCP, NCP), jnp.float32),
                       pltpu.VMEM((16,), jnp.int32),
                       pltpu.VMEM((2, 112), jnp.int32),
                       pltpu.VMEM((2, 112), jnp.int32),
                       pltpu.VMEM((2, 112), jnp.int32),
                       pltpu.VMEM((MPAD,), jnp.int32),
                       pltpu.VMEM((MPAD,), jnp.int32),
                       pltpu.VMEM((2, 112, 32), jnp.float32),
                       pltpu.VMEM((2, 112, 32), jnp.float32),
                       pltpu.VMEM((2, 112, 32), jnp.float32),
                       pltpu.VMEM((16,), jnp.float32),
                       pltpu.SemaphoreType.DMA],
    )
    return kern(glob, cnt, dm_pad, featsf, mt_vec)


def _k3_body(res_hbm, out_hbm, res_v, out_v):
    wid = _wid()
    lane = _lane()

    @pl.when(wid == 0)
    def _():
        pltpu.sync_copy(res_hbm, res_v)
        z16 = jnp.zeros((16,), jnp.int32)
        o16 = jnp.full((16,), 1, jnp.int32)
        tl0 = plsc.load_gather(res_v, [lane, z16])
        tl1 = plsc.load_gather(res_v, [lane + 16, z16])
        ac0 = plsc.load_gather(res_v, [lane, o16])
        ac1 = plsc.load_gather(res_v, [lane + 16, o16])
        total = jnp.sum(tl0) + jnp.sum(tl1)
        count = jnp.sum(ac0) + jnp.sum(ac1)
        total_v = jnp.full((16,), total)
        count_v = jnp.full((16,), count)
        result_v = jnp.where(count_v == 0.0, jnp.float32(0.0),
                             total_v / jnp.maximum(count_v, 1.0))
        out_v[...] = result_v
        pltpu.sync_copy(out_v, out_hbm)


def _k3(res):
    kern = pl.kernel(
        _k3_body,
        out_type=jax.ShapeDtypeStruct((16,), jnp.float32),
        mesh=_mesh(),
        compiler_params=_cp,
        scratch_types=[pltpu.VMEM((NW, 16), jnp.float32),
                       pltpu.VMEM((16,), jnp.float32)],
    )
    return kern(res)


def kernel(feats, labels, dist_mat, max_triplet):
    lab = labels[:, ::2, ::2, ::2].astype(jnp.int32)
    labels_flat = lab.reshape(-1)
    featsf = jnp.transpose(feats, (0, 2, 3, 4, 1)).reshape(-1, feats.shape[1])
    dm_pad = jnp.zeros((NCP, NCP), jnp.float32).at[:NCLS, :NCLS].set(
        dist_mat.astype(jnp.float32))
    mt_vec = jnp.full((16,), max_triplet, jnp.int32)

    loc_cnt, loc_idx = _k1(labels_flat)
    glob, cnt = _k15(loc_cnt, loc_idx)
    res = _k2(glob, cnt, dm_pad, featsf, mt_vec)
    out = _k3(res)
    return out[0]

# --- scband reference (transcript-rebuilt; emitter-appended) ---
"""Pipeline reference for scband-tree-triplet-loss-3539053052192 (READ-ONLY COPY).

The authoritative reference and input builder live on the scoring server;
editing this copy changes nothing except your own understanding.
"""

import jax, jax.numpy as jnp
import numpy as np

NUM_CLASSES = 28

def _nearest_resize_3d(lab, out_dhw):
    # lab: [B, 1, d, h, w] -> [B, 1, D, H, W], torch 'nearest' semantics: idx = floor(i * in/out)
    d, h, w = lab.shape[-3], lab.shape[-2], lab.shape[-1]
    D, H, W = out_dhw
    idd = (np.arange(D) * d) // D
    idh = (np.arange(H) * h) // H
    idw = (np.arange(W) * w) // W
    lab = lab[:, :, idd, :, :]
    lab = lab[:, :, :, idh, :]
    lab = lab[:, :, :, :, idw]
    return lab

def setup_inputs(seed: int = 0):
    key = jax.random.key(seed)
    k1, k2, k3 = jax.random.split(key, 3)
    feats = jax.random.normal(k1, (2, 32, 16, 128, 128), dtype=jnp.float32)
    labels = jax.random.randint(k2, (2, 32, 256, 256), 0, NUM_CLASSES)
    # hierarchy distance matrix buffer (stands in for hiera_dist_CANDI.npy):
    # symmetric, positive off-diagonal integer tree distances, zero diagonal
    dm = jax.random.randint(k3, (NUM_CLASSES, NUM_CLASSES), 1, 16).astype(jnp.float32)
    dm = (dm + dm.T) / 2.0
    dm = dm * (1.0 - jnp.eye(NUM_CLASSES, dtype=jnp.float32))
    return {"feats": feats, "labels": labels, "dist_mat": dm, "max_triplet": 200}

def reference(feats, labels, dist_mat, max_triplet=200):
    B, C, D, H, W = feats.shape
    lab = labels.astype(jnp.float32)[:, None]
    lab = _nearest_resize_3d(lab, (D, H, W))
    lab = lab[:, 0].astype(jnp.int32)
    labels_flat = lab.reshape(-1)
    feats_f = jnp.transpose(feats, (0, 2, 3, 4, 1)).reshape(-1, C)
    cnt = jnp.zeros((NUM_CLASSES,), dtype=jnp.int32).at[labels_flat].add(1)
    exist_mask = (cnt > 0) & (jnp.arange(NUM_CLASSES) != 0)
    M = 200
    pos = jnp.arange(M)
    total = jnp.float32(0.0)
    count = jnp.int32(0)
    for ii in range(1, NUM_CLASSES):
        adv = jnp.where(dist_mat[ii] == 0, jnp.float32(256.0), dist_mat[ii])
        mn = jnp.min(jnp.where(exist_mask, adv, jnp.inf))
        sel = exist_mask & (adv == mn)
        ia = labels_flat == ii
        ip = sel[labels_flat]
        ineg = (~ia) & (~ip) & (labels_flat != 0)
        ms = jnp.minimum(jnp.minimum(jnp.sum(ia), jnp.sum(ip)),
                         jnp.minimum(jnp.sum(ineg), max_triplet))
        ai = jnp.argsort(~ia)[:M]
        pi = jnp.argsort(~ip)[:M]
        ni = jnp.argsort(~ineg)[:M]
        fa = feats_f[ai]
        fp = feats_f[pi]
        fn = feats_f[ni]
        ln = labels_flat[ni]
        lp = labels_flat[pi]
        dist_neg = dist_mat[ii, ln]
        dist_pos = dist_mat[ii, lp]
        d_ap = 1.0 - jnp.sum(fa * fp, axis=1)
        d_an = 1.0 - jnp.sum(fa * fn, axis=1)
        margin = 0.1 * jnp.ones((M,), dtype=jnp.float32) + (dist_neg - dist_pos) / 8.0
        tl = jax.nn.relu(d_ap - d_an + margin)
        valid = pos < ms
        tl_mean = jnp.sum(jnp.where(valid, tl, jnp.float32(0.0))) / jnp.maximum(ms, 1)
        active = ms > 0
        total = total + jnp.where(active, tl_mean, jnp.float32(0.0))
        count = count + jnp.where(active, jnp.int32(1), jnp.int32(0))
    return jnp.where(count == 0, jnp.float32(0.0), total / jnp.maximum(count, 1))

if __name__ == "__main__":
    import jax
    _d = setup_inputs()
    print(jax.jit(kernel)(*tuple(_d.values())))

</pallas_src>

<mosaic_0001>
#map = affine_map<(d0, d1) -> (0, 0)>
#map1 = affine_map<(d0, d1) -> (0)>
module attributes {stable_mosaic.version = 14 : i64} {
  func.func @_k2_body(%arg0: i32, %arg1: i32, %arg2: memref<28x208xi32, #tpu.memory_space<hbm>>, %arg3: memref<32xi32, #tpu.memory_space<hbm>>, %arg4: memref<32x32xf32, #tpu.memory_space<hbm>>, %arg5: memref<524288x32xf32, #tpu.memory_space<hbm>>, %arg6: memref<16xi32, #tpu.memory_space<hbm>>, %arg7: memref<32x16xf32, #tpu.memory_space<hbm>>, %arg8: memref<28x208xi32, #tpu.memory_space<vmem>>, %arg9: memref<32xi32, #tpu.memory_space<vmem>>, %arg10: memref<32x32xf32, #tpu.memory_space<vmem>>, %arg11: memref<16xi32, #tpu.memory_space<vmem>>, %arg12: memref<2x112xi32, #tpu.memory_space<vmem>>, %arg13: memref<2x112xi32, #tpu.memory_space<vmem>>, %arg14: memref<2x112xi32, #tpu.memory_space<vmem>>, %arg15: memref<208xi32, #tpu.memory_space<vmem>>, %arg16: memref<208xi32, #tpu.memory_space<vmem>>, %arg17: memref<2x112x32xf32, #tpu.memory_space<vmem>>, %arg18: memref<2x112x32xf32, #tpu.memory_space<vmem>>, %arg19: memref<2x112x32xf32, #tpu.memory_space<vmem>>, %arg20: memref<16xf32, #tpu.memory_space<vmem>>, %arg21: memref<!tpu.dma_semaphore, #tpu.memory_space<semaphore_mem>>) attributes {dimension_semantics = [#tpu.dimension_semantics<core_parallel>, #tpu.dimension_semantics<subcore_parallel>], iteration_bounds = array<i64: 2, 16>, scalar_prefetch = 0 : i64, scratch_operands = 14 : i64, tpu.core_type = #tpu.core_type<sc_vector_subcore>, window_params = [{transform_indices = #map}, {transform_indices = #map1}, {transform_indices = #map}, {transform_indices = #map}, {transform_indices = #map1}, {transform_indices = #map}]} {
    %mul3A = arith.constant 2 : i32
    %mul3A_0 = arith.muli %arg1, %mul3A : i32
    %add3A = arith.addi %mul3A_0, %arg0 : i32
    %iota3A = tpu.iota {dimensions = array<i32: 0>} : vector<16xi32>
    %broadcast_in_dim3A = arith.constant 0 : i32
    %broadcast_in_dim3A_1 = vector.broadcast %broadcast_in_dim3A : i32 to vector<16xi32>
    %broadcast_in_dim3A_2 = arith.constant 0.000000e+00 : f32
    %broadcast_in_dim3A_3 = vector.broadcast %broadcast_in_dim3A_2 : f32 to vector<16xf32>
    %ge3A = arith.constant 27 : i32
    %ge3A_4 = arith.cmpi sge, %add3A, %ge3A : i32
    %convert_element_type3A = arith.extui %ge3A_4 : i1 to i32
    %cond3A = arith.constant 0 : i32
    %cond3A_5 = arith.cmpi ne, %convert_element_type3A, %cond3A : i32
    scf.if %cond3A_5 {
      %swap3A = arith.constant 0 : index
      %swap3A_10 = tpu.vector_load %arg20[%swap3A] {strides = array<i32>} : memref<16xf32, #tpu.memory_space<vmem>>, vector<16xf32>,
      tpu.vector_store %arg20[%swap3A], %broadcast_in_dim3A_3 {strides = array<i32>} : memref<16xf32, #tpu.memory_space<vmem>>, vector<16xf32>,
      "tpu.region"() ({
        %run_scoped3A = tpu.sem_alloc : memref<!tpu.dma_semaphore, #tpu.memory_space<semaphore_mem>>
        %dma_start3A = arith.constant 0 : i32
        %dma_start3A_11 = tpu.memref_slice %arg7[%add3A, %dma_start3A] : memref<32x16xf32, #tpu.memory_space<hbm>> -> memref<1x16xf32, #tpu.memory_space<hbm>>
        %dma_start3A_12 = tpu.memref_squeeze %dma_start3A_11 : memref<1x16xf32, #tpu.memory_space<hbm>> -> memref<16xf32, #tpu.memory_space<hbm>>
        %dma_start3A_13 = arith.constant 0 : i32
        %dma_start3A_14 = tpu.memref_slice %arg7[%add3A, %dma_start3A_13] : memref<32x16xf32, #tpu.memory_space<hbm>> -> memref<1x16xf32, #tpu.memory_space<hbm>>
        %dma_start3A_15 = tpu.memref_squeeze %dma_start3A_14 : memref<1x16xf32, #tpu.memory_space<hbm>> -> memref<16xf32, #tpu.memory_space<hbm>>
        tpu.enqueue_dma source(%arg20 : memref<16xf32, #tpu.memory_space<vmem>>) target(%dma_start3A_15 : memref<16xf32, #tpu.memory_space<hbm>>) target_semaphore(%run_scoped3A : memref<!tpu.dma_semaphore, #tpu.memory_space<semaphore_mem>>)
        %dma_wait3A = arith.constant 0 : i32
        %dma_wait3A_16 = tpu.memref_slice %arg7[%add3A, %dma_wait3A] : memref<32x16xf32, #tpu.memory_space<hbm>> -> memref<1x16xf32, #tpu.memory_space<hbm>>
        %dma_wait3A_17 = tpu.memref_squeeze %dma_wait3A_16 : memref<1x16xf32, #tpu.memory_space<hbm>> -> memref<16xf32, #tpu.memory_space<hbm>>
        %dma_wait3A_18 = arith.constant 0 : i32
        %dma_wait3A_19 = tpu.memref_slice %arg7[%add3A, %dma_wait3A_18] : memref<32x16xf32, #tpu.memory_space<hbm>> -> memref<1x16xf32, #tpu.memory_space<hbm>>
        %dma_wait3A_20 = tpu.memref_squeeze %dma_wait3A_19 : memref<1x16xf32, #tpu.memory_space<hbm>> -> memref<16xf32, #tpu.memory_space<hbm>>
        tpu.wait_dma2 semaphore(%run_scoped3A : memref<!tpu.dma_semaphore, #tpu.memory_space<semaphore_mem>>) src(%arg20 : memref<16xf32, #tpu.memory_space<vmem>>) dst(%dma_wait3A_20 : memref<16xf32, #tpu.memory_space<hbm>>)
        tpu.yield
      }) : () -> ()
    } else {
    }
    %lt3A = arith.constant 27 : i32
    %lt3A_6 = arith.cmpi slt, %add3A, %lt3A : i32
    %convert_element_type3A_7 = arith.extui %lt3A_6 : i1 to i32
    %cond3A_8 = arith.constant 0 : i32
    %cond3A_9 = arith.cmpi ne, %convert_element_type3A_7, %cond3A_8 : i32
    scf.if %cond3A_9 {
      %add3A_10 = arith.constant 1 : i32
      %add3A_11 = arith.addi %add3A, %add3A_10 : i32
      "tpu.region"() ({
        %run_scoped3A = tpu.sem_alloc : memref<!tpu.dma_semaphore, #tpu.memory_space<semaphore_mem>>
        tpu.enqueue_dma source(%arg2 : memref<28x208xi32, #tpu.memory_space<hbm>>) target(%arg8 : memref<28x208xi32, #tpu.memory_space<vmem>>) target_semaphore(%run_scoped3A : memref<!tpu.dma_semaphore, #tpu.memory_space<semaphore_mem>>)
        tpu.wait_dma2 semaphore(%run_scoped3A : memref<!tpu.dma_semaphore, #tpu.memory_space<semaphore_mem>>) src(%arg2 : memref<28x208xi32, #tpu.memory_space<hbm>>) dst(%arg8 : memref<28x208xi32, #tpu.memory_space<vmem>>)
        tpu.yield
      }) : () -> ()
      "tpu.region"() ({
        %run_scoped3A = tpu.sem_alloc : memref<!tpu.dma_semaphore, #tpu.memory_space<semaphore_mem>>
        tpu.enqueue_dma source(%arg3 : memref<32xi32, #tpu.memory_space<hbm>>) target(%arg9 : memref<32xi32, #tpu.memory_space<vmem>>) target_semaphore(%run_scoped3A : memref<!tpu.dma_semaphore, #tpu.memory_space<semaphore_mem>>)
        tpu.wait_dma2 semaphore(%run_scoped3A : memref<!tpu.dma_semaphore, #tpu.memory_space<semaphore_mem>>) src(%arg3 : memref<32xi32, #tpu.memory_space<hbm>>) dst(%arg9 : memref<32xi32, #tpu.memory_space<vmem>>)
        tpu.yield
      }) : () -> ()
      "tpu.region"() ({
        %run_scoped3A = tpu.sem_alloc : memref<!tpu.dma_semaphore, #tpu.memory_space<semaphore_mem>>
        tpu.enqueue_dma source(%arg4 : memref<32x32xf32, #tpu.memory_space<hbm>>) target(%arg10 : memref<32x32xf32, #tpu.memory_space<vmem>>) target_semaphore(%run_scoped3A : memref<!tpu.dma_semaphore, #tpu.memory_space<semaphore_mem>>)
        tpu.wait_dma2 semaphore(%run_scoped3A : memref<!tpu.dma_semaphore, #tpu.memory_space<semaphore_mem>>) src(%arg4 : memref<32x32xf32, #tpu.memory_space<hbm>>) dst(%arg10 : memref<32x32xf32, #tpu.memory_space<vmem>>)
        tpu.yield
      }) : () -> ()
      "tpu.region"() ({
        %run_scoped3A = tpu.sem_alloc : memref<!tpu.dma_semaphore, #tpu.memory_space<semaphore_mem>>
        tpu.enqueue_dma source(%arg6 : memref<16xi32, #tpu.memory_space<hbm>>) target(%arg11 : memref<16xi32, #tpu.memory_space<vmem>>) target_semaphore(%run_scoped3A : memref<!tpu.dma_semaphore, #tpu.memory_space<semaphore_mem>>)
        tpu.wait_dma2 semaphore(%run_scoped3A : memref<!tpu.dma_semaphore, #tpu.memory_space<semaphore_mem>>) src(%arg6 : memref<16xi32, #tpu.memory_space<hbm>>) dst(%arg11 : memref<16xi32, #tpu.memory_space<vmem>>)
        tpu.yield
      }) : () -> ()
      %broadcast_in_dim3A_12 = vector.broadcast %add3A_11 : i32 to vector<16xi32>
      %add3A_13 = arith.constant 16 : i32
      %add3A_14 = vector.broadcast %add3A_13 : i32 to vector<16xi32>
      %add3A_15 = arith.addi %iota3A, %add3A_14 : vector<16xi32>
      %min3A = arith.constant 27 : i32
      %min3A_16 = vector.broadcast %min3A : i32 to vector<16xi32>
      %min3A_17 = arith.minsi %add3A_15, %min3A_16 : vector<16xi32>
      %get3A = arith.constant 0 : index
      %get3A_18 = tpu.vector_load %arg9[%get3A] {strides = array<i32>} : memref<32xi32, #tpu.memory_space<vmem>>, vector<16xi32>,
      %get3A_19 = arith.constant 16 : index
      %get3A_20 = tpu.vector_load %arg9[%get3A_19] {strides = array<i32>} : memref<32xi32, #tpu.memory_space<vmem>>, vector<16xi32>,
      %gather3A = tpu.vector_load_idx %arg10[%broadcast_in_dim3A_12, %iota3A] : memref<32x32xf32, #tpu.memory_space<vmem>>[vector<16xi32>, vector<16xi32>], vector<16xf32>,
      %gather3A_21 = tpu.vector_load_idx %arg10[%broadcast_in_dim3A_12, %add3A_15] : memref<32x32xf32, #tpu.memory_space<vmem>>[vector<16xi32>, vector<16xi32>], vector<16xf32>,
      %eq3A = arith.constant 0.000000e+00 : f32
      %eq3A_22 = vector.broadcast %eq3A : f32 to vector<16xf32>
      %eq3A_23 = arith.cmpf oeq, %gather3A, %eq3A_22 : vector<16xf32>
      %jit3A = arith.constant 2.560000e+02 : f32
      %broadcast_in_dim3A_24 = vector.broadcast %jit3A : f32 to vector<16xf32>
      %select_n3A = arith.select %eq3A_23, %broadcast_in_dim3A_24, %gather3A : vector<16xi1>, vector<16xf32>
      %eq3A_25 = arith.constant 0.000000e+00 : f32
      %eq3A_26 = vector.broadcast %eq3A_25 : f32 to vector<16xf32>
      %eq3A_27 = arith.cmpf oeq, %gather3A_21, %eq3A_26 : vector<16xf32>
      %jit3A_28 = arith.constant 2.560000e+02 : f32
      %broadcast_in_dim3A_29 = vector.broadcast %jit3A_28 : f32 to vector<16xf32>
      %select_n3A_30 = arith.select %eq3A_27, %broadcast_in_dim3A_29, %gather3A_21 : vector<16xi1>, vector<16xf32>
      %gt3A = arith.constant 0 : i32
      %gt3A_31 = vector.broadcast %gt3A : i32 to vector<16xi32>
      %gt3A_32 = arith.cmpi sgt, %get3A_18, %gt3A_31 : vector<16xi32>
      %ne3A = arith.constant 0 : i32
      %ne3A_33 = vector.broadcast %ne3A : i32 to vector<16xi32>
      %ne3A_34 = arith.cmpi ne, %iota3A, %ne3A_33 : vector<16xi32>
      %and3A = arith.andi %gt3A_32, %ne3A_34 : vector<16xi1>
      %gt3A_35 = arith.constant 0 : i32
      %gt3A_36 = vector.broadcast %gt3A_35 : i32 to vector<16xi32>
      %gt3A_37 = arith.cmpi sgt, %get3A_20, %gt3A_36 : vector<16xi32>
      %lt3A_38 = arith.constant 28 : i32
      %lt3A_39 = vector.broadcast %lt3A_38 : i32 to vector<16xi32>
      %lt3A_40 = arith.cmpi slt, %add3A_15, %lt3A_39 : vector<16xi32>
      %and3A_41 = arith.andi %gt3A_37, %lt3A_40 : vector<16xi1>
      %jit3A_42 = arith.constant 0x7F800000 : f32
      %broadcast_in_dim3A_43 = vector.broadcast %jit3A_42 : f32 to vector<16xf32>
      %select_n3A_44 = arith.select %and3A, %select_n3A, %broadcast_in_dim3A_43 : vector<16xi1>, vector<16xf32>
      %reduce_min3A = arith.constant true
      %reduce_min3A_45 = vector.broadcast %reduce_min3A : i1 to vector<16xi1>
      %reduce_min3A_46 = tpu.scan <min>, %select_n3A_44 masked %reduce_min3A_45 : vector<16xf32>, vector<16xi1> -> vector<16xf32>
      %reduce_min3A_47 = vector.extract %reduce_min3A_46[15] : f32 from vector<16xf32>
      %jit3A_48 = arith.constant 0x7F800000 : f32
      %broadcast_in_dim3A_49 = vector.broadcast %jit3A_48 : f32 to vector<16xf32>
      %select_n3A_50 = arith.select %and3A_41, %select_n3A_30, %broadcast_in_dim3A_49 : vector<16xi1>, vector<16xf32>
      %reduce_min3A_51 = arith.constant true
      %reduce_min3A_52 = vector.broadcast %reduce_min3A_51 : i1 to vector<16xi1>
      %reduce_min3A_53 = tpu.scan <min>, %select_n3A_50 masked %reduce_min3A_52 : vector<16xf32>, vector<16xi1> -> vector<16xf32>
      %reduce_min3A_54 = vector.extract %reduce_min3A_53[15] : f32 from vector<16xf32>
      %min3A_55 = arith.minimumf %reduce_min3A_47, %reduce_min3A_54 : f32
      %eq3A_56 = vector.broadcast %min3A_55 : f32 to vector<16xf32>
      %eq3A_57 = arith.cmpf oeq, %select_n3A, %eq3A_56 : vector<16xf32>
      %and3A_58 = arith.andi %and3A, %eq3A_57 : vector<16xi1>
      %eq3A_59 = vector.broadcast %min3A_55 : f32 to vector<16xf32>
      %eq3A_60 = arith.cmpf oeq, %select_n3A_30, %eq3A_59 : vector<16xf32>
      %and3A_61 = arith.andi %and3A_41, %eq3A_60 : vector<16xi1>
      %ne3A_62 = arith.constant 0 : i32
      %ne3A_63 = vector.broadcast %ne3A_62 : i32 to vector<16xi32>
      %ne3A_64 = arith.cmpi ne, %iota3A, %ne3A_63 : vector<16xi32>
      %ne3A_65 = vector.broadcast %add3A_11 : i32 to vector<16xi32>
      %ne3A_66 = arith.cmpi ne, %iota3A, %ne3A_65 : vector<16xi32>
      %and3A_67 = arith.andi %ne3A_64, %ne3A_66 : vector<16xi1>
      %not3A = arith.constant dense<true> : vector<16xi1>
      %not3A_68 = arith.xori %and3A_58, %not3A : vector<16xi1>
      %and3A_69 = arith.andi %and3A_67, %not3A_68 : vector<16xi1>
      %lt3A_70 = arith.constant 28 : i32
      %lt3A_71 = vector.broadcast %lt3A_70 : i32 to vector<16xi32>
      %lt3A_72 = arith.cmpi slt, %add3A_15, %lt3A_71 : vector<16xi32>
      %ne3A_73 = vector.broadcast %add3A_11 : i32 to vector<16xi32>
      %ne3A_74 = arith.cmpi ne, %add3A_15, %ne3A_73 : vector<16xi32>
      %and3A_75 = arith.andi %lt3A_72, %ne3A_74 : vector<16xi1>
      %not3A_76 = arith.constant dense<true> : vector<16xi1>
      %not3A_77 = arith.xori %and3A_61, %not3A_76 : vector<16xi1>
      %and3A_78 = arith.andi %and3A_75, %not3A_77 : vector<16xi1>
      %jit3A_79 = arith.constant 0 : i32
      %broadcast_in_dim3A_80 = vector.broadcast %jit3A_79 : i32 to vector<16xi32>
      %select_n3A_81 = arith.select %and3A_58, %get3A_18, %broadcast_in_dim3A_80 : vector<16xi1>, vector<16xi32>
      %reduce_sum3A = arith.constant true
      %reduce_sum3A_82 = vector.broadcast %reduce_sum3A : i1 to vector<16xi1>
      %reduce_sum3A_83 = tpu.scan <sum>, %select_n3A_81 masked %reduce_sum3A_82 : vector<16xi32>, vector<16xi1> -> vector<16xi32>
      %reduce_sum3A_84 = vector.extract %reduce_sum3A_83[15] : i32 from vector<16xi32>
      %jit3A_85 = arith.constant 0 : i32
      %broadcast_in_dim3A_86 = vector.broadcast %jit3A_85 : i32 to vector<16xi32>
      %select_n3A_87 = arith.select %and3A_61, %get3A_20, %broadcast_in_dim3A_86 : vector<16xi1>, vector<16xi32>
      %reduce_sum3A_88 = arith.constant true
      %reduce_sum3A_89 = vector.broadcast %reduce_sum3A_88 : i1 to vector<16xi1>
      %reduce_sum3A_90 = tpu.scan <sum>, %select_n3A_87 masked %reduce_sum3A_89 : vector<16xi32>, vector<16xi1> -> vector<16xi32>
      %reduce_sum3A_91 = vector.extract %reduce_sum3A_90[15] : i32 from vector<16xi32>
      %add3A_92 = arith.addi %reduce_sum3A_84, %reduce_sum3A_91 : i32
      %jit3A_93 = arith.constant 0 : i32
      %broadcast_in_dim3A_94 = vector.broadcast %jit3A_93 : i32 to vector<16xi32>
      %select_n3A_95 = arith.select %and3A_69, %get3A_18, %broadcast_in_dim3A_94 : vector<16xi1>, vector<16xi32>
      %reduce_sum3A_96 = arith.constant true
      %reduce_sum3A_97 = vector.broadcast %reduce_sum3A_96 : i1 to vector<16xi1>
      %reduce_sum3A_98 = tpu.scan <sum>, %select_n3A_95 masked %reduce_sum3A_97 : vector<16xi32>, vector<16xi1> -> vector<16xi32>
      %reduce_sum3A_99 = vector.extract %reduce_sum3A_98[15] : i32 from vector<16xi32>
      %jit3A_100 = arith.constant 0 : i32
      %broadcast_in_dim3A_101 = vector.broadcast %jit3A_100 : i32 to vector<16xi32>
      %select_n3A_102 = arith.select %and3A_78, %get3A_20, %broadcast_in_dim3A_101 : vector<16xi1>, vector<16xi32>
      %reduce_sum3A_103 = arith.constant true
      %reduce_sum3A_104 = vector.broadcast %reduce_sum3A_103 : i1 to vector<16xi1>
      %reduce_sum3A_105 = tpu.scan <sum>, %select_n3A_102 masked %reduce_sum3A_104 : vector<16xi32>, vector<16xi1> -> vector<16xi32>
      %reduce_sum3A_106 = vector.extract %reduce_sum3A_105[15] : i32 from vector<16xi32>
      %add3A_107 = arith.addi %reduce_sum3A_99, %reduce_sum3A_106 : i32
      %eq3A_108 = vector.broadcast %add3A_11 : i32 to vector<16xi32>
      %eq3A_109 = arith.cmpi eq, %iota3A, %eq3A_108 : vector<16xi32>
      %jit3A_110 = arith.constant 0 : i32
      %broadcast_in_dim3A_111 = vector.broadcast %jit3A_110 : i32 to vector<16xi32>
      %select_n3A_112 = arith.select %eq3A_109, %get3A_18, %broadcast_in_dim3A_111 : vector<16xi1>, vector<16xi32>
      %reduce_sum3A_113 = arith.constant true
      %reduce_sum3A_114 = vector.broadcast %reduce_sum3A_113 : i1 to vector<16xi1>
      %reduce_sum3A_115 = tpu.scan <sum>, %select_n3A_112 masked %reduce_sum3A_114 : vector<16xi32>, vector<16xi1> -> vector<16xi32>
      %reduce_sum3A_116 = vector.extract %reduce_sum3A_115[15] : i32 from vector<16xi32>
      %eq3A_117 = vector.broadcast %add3A_11 : i32 to vector<16xi32>
      %eq3A_118 = arith.cmpi eq, %add3A_15, %eq3A_117 : vector<16xi32>
      %jit3A_119 = arith.constant 0 : i32
      %broadcast_in_dim3A_120 = vector.broadcast %jit3A_119 : i32 to vector<16xi32>
      %select_n3A_121 = arith.select %eq3A_118, %get3A_20, %broadcast_in_dim3A_120 : vector<16xi1>, vector<16xi32>
      %reduce_sum3A_122 = arith.constant true
      %reduce_sum3A_123 = vector.broadcast %reduce_sum3A_122 : i1 to vector<16xi1>
      %reduce_sum3A_124 = tpu.scan <sum>, %select_n3A_121 masked %reduce_sum3A_123 : vector<16xi32>, vector<16xi1> -> vector<16xi32>
      %reduce_sum3A_125 = vector.extract %reduce_sum3A_124[15] : i32 from vector<16xi32>
      %add3A_126 = arith.addi %reduce_sum3A_116, %reduce_sum3A_125 : i32
      %get3A_127 = arith.constant 0 : index
      %get3A_128 = tpu.vector_load %arg11[%get3A_127] {strides = array<i32>} : memref<16xi32, #tpu.memory_space<vmem>>, vector<16xi32>,
      %reduce_min3A_129 = arith.constant true
      %reduce_min3A_130 = vector.broadcast %reduce_min3A_129 : i1 to vector<16xi1>
      %reduce_min3A_131 = arith.constant -2147483648 : i32
      %reduce_min3A_132 = vector.broadcast %reduce_min3A_131 : i32 to vector<16xi32>
      %reduce_min3A_133 = arith.xori %get3A_128, %reduce_min3A_132 : vector<16xi32>
      %reduce_min3A_134 = tpu.scan <min>, %reduce_min3A_133 masked %reduce_min3A_130 : vector<16xi32>, vector<16xi1> -> vector<16xi32>
      %reduce_min3A_135 = arith.xori %reduce_min3A_134, %reduce_min3A_132 : vector<16xi32>
      %reduce_min3A_136 = vector.extract %reduce_min3A_135[15] : i32 from vector<16xi32>
      %min3A_137 = arith.minsi %add3A_126, %add3A_92 : i32
      %min3A_138 = arith.minsi %add3A_107, %reduce_min3A_136 : i32
      %min3A_139 = arith.minsi %min3A_137, %min3A_138 : i32
      %swap3A = arith.constant 0 : i32
      %swap3A_140 = arith.index_cast %swap3A : i32 to index
      %swap3A_141 = arith.constant 0 : index
      %swap3A_142 = tpu.vector_load %arg12[%swap3A_140, %swap3A_141] {strides = array<i32>} : memref<2x112xi32, #tpu.memory_space<vmem>>, vector<16xi32>,
      tpu.vector_store %arg12[%swap3A_140, %swap3A_141], %broadcast_in_dim3A_1 {strides = array<i32>} : memref<2x112xi32, #tpu.memory_space<vmem>>, vector<16xi32>,
      %swap3A_143 = arith.constant 0 : i32
      %swap3A_144 = arith.index_cast %swap3A_143 : i32 to index
      %swap3A_145 = arith.constant 0 : index
      %swap3A_146 = tpu.vector_load %arg13[%swap3A_144, %swap3A_145] {strides = array<i32>} : memref<2x112xi32, #tpu.memory_space<vmem>>, vector<16xi32>,
      tpu.vector_store %arg13[%swap3A_144, %swap3A_145], %broadcast_in_dim3A_1 {strides = array<i32>} : memref<2x112xi32, #tpu.memory_space<vmem>>, vector<16xi32>,
      %swap3A_147 = arith.constant 0 : i32
      %swap3A_148 = arith.index_cast %swap3A_147 : i32 to index
      %swap3A_149 = arith.constant 0 : index
      %swap3A_150 = tpu.vector_load %arg14[%swap3A_148, %swap3A_149] {strides = array<i32>} : memref<2x112xi32, #tpu.memory_space<vmem>>, vector<16xi32>,
      tpu.vector_store %arg14[%swap3A_148, %swap3A_149], %broadcast_in_dim3A_1 {strides = array<i32>} : memref<2x112xi32, #tpu.memory_space<vmem>>, vector<16xi32>,
      %swap3A_151 = arith.constant 0 : i32
      %swap3A_152 = arith.index_cast %swap3A_151 : i32 to index
      %swap3A_153 = arith.constant 16 : index
      %swap3A_154 = tpu.vector_load %arg12[%swap3A_152, %swap3A_153] {strides = array<i32>} : memref<2x112xi32, #tpu.memory_space<vmem>>, vector<16xi32>,
      tpu.vector_store %arg12[%swap3A_152, %swap3A_153], %broadcast_in_dim3A_1 {strides = array<i32>} : memref<2x112xi32, #tpu.memory_space<vmem>>, vector<16xi32>,
      %swap3A_155 = arith.constant 0 : i32
      %swap3A_156 = arith.index_cast %swap3A_155 : i32 to index
      %swap3A_157 = arith.constant 16 : index
      %swap3A_158 = tpu.vector_load %arg13[%swap3A_156, %swap3A_157] {strides = array<i32>} : memref<2x112xi32, #tpu.memory_space<vmem>>, vector<16xi32>,
      tpu.vector_store %arg13[%swap3A_156, %swap3A_157], %broadcast_in_dim3A_1 {strides = array<i32>} : memref<2x112xi32, #tpu.memory_space<vmem>>, vector<16xi32>,
      %swap3A_159 = arith.constant 0 : i32
      %swap3A_160 = arith.index_cast %swap3A_159 : i32 to index
      %swap3A_161 = arith.constant 16 : index
      %swap3A_162 = tpu.vector_load %arg14[%swap3A_160, %swap3A_161] {strides = array<i32>} : memref<2x112xi32, #tpu.memory_space<vmem>>, vector<16xi32>,
      tpu.vector_store %arg14[%swap3A_160, %swap3A_161], %broadcast_in_dim3A_1 {strides = array<i32>} : memref<2x112xi32, #tpu.memory_space<vmem>>, vector<16xi32>,
      %swap3A_163 = arith.constant 0 : i32
      %swap3A_164 = arith.index_cast %swap3A_163 : i32 to index
      %swap3A_165 = arith.constant 32 : index
      %swap3A_166 = tpu.vector_load %arg12[%swap3A_164, %swap3A_165] {strides = array<i32>} : memref<2x112xi32, #tpu.memory_space<vmem>>, vector<16xi32>,
      tpu.vector_store %arg12[%swap3A_164, %swap3A_165], %broadcast_in_dim3A_1 {strides = array<i32>} : memref<2x112xi32, #tpu.memory_space<vmem>>, vector<16xi32>,
      %swap3A_167 = arith.constant 0 : i32
      %swap3A_168 = arith.index_cast %swap3A_167 : i32 to index
      %swap3A_169 = arith.constant 32 : index
      %swap3A_170 = tpu.vector_load %arg13[%swap3A_168, %swap3A_169] {strides = array<i32>} : memref<2x112xi32, #tpu.memory_space<vmem>>, vector<16xi32>,
      tpu.vector_store %arg13[%swap3A_168, %swap3A_169], %broadcast_in_dim3A_1 {strides = array<i32>} : memref<2x112xi32, #tpu.memory_space<vmem>>, vector<16xi32>,
      %swap3A_171 = arith.constant 0 : i32
      %swap3A_172 = arith.index_cast %swap3A_171 : i32 to index
      %swap3A_173 = arith.constant 32 : index
      %swap3A_174 = tpu.vector_load %arg14[%swap3A_172, %swap3A_173] {strides = array<i32>} : memref<2x112xi32, #tpu.memory_space<vmem>>, vector<16xi32>,
      tpu.vector_store %arg14[%swap3A_172, %swap3A_173], %broadcast_in_dim3A_1 {strides = array<i32>} : memref<2x112xi32, #tpu.memory_space<vmem>>, vector<16xi32>,
      %swap3A_175 = arith.constant 0 : i32
      %swap3A_176 = arith.index_cast %swap3A_175 : i32 to index
      %swap3A_177 = arith.constant 48 : index
      %swap3A_178 = tpu.vector_load %arg12[%swap3A_176, %swap3A_177] {strides = array<i32>} : memref<2x112xi32, #tpu.memory_space<vmem>>, vector<16xi32>,
      tpu.vector_store %arg12[%swap3A_176, %swap3A_177], %broadcast_in_dim3A_1 {strides = array<i32>} : memref<2x112xi32, #tpu.memory_space<vmem>>, vector<16xi32>,
      %swap3A_179 = arith.constant 0 : i32
      %swap3A_180 = arith.index_cast %swap3A_179 : i32 to index
      %swap3A_181 = arith.constant 48 : index
      %swap3A_182 = tpu.vector_load %arg13[%swap3A_180, %swap3A_181] {strides = array<i32>} : memref<2x112xi32, #tpu.memory_space<vmem>>, vector<16xi32>,
      tpu.vector_store %arg13[%swap3A_180, %swap3A_181], %broadcast_in_dim3A_1 {strides = array<i32>} : memref<2x112xi32, #tpu.memory_space<vmem>>, vector<16xi32>,
      %swap3A_183 = arith.constant 0 : i32
      %swap3A_184 = arith.index_cast %swap3A_183 : i32 to index
      %swap3A_185 = arith.constant 48 : index
      %swap3A_186 = tpu.vector_load %arg14[%swap3A_184, %swap3A_185] {strides = array<i32>} : memref<2x112xi32, #tpu.memory_space<vmem>>, vector<16xi32>,
      tpu.vector_store %arg14[%swap3A_184, %swap3A_185], %broadcast_in_dim3A_1 {strides = array<i32>} : memref<2x112xi32, #tpu.memory_space<vmem>>, vector<16xi32>,
      %swap3A_187 = arith.constant 0 : i32
      %swap3A_188 = arith.index_cast %swap3A_187 : i32 to index
      %swap3A_189 = arith.constant 64 : index
      %swap3A_190 = tpu.vector_load %arg12[%swap3A_188, %swap3A_189] {strides = array<i32>} : memref<2x112xi32, #tpu.memory_space<vmem>>, vector<16xi32>,
      tpu.vector_store %arg12[%swap3A_188, %swap3A_189], %broadcast_in_dim3A_1 {strides = array<i32>} : memref<2x112xi32, #tpu.memory_space<vmem>>, vector<16xi32>,
      %swap3A_191 = arith.constant 0 : i32
      %swap3A_192 = arith.index_cast %swap3A_191 : i32 to index
      %swap3A_193 = arith.constant 64 : index
      %swap3A_194 = tpu.vector_load %arg13[%swap3A_192, %swap3A_193] {strides = array<i32>} : memref<2x112xi32, #tpu.memory_space<vmem>>, vector<16xi32>,
      tpu.vector_store %arg13[%swap3A_192, %swap3A_193], %broadcast_in_dim3A_1 {strides = array<i32>} : memref<2x112xi32, #tpu.memory_space<vmem>>, vector<16xi32>,
      %swap3A_195 = arith.constant 0 : i32
      %swap3A_196 = arith.index_cast %swap3A_195 : i32 to index
      %swap3A_197 = arith.constant 64 : index
      %swap3A_198 = tpu.vector_load %arg14[%swap3A_196, %swap3A_197] {strides = array<i32>} : memref<2x112xi32, #tpu.memory_space<vmem>>, vector<16xi32>,
      tpu.vector_store %arg14[%swap3A_196, %swap3A_197], %broadcast_in_dim3A_1 {strides = array<i32>} : memref<2x112xi32, #tpu.memory_space<vmem>>, vector<16xi32>,
      %swap3A_199 = arith.constant 0 : i32
      %swap3A_200 = arith.index_cast %swap3A_199 : i32 to index
      %swap3A_201 = arith.constant 80 : index
      %swap3A_202 = tpu.vector_load %arg12[%swap3A_200, %swap3A_201] {strides = array<i32>} : memref<2x112xi32, #tpu.memory_space<vmem>>, vector<16xi32>,
      tpu.vector_store %arg12[%swap3A_200, %swap3A_201], %broadcast_in_dim3A_1 {strides = array<i32>} : memref<2x112xi32, #tpu.memory_space<vmem>>, vector<16xi32>,
      %swap3A_203 = arith.constant 0 : i32
      %swap3A_204 = arith.index_cast %swap3A_203 : i32 to index
      %swap3A_205 = arith.constant 80 : index
      %swap3A_206 = tpu.vector_load %arg13[%swap3A_204, %swap3A_205] {strides = array<i32>} : memref<2x112xi32, #tpu.memory_space<vmem>>, vector<16xi32>,
      tpu.vector_store %arg13[%swap3A_204, %swap3A_205], %broadcast_in_dim3A_1 {strides = array<i32>} : memref<2x112xi32, #tpu.memory_space<vmem>>, vector<16xi32>,
      %swap3A_207 = arith.constant 0 : i32
      %swap3A_208 = arith.index_cast %swap3A_207 : i32 to index
      %swap3A_209 = arith.constant 80 : index
      %swap3A_210 = tpu.vector_load %arg14[%swap3A_208, %swap3A_209] {strides = array<i32>} : memref<2x112xi32, #tpu.memory_space<vmem>>, vector<16xi32>,
      tpu.vector_store %arg14[%swap3A_208, %swap3A_209], %broadcast_in_dim3A_1 {strides = array<i32>} : memref<2x112xi32, #tpu.memory_space<vmem>>, vector<16xi32>,
      %swap3A_211 = arith.constant 0 : i32
      %swap3A_212 = arith.index_cast %swap3A_211 : i32 to index
      %swap3A_213 = arith.constant 96 : index
      %swap3A_214 = tpu.vector_load %arg12[%swap3A_212, %swap3A_213] {strides = array<i32>} : memref<2x112xi32, #tpu.memory_space<vmem>>, vector<16xi32>,
      tpu.vector_store %arg12[%swap3A_212, %swap3A_213], %broadcast_in_dim3A_1 {strides = array<i32>} : memref<2x112xi32, #tpu.memory_space<vmem>>, vector<16xi32>,
      %swap3A_215 = arith.constant 0 : i32
      %swap3A_216 = arith.index_cast %swap3A_215 : i32 to index
      %swap3A_217 = arith.constant 96 : index
      %swap3A_218 = tpu.vector_load %arg13[%swap3A_216, %swap3A_217] {strides = array<i32>} : memref<2x112xi32, #tpu.memory_space<vmem>>, vector<16xi32>,
      tpu.vector_store %arg13[%swap3A_216, %swap3A_217], %broadcast_in_dim3A_1 {strides = array<i32>} : memref<2x112xi32, #tpu.memory_space<vmem>>, vector<16xi32>,
      %swap3A_219 = arith.constant 0 : i32
      %swap3A_220 = arith.index_cast %swap3A_219 : i32 to index
      %swap3A_221 = arith.constant 96 : index
      %swap3A_222 = tpu.vector_load %arg14[%swap3A_220, %swap3A_221] {strides = array<i32>} : memref<2x112xi32, #tpu.memory_space<vmem>>, vector<16xi32>,
      tpu.vector_store %arg14[%swap3A_220, %swap3A_221], %broadcast_in_dim3A_1 {strides = array<i32>} : memref<2x112xi32, #tpu.memory_space<vmem>>, vector<16xi32>,
      %swap3A_223 = arith.constant 1 : i32
      %swap3A_224 = arith.index_cast %swap3A_223 : i32 to index
      %swap3A_225 = arith.constant 0 : index
      %swap3A_226 = tpu.vector_load %arg12[%swap3A_224, %swap3A_225] {strides = array<i32>} : memref<2x112xi32, #tpu.memory_space<vmem>>, vector<16xi32>,
      tpu.vector_store %arg12[%swap3A_224, %swap3A_225], %broadcast_in_dim3A_1 {strides = array<i32>} : memref<2x112xi32, #tpu.memory_space<vmem>>, vector<16xi32>,
      %swap3A_227 = arith.constant 1 : i32
      %swap3A_228 = arith.index_cast %swap3A_227 : i32 to index
      %swap3A_229 = arith.constant 0 : index
      %swap3A_230 = tpu.vector_load %arg13[%swap3A_228, %swap3A_229] {strides = array<i32>} : memref<2x112xi32, #tpu.memory_space<vmem>>, vector<16xi32>,
      tpu.vector_store %arg13[%swap3A_228, %swap3A_229], %broadcast_in_dim3A_1 {strides = array<i32>} : memref<2x112xi32, #tpu.memory_space<vmem>>, vector<16xi32>,
      %swap3A_231 = arith.constant 1 : i32
      %swap3A_232 = arith.index_cast %swap3A_231 : i32 to index
      %swap3A_233 = arith.constant 0 : index
      %swap3A_234 = tpu.vector_load %arg14[%swap3A_232, %swap3A_233] {strides = array<i32>} : memref<2x112xi32, #tpu.memory_space<vmem>>, vector<16xi32>,
      tpu.vector_store %arg14[%swap3A_232, %swap3A_233], %broadcast_in_dim3A_1 {strides = array<i32>} : memref<2x112xi32, #tpu.memory_space<vmem>>, vector<16xi32>,
      %swap3A_235 = arith.constant 1 : i32
      %swap3A_236 = arith.index_cast %swap3A_235 : i32 to index
      %swap3A_237 = arith.constant 16 : index
      %swap3A_238 = tpu.vector_load %arg12[%swap3A_236, %swap3A_237] {strides = array<i32>} : memref<2x112xi32, #tpu.memory_space<vmem>>, vector<16xi32>,
      tpu.vector_store %arg12[%swap3A_236, %swap3A_237], %broadcast_in_dim3A_1 {strides = array<i32>} : memref<2x112xi32, #tpu.memory_space<vmem>>, vector<16xi32>,
      %swap3A_239 = arith.constant 1 : i32
      %swap3A_240 = arith.index_cast %swap3A_239 : i32 to index
      %swap3A_241 = arith.constant 16 : index
      %swap3A_242 = tpu.vector_load %arg13[%swap3A_240, %swap3A_241] {strides = array<i32>} : memref<2x112xi32, #tpu.memory_space<vmem>>, vector<16xi32>,
      tpu.vector_store %arg13[%swap3A_240, %swap3A_241], %broadcast_in_dim3A_1 {strides = array<i32>} : memref<2x112xi32, #tpu.memory_space<vmem>>, vector<16xi32>,
      %swap3A_243 = arith.constant 1 : i32
      %swap3A_244 = arith.index_cast %swap3A_243 : i32 to index
      %swap3A_245 = arith.constant 16 : index
      %swap3A_246 = tpu.vector_load %arg14[%swap3A_244, %swap3A_245] {strides = array<i32>} : memref<2x112xi32, #tpu.memory_space<vmem>>, vector<16xi32>,
      tpu.vector_store %arg14[%swap3A_244, %swap3A_245], %broadcast_in_dim3A_1 {strides = array<i32>} : memref<2x112xi32, #tpu.memory_space<vmem>>, vector<16xi32>,
      %swap3A_247 = arith.constant 1 : i32
      %swap3A_248 = arith.index_cast %swap3A_247 : i32 to index
      %swap3A_249 = arith.constant 32 : index
      %swap3A_250 = tpu.vector_load %arg12[%swap3A_248, %swap3A_249] {strides = array<i32>} : memref<2x112xi32, #tpu.memory_space<vmem>>, vector<16xi32>,
      tpu.vector_store %arg12[%swap3A_248, %swap3A_249], %broadcast_in_dim3A_1 {strides = array<i32>} : memref<2x112xi32, #tpu.memory_space<vmem>>, vector<16xi32>,
      %swap3A_251 = arith.constant 1 : i32
      %swap3A_252 = arith.index_cast %swap3A_251 : i32 to index
      %swap3A_253 = arith.constant 32 : index
      %swap3A_254 = tpu.vector_load %arg13[%swap3A_252, %swap3A_253] {strides = array<i32>} : memref<2x112xi32, #tpu.memory_space<vmem>>, vector<16xi32>,
      tpu.vector_store %arg13[%swap3A_252, %swap3A_253], %broadcast_in_dim3A_1 {strides = array<i32>} : memref<2x112xi32, #tpu.memory_space<vmem>>, vector<16xi32>,
      %swap3A_255 = arith.constant 1 : i32
      %swap3A_256 = arith.index_cast %swap3A_255 : i32 to index
      %swap3A_257 = arith.constant 32 : index
      %swap3A_258 = tpu.vector_load %arg14[%swap3A_256, %swap3A_257] {strides = array<i32>} : memref<2x112xi32, #tpu.memory_space<vmem>>, vector<16xi32>,
      tpu.vector_store %arg14[%swap3A_256, %swap3A_257], %broadcast_in_dim3A_1 {strides = array<i32>} : memref<2x112xi32, #tpu.memory_space<vmem>>, vector<16xi32>,
      %swap3A_259 = arith.constant 1 : i32
      %swap3A_260 = arith.index_cast %swap3A_259 : i32 to index
      %swap3A_261 = arith.constant 48 : index
      %swap3A_262 = tpu.vector_load %arg12[%swap3A_260, %swap3A_261] {strides = array<i32>} : memref<2x112xi32, #tpu.memory_space<vmem>>, vector<16xi32>,
      tpu.vector_store %arg12[%swap3A_260, %swap3A_261], %broadcast_in_dim3A_1 {strides = array<i32>} : memref<2x112xi32, #tpu.memory_space<vmem>>, vector<16xi32>,
      %swap3A_263 = arith.constant 1 : i32
      %swap3A_264 = arith.index_cast %swap3A_263 : i32 to index
      %swap3A_265 = arith.constant 48 : index
      %swap3A_266 = tpu.vector_load %arg13[%swap3A_264, %swap3A_265] {strides = array<i32>} : memref<2x112xi32, #tpu.memory_space<vmem>>, vector<16xi32>,
      tpu.vector_store %arg13[%swap3A_264, %swap3A_265], %broadcast_in_dim3A_1 {strides = array<i32>} : memref<2x112xi32, #tpu.memory_space<vmem>>, vector<16xi32>,
      %swap3A_267 = arith.constant 1 : i32
      %swap3A_268 = arith.index_cast %swap3A_267 : i32 to index
      %swap3A_269 = arith.constant 48 : index
      %swap3A_270 = tpu.vector_load %arg14[%swap3A_268, %swap3A_269] {strides = array<i32>} : memref<2x112xi32, #tpu.memory_space<vmem>>, vector<16xi32>,
      tpu.vector_store %arg14[%swap3A_268, %swap3A_269], %broadcast_in_dim3A_1 {strides = array<i32>} : memref<2x112xi32, #tpu.memory_space<vmem>>, vector<16xi32>,
      %swap3A_271 = arith.constant 1 : i32
      %swap3A_272 = arith.index_cast %swap3A_271 : i32 to index
      %swap3A_273 = arith.constant 64 : index
      %swap3A_274 = tpu.vector_load %arg12[%swap3A_272, %swap3A_273] {strides = array<i32>} : memref<2x112xi32, #tpu.memory_space<vmem>>, vector<16xi32>,
      tpu.vector_store %arg12[%swap3A_272, %swap3A_273], %broadcast_in_dim3A_1 {strides = array<i32>} : memref<2x112xi32, #tpu.memory_space<vmem>>, vector<16xi32>,
      %swap3A_275 = arith.constant 1 : i32
      %swap3A_276 = arith.index_cast %swap3A_275 : i32 to index
      %swap3A_277 = arith.constant 64 : index
      %swap3A_278 = tpu.vector_load %arg13[%swap3A_276, %swap3A_277] {strides = array<i32>} : memref<2x112xi32, #tpu.memory_space<vmem>>, vector<16xi32>,
      tpu.vector_store %arg13[%swap3A_276, %swap3A_277], %broadcast_in_dim3A_1 {strides = array<i32>} : memref<2x112xi32, #tpu.memory_space<vmem>>, vector<16xi32>,
      %swap3A_279 = arith.constant 1 : i32
      %swap3A_280 = arith.index_cast %swap3A_279 : i32 to index
      %swap3A_281 = arith.constant 64 : index
      %swap3A_282 = tpu.vector_load %arg14[%swap3A_280, %swap3A_281] {strides = array<i32>} : memref<2x112xi32, #tpu.memory_space<vmem>>, vector<16xi32>,
      tpu.vector_store %arg14[%swap3A_280, %swap3A_281], %broadcast_in_dim3A_1 {strides = array<i32>} : memref<2x112xi32, #tpu.memory_space<vmem>>, vector<16xi32>,
      %swap3A_283 = arith.constant 1 : i32
      %swap3A_284 = arith.index_cast %swap3A_283 : i32 to index
      %swap3A_285 = arith.constant 80 : index
      %swap3A_286 = tpu.vector_load %arg12[%swap3A_284, %swap3A_285] {strides = array<i32>} : memref<2x112xi32, #tpu.memory_space<vmem>>, vector<16xi32>,
      tpu.vector_store %arg12[%swap3A_284, %swap3A_285], %broadcast_in_dim3A_1 {strides = array<i32>} : memref<2x112xi32, #tpu.memory_space<vmem>>, vector<16xi32>,
      %swap3A_287 = arith.constant 1 : i32
      %swap3A_288 = arith.index_cast %swap3A_287 : i32 to index
      %swap3A_289 = arith.constant 80 : index
      %swap3A_290 = tpu.vector_load %arg13[%swap3A_288, %swap3A_289] {strides = array<i32>} : memref<2x112xi32, #tpu.memory_space<vmem>>, vector<16xi32>,
      tpu.vector_store %arg13[%swap3A_288, %swap3A_289], %broadcast_in_dim3A_1 {strides = array<i32>} : memref<2x112xi32, #tpu.memory_space<vmem>>, vector<16xi32>,
      %swap3A_291 = arith.constant 1 : i32
      %swap3A_292 = arith.index_cast %swap3A_291 : i32 to index
      %swap3A_293 = arith.constant 80 : index
      %swap3A_294 = tpu.vector_load %arg14[%swap3A_292, %swap3A_293] {strides = array<i32>} : memref<2x112xi32, #tpu.memory_space<vmem>>, vector<16xi32>,
      tpu.vector_store %arg14[%swap3A_292, %swap3A_293], %broadcast_in_dim3A_1 {strides = array<i32>} : memref<2x112xi32, #tpu.memory_space<vmem>>, vector<16xi32>,
      %swap3A_295 = arith.constant 1 : i32
      %swap3A_296 = arith.index_cast %swap3A_295 : i32 to index
      %swap3A_297 = arith.constant 96 : index
      %swap3A_298 = tpu.vector_load %arg12[%swap3A_296, %swap3A_297] {strides = array<i32>} : memref<2x112xi32, #tpu.memory_space<vmem>>, vector<16xi32>,
      tpu.vector_store %arg12[%swap3A_296, %swap3A_297], %broadcast_in_dim3A_1 {strides = array<i32>} : memref<2x112xi32, #tpu.memory_space<vmem>>, vector<16xi32>,
      %swap3A_299 = arith.constant 1 : i32
      %swap3A_300 = arith.index_cast %swap3A_299 : i32 to index
      %swap3A_301 = arith.constant 96 : index
      %swap3A_302 = tpu.vector_load %arg13[%swap3A_300, %swap3A_301] {strides = array<i32>} : memref<2x112xi32, #tpu.memory_space<vmem>>, vector<16xi32>,
      tpu.vector_store %arg13[%swap3A_300, %swap3A_301], %broadcast_in_dim3A_1 {strides = array<i32>} : memref<2x112xi32, #tpu.memory_space<vmem>>, vector<16xi32>,
      %swap3A_303 = arith.constant 1 : i32
      %swap3A_304 = arith.index_cast %swap3A_303 : i32 to index
      %swap3A_305 = arith.constant 96 : index
      %swap3A_306 = tpu.vector_load %arg14[%swap3A_304, %swap3A_305] {strides = array<i32>} : memref<2x112xi32, #tpu.memory_space<vmem>>, vector<16xi32>,
      tpu.vector_store %arg14[%swap3A_304, %swap3A_305], %broadcast_in_dim3A_1 {strides = array<i32>} : memref<2x112xi32, #tpu.memory_space<vmem>>, vector<16xi32>,
      %swap3A_307 = arith.constant 0 : index
      %swap3A_308 = tpu.vector_load %arg15[%swap3A_307] {strides = array<i32>} : memref<208xi32, #tpu.memory_space<vmem>>, vector<16xi32>,
      tpu.vector_store %arg15[%swap3A_307], %broadcast_in_dim3A_1 {strides = array<i32>} : memref<208xi32, #tpu.memory_space<vmem>>, vector<16xi32>,
      %swap3A_309 = arith.constant 0 : index
      %swap3A_310 = tpu.vector_load %arg16[%swap3A_309] {strides = array<i32>} : memref<208xi32, #tpu.memory_space<vmem>>, vector<16xi32>,
      tpu.vector_store %arg16[%swap3A_309], %broadcast_in_dim3A_1 {strides = array<i32>} : memref<208xi32, #tpu.memory_space<vmem>>, vector<16xi32>,
      %swap3A_311 = arith.constant 16 : index
      %swap3A_312 = tpu.vector_load %arg15[%swap3A_311] {strides = array<i32>} : memref<208xi32, #tpu.memory_space<vmem>>, vector<16xi32>,
      tpu.vector_store %arg15[%swap3A_311], %broadcast_in_dim3A_1 {strides = array<i32>} : memref<208xi32, #tpu.memory_space<vmem>>, vector<16xi32>,
      %swap3A_313 = arith.constant 16 : index
      %swap3A_314 = tpu.vector_load %arg16[%swap3A_313] {strides = array<i32>} : memref<208xi32, #tpu.memory_space<vmem>>, vector<16xi32>,
      tpu.vector_store %arg16[%swap3A_313], %broadcast_in_dim3A_1 {strides = array<i32>} : memref<208xi32, #tpu.memory_space<vmem>>, vector<16xi32>,
      %swap3A_315 = arith.constant 32 : index
      %swap3A_316 = tpu.vector_load %arg15[%swap3A_315] {strides = array<i32>} : memref<208xi32, #tpu.memory_space<vmem>>, vector<16xi32>,
      tpu.vector_store %arg15[%swap3A_315], %broadcast_in_dim3A_1 {strides = array<i32>} : memref<208xi32, #tpu.memory_space<vmem>>, vector<16xi32>,
      %swap3A_317 = arith.constant 32 : index
      %swap3A_318 = tpu.vector_load %arg16[%swap3A_317] {strides = array<i32>} : memref<208xi32, #tpu.memory_space<vmem>>, vector<16xi32>,
      tpu.vector_store %arg16[%swap3A_317], %broadcast_in_dim3A_1 {strides = array<i32>} : memref<208xi32, #tpu.memory_space<vmem>>, vector<16xi32>,
      %swap3A_319 = arith.constant 48 : index
      %swap3A_320 = tpu.vector_load %arg15[%swap3A_319] {strides = array<i32>} : memref<208xi32, #tpu.memory_space<vmem>>, vector<16xi32>,
      tpu.vector_store %arg15[%swap3A_319], %broadcast_in_dim3A_1 {strides = array<i32>} : memref<208xi32, #tpu.memory_space<vmem>>, vector<16xi32>,
      %swap3A_321 = arith.constant 48 : index
      %swap3A_322 = tpu.vector_load %arg16[%swap3A_321] {strides = array<i32>} : memref<208xi32, #tpu.memory_space<vmem>>, vector<16xi32>,
      tpu.vector_store %arg16[%swap3A_321], %broadcast_in_dim3A_1 {strides = array<i32>} : memref<208xi32, #tpu.memory_space<vmem>>, vector<16xi32>,
      %swap3A_323 = arith.constant 64 : index
      %swap3A_324 = tpu.vector_load %arg15[%swap3A_323] {strides = array<i32>} : memref<208xi32, #tpu.memory_space<vmem>>, vector<16xi32>,
      tpu.vector_store %arg15[%swap3A_323], %broadcast_in_dim3A_1 {strides = array<i32>} : memref<208xi32, #tpu.memory_space<vmem>>, vector<16xi32>,
      %swap3A_325 = arith.constant 64 : index
      %swap3A_326 = tpu.vector_load %arg16[%swap3A_325] {strides = array<i32>} : memref<208xi32, #tpu.memory_space<vmem>>, vector<16xi32>,
      tpu.vector_store %arg16[%swap3A_325], %broadcast_in_dim3A_1 {strides = array<i32>} : memref<208xi32, #tpu.memory_space<vmem>>, vector<16xi32>,
      %swap3A_327 = arith.constant 80 : index
      %swap3A_328 = tpu.vector_load %arg15[%swap3A_327] {strides = array<i32>} : memref<208xi32, #tpu.memory_space<vmem>>, vector<16xi32>,
      tpu.vector_store %arg15[%swap3A_327], %broadcast_in_dim3A_1 {strides = array<i32>} : memref<208xi32, #tpu.memory_space<vmem>>, vector<16xi32>,
      %swap3A_329 = arith.constant 80 : index
      %swap3A_330 = tpu.vector_load %arg16[%swap3A_329] {strides = array<i32>} : memref<208xi32, #tpu.memory_space<vmem>>, vector<16xi32>,
      tpu.vector_store %arg16[%swap3A_329], %broadcast_in_dim3A_1 {strides = array<i32>} : memref<208xi32, #tpu.memory_space<vmem>>, vector<16xi32>,
      %swap3A_331 = arith.constant 96 : index
      %swap3A_332 = tpu.vector_load %arg15[%swap3A_331] {strides = array<i32>} : memref<208xi32, #tpu.memory_space<vmem>>, vector<16xi32>,
      tpu.vector_store %arg15[%swap3A_331], %broadcast_in_dim3A_1 {strides = array<i32>} : memref<208xi32, #tpu.memory_space<vmem>>, vector<16xi32>,
      %swap3A_333 = arith.constant 96 : index
      %swap3A_334 = tpu.vector_load %arg16[%swap3A_333] {strides = array<i32>} : memref<208xi32, #tpu.memory_space<vmem>>, vector<16xi32>,
      tpu.vector_store %arg16[%swap3A_333], %broadcast_in_dim3A_1 {strides = array<i32>} : memref<208xi32, #tpu.memory_space<vmem>>, vector<16xi32>,
      %swap3A_335 = arith.constant 112 : index
      %swap3A_336 = tpu.vector_load %arg15[%swap3A_335] {strides = array<i32>} : memref<208xi32, #tpu.memory_space<vmem>>, vector<16xi32>,
      tpu.vector_store %arg15[%swap3A_335], %broadcast_in_dim3A_1 {strides = array<i32>} : memref<208xi32, #tpu.memory_space<vmem>>, vector<16xi32>,
      %swap3A_337 = arith.constant 112 : index
      %swap3A_338 = tpu.vector_load %arg16[%swap3A_337] {strides = array<i32>} : memref<208xi32, #tpu.memory_space<vmem>>, vector<16xi32>,
      tpu.vector_store %arg16[%swap3A_337], %broadcast_in_dim3A_1 {strides = array<i32>} : memref<208xi32, #tpu.memory_space<vmem>>, vector<16xi32>,
      %swap3A_339 = arith.constant 128 : index
      %swap3A_340 = tpu.vector_load %arg15[%swap3A_339] {strides = array<i32>} : memref<208xi32, #tpu.memory_space<vmem>>, vector<16xi32>,
      tpu.vector_store %arg15[%swap3A_339], %broadcast_in_dim3A_1 {strides = array<i32>} : memref<208xi32, #tpu.memory_space<vmem>>, vector<16xi32>,
      %swap3A_341 = arith.constant 128 : index
      %swap3A_342 = tpu.vector_load %arg16[%swap3A_341] {strides = array<i32>} : memref<208xi32, #tpu.memory_space<vmem>>, vector<16xi32>,
      tpu.vector_store %arg16[%swap3A_341], %broadcast_in_dim3A_1 {strides = array<i32>} : memref<208xi32, #tpu.memory_space<vmem>>, vector<16xi32>,
      %swap3A_343 = arith.constant 144 : index
      %swap3A_344 = tpu.vector_load %arg15[%swap3A_343] {strides = array<i32>} : memref<208xi32, #tpu.memory_space<vmem>>, vector<16xi32>,
      tpu.vector_store %arg15[%swap3A_343], %broadcast_in_dim3A_1 {strides = array<i32>} : memref<208xi32, #tpu.memory_space<vmem>>, vector<16xi32>,
      %swap3A_345 = arith.constant 144 : index
      %swap3A_346 = tpu.vector_load %arg16[%swap3A_345] {strides = array<i32>} : memref<208xi32, #tpu.memory_space<vmem>>, vector<16xi32>,
      tpu.vector_store %arg16[%swap3A_345], %broadcast_in_dim3A_1 {strides = array<i32>} : memref<208xi32, #tpu.memory_space<vmem>>, vector<16xi32>,
      %swap3A_347 = arith.constant 160 : index
      %swap3A_348 = tpu.vector_load %arg15[%swap3A_347] {strides = array<i32>} : memref<208xi32, #tpu.memory_space<vmem>>, vector<16xi32>,
      tpu.vector_store %arg15[%swap3A_347], %broadcast_in_dim3A_1 {strides = array<i32>} : memref<208xi32, #tpu.memory_space<vmem>>, vector<16xi32>,
      %swap3A_349 = arith.constant 160 : index
      %swap3A_350 = tpu.vector_load %arg16[%swap3A_349] {strides = array<i32>} : memref<208xi32, #tpu.memory_space<vmem>>, vector<16xi32>,
      tpu.vector_store %arg16[%swap3A_349], %broadcast_in_dim3A_1 {strides = array<i32>} : memref<208xi32, #tpu.memory_space<vmem>>, vector<16xi32>,
      %swap3A_351 = arith.constant 176 : index
      %swap3A_352 = tpu.vector_load %arg15[%swap3A_351] {strides = array<i32>} : memref<208xi32, #tpu.memory_space<vmem>>, vector<16xi32>,
      tpu.vector_store %arg15[%swap3A_351], %broadcast_in_dim3A_1 {strides = array<i32>} : memref<208xi32, #tpu.memory_space<vmem>>, vector<16xi32>,
      %swap3A_353 = arith.constant 176 : index
      %swap3A_354 = tpu.vector_load %arg16[%swap3A_353] {strides = array<i32>} : memref<208xi32, #tpu.memory_space<vmem>>, vector<16xi32>,
      tpu.vector_store %arg16[%swap3A_353], %broadcast_in_dim3A_1 {strides = array<i32>} : memref<208xi32, #tpu.memory_space<vmem>>, vector<16xi32>,
      %swap3A_355 = arith.constant 192 : index
      %swap3A_356 = tpu.vector_load %arg15[%swap3A_355] {strides = array<i32>} : memref<208xi32, #tpu.memory_space<vmem>>, vector<16xi32>,
      tpu.vector_store %arg15[%swap3A_355], %broadcast_in_dim3A_1 {strides = array<i32>} : memref<208xi32, #tpu.memory_space<vmem>>, vector<16xi32>,
      %swap3A_357 = arith.constant 192 : index
      %swap3A_358 = tpu.vector_load %arg16[%swap3A_357] {strides = array<i32>} : memref<208xi32, #tpu.memory_space<vmem>>, vector<16xi32>,
      tpu.vector_store %arg16[%swap3A_357], %broadcast_in_dim3A_1 {strides = array<i32>} : memref<208xi32, #tpu.memory_space<vmem>>, vector<16xi32>,
      %scan3A = arith.constant 0 : i32
      %scan3A_359 = arith.constant 0 : i32
      %scan3A_360 = arith.constant 14 : i32
      %scan3A_361 = arith.addi %scan3A_359, %scan3A_360 : i32
      %scan3A_362 = arith.constant 1 : i32
      %scan3A_363 = scf.for %scan3A_567 = %scan3A_359 to %scan3A_361 step %scan3A_362 iter_args(%scan3A_568 = %scan3A) -> (i32)  : i32 {
        %mul3A_569 = arith.constant 16 : i32
        %mul3A_570 = arith.muli %scan3A_567, %mul3A_569 : i32
        %add3A_571 = vector.broadcast %mul3A_570 : i32 to vector<16xi32>
        %add3A_572 = arith.addi %add3A_571, %iota3A : vector<16xi32>
        %min3A_573 = arith.constant 207 : i32
        %min3A_574 = vector.broadcast %min3A_573 : i32 to vector<16xi32>
        %min3A_575 = arith.minsi %add3A_572, %min3A_574 : vector<16xi32>
        %gather3A_576 = tpu.vector_load_idx %arg8[%broadcast_in_dim3A_12, %min3A_575] : memref<28x208xi32, #tpu.memory_space<vmem>>[vector<16xi32>, vector<16xi32>], vector<16xi32>,
        %min3A_577 = arith.constant 524287 : i32
        %min3A_578 = vector.broadcast %min3A_577 : i32 to vector<16xi32>
        %min3A_579 = arith.minsi %gather3A_576, %min3A_578 : vector<16xi32>
        %ge3A_580 = arith.constant 112 : i32
        %ge3A_581 = vector.broadcast %ge3A_580 : i32 to vector<16xi32>
        %ge3A_582 = arith.cmpi sge, %add3A_572, %ge3A_581 : vector<16xi32>
        %convert_element_type3A_583 = arith.extui %ge3A_582 : vector<16xi1> to vector<16xi32>
        %mul3A_584 = arith.constant 112 : i32
        %mul3A_585 = vector.broadcast %mul3A_584 : i32 to vector<16xi32>
        %mul3A_586 = arith.muli %convert_element_type3A_583, %mul3A_585 : vector<16xi32>
        %sub3A = arith.subi %add3A_572, %mul3A_586 : vector<16xi32>
        tpu.vector_store_idx %arg12[%convert_element_type3A_583, %sub3A], %min3A_579 : memref<2x112xi32, #tpu.memory_space<vmem>>[vector<16xi32>, vector<16xi32>], vector<16xi32>,
        %scan3A_587 = arith.constant 0 : i32
        scf.yield %scan3A_587 : i32
      }
      %scan3A_364 = arith.constant 14 : i32
      %dma_start3A = arith.constant 0 : i32
      %dma_start3A_365 = arith.constant 0 : i32
      %dma_start3A_366 = arith.constant 0 : i32
      %dma_start3A_367 = arith.constant 0 : i32
      %dma_start3A_368 = tpu.memref_slice %arg17[%dma_start3A_365, %dma_start3A_366, %dma_start3A_367] : memref<2x112x32xf32, #tpu.memory_space<vmem>> -> memref<1x112x32xf32, #tpu.memory_space<vmem>>
      %dma_start3A_369 = tpu.memref_squeeze %dma_start3A_368 : memref<1x112x32xf32, #tpu.memory_space<vmem>> -> memref<112x32xf32, #tpu.memory_space<vmem>>
      %dma_start3A_370 = arith.constant 0 : i32
      %dma_start3A_371 = tpu.memref_slice %arg12[%dma_start3A, %dma_start3A_370] : memref<2x112xi32, #tpu.memory_space<vmem>> -> memref<1x112xi32, #tpu.memory_space<vmem>>
      %dma_start3A_372 = tpu.memref_squeeze %dma_start3A_371 : memref<1x112xi32, #tpu.memory_space<vmem>> -> memref<112xi32, #tpu.memory_space<vmem>>
      %dma_start3A_373 = arith.constant 0 : i32
      %dma_start3A_374 = arith.constant 0 : i32
      %dma_start3A_375 = tpu.memref_slice %arg5[%dma_start3A_373, %dma_start3A_374] : memref<524288x32xf32, #tpu.memory_space<hbm>> -> memref<524288x32xf32, #tpu.memory_space<hbm>>
      tpu.enqueue_indirect_dma source(%dma_start3A_375 : memref<524288x32xf32, #tpu.memory_space<hbm>>) target(%dma_start3A_369 : memref<112x32xf32, #tpu.memory_space<vmem>>) offsets(%dma_start3A_372 : memref<112xi32, #tpu.memory_space<vmem>>) semaphore(%arg21 : memref<!tpu.dma_semaphore, #tpu.memory_space<semaphore_mem>>)
      %dma_start3A_376 = arith.constant 1 : i32
      %dma_start3A_377 = arith.constant 1 : i32
      %dma_start3A_378 = arith.constant 0 : i32
      %dma_start3A_379 = arith.constant 0 : i32
      %dma_start3A_380 = tpu.memref_slice %arg17[%dma_start3A_377, %dma_start3A_378, %dma_start3A_379] : memref<2x112x32xf32, #tpu.memory_space<vmem>> -> memref<1x112x32xf32, #tpu.memory_space<vmem>>
      %dma_start3A_381 = tpu.memref_squeeze %dma_start3A_380 : memref<1x112x32xf32, #tpu.memory_space<vmem>> -> memref<112x32xf32, #tpu.memory_space<vmem>>
      %dma_start3A_382 = arith.constant 0 : i32
      %dma_start3A_383 = tpu.memref_slice %arg12[%dma_start3A_376, %dma_start3A_382] : memref<2x112xi32, #tpu.memory_space<vmem>> -> memref<1x112xi32, #tpu.memory_space<vmem>>
      %dma_start3A_384 = tpu.memref_squeeze %dma_start3A_383 : memref<1x112xi32, #tpu.memory_space<vmem>> -> memref<112xi32, #tpu.memory_space<vmem>>
      %dma_start3A_385 = arith.constant 0 : i32
      %dma_start3A_386 = arith.constant 0 : i32
      %dma_start3A_387 = tpu.memref_slice %arg5[%dma_start3A_385, %dma_start3A_386] : memref<524288x32xf32, #tpu.memory_space<hbm>> -> memref<524288x32xf32, #tpu.memory_space<hbm>>
      tpu.enqueue_indirect_dma source(%dma_start3A_387 : memref<524288x32xf32, #tpu.memory_space<hbm>>) target(%dma_start3A_381 : memref<112x32xf32, #tpu.memory_space<vmem>>) offsets(%dma_start3A_384 : memref<112xi32, #tpu.memory_space<vmem>>) semaphore(%arg21 : memref<!tpu.dma_semaphore, #tpu.memory_space<semaphore_mem>>)
      %eq3A_388 = arith.constant 0 : i32
      %eq3A_389 = vector.broadcast %eq3A_388 : i32 to vector<16xi32>
      %eq3A_390 = arith.cmpi eq, %iota3A, %eq3A_389 : vector<16xi32>
      %gather3A_391 = tpu.vector_load_idx %arg8[%iota3A, %broadcast_in_dim3A_1] : memref<28x208xi32, #tpu.memory_space<vmem>>[vector<16xi32>, vector<16xi32>], vector<16xi32>,
      %jit3A_392 = arith.constant 1073741823 : i32
      %broadcast_in_dim3A_393 = vector.broadcast %jit3A_392 : i32 to vector<16xi32>
      %select_n3A_394 = arith.select %and3A_58, %gather3A_391, %broadcast_in_dim3A_393 : vector<16xi1>, vector<16xi32>
      %gather3A_395 = tpu.vector_load_idx %arg8[%min3A_17, %broadcast_in_dim3A_1] : memref<28x208xi32, #tpu.memory_space<vmem>>[vector<16xi32>, vector<16xi32>], vector<16xi32>,
      %jit3A_396 = arith.constant 1073741823 : i32
      %broadcast_in_dim3A_397 = vector.broadcast %jit3A_396 : i32 to vector<16xi32>
      %select_n3A_398 = arith.select %and3A_61, %gather3A_395, %broadcast_in_dim3A_397 : vector<16xi1>, vector<16xi32>
      %gather3A_399 = tpu.vector_load_idx %arg8[%iota3A, %broadcast_in_dim3A_1] : memref<28x208xi32, #tpu.memory_space<vmem>>[vector<16xi32>, vector<16xi32>], vector<16xi32>,
      %jit3A_400 = arith.constant 1073741823 : i32
      %broadcast_in_dim3A_401 = vector.broadcast %jit3A_400 : i32 to vector<16xi32>
      %select_n3A_402 = arith.select %and3A_69, %gather3A_399, %broadcast_in_dim3A_401 : vector<16xi1>, vector<16xi32>
      %gather3A_403 = tpu.vector_load_idx %arg8[%min3A_17, %broadcast_in_dim3A_1] : memref<28x208xi32, #tpu.memory_space<vmem>>[vector<16xi32>, vector<16xi32>], vector<16xi32>,
      %jit3A_404 = arith.constant 1073741823 : i32
      %broadcast_in_dim3A_405 = vector.broadcast %jit3A_404 : i32 to vector<16xi32>
      %select_n3A_406 = arith.select %and3A_78, %gather3A_403, %broadcast_in_dim3A_405 : vector<16xi1>, vector<16xi32>
      %scan3A_407 = arith.constant 0 : i32
      %scan3A_408 = arith.constant 200 : i32
      %scan3A_409 = arith.addi %scan3A_407, %scan3A_408 : i32
      %scan3A_410 = arith.constant 1 : i32
      %scan3A_411:8 = scf.for %scan3A_567 = %scan3A_407 to %scan3A_409 step %scan3A_410 iter_args(%scan3A_568 = %select_n3A_394, %scan3A_569 = %select_n3A_398, %scan3A_570 = %broadcast_in_dim3A_1, %scan3A_571 = %broadcast_in_dim3A_1, %scan3A_572 = %select_n3A_402, %scan3A_573 = %select_n3A_406, %scan3A_574 = %broadcast_in_dim3A_1, %scan3A_575 = %broadcast_in_dim3A_1) -> (vector<16xi32>, vector<16xi32>, vector<16xi32>, vector<16xi32>, vector<16xi32>, vector<16xi32>, vector<16xi32>, vector<16xi32>)  : i32 {
        %ge3A_576 = arith.constant 112 : i32
        %ge3A_577 = arith.cmpi sge, %scan3A_567, %ge3A_576 : i32
        %convert_element_type3A_578 = arith.extui %ge3A_577 : i1 to i32
        %broadcast_in_dim3A_579 = vector.broadcast %convert_element_type3A_578 : i32 to vector<16xi32>
        %mul3A_580 = arith.constant 112 : i32
        %mul3A_581 = arith.muli %convert_element_type3A_578, %mul3A_580 : i32
        %sub3A = arith.subi %scan3A_567, %mul3A_581 : i32
        %broadcast_in_dim3A_582 = vector.broadcast %sub3A : i32 to vector<16xi32>
        %broadcast_in_dim3A_583 = vector.broadcast %scan3A_567 : i32 to vector<16xi32>
        %reduce_min3A_584 = arith.constant true
        %reduce_min3A_585 = vector.broadcast %reduce_min3A_584 : i1 to vector<16xi1>
        %reduce_min3A_586 = arith.constant -2147483648 : i32
        %reduce_min3A_587 = vector.broadcast %reduce_min3A_586 : i32 to vector<16xi32>
        %reduce_min3A_588 = arith.xori %scan3A_568, %reduce_min3A_587 : vector<16xi32>
        %reduce_min3A_589 = tpu.scan <min>, %reduce_min3A_588 masked %reduce_min3A_585 : vector<16xi32>, vector<16xi1> -> vector<16xi32>
        %reduce_min3A_590 = arith.xori %reduce_min3A_589, %reduce_min3A_587 : vector<16xi32>
        %reduce_min3A_591 = vector.extract %reduce_min3A_590[15] : i32 from vector<16xi32>
        %reduce_min3A_592 = arith.constant true
        %reduce_min3A_593 = vector.broadcast %reduce_min3A_592 : i1 to vector<16xi1>
        %reduce_min3A_594 = arith.constant -2147483648 : i32
        %reduce_min3A_595 = vector.broadcast %reduce_min3A_594 : i32 to vector<16xi32>
        %reduce_min3A_596 = arith.xori %scan3A_569, %reduce_min3A_595 : vector<16xi32>
        %reduce_min3A_597 = tpu.scan <min>, %reduce_min3A_596 masked %reduce_min3A_593 : vector<16xi32>, vector<16xi1> -> vector<16xi32>
        %reduce_min3A_598 = arith.xori %reduce_min3A_597, %reduce_min3A_595 : vector<16xi32>
        %reduce_min3A_599 = vector.extract %reduce_min3A_598[15] : i32 from vector<16xi32>
        %min3A_600 = arith.minsi %reduce_min3A_591, %reduce_min3A_599 : i32
        %eq3A_601 = vector.broadcast %min3A_600 : i32 to vector<16xi32>
        %eq3A_602 = arith.cmpi eq, %scan3A_568, %eq3A_601 : vector<16xi32>
        %all_reduce_ffs3A = tpu.all_reduce %eq3A_602 {dim = 0 : i64, kind = #tpu.reduction_kind<find_first_set>} : vector<16xi1> -> vector<16xi32>
        %eq3A_603 = vector.broadcast %min3A_600 : i32 to vector<16xi32>
        %eq3A_604 = arith.cmpi eq, %scan3A_569, %eq3A_603 : vector<16xi32>
        %all_reduce_ffs3A_605 = tpu.all_reduce %eq3A_604 {dim = 0 : i64, kind = #tpu.reduction_kind<find_first_set>} : vector<16xi1> -> vector<16xi32>
        %reduce_or3A = arith.constant 1.000000e+00 : f32
        %reduce_or3A_606 = arith.constant 0.000000e+00 : f32
        %reduce_or3A_607 = vector.broadcast %reduce_or3A : f32 to vector<16xf32>
        %reduce_or3A_608 = vector.broadcast %reduce_or3A_606 : f32 to vector<16xf32>
        %reduce_or3A_609 = arith.select %eq3A_602, %reduce_or3A_607, %reduce_or3A_608 : vector<16xi1>, vector<16xf32>
        %reduce_or3A_610 = arith.constant true
        %reduce_or3A_611 = vector.broadcast %reduce_or3A_610 : i1 to vector<16xi1>
        %reduce_or3A_612 = tpu.scan <max>, %reduce_or3A_609 masked %reduce_or3A_611 : vector<16xf32>, vector<16xi1> -> vector<16xf32>
        %reduce_or3A_613 = vector.extract %reduce_or3A_612[15] : f32 from vector<16xf32>
        %reduce_or3A_614 = arith.constant 0.000000e+00 : f32
        %reduce_or3A_615 = arith.cmpf ogt, %reduce_or3A_613, %reduce_or3A_614 : f32
        %add3A_616 = arith.constant 16 : i32
        %add3A_617 = vector.broadcast %add3A_616 : i32 to vector<16xi32>
        %add3A_618 = arith.addi %all_reduce_ffs3A_605, %add3A_617 : vector<16xi32>
        %select_n3A_619 = arith.select %reduce_or3A_615, %all_reduce_ffs3A, %add3A_618 : vector<16xi32>
        %min3A_620 = arith.constant 524287 : i32
        %min3A_621 = arith.minsi %min3A_600, %min3A_620 : i32
        %broadcast_in_dim3A_622 = vector.broadcast %min3A_621 : i32 to vector<16xi32>
        tpu.vector_store_idx %arg13[%broadcast_in_dim3A_579, %broadcast_in_dim3A_582], %broadcast_in_dim3A_622 masked %eq3A_390 : memref<2x112xi32, #tpu.memory_space<vmem>>[vector<16xi32>, vector<16xi32>], vector<16xi32>, vector<16xi1>
        tpu.vector_store_idx %arg15[%broadcast_in_dim3A_583], %select_n3A_619 masked %eq3A_390 : memref<208xi32, #tpu.memory_space<vmem>>[vector<16xi32>], vector<16xi32>, vector<16xi1>
        %eq3A_623 = arith.cmpi eq, %iota3A, %select_n3A_619 : vector<16xi32>
        %and3A_624 = arith.andi %and3A_58, %eq3A_623 : vector<16xi1>
        %eq3A_625 = arith.cmpi eq, %add3A_15, %select_n3A_619 : vector<16xi32>
        %and3A_626 = arith.andi %and3A_61, %eq3A_625 : vector<16xi1>
        %convert_element_type3A_627 = arith.extui %and3A_624 : vector<16xi1> to vector<16xi32>
        %add3A_628 = arith.addi %scan3A_570, %convert_element_type3A_627 : vector<16xi32>
        %convert_element_type3A_629 = arith.extui %and3A_626 : vector<16xi1> to vector<16xi32>
        %add3A_630 = arith.addi %scan3A_571, %convert_element_type3A_629 : vector<16xi32>
        %min3A_631 = arith.constant 207 : i32
        %min3A_632 = vector.broadcast %min3A_631 : i32 to vector<16xi32>
        %min3A_633 = arith.minsi %add3A_628, %min3A_632 : vector<16xi32>
        %gather3A_634 = tpu.vector_load_idx %arg8[%iota3A, %min3A_633] : memref<28x208xi32, #tpu.memory_space<vmem>>[vector<16xi32>, vector<16xi32>], vector<16xi32>,
        %min3A_635 = arith.constant 207 : i32
        %min3A_636 = vector.broadcast %min3A_635 : i32 to vector<16xi32>
        %min3A_637 = arith.minsi %add3A_630, %min3A_636 : vector<16xi32>
        %gather3A_638 = tpu.vector_load_idx %arg8[%min3A_17, %min3A_637] : memref<28x208xi32, #tpu.memory_space<vmem>>[vector<16xi32>, vector<16xi32>], vector<16xi32>,
        %select_n3A_639 = arith.select %and3A_624, %gather3A_634, %scan3A_568 : vector<16xi1>, vector<16xi32>
        %select_n3A_640 = arith.select %and3A_626, %gather3A_638, %scan3A_569 : vector<16xi1>, vector<16xi32>
        %reduce_min3A_641 = arith.constant true
        %reduce_min3A_642 = vector.broadcast %reduce_min3A_641 : i1 to vector<16xi1>
        %reduce_min3A_643 = arith.constant -2147483648 : i32
        %reduce_min3A_644 = vector.broadcast %reduce_min3A_643 : i32 to vector<16xi32>
        %reduce_min3A_645 = arith.xori %scan3A_572, %reduce_min3A_644 : vector<16xi32>
        %reduce_min3A_646 = tpu.scan <min>, %reduce_min3A_645 masked %reduce_min3A_642 : vector<16xi32>, vector<16xi1> -> vector<16xi32>
        %reduce_min3A_647 = arith.xori %reduce_min3A_646, %reduce_min3A_644 : vector<16xi32>
        %reduce_min3A_648 = vector.extract %reduce_min3A_647[15] : i32 from vector<16xi32>
        %reduce_min3A_649 = arith.constant true
        %reduce_min3A_650 = vector.broadcast %reduce_min3A_649 : i1 to vector<16xi1>
        %reduce_min3A_651 = arith.constant -2147483648 : i32
        %reduce_min3A_652 = vector.broadcast %reduce_min3A_651 : i32 to vector<16xi32>
        %reduce_min3A_653 = arith.xori %scan3A_573, %reduce_min3A_652 : vector<16xi32>
        %reduce_min3A_654 = tpu.scan <min>, %reduce_min3A_653 masked %reduce_min3A_650 : vector<16xi32>, vector<16xi1> -> vector<16xi32>
        %reduce_min3A_655 = arith.xori %reduce_min3A_654, %reduce_min3A_652 : vector<16xi32>
        %reduce_min3A_656 = vector.extract %reduce_min3A_655[15] : i32 from vector<16xi32>
        %min3A_657 = arith.minsi %reduce_min3A_648, %reduce_min3A_656 : i32
        %eq3A_658 = vector.broadcast %min3A_657 : i32 to vector<16xi32>
        %eq3A_659 = arith.cmpi eq, %scan3A_572, %eq3A_658 : vector<16xi32>
        %all_reduce_ffs3A_660 = tpu.all_reduce %eq3A_659 {dim = 0 : i64, kind = #tpu.reduction_kind<find_first_set>} : vector<16xi1> -> vector<16xi32>
        %eq3A_661 = vector.broadcast %min3A_657 : i32 to vector<16xi32>
        %eq3A_662 = arith.cmpi eq, %scan3A_573, %eq3A_661 : vector<16xi32>
        %all_reduce_ffs3A_663 = tpu.all_reduce %eq3A_662 {dim = 0 : i64, kind = #tpu.reduction_kind<find_first_set>} : vector<16xi1> -> vector<16xi32>
        %reduce_or3A_664 = arith.constant 1.000000e+00 : f32
        %reduce_or3A_665 = arith.constant 0.000000e+00 : f32
        %reduce_or3A_666 = vector.broadcast %reduce_or3A_664 : f32 to vector<16xf32>
        %reduce_or3A_667 = vector.broadcast %reduce_or3A_665 : f32 to vector<16xf32>
        %reduce_or3A_668 = arith.select %eq3A_659, %reduce_or3A_666, %reduce_or3A_667 : vector<16xi1>, vector<16xf32>
        %reduce_or3A_669 = arith.constant true
        %reduce_or3A_670 = vector.broadcast %reduce_or3A_669 : i1 to vector<16xi1>
        %reduce_or3A_671 = tpu.scan <max>, %reduce_or3A_668 masked %reduce_or3A_670 : vector<16xf32>, vector<16xi1> -> vector<16xf32>
        %reduce_or3A_672 = vector.extract %reduce_or3A_671[15] : f32 from vector<16xf32>
        %reduce_or3A_673 = arith.constant 0.000000e+00 : f32
        %reduce_or3A_674 = arith.cmpf ogt, %reduce_or3A_672, %reduce_or3A_673 : f32
        %add3A_675 = arith.constant 16 : i32
        %add3A_676 = vector.broadcast %add3A_675 : i32 to vector<16xi32>
        %add3A_677 = arith.addi %all_reduce_ffs3A_663, %add3A_676 : vector<16xi32>
        %select_n3A_678 = arith.select %reduce_or3A_674, %all_reduce_ffs3A_660, %add3A_677 : vector<16xi32>
        %min3A_679 = arith.constant 524287 : i32
        %min3A_680 = arith.minsi %min3A_657, %min3A_679 : i32
        %broadcast_in_dim3A_681 = vector.broadcast %min3A_680 : i32 to vector<16xi32>
        tpu.vector_store_idx %arg14[%broadcast_in_dim3A_579, %broadcast_in_dim3A_582], %broadcast_in_dim3A_681 masked %eq3A_390 : memref<2x112xi32, #tpu.memory_space<vmem>>[vector<16xi32>, vector<16xi32>], vector<16xi32>, vector<16xi1>
        tpu.vector_store_idx %arg16[%broadcast_in_dim3A_583], %select_n3A_678 masked %eq3A_390 : memref<208xi32, #tpu.memory_space<vmem>>[vector<16xi32>], vector<16xi32>, vector<16xi1>
        %eq3A_682 = arith.cmpi eq, %iota3A, %select_n3A_678 : vector<16xi32>
        %and3A_683 = arith.andi %and3A_69, %eq3A_682 : vector<16xi1>
        %eq3A_684 = arith.cmpi eq, %add3A_15, %select_n3A_678 : vector<16xi32>
        %and3A_685 = arith.andi %and3A_78, %eq3A_684 : vector<16xi1>
        %convert_element_type3A_686 = arith.extui %and3A_683 : vector<16xi1> to vector<16xi32>
        %add3A_687 = arith.addi %scan3A_574, %convert_element_type3A_686 : vector<16xi32>
        %convert_element_type3A_688 = arith.extui %and3A_685 : vector<16xi1> to vector<16xi32>
        %add3A_689 = arith.addi %scan3A_575, %convert_element_type3A_688 : vector<16xi32>
        %min3A_690 = arith.constant 207 : i32
        %min3A_691 = vector.broadcast %min3A_690 : i32 to vector<16xi32>
        %min3A_692 = arith.minsi %add3A_687, %min3A_691 : vector<16xi32>
        %gather3A_693 = tpu.vector_load_idx %arg8[%iota3A, %min3A_692] : memref<28x208xi32, #tpu.memory_space<vmem>>[vector<16xi32>, vector<16xi32>], vector<16xi32>,
        %min3A_694 = arith.constant 207 : i32
        %min3A_695 = vector.broadcast %min3A_694 : i32 to vector<16xi32>
        %min3A_696 = arith.minsi %add3A_689, %min3A_695 : vector<16xi32>
        %gather3A_697 = tpu.vector_load_idx %arg8[%min3A_17, %min3A_696] : memref<28x208xi32, #tpu.memory_space<vmem>>[vector<16xi32>, vector<16xi32>], vector<16xi32>,
        %select_n3A_698 = arith.select %and3A_683, %gather3A_693, %scan3A_572 : vector<16xi1>, vector<16xi32>
        %select_n3A_699 = arith.select %and3A_685, %gather3A_697, %scan3A_573 : vector<16xi1>, vector<16xi32>
        scf.yield %select_n3A_639, %select_n3A_640, %add3A_628, %add3A_630, %select_n3A_698, %select_n3A_699, %add3A_687, %add3A_689 : vector<16xi32>, vector<16xi32>, vector<16xi32>, vector<16xi32>, vector<16xi32>, vector<16xi32>, vector<16xi32>, vector<16xi32>
      }
      %scan3A_412 = arith.constant 200 : i32
      %dma_start3A_413 = arith.constant 0 : i32
      %dma_start3A_414 = arith.constant 0 : i32
      %dma_start3A_415 = arith.constant 0 : i32
      %dma_start3A_416 = arith.constant 0 : i32
      %dma_start3A_417 = tpu.memref_slice %arg18[%dma_start3A_414, %dma_start3A_415, %dma_start3A_416] : memref<2x112x32xf32, #tpu.memory_space<vmem>> -> memref<1x112x32xf32, #tpu.memory_space<vmem>>
      %dma_start3A_418 = tpu.memref_squeeze %dma_start3A_417 : memref<1x112x32xf32, #tpu.memory_space<vmem>> -> memref<112x32xf32, #tpu.memory_space<vmem>>
      %dma_start3A_419 = arith.constant 0 : i32
      %dma_start3A_420 = tpu.memref_slice %arg13[%dma_start3A_413, %dma_start3A_419] : memref<2x112xi32, #tpu.memory_space<vmem>> -> memref<1x112xi32, #tpu.memory_space<vmem>>
      %dma_start3A_421 = tpu.memref_squeeze %dma_start3A_420 : memref<1x112xi32, #tpu.memory_space<vmem>> -> memref<112xi32, #tpu.memory_space<vmem>>
      %dma_start3A_422 = arith.constant 0 : i32
      %dma_start3A_423 = arith.constant 0 : i32
      %dma_start3A_424 = tpu.memref_slice %arg5[%dma_start3A_422, %dma_start3A_423] : memref<524288x32xf32, #tpu.memory_space<hbm>> -> memref<524288x32xf32, #tpu.memory_space<hbm>>
      tpu.enqueue_indirect_dma source(%dma_start3A_424 : memref<524288x32xf32, #tpu.memory_space<hbm>>) target(%dma_start3A_418 : memref<112x32xf32, #tpu.memory_space<vmem>>) offsets(%dma_start3A_421 : memref<112xi32, #tpu.memory_space<vmem>>) semaphore(%arg21 : memref<!tpu.dma_semaphore, #tpu.memory_space<semaphore_mem>>)
      %dma_start3A_425 = arith.constant 1 : i32
      %dma_start3A_426 = arith.constant 1 : i32
      %dma_start3A_427 = arith.constant 0 : i32
      %dma_start3A_428 = arith.constant 0 : i32
      %dma_start3A_429 = tpu.memref_slice %arg18[%dma_start3A_426, %dma_start3A_427, %dma_start3A_428] : memref<2x112x32xf32, #tpu.memory_space<vmem>> -> memref<1x112x32xf32, #tpu.memory_space<vmem>>
      %dma_start3A_430 = tpu.memref_squeeze %dma_start3A_429 : memref<1x112x32xf32, #tpu.memory_space<vmem>> -> memref<112x32xf32, #tpu.memory_space<vmem>>
      %dma_start3A_431 = arith.constant 0 : i32
      %dma_start3A_432 = tpu.memref_slice %arg13[%dma_start3A_425, %dma_start3A_431] : memref<2x112xi32, #tpu.memory_space<vmem>> -> memref<1x112xi32, #tpu.memory_space<vmem>>
      %dma_start3A_433 = tpu.memref_squeeze %dma_start3A_432 : memref<1x112xi32, #tpu.memory_space<vmem>> -> memref<112xi32, #tpu.memory_space<vmem>>
      %dma_start3A_434 = arith.constant 0 : i32
      %dma_start3A_435 = arith.constant 0 : i32
      %dma_start3A_436 = tpu.memref_slice %arg5[%dma_start3A_434, %dma_start3A_435] : memref<524288x32xf32, #tpu.memory_space<hbm>> -> memref<524288x32xf32, #tpu.memory_space<hbm>>
      tpu.enqueue_indirect_dma source(%dma_start3A_436 : memref<524288x32xf32, #tpu.memory_space<hbm>>) target(%dma_start3A_430 : memref<112x32xf32, #tpu.memory_space<vmem>>) offsets(%dma_start3A_433 : memref<112xi32, #tpu.memory_space<vmem>>) semaphore(%arg21 : memref<!tpu.dma_semaphore, #tpu.memory_space<semaphore_mem>>)
      %dma_start3A_437 = arith.constant 0 : i32
      %dma_start3A_438 = arith.constant 0 : i32
      %dma_start3A_439 = arith.constant 0 : i32
      %dma_start3A_440 = arith.constant 0 : i32
      %dma_start3A_441 = tpu.memref_slice %arg19[%dma_start3A_438, %dma_start3A_439, %dma_start3A_440] : memref<2x112x32xf32, #tpu.memory_space<vmem>> -> memref<1x112x32xf32, #tpu.memory_space<vmem>>
      %dma_start3A_442 = tpu.memref_squeeze %dma_start3A_441 : memref<1x112x32xf32, #tpu.memory_space<vmem>> -> memref<112x32xf32, #tpu.memory_space<vmem>>
      %dma_start3A_443 = arith.constant 0 : i32
      %dma_start3A_444 = tpu.memref_slice %arg14[%dma_start3A_437, %dma_start3A_443] : memref<2x112xi32, #tpu.memory_space<vmem>> -> memref<1x112xi32, #tpu.memory_space<vmem>>
      %dma_start3A_445 = tpu.memref_squeeze %dma_start3A_444 : memref<1x112xi32, #tpu.memory_space<vmem>> -> memref<112xi32, #tpu.memory_space<vmem>>
      %dma_start3A_446 = arith.constant 0 : i32
      %dma_start3A_447 = arith.constant 0 : i32
      %dma_start3A_448 = tpu.memref_slice %arg5[%dma_start3A_446, %dma_start3A_447] : memref<524288x32xf32, #tpu.memory_space<hbm>> -> memref<524288x32xf32, #tpu.memory_space<hbm>>
      tpu.enqueue_indirect_dma source(%dma_start3A_448 : memref<524288x32xf32, #tpu.memory_space<hbm>>) target(%dma_start3A_442 : memref<112x32xf32, #tpu.memory_space<vmem>>) offsets(%dma_start3A_445 : memref<112xi32, #tpu.memory_space<vmem>>) semaphore(%arg21 : memref<!tpu.dma_semaphore, #tpu.memory_space<semaphore_mem>>)
      %dma_start3A_449 = arith.constant 1 : i32
      %dma_start3A_450 = arith.constant 1 : i32
      %dma_start3A_451 = arith.constant 0 : i32
      %dma_start3A_452 = arith.constant 0 : i32
      %dma_start3A_453 = tpu.memref_slice %arg19[%dma_start3A_450, %dma_start3A_451, %dma_start3A_452] : memref<2x112x32xf32, #tpu.memory_space<vmem>> -> memref<1x112x32xf32, #tpu.memory_space<vmem>>
      %dma_start3A_454 = tpu.memref_squeeze %dma_start3A_453 : memref<1x112x32xf32, #tpu.memory_space<vmem>> -> memref<112x32xf32, #tpu.memory_space<vmem>>
      %dma_start3A_455 = arith.constant 0 : i32
      %dma_start3A_456 = tpu.memref_slice %arg14[%dma_start3A_449, %dma_start3A_455] : memref<2x112xi32, #tpu.memory_space<vmem>> -> memref<1x112xi32, #tpu.memory_space<vmem>>
      %dma_start3A_457 = tpu.memref_squeeze %dma_start3A_456 : memref<1x112xi32, #tpu.memory_space<vmem>> -> memref<112xi32, #tpu.memory_space<vmem>>
      %dma_start3A_458 = arith.constant 0 : i32
      %dma_start3A_459 = arith.constant 0 : i32
      %dma_start3A_460 = tpu.memref_slice %arg5[%dma_start3A_458, %dma_start3A_459] : memref<524288x32xf32, #tpu.memory_space<hbm>> -> memref<524288x32xf32, #tpu.memory_space<hbm>>
      tpu.enqueue_indirect_dma source(%dma_start3A_460 : memref<524288x32xf32, #tpu.memory_space<hbm>>) target(%dma_start3A_454 : memref<112x32xf32, #tpu.memory_space<vmem>>) offsets(%dma_start3A_457 : memref<112xi32, #tpu.memory_space<vmem>>) semaphore(%arg21 : memref<!tpu.dma_semaphore, #tpu.memory_space<semaphore_mem>>)
      %dma_wait3A = arith.constant 0 : i32
      %dma_wait3A_461 = arith.constant 0 : i32
      %dma_wait3A_462 = arith.constant 0 : i32
      %dma_wait3A_463 = arith.constant 0 : i32
      %dma_wait3A_464 = tpu.memref_slice %arg17[%dma_wait3A_461, %dma_wait3A_462, %dma_wait3A_463] : memref<2x112x32xf32, #tpu.memory_space<vmem>> -> memref<1x112x32xf32, #tpu.memory_space<vmem>>
      %dma_wait3A_465 = tpu.memref_squeeze %dma_wait3A_464 : memref<1x112x32xf32, #tpu.memory_space<vmem>> -> memref<112x32xf32, #tpu.memory_space<vmem>>
      %dma_wait3A_466 = arith.constant 0 : i32
      %dma_wait3A_467 = tpu.memref_slice %arg12[%dma_wait3A, %dma_wait3A_466] : memref<2x112xi32, #tpu.memory_space<vmem>> -> memref<1x112xi32, #tpu.memory_space<vmem>>
      %dma_wait3A_468 = tpu.memref_squeeze %dma_wait3A_467 : memref<1x112xi32, #tpu.memory_space<vmem>> -> memref<112xi32, #tpu.memory_space<vmem>>
      %dma_wait3A_469 = arith.constant 0 : i32
      %dma_wait3A_470 = arith.constant 0 : i32
      %dma_wait3A_471 = tpu.memref_slice %arg5[%dma_wait3A_469, %dma_wait3A_470] : memref<524288x32xf32, #tpu.memory_space<hbm>> -> memref<524288x32xf32, #tpu.memory_space<hbm>>
      tpu.wait_indirect_dma semaphore(%arg21 : memref<!tpu.dma_semaphore, #tpu.memory_space<semaphore_mem>>) src(%dma_wait3A_471 : memref<524288x32xf32, #tpu.memory_space<hbm>>) dst(%dma_wait3A_465 : memref<112x32xf32, #tpu.memory_space<vmem>>)
      %dma_wait3A_472 = arith.constant 1 : i32
      %dma_wait3A_473 = arith.constant 1 : i32
      %dma_wait3A_474 = arith.constant 0 : i32
      %dma_wait3A_475 = arith.constant 0 : i32
      %dma_wait3A_476 = tpu.memref_slice %arg17[%dma_wait3A_473, %dma_wait3A_474, %dma_wait3A_475] : memref<2x112x32xf32, #tpu.memory_space<vmem>> -> memref<1x112x32xf32, #tpu.memory_space<vmem>>
      %dma_wait3A_477 = tpu.memref_squeeze %dma_wait3A_476 : memref<1x112x32xf32, #tpu.memory_space<vmem>> -> memref<112x32xf32, #tpu.memory_space<vmem>>
      %dma_wait3A_478 = arith.constant 0 : i32
      %dma_wait3A_479 = tpu.memref_slice %arg12[%dma_wait3A_472, %dma_wait3A_478] : memref<2x112xi32, #tpu.memory_space<vmem>> -> memref<1x112xi32, #tpu.memory_space<vmem>>
      %dma_wait3A_480 = tpu.memref_squeeze %dma_wait3A_479 : memref<1x112xi32, #tpu.memory_space<vmem>> -> memref<112xi32, #tpu.memory_space<vmem>>
      %dma_wait3A_481 = arith.constant 0 : i32
      %dma_wait3A_482 = arith.constant 0 : i32
      %dma_wait3A_483 = tpu.memref_slice %arg5[%dma_wait3A_481, %dma_wait3A_482] : memref<524288x32xf32, #tpu.memory_space<hbm>> -> memref<524288x32xf32, #tpu.memory_space<hbm>>
      tpu.wait_indirect_dma semaphore(%arg21 : memref<!tpu.dma_semaphore, #tpu.memory_space<semaphore_mem>>) src(%dma_wait3A_483 : memref<524288x32xf32, #tpu.memory_space<hbm>>) dst(%dma_wait3A_477 : memref<112x32xf32, #tpu.memory_space<vmem>>)
      %dma_wait3A_484 = arith.constant 0 : i32
      %dma_wait3A_485 = arith.constant 0 : i32
      %dma_wait3A_486 = arith.constant 0 : i32
      %dma_wait3A_487 = arith.constant 0 : i32
      %dma_wait3A_488 = tpu.memref_slice %arg18[%dma_wait3A_485, %dma_wait3A_486, %dma_wait3A_487] : memref<2x112x32xf32, #tpu.memory_space<vmem>> -> memref<1x112x32xf32, #tpu.memory_space<vmem>>
      %dma_wait3A_489 = tpu.memref_squeeze %dma_wait3A_488 : memref<1x112x32xf32, #tpu.memory_space<vmem>> -> memref<112x32xf32, #tpu.memory_space<vmem>>
      %dma_wait3A_490 = arith.constant 0 : i32
      %dma_wait3A_491 = tpu.memref_slice %arg13[%dma_wait3A_484, %dma_wait3A_490] : memref<2x112xi32, #tpu.memory_space<vmem>> -> memref<1x112xi32, #tpu.memory_space<vmem>>
      %dma_wait3A_492 = tpu.memref_squeeze %dma_wait3A_491 : memref<1x112xi32, #tpu.memory_space<vmem>> -> memref<112xi32, #tpu.memory_space<vmem>>
      %dma_wait3A_493 = arith.constant 0 : i32
      %dma_wait3A_494 = arith.constant 0 : i32
      %dma_wait3A_495 = tpu.memref_slice %arg5[%dma_wait3A_493, %dma_wait3A_494] : memref<524288x32xf32, #tpu.memory_space<hbm>> -> memref<524288x32xf32, #tpu.memory_space<hbm>>
      tpu.wait_indirect_dma semaphore(%arg21 : memref<!tpu.dma_semaphore, #tpu.memory_space<semaphore_mem>>) src(%dma_wait3A_495 : memref<524288x32xf32, #tpu.memory_space<hbm>>) dst(%dma_wait3A_489 : memref<112x32xf32, #tpu.memory_space<vmem>>)
      %dma_wait3A_496 = arith.constant 1 : i32
      %dma_wait3A_497 = arith.constant 1 : i32
      %dma_wait3A_498 = arith.constant 0 : i32
      %dma_wait3A_499 = arith.constant 0 : i32
      %dma_wait3A_500 = tpu.memref_slice %arg18[%dma_wait3A_497, %dma_wait3A_498, %dma_wait3A_499] : memref<2x112x32xf32, #tpu.memory_space<vmem>> -> memref<1x112x32xf32, #tpu.memory_space<vmem>>
      %dma_wait3A_501 = tpu.memref_squeeze %dma_wait3A_500 : memref<1x112x32xf32, #tpu.memory_space<vmem>> -> memref<112x32xf32, #tpu.memory_space<vmem>>
      %dma_wait3A_502 = arith.constant 0 : i32
      %dma_wait3A_503 = tpu.memref_slice %arg13[%dma_wait3A_496, %dma_wait3A_502] : memref<2x112xi32, #tpu.memory_space<vmem>> -> memref<1x112xi32, #tpu.memory_space<vmem>>
      %dma_wait3A_504 = tpu.memref_squeeze %dma_wait3A_503 : memref<1x112xi32, #tpu.memory_space<vmem>> -> memref<112xi32, #tpu.memory_space<vmem>>
      %dma_wait3A_505 = arith.constant 0 : i32
      %dma_wait3A_506 = arith.constant 0 : i32
      %dma_wait3A_507 = tpu.memref_slice %arg5[%dma_wait3A_505, %dma_wait3A_506] : memref<524288x32xf32, #tpu.memory_space<hbm>> -> memref<524288x32xf32, #tpu.memory_space<hbm>>
      tpu.wait_indirect_dma semaphore(%arg21 : memref<!tpu.dma_semaphore, #tpu.memory_space<semaphore_mem>>) src(%dma_wait3A_507 : memref<524288x32xf32, #tpu.memory_space<hbm>>) dst(%dma_wait3A_501 : memref<112x32xf32, #tpu.memory_space<vmem>>)
      %dma_wait3A_508 = arith.constant 0 : i32
      %dma_wait3A_509 = arith.constant 0 : i32
      %dma_wait3A_510 = arith.constant 0 : i32
      %dma_wait3A_511 = arith.constant 0 : i32
      %dma_wait3A_512 = tpu.memref_slice %arg19[%dma_wait3A_509, %dma_wait3A_510, %dma_wait3A_511] : memref<2x112x32xf32, #tpu.memory_space<vmem>> -> memref<1x112x32xf32, #tpu.memory_space<vmem>>
      %dma_wait3A_513 = tpu.memref_squeeze %dma_wait3A_512 : memref<1x112x32xf32, #tpu.memory_space<vmem>> -> memref<112x32xf32, #tpu.memory_space<vmem>>
      %dma_wait3A_514 = arith.constant 0 : i32
      %dma_wait3A_515 = tpu.memref_slice %arg14[%dma_wait3A_508, %dma_wait3A_514] : memref<2x112xi32, #tpu.memory_space<vmem>> -> memref<1x112xi32, #tpu.memory_space<vmem>>
      %dma_wait3A_516 = tpu.memref_squeeze %dma_wait3A_515 : memref<1x112xi32, #tpu.memory_space<vmem>> -> memref<112xi32, #tpu.memory_space<vmem>>
      %dma_wait3A_517 = arith.constant 0 : i32
      %dma_wait3A_518 = arith.constant 0 : i32
      %dma_wait3A_519 = tpu.memref_slice %arg5[%dma_wait3A_517, %dma_wait3A_518] : memref<524288x32xf32, #tpu.memory_space<hbm>> -> memref<524288x32xf32, #tpu.memory_space<hbm>>
      tpu.wait_indirect_dma semaphore(%arg21 : memref<!tpu.dma_semaphore, #tpu.memory_space<semaphore_mem>>) src(%dma_wait3A_519 : memref<524288x32xf32, #tpu.memory_space<hbm>>) dst(%dma_wait3A_513 : memref<112x32xf32, #tpu.memory_space<vmem>>)
      %dma_wait3A_520 = arith.constant 1 : i32
      %dma_wait3A_521 = arith.constant 1 : i32
      %dma_wait3A_522 = arith.constant 0 : i32
      %dma_wait3A_523 = arith.constant 0 : i32
      %dma_wait3A_524 = tpu.memref_slice %arg19[%dma_wait3A_521, %dma_wait3A_522, %dma_wait3A_523] : memref<2x112x32xf32, #tpu.memory_space<vmem>> -> memref<1x112x32xf32, #tpu.memory_space<vmem>>
      %dma_wait3A_525 = tpu.memref_squeeze %dma_wait3A_524 : memref<1x112x32xf32, #tpu.memory_space<vmem>> -> memref<112x32xf32, #tpu.memory_space<vmem>>
      %dma_wait3A_526 = arith.constant 0 : i32
      %dma_wait3A_527 = tpu.memref_slice %arg14[%dma_wait3A_520, %dma_wait3A_526] : memref<2x112xi32, #tpu.memory_space<vmem>> -> memref<1x112xi32, #tpu.memory_space<vmem>>
      %dma_wait3A_528 = tpu.memref_squeeze %dma_wait3A_527 : memref<1x112xi32, #tpu.memory_space<vmem>> -> memref<112xi32, #tpu.memory_space<vmem>>
      %dma_wait3A_529 = arith.constant 0 : i32
      %dma_wait3A_530 = arith.constant 0 : i32
      %dma_wait3A_531 = tpu.memref_slice %arg5[%dma_wait3A_529, %dma_wait3A_530] : memref<524288x32xf32, #tpu.memory_space<hbm>> -> memref<524288x32xf32, #tpu.memory_space<hbm>>
      tpu.wait_indirect_dma semaphore(%arg21 : memref<!tpu.dma_semaphore, #tpu.memory_space<semaphore_mem>>) src(%dma_wait3A_531 : memref<524288x32xf32, #tpu.memory_space<hbm>>) dst(%dma_wait3A_525 : memref<112x32xf32, #tpu.memory_space<vmem>>)
      %broadcast_in_dim3A_532 = vector.broadcast %min3A_139 : i32 to vector<16xi32>
      %scan3A_533 = arith.constant 0.000000e+00 : f32
      %scan3A_534 = arith.constant 0 : i32
      %scan3A_535 = arith.constant 13 : i32
      %scan3A_536 = arith.addi %scan3A_534, %scan3A_535 : i32
      %scan3A_537 = arith.constant 1 : i32
      %scan3A_538 = scf.for %scan3A_567 = %scan3A_534 to %scan3A_536 step %scan3A_537 iter_args(%scan3A_568 = %scan3A_533) -> (f32)  : i32 {
        %mul3A_569 = arith.constant 16 : i32
        %mul3A_570 = arith.muli %scan3A_567, %mul3A_569 : i32
        %add3A_571 = vector.broadcast %mul3A_570 : i32 to vector<16xi32>
        %add3A_572 = arith.addi %add3A_571, %iota3A : vector<16xi32>
        %ge3A_573 = arith.constant 112 : i32
        %ge3A_574 = vector.broadcast %ge3A_573 : i32 to vector<16xi32>
        %ge3A_575 = arith.cmpi sge, %add3A_572, %ge3A_574 : vector<16xi32>
        %convert_element_type3A_576 = arith.extui %ge3A_575 : vector<16xi1> to vector<16xi32>
        %mul3A_577 = arith.constant 112 : i32
        %mul3A_578 = vector.broadcast %mul3A_577 : i32 to vector<16xi32>
        %mul3A_579 = arith.muli %convert_element_type3A_576, %mul3A_578 : vector<16xi32>
        %sub3A = arith.subi %add3A_572, %mul3A_579 : vector<16xi32>
        %broadcast_in_dim3A_580 = arith.constant 0 : i32
        %broadcast_in_dim3A_581 = vector.broadcast %broadcast_in_dim3A_580 : i32 to vector<16xi32>
        %gather3A_582 = tpu.vector_load_idx %arg17[%convert_element_type3A_576, %sub3A, %broadcast_in_dim3A_581] : memref<2x112x32xf32, #tpu.memory_space<vmem>>[vector<16xi32>, vector<16xi32>, vector<16xi32>], vector<16xf32>,
        %gather3A_583 = tpu.vector_load_idx %arg18[%convert_element_type3A_576, %sub3A, %broadcast_in_dim3A_581] : memref<2x112x32xf32, #tpu.memory_space<vmem>>[vector<16xi32>, vector<16xi32>, vector<16xi32>], vector<16xf32>,
        %gather3A_584 = tpu.vector_load_idx %arg19[%convert_element_type3A_576, %sub3A, %broadcast_in_dim3A_581] : memref<2x112x32xf32, #tpu.memory_space<vmem>>[vector<16xi32>, vector<16xi32>, vector<16xi32>], vector<16xf32>,
        %mul3A_585 = arith.mulf %gather3A_582, %gather3A_583 : vector<16xf32>
        %add3A_586 = arith.addf %broadcast_in_dim3A_3, %mul3A_585 : vector<16xf32>
        %mul3A_587 = arith.mulf %gather3A_582, %gather3A_584 : vector<16xf32>
        %add3A_588 = arith.addf %broadcast_in_dim3A_3, %mul3A_587 : vector<16xf32>
        %broadcast_in_dim3A_589 = arith.constant 1 : i32
        %broadcast_in_dim3A_590 = vector.broadcast %broadcast_in_dim3A_589 : i32 to vector<16xi32>
        %gather3A_591 = tpu.vector_load_idx %arg17[%convert_element_type3A_576, %sub3A, %broadcast_in_dim3A_590] : memref<2x112x32xf32, #tpu.memory_space<vmem>>[vector<16xi32>, vector<16xi32>, vector<16xi32>], vector<16xf32>,
        %gather3A_592 = tpu.vector_load_idx %arg18[%convert_element_type3A_576, %sub3A, %broadcast_in_dim3A_590] : memref<2x112x32xf32, #tpu.memory_space<vmem>>[vector<16xi32>, vector<16xi32>, vector<16xi32>], vector<16xf32>,
        %gather3A_593 = tpu.vector_load_idx %arg19[%convert_element_type3A_576, %sub3A, %broadcast_in_dim3A_590] : memref<2x112x32xf32, #tpu.memory_space<vmem>>[vector<16xi32>, vector<16xi32>, vector<16xi32>], vector<16xf32>,
        %mul3A_594 = arith.mulf %gather3A_591, %gather3A_592 : vector<16xf32>
        %add3A_595 = arith.addf %add3A_586, %mul3A_594 : vector<16xf32>
        %mul3A_596 = arith.mulf %gather3A_591, %gather3A_593 : vector<16xf32>
        %add3A_597 = arith.addf %add3A_588, %mul3A_596 : vector<16xf32>
        %broadcast_in_dim3A_598 = arith.constant 2 : i32
        %broadcast_in_dim3A_599 = vector.broadcast %broadcast_in_dim3A_598 : i32 to vector<16xi32>
        %gather3A_600 = tpu.vector_load_idx %arg17[%convert_element_type3A_576, %sub3A, %broadcast_in_dim3A_599] : memref<2x112x32xf32, #tpu.memory_space<vmem>>[vector<16xi32>, vector<16xi32>, vector<16xi32>], vector<16xf32>,
        %gather3A_601 = tpu.vector_load_idx %arg18[%convert_element_type3A_576, %sub3A, %broadcast_in_dim3A_599] : memref<2x112x32xf32, #tpu.memory_space<vmem>>[vector<16xi32>, vector<16xi32>, vector<16xi32>], vector<16xf32>,
        %gather3A_602 = tpu.vector_load_idx %arg19[%convert_element_type3A_576, %sub3A, %broadcast_in_dim3A_599] : memref<2x112x32xf32, #tpu.memory_space<vmem>>[vector<16xi32>, vector<16xi32>, vector<16xi32>], vector<16xf32>,
        %mul3A_603 = arith.mulf %gather3A_600, %gather3A_601 : vector<16xf32>
        %add3A_604 = arith.addf %add3A_595, %mul3A_603 : vector<16xf32>
        %mul3A_605 = arith.mulf %gather3A_600, %gather3A_602 : vector<16xf32>
        %add3A_606 = arith.addf %add3A_597, %mul3A_605 : vector<16xf32>
        %broadcast_in_dim3A_607 = arith.constant 3 : i32
        %broadcast_in_dim3A_608 = vector.broadcast %broadcast_in_dim3A_607 : i32 to vector<16xi32>
        %gather3A_609 = tpu.vector_load_idx %arg17[%convert_element_type3A_576, %sub3A, %broadcast_in_dim3A_608] : memref<2x112x32xf32, #tpu.memory_space<vmem>>[vector<16xi32>, vector<16xi32>, vector<16xi32>], vector<16xf32>,
        %gather3A_610 = tpu.vector_load_idx %arg18[%convert_element_type3A_576, %sub3A, %broadcast_in_dim3A_608] : memref<2x112x32xf32, #tpu.memory_space<vmem>>[vector<16xi32>, vector<16xi32>, vector<16xi32>], vector<16xf32>,
        %gather3A_611 = tpu.vector_load_idx %arg19[%convert_element_type3A_576, %sub3A, %broadcast_in_dim3A_608] : memref<2x112x32xf32, #tpu.memory_space<vmem>>[vector<16xi32>, vector<16xi32>, vector<16xi32>], vector<16xf32>,
        %mul3A_612 = arith.mulf %gather3A_609, %gather3A_610 : vector<16xf32>
        %add3A_613 = arith.addf %add3A_604, %mul3A_612 : vector<16xf32>
        %mul3A_614 = arith.mulf %gather3A_609, %gather3A_611 : vector<16xf32>
        %add3A_615 = arith.addf %add3A_606, %mul3A_614 : vector<16xf32>
        %broadcast_in_dim3A_616 = arith.constant 4 : i32
        %broadcast_in_dim3A_617 = vector.broadcast %broadcast_in_dim3A_616 : i32 to vector<16xi32>
        %gather3A_618 = tpu.vector_load_idx %arg17[%convert_element_type3A_576, %sub3A, %broadcast_in_dim3A_617] : memref<2x112x32xf32, #tpu.memory_space<vmem>>[vector<16xi32>, vector<16xi32>, vector<16xi32>], vector<16xf32>,
        %gather3A_619 = tpu.vector_load_idx %arg18[%convert_element_type3A_576, %sub3A, %broadcast_in_dim3A_617] : memref<2x112x32xf32, #tpu.memory_space<vmem>>[vector<16xi32>, vector<16xi32>, vector<16xi32>], vector<16xf32>,
        %gather3A_620 = tpu.vector_load_idx %arg19[%convert_element_type3A_576, %sub3A, %broadcast_in_dim3A_617] : memref<2x112x32xf32, #tpu.memory_space<vmem>>[vector<16xi32>, vector<16xi32>, vector<16xi32>], vector<16xf32>,
        %mul3A_621 = arith.mulf %gather3A_618, %gather3A_619 : vector<16xf32>
        %add3A_622 = arith.addf %add3A_613, %mul3A_621 : vector<16xf32>
        %mul3A_623 = arith.mulf %gather3A_618, %gather3A_620 : vector<16xf32>
        %add3A_624 = arith.addf %add3A_615, %mul3A_623 : vector<16xf32>
        %broadcast_in_dim3A_625 = arith.constant 5 : i32
        %broadcast_in_dim3A_626 = vector.broadcast %broadcast_in_dim3A_625 : i32 to vector<16xi32>
        %gather3A_627 = tpu.vector_load_idx %arg17[%convert_element_type3A_576, %sub3A, %broadcast_in_dim3A_626] : memref<2x112x32xf32, #tpu.memory_space<vmem>>[vector<16xi32>, vector<16xi32>, vector<16xi32>], vector<16xf32>,
        %gather3A_628 = tpu.vector_load_idx %arg18[%convert_element_type3A_576, %sub3A, %broadcast_in_dim3A_626] : memref<2x112x32xf32, #tpu.memory_space<vmem>>[vector<16xi32>, vector<16xi32>, vector<16xi32>], vector<16xf32>,
        %gather3A_629 = tpu.vector_load_idx %arg19[%convert_element_type3A_576, %sub3A, %broadcast_in_dim3A_626] : memref<2x112x32xf32, #tpu.memory_space<vmem>>[vector<16xi32>, vector<16xi32>, vector<16xi32>], vector<16xf32>,
        %mul3A_630 = arith.mulf %gather3A_627, %gather3A_628 : vector<16xf32>
        %add3A_631 = arith.addf %add3A_622, %mul3A_630 : vector<16xf32>
        %mul3A_632 = arith.mulf %gather3A_627, %gather3A_629 : vector<16xf32>
        %add3A_633 = arith.addf %add3A_624, %mul3A_632 : vector<16xf32>
        %broadcast_in_dim3A_634 = arith.constant 6 : i32
        %broadcast_in_dim3A_635 = vector.broadcast %broadcast_in_dim3A_634 : i32 to vector<16xi32>
        %gather3A_636 = tpu.vector_load_idx %arg17[%convert_element_type3A_576, %sub3A, %broadcast_in_dim3A_635] : memref<2x112x32xf32, #tpu.memory_space<vmem>>[vector<16xi32>, vector<16xi32>, vector<16xi32>], vector<16xf32>,
        %gather3A_637 = tpu.vector_load_idx %arg18[%convert_element_type3A_576, %sub3A, %broadcast_in_dim3A_635] : memref<2x112x32xf32, #tpu.memory_space<vmem>>[vector<16xi32>, vector<16xi32>, vector<16xi32>], vector<16xf32>,
        %gather3A_638 = tpu.vector_load_idx %arg19[%convert_element_type3A_576, %sub3A, %broadcast_in_dim3A_635] : memref<2x112x32xf32, #tpu.memory_space<vmem>>[vector<16xi32>, vector<16xi32>, vector<16xi32>], vector<16xf32>,
        %mul3A_639 = arith.mulf %gather3A_636, %gather3A_637 : vector<16xf32>
        %add3A_640 = arith.addf %add3A_631, %mul3A_639 : vector<16xf32>
        %mul3A_641 = arith.mulf %gather3A_636, %gather3A_638 : vector<16xf32>
        %add3A_642 = arith.addf %add3A_633, %mul3A_641 : vector<16xf32>
        %broadcast_in_dim3A_643 = arith.constant 7 : i32
        %broadcast_in_dim3A_644 = vector.broadcast %broadcast_in_dim3A_643 : i32 to vector<16xi32>
        %gather3A_645 = tpu.vector_load_idx %arg17[%convert_element_type3A_576, %sub3A, %broadcast_in_dim3A_644] : memref<2x112x32xf32, #tpu.memory_space<vmem>>[vector<16xi32>, vector<16xi32>, vector<16xi32>], vector<16xf32>,
        %gather3A_646 = tpu.vector_load_idx %arg18[%convert_element_type3A_576, %sub3A, %broadcast_in_dim3A_644] : memref<2x112x32xf32, #tpu.memory_space<vmem>>[vector<16xi32>, vector<16xi32>, vector<16xi32>], vector<16xf32>,
        %gather3A_647 = tpu.vector_load_idx %arg19[%convert_element_type3A_576, %sub3A, %broadcast_in_dim3A_644] : memref<2x112x32xf32, #tpu.memory_space<vmem>>[vector<16xi32>, vector<16xi32>, vector<16xi32>], vector<16xf32>,
        %mul3A_648 = arith.mulf %gather3A_645, %gather3A_646 : vector<16xf32>
        %add3A_649 = arith.addf %add3A_640, %mul3A_648 : vector<16xf32>
        %mul3A_650 = arith.mulf %gather3A_645, %gather3A_647 : vector<16xf32>
        %add3A_651 = arith.addf %add3A_642, %mul3A_650 : vector<16xf32>
        %broadcast_in_dim3A_652 = arith.constant 8 : i32
        %broadcast_in_dim3A_653 = vector.broadcast %broadcast_in_dim3A_652 : i32 to vector<16xi32>
        %gather3A_654 = tpu.vector_load_idx %arg17[%convert_element_type3A_576, %sub3A, %broadcast_in_dim3A_653] : memref<2x112x32xf32, #tpu.memory_space<vmem>>[vector<16xi32>, vector<16xi32>, vector<16xi32>], vector<16xf32>,
        %gather3A_655 = tpu.vector_load_idx %arg18[%convert_element_type3A_576, %sub3A, %broadcast_in_dim3A_653] : memref<2x112x32xf32, #tpu.memory_space<vmem>>[vector<16xi32>, vector<16xi32>, vector<16xi32>], vector<16xf32>,
        %gather3A_656 = tpu.vector_load_idx %arg19[%convert_element_type3A_576, %sub3A, %broadcast_in_dim3A_653] : memref<2x112x32xf32, #tpu.memory_space<vmem>>[vector<16xi32>, vector<16xi32>, vector<16xi32>], vector<16xf32>,
        %mul3A_657 = arith.mulf %gather3A_654, %gather3A_655 : vector<16xf32>
        %add3A_658 = arith.addf %add3A_649, %mul3A_657 : vector<16xf32>
        %mul3A_659 = arith.mulf %gather3A_654, %gather3A_656 : vector<16xf32>
        %add3A_660 = arith.addf %add3A_651, %mul3A_659 : vector<16xf32>
        %broadcast_in_dim3A_661 = arith.constant 9 : i32
        %broadcast_in_dim3A_662 = vector.broadcast %broadcast_in_dim3A_661 : i32 to vector<16xi32>
        %gather3A_663 = tpu.vector_load_idx %arg17[%convert_element_type3A_576, %sub3A, %broadcast_in_dim3A_662] : memref<2x112x32xf32, #tpu.memory_space<vmem>>[vector<16xi32>, vector<16xi32>, vector<16xi32>], vector<16xf32>,
        %gather3A_664 = tpu.vector_load_idx %arg18[%convert_element_type3A_576, %sub3A, %broadcast_in_dim3A_662] : memref<2x112x32xf32, #tpu.memory_space<vmem>>[vector<16xi32>, vector<16xi32>, vector<16xi32>], vector<16xf32>,
        %gather3A_665 = tpu.vector_load_idx %arg19[%convert_element_type3A_576, %sub3A, %broadcast_in_dim3A_662] : memref<2x112x32xf32, #tpu.memory_space<vmem>>[vector<16xi32>, vector<16xi32>, vector<16xi32>], vector<16xf32>,
        %mul3A_666 = arith.mulf %gather3A_663, %gather3A_664 : vector<16xf32>
        %add3A_667 = arith.addf %add3A_658, %mul3A_666 : vector<16xf32>
        %mul3A_668 = arith.mulf %gather3A_663, %gather3A_665 : vector<16xf32>
        %add3A_669 = arith.addf %add3A_660, %mul3A_668 : vector<16xf32>
        %broadcast_in_dim3A_670 = arith.constant 10 : i32
        %broadcast_in_dim3A_671 = vector.broadcast %broadcast_in_dim3A_670 : i32 to vector<16xi32>
        %gather3A_672 = tpu.vector_load_idx %arg17[%convert_element_type3A_576, %sub3A, %broadcast_in_dim3A_671] : memref<2x112x32xf32, #tpu.memory_space<vmem>>[vector<16xi32>, vector<16xi32>, vector<16xi32>], vector<16xf32>,
        %gather3A_673 = tpu.vector_load_idx %arg18[%convert_element_type3A_576, %sub3A, %broadcast_in_dim3A_671] : memref<2x112x32xf32, #tpu.memory_space<vmem>>[vector<16xi32>, vector<16xi32>, vector<16xi32>], vector<16xf32>,
        %gather3A_674 = tpu.vector_load_idx %arg19[%convert_element_type3A_576, %sub3A, %broadcast_in_dim3A_671] : memref<2x112x32xf32, #tpu.memory_space<vmem>>[vector<16xi32>, vector<16xi32>, vector<16xi32>], vector<16xf32>,
        %mul3A_675 = arith.mulf %gather3A_672, %gather3A_673 : vector<16xf32>
        %add3A_676 = arith.addf %add3A_667, %mul3A_675 : vector<16xf32>
        %mul3A_677 = arith.mulf %gather3A_672, %gather3A_674 : vector<16xf32>
        %add3A_678 = arith.addf %add3A_669, %mul3A_677 : vector<16xf32>
        %broadcast_in_dim3A_679 = arith.constant 11 : i32
        %broadcast_in_dim3A_680 = vector.broadcast %broadcast_in_dim3A_679 : i32 to vector<16xi32>
        %gather3A_681 = tpu.vector_load_idx %arg17[%convert_element_type3A_576, %sub3A, %broadcast_in_dim3A_680] : memref<2x112x32xf32, #tpu.memory_space<vmem>>[vector<16xi32>, vector<16xi32>, vector<16xi32>], vector<16xf32>,
        %gather3A_682 = tpu.vector_load_idx %arg18[%convert_element_type3A_576, %sub3A, %broadcast_in_dim3A_680] : memref<2x112x32xf32, #tpu.memory_space<vmem>>[vector<16xi32>, vector<16xi32>, vector<16xi32>], vector<16xf32>,
        %gather3A_683 = tpu.vector_load_idx %arg19[%convert_element_type3A_576, %sub3A, %broadcast_in_dim3A_680] : memref<2x112x32xf32, #tpu.memory_space<vmem>>[vector<16xi32>, vector<16xi32>, vector<16xi32>], vector<16xf32>,
        %mul3A_684 = arith.mulf %gather3A_681, %gather3A_682 : vector<16xf32>
        %add3A_685 = arith.addf %add3A_676, %mul3A_684 : vector<16xf32>
        %mul3A_686 = arith.mulf %gather3A_681, %gather3A_683 : vector<16xf32>
        %add3A_687 = arith.addf %add3A_678, %mul3A_686 : vector<16xf32>
        %broadcast_in_dim3A_688 = arith.constant 12 : i32
        %broadcast_in_dim3A_689 = vector.broadcast %broadcast_in_dim3A_688 : i32 to vector<16xi32>
        %gather3A_690 = tpu.vector_load_idx %arg17[%convert_element_type3A_576, %sub3A, %broadcast_in_dim3A_689] : memref<2x112x32xf32, #tpu.memory_space<vmem>>[vector<16xi32>, vector<16xi32>, vector<16xi32>], vector<16xf32>,
        %gather3A_691 = tpu.vector_load_idx %arg18[%convert_element_type3A_576, %sub3A, %broadcast_in_dim3A_689] : memref<2x112x32xf32, #tpu.memory_space<vmem>>[vector<16xi32>, vector<16xi32>, vector<16xi32>], vector<16xf32>,
        %gather3A_692 = tpu.vector_load_idx %arg19[%convert_element_type3A_576, %sub3A, %broadcast_in_dim3A_689] : memref<2x112x32xf32, #tpu.memory_space<vmem>>[vector<16xi32>, vector<16xi32>, vector<16xi32>], vector<16xf32>,
        %mul3A_693 = arith.mulf %gather3A_690, %gather3A_691 : vector<16xf32>
        %add3A_694 = arith.addf %add3A_685, %mul3A_693 : vector<16xf32>
        %mul3A_695 = arith.mulf %gather3A_690, %gather3A_692 : vector<16xf32>
        %add3A_696 = arith.addf %add3A_687, %mul3A_695 : vector<16xf32>
        %broadcast_in_dim3A_697 = arith.constant 13 : i32
        %broadcast_in_dim3A_698 = vector.broadcast %broadcast_in_dim3A_697 : i32 to vector<16xi32>
        %gather3A_699 = tpu.vector_load_idx %arg17[%convert_element_type3A_576, %sub3A, %broadcast_in_dim3A_698] : memref<2x112x32xf32, #tpu.memory_space<vmem>>[vector<16xi32>, vector<16xi32>, vector<16xi32>], vector<16xf32>,
        %gather3A_700 = tpu.vector_load_idx %arg18[%convert_element_type3A_576, %sub3A, %broadcast_in_dim3A_698] : memref<2x112x32xf32, #tpu.memory_space<vmem>>[vector<16xi32>, vector<16xi32>, vector<16xi32>], vector<16xf32>,
        %gather3A_701 = tpu.vector_load_idx %arg19[%convert_element_type3A_576, %sub3A, %broadcast_in_dim3A_698] : memref<2x112x32xf32, #tpu.memory_space<vmem>>[vector<16xi32>, vector<16xi32>, vector<16xi32>], vector<16xf32>,
        %mul3A_702 = arith.mulf %gather3A_699, %gather3A_700 : vector<16xf32>
        %add3A_703 = arith.addf %add3A_694, %mul3A_702 : vector<16xf32>
        %mul3A_704 = arith.mulf %gather3A_699, %gather3A_701 : vector<16xf32>
        %add3A_705 = arith.addf %add3A_696, %mul3A_704 : vector<16xf32>
        %broadcast_in_dim3A_706 = arith.constant 14 : i32
        %broadcast_in_dim3A_707 = vector.broadcast %broadcast_in_dim3A_706 : i32 to vector<16xi32>
        %gather3A_708 = tpu.vector_load_idx %arg17[%convert_element_type3A_576, %sub3A, %broadcast_in_dim3A_707] : memref<2x112x32xf32, #tpu.memory_space<vmem>>[vector<16xi32>, vector<16xi32>, vector<16xi32>], vector<16xf32>,
        %gather3A_709 = tpu.vector_load_idx %arg18[%convert_element_type3A_576, %sub3A, %broadcast_in_dim3A_707] : memref<2x112x32xf32, #tpu.memory_space<vmem>>[vector<16xi32>, vector<16xi32>, vector<16xi32>], vector<16xf32>,
        %gather3A_710 = tpu.vector_load_idx %arg19[%convert_element_type3A_576, %sub3A, %broadcast_in_dim3A_707] : memref<2x112x32xf32, #tpu.memory_space<vmem>>[vector<16xi32>, vector<16xi32>, vector<16xi32>], vector<16xf32>,
        %mul3A_711 = arith.mulf %gather3A_708, %gather3A_709 : vector<16xf32>
        %add3A_712 = arith.addf %add3A_703, %mul3A_711 : vector<16xf32>
        %mul3A_713 = arith.mulf %gather3A_708, %gather3A_710 : vector<16xf32>
        %add3A_714 = arith.addf %add3A_705, %mul3A_713 : vector<16xf32>
        %broadcast_in_dim3A_715 = arith.constant 15 : i32
        %broadcast_in_dim3A_716 = vector.broadcast %broadcast_in_dim3A_715 : i32 to vector<16xi32>
        %gather3A_717 = tpu.vector_load_idx %arg17[%convert_element_type3A_576, %sub3A, %broadcast_in_dim3A_716] : memref<2x112x32xf32, #tpu.memory_space<vmem>>[vector<16xi32>, vector<16xi32>, vector<16xi32>], vector<16xf32>,
        %gather3A_718 = tpu.vector_load_idx %arg18[%convert_element_type3A_576, %sub3A, %broadcast_in_dim3A_716] : memref<2x112x32xf32, #tpu.memory_space<vmem>>[vector<16xi32>, vector<16xi32>, vector<16xi32>], vector<16xf32>,
        %gather3A_719 = tpu.vector_load_idx %arg19[%convert_element_type3A_576, %sub3A, %broadcast_in_dim3A_716] : memref<2x112x32xf32, #tpu.memory_space<vmem>>[vector<16xi32>, vector<16xi32>, vector<16xi32>], vector<16xf32>,
        %mul3A_720 = arith.mulf %gather3A_717, %gather3A_718 : vector<16xf32>
        %add3A_721 = arith.addf %add3A_712, %mul3A_720 : vector<16xf32>
        %mul3A_722 = arith.mulf %gather3A_717, %gather3A_719 : vector<16xf32>
        %add3A_723 = arith.addf %add3A_714, %mul3A_722 : vector<16xf32>
        %broadcast_in_dim3A_724 = arith.constant 16 : i32
        %broadcast_in_dim3A_725 = vector.broadcast %broadcast_in_dim3A_724 : i32 to vector<16xi32>
        %gather3A_726 = tpu.vector_load_idx %arg17[%convert_element_type3A_576, %sub3A, %broadcast_in_dim3A_725] : memref<2x112x32xf32, #tpu.memory_space<vmem>>[vector<16xi32>, vector<16xi32>, vector<16xi32>], vector<16xf32>,
        %gather3A_727 = tpu.vector_load_idx %arg18[%convert_element_type3A_576, %sub3A, %broadcast_in_dim3A_725] : memref<2x112x32xf32, #tpu.memory_space<vmem>>[vector<16xi32>, vector<16xi32>, vector<16xi32>], vector<16xf32>,
        %gather3A_728 = tpu.vector_load_idx %arg19[%convert_element_type3A_576, %sub3A, %broadcast_in_dim3A_725] : memref<2x112x32xf32, #tpu.memory_space<vmem>>[vector<16xi32>, vector<16xi32>, vector<16xi32>], vector<16xf32>,
        %mul3A_729 = arith.mulf %gather3A_726, %gather3A_727 : vector<16xf32>
        %add3A_730 = arith.addf %add3A_721, %mul3A_729 : vector<16xf32>
        %mul3A_731 = arith.mulf %gather3A_726, %gather3A_728 : vector<16xf32>
        %add3A_732 = arith.addf %add3A_723, %mul3A_731 : vector<16xf32>
        %broadcast_in_dim3A_733 = arith.constant 17 : i32
        %broadcast_in_dim3A_734 = vector.broadcast %broadcast_in_dim3A_733 : i32 to vector<16xi32>
        %gather3A_735 = tpu.vector_load_idx %arg17[%convert_element_type3A_576, %sub3A, %broadcast_in_dim3A_734] : memref<2x112x32xf32, #tpu.memory_space<vmem>>[vector<16xi32>, vector<16xi32>, vector<16xi32>], vector<16xf32>,
        %gather3A_736 = tpu.vector_load_idx %arg18[%convert_element_type3A_576, %sub3A, %broadcast_in_dim3A_734] : memref<2x112x32xf32, #tpu.memory_space<vmem>>[vector<16xi32>, vector<16xi32>, vector<16xi32>], vector<16xf32>,
        %gather3A_737 = tpu.vector_load_idx %arg19[%convert_element_type3A_576, %sub3A, %broadcast_in_dim3A_734] : memref<2x112x32xf32, #tpu.memory_space<vmem>>[vector<16xi32>, vector<16xi32>, vector<16xi32>], vector<16xf32>,
        %mul3A_738 = arith.mulf %gather3A_735, %gather3A_736 : vector<16xf32>
        %add3A_739 = arith.addf %add3A_730, %mul3A_738 : vector<16xf32>
        %mul3A_740 = arith.mulf %gather3A_735, %gather3A_737 : vector<16xf32>
        %add3A_741 = arith.addf %add3A_732, %mul3A_740 : vector<16xf32>
        %broadcast_in_dim3A_742 = arith.constant 18 : i32
        %broadcast_in_dim3A_743 = vector.broadcast %broadcast_in_dim3A_742 : i32 to vector<16xi32>
        %gather3A_744 = tpu.vector_load_idx %arg17[%convert_element_type3A_576, %sub3A, %broadcast_in_dim3A_743] : memref<2x112x32xf32, #tpu.memory_space<vmem>>[vector<16xi32>, vector<16xi32>, vector<16xi32>], vector<16xf32>,
        %gather3A_745 = tpu.vector_load_idx %arg18[%convert_element_type3A_576, %sub3A, %broadcast_in_dim3A_743] : memref<2x112x32xf32, #tpu.memory_space<vmem>>[vector<16xi32>, vector<16xi32>, vector<16xi32>], vector<16xf32>,
        %gather3A_746 = tpu.vector_load_idx %arg19[%convert_element_type3A_576, %sub3A, %broadcast_in_dim3A_743] : memref<2x112x32xf32, #tpu.memory_space<vmem>>[vector<16xi32>, vector<16xi32>, vector<16xi32>], vector<16xf32>,
        %mul3A_747 = arith.mulf %gather3A_744, %gather3A_745 : vector<16xf32>
        %add3A_748 = arith.addf %add3A_739, %mul3A_747 : vector<16xf32>
        %mul3A_749 = arith.mulf %gather3A_744, %gather3A_746 : vector<16xf32>
        %add3A_750 = arith.addf %add3A_741, %mul3A_749 : vector<16xf32>
        %broadcast_in_dim3A_751 = arith.constant 19 : i32
        %broadcast_in_dim3A_752 = vector.broadcast %broadcast_in_dim3A_751 : i32 to vector<16xi32>
        %gather3A_753 = tpu.vector_load_idx %arg17[%convert_element_type3A_576, %sub3A, %broadcast_in_dim3A_752] : memref<2x112x32xf32, #tpu.memory_space<vmem>>[vector<16xi32>, vector<16xi32>, vector<16xi32>], vector<16xf32>,
        %gather3A_754 = tpu.vector_load_idx %arg18[%convert_element_type3A_576, %sub3A, %broadcast_in_dim3A_752] : memref<2x112x32xf32, #tpu.memory_space<vmem>>[vector<16xi32>, vector<16xi32>, vector<16xi32>], vector<16xf32>,
        %gather3A_755 = tpu.vector_load_idx %arg19[%convert_element_type3A_576, %sub3A, %broadcast_in_dim3A_752] : memref<2x112x32xf32, #tpu.memory_space<vmem>>[vector<16xi32>, vector<16xi32>, vector<16xi32>], vector<16xf32>,
        %mul3A_756 = arith.mulf %gather3A_753, %gather3A_754 : vector<16xf32>
        %add3A_757 = arith.addf %add3A_748, %mul3A_756 : vector<16xf32>
        %mul3A_758 = arith.mulf %gather3A_753, %gather3A_755 : vector<16xf32>
        %add3A_759 = arith.addf %add3A_750, %mul3A_758 : vector<16xf32>
        %broadcast_in_dim3A_760 = arith.constant 20 : i32
        %broadcast_in_dim3A_761 = vector.broadcast %broadcast_in_dim3A_760 : i32 to vector<16xi32>
        %gather3A_762 = tpu.vector_load_idx %arg17[%convert_element_type3A_576, %sub3A, %broadcast_in_dim3A_761] : memref<2x112x32xf32, #tpu.memory_space<vmem>>[vector<16xi32>, vector<16xi32>, vector<16xi32>], vector<16xf32>,
        %gather3A_763 = tpu.vector_load_idx %arg18[%convert_element_type3A_576, %sub3A, %broadcast_in_dim3A_761] : memref<2x112x32xf32, #tpu.memory_space<vmem>>[vector<16xi32>, vector<16xi32>, vector<16xi32>], vector<16xf32>,
        %gather3A_764 = tpu.vector_load_idx %arg19[%convert_element_type3A_576, %sub3A, %broadcast_in_dim3A_761] : memref<2x112x32xf32, #tpu.memory_space<vmem>>[vector<16xi32>, vector<16xi32>, vector<16xi32>], vector<16xf32>,
        %mul3A_765 = arith.mulf %gather3A_762, %gather3A_763 : vector<16xf32>
        %add3A_766 = arith.addf %add3A_757, %mul3A_765 : vector<16xf32>
        %mul3A_767 = arith.mulf %gather3A_762, %gather3A_764 : vector<16xf32>
        %add3A_768 = arith.addf %add3A_759, %mul3A_767 : vector<16xf32>
        %broadcast_in_dim3A_769 = arith.constant 21 : i32
        %broadcast_in_dim3A_770 = vector.broadcast %broadcast_in_dim3A_769 : i32 to vector<16xi32>
        %gather3A_771 = tpu.vector_load_idx %arg17[%convert_element_type3A_576, %sub3A, %broadcast_in_dim3A_770] : memref<2x112x32xf32, #tpu.memory_space<vmem>>[vector<16xi32>, vector<16xi32>, vector<16xi32>], vector<16xf32>,
        %gather3A_772 = tpu.vector_load_idx %arg18[%convert_element_type3A_576, %sub3A, %broadcast_in_dim3A_770] : memref<2x112x32xf32, #tpu.memory_space<vmem>>[vector<16xi32>, vector<16xi32>, vector<16xi32>], vector<16xf32>,
        %gather3A_773 = tpu.vector_load_idx %arg19[%convert_element_type3A_576, %sub3A, %broadcast_in_dim3A_770] : memref<2x112x32xf32, #tpu.memory_space<vmem>>[vector<16xi32>, vector<16xi32>, vector<16xi32>], vector<16xf32>,
        %mul3A_774 = arith.mulf %gather3A_771, %gather3A_772 : vector<16xf32>
        %add3A_775 = arith.addf %add3A_766, %mul3A_774 : vector<16xf32>
        %mul3A_776 = arith.mulf %gather3A_771, %gather3A_773 : vector<16xf32>
        %add3A_777 = arith.addf %add3A_768, %mul3A_776 : vector<16xf32>
        %broadcast_in_dim3A_778 = arith.constant 22 : i32
        %broadcast_in_dim3A_779 = vector.broadcast %broadcast_in_dim3A_778 : i32 to vector<16xi32>
        %gather3A_780 = tpu.vector_load_idx %arg17[%convert_element_type3A_576, %sub3A, %broadcast_in_dim3A_779] : memref<2x112x32xf32, #tpu.memory_space<vmem>>[vector<16xi32>, vector<16xi32>, vector<16xi32>], vector<16xf32>,
        %gather3A_781 = tpu.vector_load_idx %arg18[%convert_element_type3A_576, %sub3A, %broadcast_in_dim3A_779] : memref<2x112x32xf32, #tpu.memory_space<vmem>>[vector<16xi32>, vector<16xi32>, vector<16xi32>], vector<16xf32>,
        %gather3A_782 = tpu.vector_load_idx %arg19[%convert_element_type3A_576, %sub3A, %broadcast_in_dim3A_779] : memref<2x112x32xf32, #tpu.memory_space<vmem>>[vector<16xi32>, vector<16xi32>, vector<16xi32>], vector<16xf32>,
        %mul3A_783 = arith.mulf %gather3A_780, %gather3A_781 : vector<16xf32>
        %add3A_784 = arith.addf %add3A_775, %mul3A_783 : vector<16xf32>
        %mul3A_785 = arith.mulf %gather3A_780, %gather3A_782 : vector<16xf32>
        %add3A_786 = arith.addf %add3A_777, %mul3A_785 : vector<16xf32>
        %broadcast_in_dim3A_787 = arith.constant 23 : i32
        %broadcast_in_dim3A_788 = vector.broadcast %broadcast_in_dim3A_787 : i32 to vector<16xi32>
        %gather3A_789 = tpu.vector_load_idx %arg17[%convert_element_type3A_576, %sub3A, %broadcast_in_dim3A_788] : memref<2x112x32xf32, #tpu.memory_space<vmem>>[vector<16xi32>, vector<16xi32>, vector<16xi32>], vector<16xf32>,
        %gather3A_790 = tpu.vector_load_idx %arg18[%convert_element_type3A_576, %sub3A, %broadcast_in_dim3A_788] : memref<2x112x32xf32, #tpu.memory_space<vmem>>[vector<16xi32>, vector<16xi32>, vector<16xi32>], vector<16xf32>,
        %gather3A_791 = tpu.vector_load_idx %arg19[%convert_element_type3A_576, %sub3A, %broadcast_in_dim3A_788] : memref<2x112x32xf32, #tpu.memory_space<vmem>>[vector<16xi32>, vector<16xi32>, vector<16xi32>], vector<16xf32>,
        %mul3A_792 = arith.mulf %gather3A_789, %gather3A_790 : vector<16xf32>
        %add3A_793 = arith.addf %add3A_784, %mul3A_792 : vector<16xf32>
        %mul3A_794 = arith.mulf %gather3A_789, %gather3A_791 : vector<16xf32>
        %add3A_795 = arith.addf %add3A_786, %mul3A_794 : vector<16xf32>
        %broadcast_in_dim3A_796 = arith.constant 24 : i32
        %broadcast_in_dim3A_797 = vector.broadcast %broadcast_in_dim3A_796 : i32 to vector<16xi32>
        %gather3A_798 = tpu.vector_load_idx %arg17[%convert_element_type3A_576, %sub3A, %broadcast_in_dim3A_797] : memref<2x112x32xf32, #tpu.memory_space<vmem>>[vector<16xi32>, vector<16xi32>, vector<16xi32>], vector<16xf32>,
        %gather3A_799 = tpu.vector_load_idx %arg18[%convert_element_type3A_576, %sub3A, %broadcast_in_dim3A_797] : memref<2x112x32xf32, #tpu.memory_space<vmem>>[vector<16xi32>, vector<16xi32>, vector<16xi32>], vector<16xf32>,
        %gather3A_800 = tpu.vector_load_idx %arg19[%convert_element_type3A_576, %sub3A, %broadcast_in_dim3A_797] : memref<2x112x32xf32, #tpu.memory_space<vmem>>[vector<16xi32>, vector<16xi32>, vector<16xi32>], vector<16xf32>,
        %mul3A_801 = arith.mulf %gather3A_798, %gather3A_799 : vector<16xf32>
        %add3A_802 = arith.addf %add3A_793, %mul3A_801 : vector<16xf32>
        %mul3A_803 = arith.mulf %gather3A_798, %gather3A_800 : vector<16xf32>
        %add3A_804 = arith.addf %add3A_795, %mul3A_803 : vector<16xf32>
        %broadcast_in_dim3A_805 = arith.constant 25 : i32
        %broadcast_in_dim3A_806 = vector.broadcast %broadcast_in_dim3A_805 : i32 to vector<16xi32>
        %gather3A_807 = tpu.vector_load_idx %arg17[%convert_element_type3A_576, %sub3A, %broadcast_in_dim3A_806] : memref<2x112x32xf32, #tpu.memory_space<vmem>>[vector<16xi32>, vector<16xi32>, vector<16xi32>], vector<16xf32>,
        %gather3A_808 = tpu.vector_load_idx %arg18[%convert_element_type3A_576, %sub3A, %broadcast_in_dim3A_806] : memref<2x112x32xf32, #tpu.memory_space<vmem>>[vector<16xi32>, vector<16xi32>, vector<16xi32>], vector<16xf32>,
        %gather3A_809 = tpu.vector_load_idx %arg19[%convert_element_type3A_576, %sub3A, %broadcast_in_dim3A_806] : memref<2x112x32xf32, #tpu.memory_space<vmem>>[vector<16xi32>, vector<16xi32>, vector<16xi32>], vector<16xf32>,
        %mul3A_810 = arith.mulf %gather3A_807, %gather3A_808 : vector<16xf32>
        %add3A_811 = arith.addf %add3A_802, %mul3A_810 : vector<16xf32>
        %mul3A_812 = arith.mulf %gather3A_807, %gather3A_809 : vector<16xf32>
        %add3A_813 = arith.addf %add3A_804, %mul3A_812 : vector<16xf32>
        %broadcast_in_dim3A_814 = arith.constant 26 : i32
        %broadcast_in_dim3A_815 = vector.broadcast %broadcast_in_dim3A_814 : i32 to vector<16xi32>
        %gather3A_816 = tpu.vector_load_idx %arg17[%convert_element_type3A_576, %sub3A, %broadcast_in_dim3A_815] : memref<2x112x32xf32, #tpu.memory_space<vmem>>[vector<16xi32>, vector<16xi32>, vector<16xi32>], vector<16xf32>,
        %gather3A_817 = tpu.vector_load_idx %arg18[%convert_element_type3A_576, %sub3A, %broadcast_in_dim3A_815] : memref<2x112x32xf32, #tpu.memory_space<vmem>>[vector<16xi32>, vector<16xi32>, vector<16xi32>], vector<16xf32>,
        %gather3A_818 = tpu.vector_load_idx %arg19[%convert_element_type3A_576, %sub3A, %broadcast_in_dim3A_815] : memref<2x112x32xf32, #tpu.memory_space<vmem>>[vector<16xi32>, vector<16xi32>, vector<16xi32>], vector<16xf32>,
        %mul3A_819 = arith.mulf %gather3A_816, %gather3A_817 : vector<16xf32>
        %add3A_820 = arith.addf %add3A_811, %mul3A_819 : vector<16xf32>
        %mul3A_821 = arith.mulf %gather3A_816, %gather3A_818 : vector<16xf32>
        %add3A_822 = arith.addf %add3A_813, %mul3A_821 : vector<16xf32>
        %broadcast_in_dim3A_823 = arith.constant 27 : i32
        %broadcast_in_dim3A_824 = vector.broadcast %broadcast_in_dim3A_823 : i32 to vector<16xi32>
        %gather3A_825 = tpu.vector_load_idx %arg17[%convert_element_type3A_576, %sub3A, %broadcast_in_dim3A_824] : memref<2x112x32xf32, #tpu.memory_space<vmem>>[vector<16xi32>, vector<16xi32>, vector<16xi32>], vector<16xf32>,
        %gather3A_826 = tpu.vector_load_idx %arg18[%convert_element_type3A_576, %sub3A, %broadcast_in_dim3A_824] : memref<2x112x32xf32, #tpu.memory_space<vmem>>[vector<16xi32>, vector<16xi32>, vector<16xi32>], vector<16xf32>,
        %gather3A_827 = tpu.vector_load_idx %arg19[%convert_element_type3A_576, %sub3A, %broadcast_in_dim3A_824] : memref<2x112x32xf32, #tpu.memory_space<vmem>>[vector<16xi32>, vector<16xi32>, vector<16xi32>], vector<16xf32>,
        %mul3A_828 = arith.mulf %gather3A_825, %gather3A_826 : vector<16xf32>
        %add3A_829 = arith.addf %add3A_820, %mul3A_828 : vector<16xf32>
        %mul3A_830 = arith.mulf %gather3A_825, %gather3A_827 : vector<16xf32>
        %add3A_831 = arith.addf %add3A_822, %mul3A_830 : vector<16xf32>
        %broadcast_in_dim3A_832 = arith.constant 28 : i32
        %broadcast_in_dim3A_833 = vector.broadcast %broadcast_in_dim3A_832 : i32 to vector<16xi32>
        %gather3A_834 = tpu.vector_load_idx %arg17[%convert_element_type3A_576, %sub3A, %broadcast_in_dim3A_833] : memref<2x112x32xf32, #tpu.memory_space<vmem>>[vector<16xi32>, vector<16xi32>, vector<16xi32>], vector<16xf32>,
        %gather3A_835 = tpu.vector_load_idx %arg18[%convert_element_type3A_576, %sub3A, %broadcast_in_dim3A_833] : memref<2x112x32xf32, #tpu.memory_space<vmem>>[vector<16xi32>, vector<16xi32>, vector<16xi32>], vector<16xf32>,
        %gather3A_836 = tpu.vector_load_idx %arg19[%convert_element_type3A_576, %sub3A, %broadcast_in_dim3A_833] : memref<2x112x32xf32, #tpu.memory_space<vmem>>[vector<16xi32>, vector<16xi32>, vector<16xi32>], vector<16xf32>,
        %mul3A_837 = arith.mulf %gather3A_834, %gather3A_835 : vector<16xf32>
        %add3A_838 = arith.addf %add3A_829, %mul3A_837 : vector<16xf32>
        %mul3A_839 = arith.mulf %gather3A_834, %gather3A_836 : vector<16xf32>
        %add3A_840 = arith.addf %add3A_831, %mul3A_839 : vector<16xf32>
        %broadcast_in_dim3A_841 = arith.constant 29 : i32
        %broadcast_in_dim3A_842 = vector.broadcast %broadcast_in_dim3A_841 : i32 to vector<16xi32>
        %gather3A_843 = tpu.vector_load_idx %arg17[%convert_element_type3A_576, %sub3A, %broadcast_in_dim3A_842] : memref<2x112x32xf32, #tpu.memory_space<vmem>>[vector<16xi32>, vector<16xi32>, vector<16xi32>], vector<16xf32>,
        %gather3A_844 = tpu.vector_load_idx %arg18[%convert_element_type3A_576, %sub3A, %broadcast_in_dim3A_842] : memref<2x112x32xf32, #tpu.memory_space<vmem>>[vector<16xi32>, vector<16xi32>, vector<16xi32>], vector<16xf32>,
        %gather3A_845 = tpu.vector_load_idx %arg19[%convert_element_type3A_576, %sub3A, %broadcast_in_dim3A_842] : memref<2x112x32xf32, #tpu.memory_space<vmem>>[vector<16xi32>, vector<16xi32>, vector<16xi32>], vector<16xf32>,
        %mul3A_846 = arith.mulf %gather3A_843, %gather3A_844 : vector<16xf32>
        %add3A_847 = arith.addf %add3A_838, %mul3A_846 : vector<16xf32>
        %mul3A_848 = arith.mulf %gather3A_843, %gather3A_845 : vector<16xf32>
        %add3A_849 = arith.addf %add3A_840, %mul3A_848 : vector<16xf32>
        %broadcast_in_dim3A_850 = arith.constant 30 : i32
        %broadcast_in_dim3A_851 = vector.broadcast %broadcast_in_dim3A_850 : i32 to vector<16xi32>
        %gather3A_852 = tpu.vector_load_idx %arg17[%convert_element_type3A_576, %sub3A, %broadcast_in_dim3A_851] : memref<2x112x32xf32, #tpu.memory_space<vmem>>[vector<16xi32>, vector<16xi32>, vector<16xi32>], vector<16xf32>,
        %gather3A_853 = tpu.vector_load_idx %arg18[%convert_element_type3A_576, %sub3A, %broadcast_in_dim3A_851] : memref<2x112x32xf32, #tpu.memory_space<vmem>>[vector<16xi32>, vector<16xi32>, vector<16xi32>], vector<16xf32>,
        %gather3A_854 = tpu.vector_load_idx %arg19[%convert_element_type3A_576, %sub3A, %broadcast_in_dim3A_851] : memref<2x112x32xf32, #tpu.memory_space<vmem>>[vector<16xi32>, vector<16xi32>, vector<16xi32>], vector<16xf32>,
        %mul3A_855 = arith.mulf %gather3A_852, %gather3A_853 : vector<16xf32>
        %add3A_856 = arith.addf %add3A_847, %mul3A_855 : vector<16xf32>
        %mul3A_857 = arith.mulf %gather3A_852, %gather3A_854 : vector<16xf32>
        %add3A_858 = arith.addf %add3A_849, %mul3A_857 : vector<16xf32>
        %broadcast_in_dim3A_859 = arith.constant 31 : i32
        %broadcast_in_dim3A_860 = vector.broadcast %broadcast_in_dim3A_859 : i32 to vector<16xi32>
        %gather3A_861 = tpu.vector_load_idx %arg17[%convert_element_type3A_576, %sub3A, %broadcast_in_dim3A_860] : memref<2x112x32xf32, #tpu.memory_space<vmem>>[vector<16xi32>, vector<16xi32>, vector<16xi32>], vector<16xf32>,
        %gather3A_862 = tpu.vector_load_idx %arg18[%convert_element_type3A_576, %sub3A, %broadcast_in_dim3A_860] : memref<2x112x32xf32, #tpu.memory_space<vmem>>[vector<16xi32>, vector<16xi32>, vector<16xi32>], vector<16xf32>,
        %gather3A_863 = tpu.vector_load_idx %arg19[%convert_element_type3A_576, %sub3A, %broadcast_in_dim3A_860] : memref<2x112x32xf32, #tpu.memory_space<vmem>>[vector<16xi32>, vector<16xi32>, vector<16xi32>], vector<16xf32>,
        %mul3A_864 = arith.mulf %gather3A_861, %gather3A_862 : vector<16xf32>
        %add3A_865 = arith.addf %add3A_856, %mul3A_864 : vector<16xf32>
        %mul3A_866 = arith.mulf %gather3A_861, %gather3A_863 : vector<16xf32>
        %add3A_867 = arith.addf %add3A_858, %mul3A_866 : vector<16xf32>
        %mul3A_868 = arith.constant 16 : i32
        %mul3A_869 = arith.muli %scan3A_567, %mul3A_868 : i32
        %get3A_870 = arith.index_cast %mul3A_869 : i32 to index
        %get3A_871 = tpu.vector_load %arg15[%get3A_870] {strides = array<i32>} : memref<208xi32, #tpu.memory_space<vmem>>, vector<16xi32>,
        %mul3A_872 = arith.constant 16 : i32
        %mul3A_873 = arith.muli %scan3A_567, %mul3A_872 : i32
        %get3A_874 = arith.index_cast %mul3A_873 : i32 to index
        %get3A_875 = tpu.vector_load %arg16[%get3A_874] {strides = array<i32>} : memref<208xi32, #tpu.memory_space<vmem>>, vector<16xi32>,
        %gather3A_876 = tpu.vector_load_idx %arg10[%broadcast_in_dim3A_12, %get3A_871] : memref<32x32xf32, #tpu.memory_space<vmem>>[vector<16xi32>, vector<16xi32>], vector<16xf32>,
        %gather3A_877 = tpu.vector_load_idx %arg10[%broadcast_in_dim3A_12, %get3A_875] : memref<32x32xf32, #tpu.memory_space<vmem>>[vector<16xi32>, vector<16xi32>], vector<16xf32>,
        %sub3A_878 = arith.constant 1.000000e+00 : f32
        %sub3A_879 = vector.broadcast %sub3A_878 : f32 to vector<16xf32>
        %sub3A_880 = arith.subf %sub3A_879, %add3A_865 : vector<16xf32>
        %sub3A_881 = arith.constant 1.000000e+00 : f32
        %sub3A_882 = vector.broadcast %sub3A_881 : f32 to vector<16xf32>
        %sub3A_883 = arith.subf %sub3A_882, %add3A_867 : vector<16xf32>
        %sub3A_884 = arith.subf %sub3A_880, %sub3A_883 : vector<16xf32>
        %add3A_885 = arith.constant 1.000000e-01 : f32
        %add3A_886 = vector.broadcast %add3A_885 : f32 to vector<16xf32>
        %add3A_887 = arith.addf %sub3A_884, %add3A_886 : vector<16xf32>
        %sub3A_888 = arith.subf %gather3A_877, %gather3A_876 : vector<16xf32>
        %mul3A_889 = arith.constant 1.250000e-01 : f32
        %mul3A_890 = vector.broadcast %mul3A_889 : f32 to vector<16xf32>
        %mul3A_891 = arith.mulf %sub3A_888, %mul3A_890 : vector<16xf32>
        %add3A_892 = arith.addf %add3A_887, %mul3A_891 : vector<16xf32>
        %max3A_893 = arith.constant 0.000000e+00 : f32
        %max3A_894 = vector.broadcast %max3A_893 : f32 to vector<16xf32>
        %max3A_895 = arith.maximumf %add3A_892, %max3A_894 : vector<16xf32>
        %lt3A_896 = arith.cmpi slt, %add3A_572, %broadcast_in_dim3A_532 : vector<16xi32>
        %lt3A_897 = arith.constant 200 : i32
        %lt3A_898 = vector.broadcast %lt3A_897 : i32 to vector<16xi32>
        %lt3A_899 = arith.cmpi slt, %add3A_572, %lt3A_898 : vector<16xi32>
        %and3A_900 = arith.andi %lt3A_896, %lt3A_899 : vector<16xi1>
        %jit3A_901 = arith.constant 0.000000e+00 : f32
        %broadcast_in_dim3A_902 = vector.broadcast %jit3A_901 : f32 to vector<16xf32>
        %select_n3A_903 = arith.select %and3A_900, %max3A_895, %broadcast_in_dim3A_902 : vector<16xi1>, vector<16xf32>
        %reduce_sum3A_904 = arith.constant true
        %reduce_sum3A_905 = vector.broadcast %reduce_sum3A_904 : i1 to vector<16xi1>
        %reduce_sum3A_906 = tpu.scan <sum>, %select_n3A_903 masked %reduce_sum3A_905 : vector<16xf32>, vector<16xi1> -> vector<16xf32>
        %reduce_sum3A_907 = vector.extract %reduce_sum3A_906[15] : f32 from vector<16xf32>
        %add3A_908 = arith.addf %scan3A_568, %reduce_sum3A_907 : f32
        scf.yield %add3A_908 : f32
      }
      %scan3A_539 = arith.constant 13 : i32
      %gt3A_540 = arith.constant 0 : i32
      %gt3A_541 = arith.cmpi sgt, %min3A_139, %gt3A_540 : i32
      %max3A = arith.constant 1 : i32
      %max3A_542 = arith.maxsi %min3A_139, %max3A : i32
      %convert_element_type3A_543 = arith.sitofp %max3A_542 : i32 to f32
      %broadcast_in_dim3A_544 = vector.broadcast %convert_element_type3A_543 : f32 to vector<16xf32>
      %broadcast_in_dim3A_545 = vector.broadcast %gt3A_541 : i1 to vector<16xi1>
      %broadcast_in_dim3A_546 = vector.broadcast %scan3A_538 : f32 to vector<16xf32>
      %div3A = arith.divf %broadcast_in_dim3A_546, %broadcast_in_dim3A_544 : vector<16xf32>
      %select_n3A_547 = arith.select %broadcast_in_dim3A_545, %div3A, %broadcast_in_dim3A_3 : vector<16xi1>, vector<16xf32>
      %jit3A_548 = arith.constant 1.000000e+00 : f32
      %jit3A_549 = arith.constant 0.000000e+00 : f32
      %select_n3A_550 = arith.select %gt3A_541, %jit3A_548, %jit3A_549 : f32
      %eq3A_551 = arith.constant 0 : i32
      %eq3A_552 = vector.broadcast %eq3A_551 : i32 to vector<16xi32>
      %eq3A_553 = arith.cmpi eq, %iota3A, %eq3A_552 : vector<16xi32>
      %convert_element_type3A_554 = arith.extui %eq3A_553 : vector<16xi1> to vector<16xi32>
      %convert_element_type3A_555 = arith.sitofp %convert_element_type3A_554 : vector<16xi32> to vector<16xf32>
      %mul3A_556 = arith.mulf %select_n3A_547, %convert_element_type3A_555 : vector<16xf32>
      %eq3A_557 = arith.constant 1 : i32
      %eq3A_558 = vector.broadcast %eq3A_557 : i32 to vector<16xi32>
      %eq3A_559 = arith.cmpi eq, %iota3A, %eq3A_558 : vector<16xi32>
      %convert_element_type3A_560 = arith.extui %eq3A_559 : vector<16xi1> to vector<16xi32>
      %convert_element_type3A_561 = arith.sitofp %convert_element_type3A_560 : vector<16xi32> to vector<16xf32>
      %mul3A_562 = vector.broadcast %select_n3A_550 : f32 to vector<16xf32>
      %mul3A_563 = arith.mulf %mul3A_562, %convert_element_type3A_561 : vector<16xf32>
      %add3A_564 = arith.addf %mul3A_556, %mul3A_563 : vector<16xf32>
      %swap3A_565 = arith.constant 0 : index
      %swap3A_566 = tpu.vector_load %arg20[%swap3A_565] {strides = array<i32>} : memref<16xf32, #tpu.memory_space<vmem>>, vector<16xf32>,
      tpu.vector_store %arg20[%swap3A_565], %add3A_564 {strides = array<i32>} : memref<16xf32, #tpu.memory_space<vmem>>, vector<16xf32>,
      "tpu.region"() ({
        %run_scoped3A = tpu.sem_alloc : memref<!tpu.dma_semaphore, #tpu.memory_space<semaphore_mem>>
        %dma_start3A_567 = arith.constant 0 : i32
        %dma_start3A_568 = tpu.memref_slice %arg7[%add3A, %dma_start3A_567] : memref<32x16xf32, #tpu.memory_space<hbm>> -> memref<1x16xf32, #tpu.memory_space<hbm>>
        %dma_start3A_569 = tpu.memref_squeeze %dma_start3A_568 : memref<1x16xf32, #tpu.memory_space<hbm>> -> memref<16xf32, #tpu.memory_space<hbm>>
        %dma_start3A_570 = arith.constant 0 : i32
        %dma_start3A_571 = tpu.memref_slice %arg7[%add3A, %dma_start3A_570] : memref<32x16xf32, #tpu.memory_space<hbm>> -> memref<1x16xf32, #tpu.memory_space<hbm>>
        %dma_start3A_572 = tpu.memref_squeeze %dma_start3A_571 : memref<1x16xf32, #tpu.memory_space<hbm>> -> memref<16xf32, #tpu.memory_space<hbm>>
        tpu.enqueue_dma source(%arg20 : memref<16xf32, #tpu.memory_space<vmem>>) target(%dma_start3A_572 : memref<16xf32, #tpu.memory_space<hbm>>) target_semaphore(%run_scoped3A : memref<!tpu.dma_semaphore, #tpu.memory_space<semaphore_mem>>)
        %dma_wait3A_573 = arith.constant 0 : i32
        %dma_wait3A_574 = tpu.memref_slice %arg7[%add3A, %dma_wait3A_573] : memref<32x16xf32, #tpu.memory_space<hbm>> -> memref<1x16xf32, #tpu.memory_space<hbm>>
        %dma_wait3A_575 = tpu.memref_squeeze %dma_wait3A_574 : memref<1x16xf32, #tpu.memory_space<hbm>> -> memref<16xf32, #tpu.memory_space<hbm>>
        %dma_wait3A_576 = arith.constant 0 : i32
        %dma_wait3A_577 = tpu.memref_slice %arg7[%add3A, %dma_wait3A_576] : memref<32x16xf32, #tpu.memory_space<hbm>> -> memref<1x16xf32, #tpu.memory_space<hbm>>
        %dma_wait3A_578 = tpu.memref_squeeze %dma_wait3A_577 : memref<1x16xf32, #tpu.memory_space<hbm>> -> memref<16xf32, #tpu.memory_space<hbm>>
        tpu.wait_dma2 semaphore(%run_scoped3A : memref<!tpu.dma_semaphore, #tpu.memory_space<semaphore_mem>>) src(%arg20 : memref<16xf32, #tpu.memory_space<vmem>>) dst(%dma_wait3A_578 : memref<16xf32, #tpu.memory_space<hbm>>)
        tpu.yield
      }) : () -> ()
    } else {
    }
    return
  }
}

#map = affine_map<(d0, d1) -> (0, 0)>
#map1 = affine_map<(d0, d1) -> (0, 0, 0)>
#map2 = affine_map<(d0, d1) -> (0)>
module attributes {stable_mosaic.version = 14 : i64} {
  func.func @_k15_body(%arg0: i32, %arg1: i32, %arg2: memref<32x32xi32, #tpu.memory_space<hbm>>, %arg3: memref<28x32x200xi32, #tpu.memory_space<hbm>>, %arg4: memref<28x208xi32, #tpu.memory_space<hbm>>, %arg5: memref<32xi32, #tpu.memory_space<hbm>>, %arg6: memref<32x32xi32, #tpu.memory_space<vmem>>, %arg7: memref<32x200xi32, #tpu.memory_space<vmem>>, %arg8: memref<32xi32, #tpu.memory_space<vmem>>, %arg9: memref<208xi32, #tpu.memory_space<vmem>>, %arg10: memref<32xi32, #tpu.memory_space<vmem>>, %arg11: memref<!tpu.dma_semaphore, #tpu.memory_space<semaphore_mem>>) attributes {dimension_semantics = [#tpu.dimension_semantics<core_parallel>, #tpu.dimension_semantics<subcore_parallel>], iteration_bounds = array<i64: 2, 16>, scalar_prefetch = 0 : i64, scratch_operands = 6 : i64, tpu.core_type = #tpu.core_type<sc_vector_subcore>, window_params = [{transform_indices = #map}, {transform_indices = #map1}, {transform_indices = #map}, {transform_indices = #map2}]} {
    %mul3A = arith.constant 2 : i32
    %mul3A_0 = arith.muli %arg1, %mul3A : i32
    %add3A = arith.addi %mul3A_0, %arg0 : i32
    %iota3A = tpu.iota {dimensions = array<i32: 0>} : vector<16xi32>
    %broadcast_in_dim3A = arith.constant 0 : i32
    %broadcast_in_dim3A_1 = vector.broadcast %broadcast_in_dim3A : i32 to vector<16xi32>
    "tpu.region"() ({
      %run_scoped3A = tpu.sem_alloc : memref<!tpu.dma_semaphore, #tpu.memory_space<semaphore_mem>>
      tpu.enqueue_dma source(%arg2 : memref<32x32xi32, #tpu.memory_space<hbm>>) target(%arg6 : memref<32x32xi32, #tpu.memory_space<vmem>>) target_semaphore(%run_scoped3A : memref<!tpu.dma_semaphore, #tpu.memory_space<semaphore_mem>>)
      tpu.wait_dma2 semaphore(%run_scoped3A : memref<!tpu.dma_semaphore, #tpu.memory_space<semaphore_mem>>) src(%arg2 : memref<32x32xi32, #tpu.memory_space<hbm>>) dst(%arg6 : memref<32x32xi32, #tpu.memory_space<vmem>>)
      tpu.yield
    }) : () -> ()
    %eq3A = arith.constant 0 : i32
    %eq3A_2 = arith.cmpi eq, %add3A, %eq3A : i32
    %convert_element_type3A = arith.extui %eq3A_2 : i1 to i32
    %cond3A = arith.constant 0 : i32
    %cond3A_3 = arith.cmpi ne, %convert_element_type3A, %cond3A : i32
    scf.if %cond3A_3 {
      %get3A = arith.constant 0 : i32
      %get3A_8 = arith.index_cast %get3A : i32 to index
      %get3A_9 = arith.constant 0 : index
      %get3A_10 = tpu.vector_load %arg6[%get3A_8, %get3A_9] {strides = array<i32>} : memref<32x32xi32, #tpu.memory_space<vmem>>, vector<16xi32>,
      %add3A_11 = arith.addi %broadcast_in_dim3A_1, %get3A_10 : vector<16xi32>
      %get3A_12 = arith.constant 0 : i32
      %get3A_13 = arith.index_cast %get3A_12 : i32 to index
      %get3A_14 = arith.constant 16 : index
      %get3A_15 = tpu.vector_load %arg6[%get3A_13, %get3A_14] {strides = array<i32>} : memref<32x32xi32, #tpu.memory_space<vmem>>, vector<16xi32>,
      %add3A_16 = arith.addi %broadcast_in_dim3A_1, %get3A_15 : vector<16xi32>
      %get3A_17 = arith.constant 1 : i32
      %get3A_18 = arith.index_cast %get3A_17 : i32 to index
      %get3A_19 = arith.constant 0 : index
      %get3A_20 = tpu.vector_load %arg6[%get3A_18, %get3A_19] {strides = array<i32>} : memref<32x32xi32, #tpu.memory_space<vmem>>, vector<16xi32>,
      %add3A_21 = arith.addi %add3A_11, %get3A_20 : vector<16xi32>
      %get3A_22 = arith.constant 1 : i32
      %get3A_23 = arith.index_cast %get3A_22 : i32 to index
      %get3A_24 = arith.constant 16 : index
      %get3A_25 = tpu.vector_load %arg6[%get3A_23, %get3A_24] {strides = array<i32>} : memref<32x32xi32, #tpu.memory_space<vmem>>, vector<16xi32>,
      %add3A_26 = arith.addi %add3A_16, %get3A_25 : vector<16xi32>
      %get3A_27 = arith.constant 2 : i32
      %get3A_28 = arith.index_cast %get3A_27 : i32 to index
      %get3A_29 = arith.constant 0 : index
      %get3A_30 = tpu.vector_load %arg6[%get3A_28, %get3A_29] {strides = array<i32>} : memref<32x32xi32, #tpu.memory_space<vmem>>, vector<16xi32>,
      %add3A_31 = arith.addi %add3A_21, %get3A_30 : vector<16xi32>
      %get3A_32 = arith.constant 2 : i32
      %get3A_33 = arith.index_cast %get3A_32 : i32 to index
      %get3A_34 = arith.constant 16 : index
      %get3A_35 = tpu.vector_load %arg6[%get3A_33, %get3A_34] {strides = array<i32>} : memref<32x32xi32, #tpu.memory_space<vmem>>, vector<16xi32>,
      %add3A_36 = arith.addi %add3A_26, %get3A_35 : vector<16xi32>
      %get3A_37 = arith.constant 3 : i32
      %get3A_38 = arith.index_cast %get3A_37 : i32 to index
      %get3A_39 = arith.constant 0 : index
      %get3A_40 = tpu.vector_load %arg6[%get3A_38, %get3A_39] {strides = array<i32>} : memref<32x32xi32, #tpu.memory_space<vmem>>, vector<16xi32>,
      %add3A_41 = arith.addi %add3A_31, %get3A_40 : vector<16xi32>
      %get3A_42 = arith.constant 3 : i32
      %get3A_43 = arith.index_cast %get3A_42 : i32 to index
      %get3A_44 = arith.constant 16 : index
      %get3A_45 = tpu.vector_load %arg6[%get3A_43, %get3A_44] {strides = array<i32>} : memref<32x32xi32, #tpu.memory_space<vmem>>, vector<16xi32>,
      %add3A_46 = arith.addi %add3A_36, %get3A_45 : vector<16xi32>
      %get3A_47 = arith.constant 4 : i32
      %get3A_48 = arith.index_cast %get3A_47 : i32 to index
      %get3A_49 = arith.constant 0 : index
      %get3A_50 = tpu.vector_load %arg6[%get3A_48, %get3A_49] {strides = array<i32>} : memref<32x32xi32, #tpu.memory_space<vmem>>, vector<16xi32>,
      %add3A_51 = arith.addi %add3A_41, %get3A_50 : vector<16xi32>
      %get3A_52 = arith.constant 4 : i32
      %get3A_53 = arith.index_cast %get3A_52 : i32 to index
      %get3A_54 = arith.constant 16 : index
      %get3A_55 = tpu.vector_load %arg6[%get3A_53, %get3A_54] {strides = array<i32>} : memref<32x32xi32, #tpu.memory_space<vmem>>, vector<16xi32>,
      %add3A_56 = arith.addi %add3A_46, %get3A_55 : vector<16xi32>
      %get3A_57 = arith.constant 5 : i32
      %get3A_58 = arith.index_cast %get3A_57 : i32 to index
      %get3A_59 = arith.constant 0 : index
      %get3A_60 = tpu.vector_load %arg6[%get3A_58, %get3A_59] {strides = array<i32>} : memref<32x32xi32, #tpu.memory_space<vmem>>, vector<16xi32>,
      %add3A_61 = arith.addi %add3A_51, %get3A_60 : vector<16xi32>
      %get3A_62 = arith.constant 5 : i32
      %get3A_63 = arith.index_cast %get3A_62 : i32 to index
      %get3A_64 = arith.constant 16 : index
      %get3A_65 = tpu.vector_load %arg6[%get3A_63, %get3A_64] {strides = array<i32>} : memref<32x32xi32, #tpu.memory_space<vmem>>, vector<16xi32>,
      %add3A_66 = arith.addi %add3A_56, %get3A_65 : vector<16xi32>
      %get3A_67 = arith.constant 6 : i32
      %get3A_68 = arith.index_cast %get3A_67 : i32 to index
      %get3A_69 = arith.constant 0 : index
      %get3A_70 = tpu.vector_load %arg6[%get3A_68, %get3A_69] {strides = array<i32>} : memref<32x32xi32, #tpu.memory_space<vmem>>, vector<16xi32>,
      %add3A_71 = arith.addi %add3A_61, %get3A_70 : vector<16xi32>
      %get3A_72 = arith.constant 6 : i32
      %get3A_73 = arith.index_cast %get3A_72 : i32 to index
      %get3A_74 = arith.constant 16 : index
      %get3A_75 = tpu.vector_load %arg6[%get3A_73, %get3A_74] {strides = array<i32>} : memref<32x32xi32, #tpu.memory_space<vmem>>, vector<16xi32>,
      %add3A_76 = arith.addi %add3A_66, %get3A_75 : vector<16xi32>
      %get3A_77 = arith.constant 7 : i32
      %get3A_78 = arith.index_cast %get3A_77 : i32 to index
      %get3A_79 = arith.constant 0 : index
      %get3A_80 = tpu.vector_load %arg6[%get3A_78, %get3A_79] {strides = array<i32>} : memref<32x32xi32, #tpu.memory_space<vmem>>, vector<16xi32>,
      %add3A_81 = arith.addi %add3A_71, %get3A_80 : vector<16xi32>
      %get3A_82 = arith.constant 7 : i32
      %get3A_83 = arith.index_cast %get3A_82 : i32 to index
      %get3A_84 = arith.constant 16 : index
      %get3A_85 = tpu.vector_load %arg6[%get3A_83, %get3A_84] {strides = array<i32>} : memref<32x32xi32, #tpu.memory_space<vmem>>, vector<16xi32>,
      %add3A_86 = arith.addi %add3A_76, %get3A_85 : vector<16xi32>
      %get3A_87 = arith.constant 8 : i32
      %get3A_88 = arith.index_cast %get3A_87 : i32 to index
      %get3A_89 = arith.constant 0 : index
      %get3A_90 = tpu.vector_load %arg6[%get3A_88, %get3A_89] {strides = array<i32>} : memref<32x32xi32, #tpu.memory_space<vmem>>, vector<16xi32>,
      %add3A_91 = arith.addi %add3A_81, %get3A_90 : vector<16xi32>
      %get3A_92 = arith.constant 8 : i32
      %get3A_93 = arith.index_cast %get3A_92 : i32 to index
      %get3A_94 = arith.constant 16 : index
      %get3A_95 = tpu.vector_load %arg6[%get3A_93, %get3A_94] {strides = array<i32>} : memref<32x32xi32, #tpu.memory_space<vmem>>, vector<16xi32>,
      %add3A_96 = arith.addi %add3A_86, %get3A_95 : vector<16xi32>
      %get3A_97 = arith.constant 9 : i32
      %get3A_98 = arith.index_cast %get3A_97 : i32 to index
      %get3A_99 = arith.constant 0 : index
      %get3A_100 = tpu.vector_load %arg6[%get3A_98, %get3A_99] {strides = array<i32>} : memref<32x32xi32, #tpu.memory_space<vmem>>, vector<16xi32>,
      %add3A_101 = arith.addi %add3A_91, %get3A_100 : vector<16xi32>
      %get3A_102 = arith.constant 9 : i32
      %get3A_103 = arith.index_cast %get3A_102 : i32 to index
      %get3A_104 = arith.constant 16 : index
      %get3A_105 = tpu.vector_load %arg6[%get3A_103, %get3A_104] {strides = array<i32>} : memref<32x32xi32, #tpu.memory_space<vmem>>, vector<16xi32>,
      %add3A_106 = arith.addi %add3A_96, %get3A_105 : vector<16xi32>
      %get3A_107 = arith.constant 10 : i32
      %get3A_108 = arith.index_cast %get3A_107 : i32 to index
      %get3A_109 = arith.constant 0 : index
      %get3A_110 = tpu.vector_load %arg6[%get3A_108, %get3A_109] {strides = array<i32>} : memref<32x32xi32, #tpu.memory_space<vmem>>, vector<16xi32>,
      %add3A_111 = arith.addi %add3A_101, %get3A_110 : vector<16xi32>
      %get3A_112 = arith.constant 10 : i32
      %get3A_113 = arith.index_cast %get3A_112 : i32 to index
      %get3A_114 = arith.constant 16 : index
      %get3A_115 = tpu.vector_load %arg6[%get3A_113, %get3A_114] {strides = array<i32>} : memref<32x32xi32, #tpu.memory_space<vmem>>, vector<16xi32>,
      %add3A_116 = arith.addi %add3A_106, %get3A_115 : vector<16xi32>
      %get3A_117 = arith.constant 11 : i32
      %get3A_118 = arith.index_cast %get3A_117 : i32 to index
      %get3A_119 = arith.constant 0 : index
      %get3A_120 = tpu.vector_load %arg6[%get3A_118, %get3A_119] {strides = array<i32>} : memref<32x32xi32, #tpu.memory_space<vmem>>, vector<16xi32>,
      %add3A_121 = arith.addi %add3A_111, %get3A_120 : vector<16xi32>
      %get3A_122 = arith.constant 11 : i32
      %get3A_123 = arith.index_cast %get3A_122 : i32 to index
      %get3A_124 = arith.constant 16 : index
      %get3A_125 = tpu.vector_load %arg6[%get3A_123, %get3A_124] {strides = array<i32>} : memref<32x32xi32, #tpu.memory_space<vmem>>, vector<16xi32>,
      %add3A_126 = arith.addi %add3A_116, %get3A_125 : vector<16xi32>
      %get3A_127 = arith.constant 12 : i32
      %get3A_128 = arith.index_cast %get3A_127 : i32 to index
      %get3A_129 = arith.constant 0 : index
      %get3A_130 = tpu.vector_load %arg6[%get3A_128, %get3A_129] {strides = array<i32>} : memref<32x32xi32, #tpu.memory_space<vmem>>, vector<16xi32>,
      %add3A_131 = arith.addi %add3A_121, %get3A_130 : vector<16xi32>
      %get3A_132 = arith.constant 12 : i32
      %get3A_133 = arith.index_cast %get3A_132 : i32 to index
      %get3A_134 = arith.constant 16 : index
      %get3A_135 = tpu.vector_load %arg6[%get3A_133, %get3A_134] {strides = array<i32>} : memref<32x32xi32, #tpu.memory_space<vmem>>, vector<16xi32>,
      %add3A_136 = arith.addi %add3A_126, %get3A_135 : vector<16xi32>
      %get3A_137 = arith.constant 13 : i32
      %get3A_138 = arith.index_cast %get3A_137 : i32 to index
      %get3A_139 = arith.constant 0 : index
      %get3A_140 = tpu.vector_load %arg6[%get3A_138, %get3A_139] {strides = array<i32>} : memref<32x32xi32, #tpu.memory_space<vmem>>, vector<16xi32>,
      %add3A_141 = arith.addi %add3A_131, %get3A_140 : vector<16xi32>
      %get3A_142 = arith.constant 13 : i32
      %get3A_143 = arith.index_cast %get3A_142 : i32 to index
      %get3A_144 = arith.constant 16 : index
      %get3A_145 = tpu.vector_load %arg6[%get3A_143, %get3A_144] {strides = array<i32>} : memref<32x32xi32, #tpu.memory_space<vmem>>, vector<16xi32>,
      %add3A_146 = arith.addi %add3A_136, %get3A_145 : vector<16xi32>
      %get3A_147 = arith.constant 14 : i32
      %get3A_148 = arith.index_cast %get3A_147 : i32 to index
      %get3A_149 = arith.constant 0 : index
      %get3A_150 = tpu.vector_load %arg6[%get3A_148, %get3A_149] {strides = array<i32>} : memref<32x32xi32, #tpu.memory_space<vmem>>, vector<16xi32>,
      %add3A_151 = arith.addi %add3A_141, %get3A_150 : vector<16xi32>
      %get3A_152 = arith.constant 14 : i32
      %get3A_153 = arith.index_cast %get3A_152 : i32 to index
      %get3A_154 = arith.constant 16 : index
      %get3A_155 = tpu.vector_load %arg6[%get3A_153, %get3A_154] {strides = array<i32>} : memref<32x32xi32, #tpu.memory_space<vmem>>, vector<16xi32>,
      %add3A_156 = arith.addi %add3A_146, %get3A_155 : vector<16xi32>
      %get3A_157 = arith.constant 15 : i32
      %get3A_158 = arith.index_cast %get3A_157 : i32 to index
      %get3A_159 = arith.constant 0 : index
      %get3A_160 = tpu.vector_load %arg6[%get3A_158, %get3A_159] {strides = array<i32>} : memref<32x32xi32, #tpu.memory_space<vmem>>, vector<16xi32>,
      %add3A_161 = arith.addi %add3A_151, %get3A_160 : vector<16xi32>
      %get3A_162 = arith.constant 15 : i32
      %get3A_163 = arith.index_cast %get3A_162 : i32 to index
      %get3A_164 = arith.constant 16 : index
      %get3A_165 = tpu.vector_load %arg6[%get3A_163, %get3A_164] {strides = array<i32>} : memref<32x32xi32, #tpu.memory_space<vmem>>, vector<16xi32>,
      %add3A_166 = arith.addi %add3A_156, %get3A_165 : vector<16xi32>
      %get3A_167 = arith.constant 16 : i32
      %get3A_168 = arith.index_cast %get3A_167 : i32 to index
      %get3A_169 = arith.constant 0 : index
      %get3A_170 = tpu.vector_load %arg6[%get3A_168, %get3A_169] {strides = array<i32>} : memref<32x32xi32, #tpu.memory_space<vmem>>, vector<16xi32>,
      %add3A_171 = arith.addi %add3A_161, %get3A_170 : vector<16xi32>
      %get3A_172 = arith.constant 16 : i32
      %get3A_173 = arith.index_cast %get3A_172 : i32 to index
      %get3A_174 = arith.constant 16 : index
      %get3A_175 = tpu.vector_load %arg6[%get3A_173, %get3A_174] {strides = array<i32>} : memref<32x32xi32, #tpu.memory_space<vmem>>, vector<16xi32>,
      %add3A_176 = arith.addi %add3A_166, %get3A_175 : vector<16xi32>
      %get3A_177 = arith.constant 17 : i32
      %get3A_178 = arith.index_cast %get3A_177 : i32 to index
      %get3A_179 = arith.constant 0 : index
      %get3A_180 = tpu.vector_load %arg6[%get3A_178, %get3A_179] {strides = array<i32>} : memref<32x32xi32, #tpu.memory_space<vmem>>, vector<16xi32>,
      %add3A_181 = arith.addi %add3A_171, %get3A_180 : vector<16xi32>
      %get3A_182 = arith.constant 17 : i32
      %get3A_183 = arith.index_cast %get3A_182 : i32 to index
      %get3A_184 = arith.constant 16 : index
      %get3A_185 = tpu.vector_load %arg6[%get3A_183, %get3A_184] {strides = array<i32>} : memref<32x32xi32, #tpu.memory_space<vmem>>, vector<16xi32>,
      %add3A_186 = arith.addi %add3A_176, %get3A_185 : vector<16xi32>
      %get3A_187 = arith.constant 18 : i32
      %get3A_188 = arith.index_cast %get3A_187 : i32 to index
      %get3A_189 = arith.constant 0 : index
      %get3A_190 = tpu.vector_load %arg6[%get3A_188, %get3A_189] {strides = array<i32>} : memref<32x32xi32, #tpu.memory_space<vmem>>, vector<16xi32>,
      %add3A_191 = arith.addi %add3A_181, %get3A_190 : vector<16xi32>
      %get3A_192 = arith.constant 18 : i32
      %get3A_193 = arith.index_cast %get3A_192 : i32 to index
      %get3A_194 = arith.constant 16 : index
      %get3A_195 = tpu.vector_load %arg6[%get3A_193, %get3A_194] {strides = array<i32>} : memref<32x32xi32, #tpu.memory_space<vmem>>, vector<16xi32>,
      %add3A_196 = arith.addi %add3A_186, %get3A_195 : vector<16xi32>
      %get3A_197 = arith.constant 19 : i32
      %get3A_198 = arith.index_cast %get3A_197 : i32 to index
      %get3A_199 = arith.constant 0 : index
      %get3A_200 = tpu.vector_load %arg6[%get3A_198, %get3A_199] {strides = array<i32>} : memref<32x32xi32, #tpu.memory_space<vmem>>, vector<16xi32>,
      %add3A_201 = arith.addi %add3A_191, %get3A_200 : vector<16xi32>
      %get3A_202 = arith.constant 19 : i32
      %get3A_203 = arith.index_cast %get3A_202 : i32 to index
      %get3A_204 = arith.constant 16 : index
      %get3A_205 = tpu.vector_load %arg6[%get3A_203, %get3A_204] {strides = array<i32>} : memref<32x32xi32, #tpu.memory_space<vmem>>, vector<16xi32>,
      %add3A_206 = arith.addi %add3A_196, %get3A_205 : vector<16xi32>
      %get3A_207 = arith.constant 20 : i32
      %get3A_208 = arith.index_cast %get3A_207 : i32 to index
      %get3A_209 = arith.constant 0 : index
      %get3A_210 = tpu.vector_load %arg6[%get3A_208, %get3A_209] {strides = array<i32>} : memref<32x32xi32, #tpu.memory_space<vmem>>, vector<16xi32>,
      %add3A_211 = arith.addi %add3A_201, %get3A_210 : vector<16xi32>
      %get3A_212 = arith.constant 20 : i32
      %get3A_213 = arith.index_cast %get3A_212 : i32 to index
      %get3A_214 = arith.constant 16 : index
      %get3A_215 = tpu.vector_load %arg6[%get3A_213, %get3A_214] {strides = array<i32>} : memref<32x32xi32, #tpu.memory_space<vmem>>, vector<16xi32>,
      %add3A_216 = arith.addi %add3A_206, %get3A_215 : vector<16xi32>
      %get3A_217 = arith.constant 21 : i32
      %get3A_218 = arith.index_cast %get3A_217 : i32 to index
      %get3A_219 = arith.constant 0 : index
      %get3A_220 = tpu.vector_load %arg6[%get3A_218, %get3A_219] {strides = array<i32>} : memref<32x32xi32, #tpu.memory_space<vmem>>, vector<16xi32>,
      %add3A_221 = arith.addi %add3A_211, %get3A_220 : vector<16xi32>
      %get3A_222 = arith.constant 21 : i32
      %get3A_223 = arith.index_cast %get3A_222 : i32 to index
      %get3A_224 = arith.constant 16 : index
      %get3A_225 = tpu.vector_load %arg6[%get3A_223, %get3A_224] {strides = array<i32>} : memref<32x32xi32, #tpu.memory_space<vmem>>, vector<16xi32>,
      %add3A_226 = arith.addi %add3A_216, %get3A_225 : vector<16xi32>
      %get3A_227 = arith.constant 22 : i32
      %get3A_228 = arith.index_cast %get3A_227 : i32 to index
      %get3A_229 = arith.constant 0 : index
      %get3A_230 = tpu.vector_load %arg6[%get3A_228, %get3A_229] {strides = array<i32>} : memref<32x32xi32, #tpu.memory_space<vmem>>, vector<16xi32>,
      %add3A_231 = arith.addi %add3A_221, %get3A_230 : vector<16xi32>
      %get3A_232 = arith.constant 22 : i32
      %get3A_233 = arith.index_cast %get3A_232 : i32 to index
      %get3A_234 = arith.constant 16 : index
      %get3A_235 = tpu.vector_load %arg6[%get3A_233, %get3A_234] {strides = array<i32>} : memref<32x32xi32, #tpu.memory_space<vmem>>, vector<16xi32>,
      %add3A_236 = arith.addi %add3A_226, %get3A_235 : vector<16xi32>
      %get3A_237 = arith.constant 23 : i32
      %get3A_238 = arith.index_cast %get3A_237 : i32 to index
      %get3A_239 = arith.constant 0 : index
      %get3A_240 = tpu.vector_load %arg6[%get3A_238, %get3A_239] {strides = array<i32>} : memref<32x32xi32, #tpu.memory_space<vmem>>, vector<16xi32>,
      %add3A_241 = arith.addi %add3A_231, %get3A_240 : vector<16xi32>
      %get3A_242 = arith.constant 23 : i32
      %get3A_243 = arith.index_cast %get3A_242 : i32 to index
      %get3A_244 = arith.constant 16 : index
      %get3A_245 = tpu.vector_load %arg6[%get3A_243, %get3A_244] {strides = array<i32>} : memref<32x32xi32, #tpu.memory_space<vmem>>, vector<16xi32>,
      %add3A_246 = arith.addi %add3A_236, %get3A_245 : vector<16xi32>
      %get3A_247 = arith.constant 24 : i32
      %get3A_248 = arith.index_cast %get3A_247 : i32 to index
      %get3A_249 = arith.constant 0 : index
      %get3A_250 = tpu.vector_load %arg6[%get3A_248, %get3A_249] {strides = array<i32>} : memref<32x32xi32, #tpu.memory_space<vmem>>, vector<16xi32>,
      %add3A_251 = arith.addi %add3A_241, %get3A_250 : vector<16xi32>
      %get3A_252 = arith.constant 24 : i32
      %get3A_253 = arith.index_cast %get3A_252 : i32 to index
      %get3A_254 = arith.constant 16 : index
      %get3A_255 = tpu.vector_load %arg6[%get3A_253, %get3A_254] {strides = array<i32>} : memref<32x32xi32, #tpu.memory_space<vmem>>, vector<16xi32>,
      %add3A_256 = arith.addi %add3A_246, %get3A_255 : vector<16xi32>
      %get3A_257 = arith.constant 25 : i32
      %get3A_258 = arith.index_cast %get3A_257 : i32 to index
      %get3A_259 = arith.constant 0 : index
      %get3A_260 = tpu.vector_load %arg6[%get3A_258, %get3A_259] {strides = array<i32>} : memref<32x32xi32, #tpu.memory_space<vmem>>, vector<16xi32>,
      %add3A_261 = arith.addi %add3A_251, %get3A_260 : vector<16xi32>
      %get3A_262 = arith.constant 25 : i32
      %get3A_263 = arith.index_cast %get3A_262 : i32 to index
      %get3A_264 = arith.constant 16 : index
      %get3A_265 = tpu.vector_load %arg6[%get3A_263, %get3A_264] {strides = array<i32>} : memref<32x32xi32, #tpu.memory_space<vmem>>, vector<16xi32>,
      %add3A_266 = arith.addi %add3A_256, %get3A_265 : vector<16xi32>
      %get3A_267 = arith.constant 26 : i32
      %get3A_268 = arith.index_cast %get3A_267 : i32 to index
      %get3A_269 = arith.constant 0 : index
      %get3A_270 = tpu.vector_load %arg6[%get3A_268, %get3A_269] {strides = array<i32>} : memref<32x32xi32, #tpu.memory_space<vmem>>, vector<16xi32>,
      %add3A_271 = arith.addi %add3A_261, %get3A_270 : vector<16xi32>
      %get3A_272 = arith.constant 26 : i32
      %get3A_273 = arith.index_cast %get3A_272 : i32 to index
      %get3A_274 = arith.constant 16 : index
      %get3A_275 = tpu.vector_load %arg6[%get3A_273, %get3A_274] {strides = array<i32>} : memref<32x32xi32, #tpu.memory_space<vmem>>, vector<16xi32>,
      %add3A_276 = arith.addi %add3A_266, %get3A_275 : vector<16xi32>
      %get3A_277 = arith.constant 27 : i32
      %get3A_278 = arith.index_cast %get3A_277 : i32 to index
      %get3A_279 = arith.constant 0 : index
      %get3A_280 = tpu.vector_load %arg6[%get3A_278, %get3A_279] {strides = array<i32>} : memref<32x32xi32, #tpu.memory_space<vmem>>, vector<16xi32>,
      %add3A_281 = arith.addi %add3A_271, %get3A_280 : vector<16xi32>
      %get3A_282 = arith.constant 27 : i32
      %get3A_283 = arith.index_cast %get3A_282 : i32 to index
      %get3A_284 = arith.constant 16 : index
      %get3A_285 = tpu.vector_load %arg6[%get3A_283, %get3A_284] {strides = array<i32>} : memref<32x32xi32, #tpu.memory_space<vmem>>, vector<16xi32>,
      %add3A_286 = arith.addi %add3A_276, %get3A_285 : vector<16xi32>
      %get3A_287 = arith.constant 28 : i32
      %get3A_288 = arith.index_cast %get3A_287 : i32 to index
      %get3A_289 = arith.constant 0 : index
      %get3A_290 = tpu.vector_load %arg6[%get3A_288, %get3A_289] {strides = array<i32>} : memref<32x32xi32, #tpu.memory_space<vmem>>, vector<16xi32>,
      %add3A_291 = arith.addi %add3A_281, %get3A_290 : vector<16xi32>
      %get3A_292 = arith.constant 28 : i32
      %get3A_293 = arith.index_cast %get3A_292 : i32 to index
      %get3A_294 = arith.constant 16 : index
      %get3A_295 = tpu.vector_load %arg6[%get3A_293, %get3A_294] {strides = array<i32>} : memref<32x32xi32, #tpu.memory_space<vmem>>, vector<16xi32>,
      %add3A_296 = arith.addi %add3A_286, %get3A_295 : vector<16xi32>
      %get3A_297 = arith.constant 29 : i32
      %get3A_298 = arith.index_cast %get3A_297 : i32 to index
      %get3A_299 = arith.constant 0 : index
      %get3A_300 = tpu.vector_load %arg6[%get3A_298, %get3A_299] {strides = array<i32>} : memref<32x32xi32, #tpu.memory_space<vmem>>, vector<16xi32>,
      %add3A_301 = arith.addi %add3A_291, %get3A_300 : vector<16xi32>
      %get3A_302 = arith.constant 29 : i32
      %get3A_303 = arith.index_cast %get3A_302 : i32 to index
      %get3A_304 = arith.constant 16 : index
      %get3A_305 = tpu.vector_load %arg6[%get3A_303, %get3A_304] {strides = array<i32>} : memref<32x32xi32, #tpu.memory_space<vmem>>, vector<16xi32>,
      %add3A_306 = arith.addi %add3A_296, %get3A_305 : vector<16xi32>
      %get3A_307 = arith.constant 30 : i32
      %get3A_308 = arith.index_cast %get3A_307 : i32 to index
      %get3A_309 = arith.constant 0 : index
      %get3A_310 = tpu.vector_load %arg6[%get3A_308, %get3A_309] {strides = array<i32>} : memref<32x32xi32, #tpu.memory_space<vmem>>, vector<16xi32>,
      %add3A_311 = arith.addi %add3A_301, %get3A_310 : vector<16xi32>
      %get3A_312 = arith.constant 30 : i32
      %get3A_313 = arith.index_cast %get3A_312 : i32 to index
      %get3A_314 = arith.constant 16 : index
      %get3A_315 = tpu.vector_load %arg6[%get3A_313, %get3A_314] {strides = array<i32>} : memref<32x32xi32, #tpu.memory_space<vmem>>, vector<16xi32>,
      %add3A_316 = arith.addi %add3A_306, %get3A_315 : vector<16xi32>
      %get3A_317 = arith.constant 31 : i32
      %get3A_318 = arith.index_cast %get3A_317 : i32 to index
      %get3A_319 = arith.constant 0 : index
      %get3A_320 = tpu.vector_load %arg6[%get3A_318, %get3A_319] {strides = array<i32>} : memref<32x32xi32, #tpu.memory_space<vmem>>, vector<16xi32>,
      %add3A_321 = arith.addi %add3A_311, %get3A_320 : vector<16xi32>
      %get3A_322 = arith.constant 31 : i32
      %get3A_323 = arith.index_cast %get3A_322 : i32 to index
      %get3A_324 = arith.constant 16 : index
      %get3A_325 = tpu.vector_load %arg6[%get3A_323, %get3A_324] {strides = array<i32>} : memref<32x32xi32, #tpu.memory_space<vmem>>, vector<16xi32>,
      %add3A_326 = arith.addi %add3A_316, %get3A_325 : vector<16xi32>
      %swap3A = arith.constant 0 : index
      %swap3A_327 = tpu.vector_load %arg10[%swap3A] {strides = array<i32>} : memref<32xi32, #tpu.memory_space<vmem>>, vector<16xi32>,
      tpu.vector_store %arg10[%swap3A], %add3A_321 {strides = array<i32>} : memref<32xi32, #tpu.memory_space<vmem>>, vector<16xi32>,
      %swap3A_328 = arith.constant 16 : index
      %swap3A_329 = tpu.vector_load %arg10[%swap3A_328] {strides = array<i32>} : memref<32xi32, #tpu.memory_space<vmem>>, vector<16xi32>,
      tpu.vector_store %arg10[%swap3A_328], %add3A_326 {strides = array<i32>} : memref<32xi32, #tpu.memory_space<vmem>>, vector<16xi32>,
      "tpu.region"() ({
        %run_scoped3A = tpu.sem_alloc : memref<!tpu.dma_semaphore, #tpu.memory_space<semaphore_mem>>
        tpu.enqueue_dma source(%arg10 : memref<32xi32, #tpu.memory_space<vmem>>) target(%arg5 : memref<32xi32, #tpu.memory_space<hbm>>) target_semaphore(%run_scoped3A : memref<!tpu.dma_semaphore, #tpu.memory_space<semaphore_mem>>)
        tpu.wait_dma2 semaphore(%run_scoped3A : memref<!tpu.dma_semaphore, #tpu.memory_space<semaphore_mem>>) src(%arg10 : memref<32xi32, #tpu.memory_space<vmem>>) dst(%arg5 : memref<32xi32, #tpu.memory_space<hbm>>)
        tpu.yield
      }) : () -> ()
    } else {
    }
    %lt3A = arith.constant 28 : i32
    %lt3A_4 = arith.cmpi slt, %add3A, %lt3A : i32
    %convert_element_type3A_5 = arith.extui %lt3A_4 : i1 to i32
    %cond3A_6 = arith.constant 0 : i32
    %cond3A_7 = arith.cmpi ne, %convert_element_type3A_5, %cond3A_6 : i32
    scf.if %cond3A_7 {
      "tpu.region"() ({
        %run_scoped3A = tpu.sem_alloc : memref<!tpu.dma_semaphore, #tpu.memory_space<semaphore_mem>>
        %dma_start3A = arith.constant 0 : i32
        %dma_start3A_41 = arith.constant 0 : i32
        %dma_start3A_42 = tpu.memref_slice %arg3[%add3A, %dma_start3A, %dma_start3A_41] : memref<28x32x200xi32, #tpu.memory_space<hbm>> -> memref<1x32x200xi32, #tpu.memory_space<hbm>>
        %dma_start3A_43 = tpu.memref_squeeze %dma_start3A_42 : memref<1x32x200xi32, #tpu.memory_space<hbm>> -> memref<32x200xi32, #tpu.memory_space<hbm>>
        %dma_start3A_44 = arith.constant 0 : i32
        %dma_start3A_45 = arith.constant 0 : i32
        %dma_start3A_46 = tpu.memref_slice %arg3[%add3A, %dma_start3A_44, %dma_start3A_45] : memref<28x32x200xi32, #tpu.memory_space<hbm>> -> memref<1x32x200xi32, #tpu.memory_space<hbm>>
        %dma_start3A_47 = tpu.memref_squeeze %dma_start3A_46 : memref<1x32x200xi32, #tpu.memory_space<hbm>> -> memref<32x200xi32, #tpu.memory_space<hbm>>
        tpu.enqueue_dma source(%dma_start3A_47 : memref<32x200xi32, #tpu.memory_space<hbm>>) target(%arg7 : memref<32x200xi32, #tpu.memory_space<vmem>>) target_semaphore(%run_scoped3A : memref<!tpu.dma_semaphore, #tpu.memory_space<semaphore_mem>>)
        %dma_wait3A = arith.constant 0 : i32
        %dma_wait3A_48 = arith.constant 0 : i32
        %dma_wait3A_49 = tpu.memref_slice %arg3[%add3A, %dma_wait3A, %dma_wait3A_48] : memref<28x32x200xi32, #tpu.memory_space<hbm>> -> memref<1x32x200xi32, #tpu.memory_space<hbm>>
        %dma_wait3A_50 = tpu.memref_squeeze %dma_wait3A_49 : memref<1x32x200xi32, #tpu.memory_space<hbm>> -> memref<32x200xi32, #tpu.memory_space<hbm>>
        %dma_wait3A_51 = arith.constant 0 : i32
        %dma_wait3A_52 = arith.constant 0 : i32
        %dma_wait3A_53 = tpu.memref_slice %arg3[%add3A, %dma_wait3A_51, %dma_wait3A_52] : memref<28x32x200xi32, #tpu.memory_space<hbm>> -> memref<1x32x200xi32, #tpu.memory_space<hbm>>
        %dma_wait3A_54 = tpu.memref_squeeze %dma_wait3A_53 : memref<1x32x200xi32, #tpu.memory_space<hbm>> -> memref<32x200xi32, #tpu.memory_space<hbm>>
        tpu.wait_dma2 semaphore(%run_scoped3A : memref<!tpu.dma_semaphore, #tpu.memory_space<semaphore_mem>>) src(%dma_wait3A_54 : memref<32x200xi32, #tpu.memory_space<hbm>>) dst(%arg7 : memref<32x200xi32, #tpu.memory_space<vmem>>)
        tpu.yield
      }) : () -> ()
      %broadcast_in_dim3A_8 = vector.broadcast %add3A : i32 to vector<16xi32>
      %gather3A = tpu.vector_load_idx %arg6[%iota3A, %broadcast_in_dim3A_8] : memref<32x32xi32, #tpu.memory_space<vmem>>[vector<16xi32>, vector<16xi32>], vector<16xi32>,
      %add3A_9 = arith.constant 16 : i32
      %add3A_10 = vector.broadcast %add3A_9 : i32 to vector<16xi32>
      %add3A_11 = arith.addi %iota3A, %add3A_10 : vector<16xi32>
      %gather3A_12 = tpu.vector_load_idx %arg6[%add3A_11, %broadcast_in_dim3A_8] : memref<32x32xi32, #tpu.memory_space<vmem>>[vector<16xi32>, vector<16xi32>], vector<16xi32>,
      %reduce_sum3A = arith.constant true
      %reduce_sum3A_13 = vector.broadcast %reduce_sum3A : i1 to vector<16xi1>
      %reduce_sum3A_14 = tpu.scan <sum>, %gather3A masked %reduce_sum3A_13 : vector<16xi32>, vector<16xi1> -> vector<16xi32>
      %reduce_sum3A_15 = vector.extract %reduce_sum3A_14[15] : i32 from vector<16xi32>
      %broadcast_in_dim3A_16 = arith.constant true
      %broadcast_in_dim3A_17 = vector.broadcast %broadcast_in_dim3A_16 : i1 to vector<16xi1>
      %masked_cumsum3A = tpu.scan <sum>, %gather3A masked %broadcast_in_dim3A_17 : vector<16xi32>, vector<16xi1> -> vector<16xi32>
      %broadcast_in_dim3A_18 = arith.constant true
      %broadcast_in_dim3A_19 = vector.broadcast %broadcast_in_dim3A_18 : i1 to vector<16xi1>
      %masked_cumsum3A_20 = tpu.scan <sum>, %gather3A_12 masked %broadcast_in_dim3A_19 : vector<16xi32>, vector<16xi1> -> vector<16xi32>
      %add3A_21 = vector.broadcast %reduce_sum3A_15 : i32 to vector<16xi32>
      %add3A_22 = arith.addi %masked_cumsum3A_20, %add3A_21 : vector<16xi32>
      %reduce_sum3A_23 = arith.constant true
      %reduce_sum3A_24 = vector.broadcast %reduce_sum3A_23 : i1 to vector<16xi1>
      %reduce_sum3A_25 = tpu.scan <sum>, %gather3A_12 masked %reduce_sum3A_24 : vector<16xi32>, vector<16xi1> -> vector<16xi32>
      %reduce_sum3A_26 = vector.extract %reduce_sum3A_25[15] : i32 from vector<16xi32>
      %add3A_27 = arith.addi %reduce_sum3A_15, %reduce_sum3A_26 : i32
      %sub3A = arith.subi %masked_cumsum3A, %gather3A : vector<16xi32>
      %swap3A = arith.constant 0 : index
      %swap3A_28 = tpu.vector_load %arg8[%swap3A] {strides = array<i32>} : memref<32xi32, #tpu.memory_space<vmem>>, vector<16xi32>,
      tpu.vector_store %arg8[%swap3A], %sub3A {strides = array<i32>} : memref<32xi32, #tpu.memory_space<vmem>>, vector<16xi32>,
      %sub3A_29 = arith.subi %add3A_22, %gather3A_12 : vector<16xi32>
      %swap3A_30 = arith.constant 16 : index
      %swap3A_31 = tpu.vector_load %arg8[%swap3A_30] {strides = array<i32>} : memref<32xi32, #tpu.memory_space<vmem>>, vector<16xi32>,
      tpu.vector_store %arg8[%swap3A_30], %sub3A_29 {strides = array<i32>} : memref<32xi32, #tpu.memory_space<vmem>>, vector<16xi32>,
      %min3A = arith.constant 200 : i32
      %min3A_32 = arith.minsi %add3A_27, %min3A : i32
      %sub3A_33 = arith.subi %masked_cumsum3A, %gather3A : vector<16xi32>
      %sub3A_34 = arith.subi %add3A_22, %gather3A_12 : vector<16xi32>
      %scan3A = arith.constant 0 : i32
      %scan3A_35 = arith.constant 0 : i32
      %scan3A_36 = arith.constant 13 : i32
      %scan3A_37 = arith.addi %scan3A_35, %scan3A_36 : i32
      %scan3A_38 = arith.constant 1 : i32
      %scan3A_39 = scf.for %scan3A_41 = %scan3A_35 to %scan3A_37 step %scan3A_38 iter_args(%scan3A_42 = %scan3A) -> (i32)  : i32 {
        %mul3A_43 = arith.constant 16 : i32
        %mul3A_44 = arith.muli %scan3A_41, %mul3A_43 : i32
        %add3A_45 = vector.broadcast %mul3A_44 : i32 to vector<16xi32>
        %add3A_46 = arith.addi %add3A_45, %iota3A : vector<16xi32>
        %broadcast_in_dim3A_47 = arith.constant 0 : i32
        %broadcast_in_dim3A_48 = vector.broadcast %broadcast_in_dim3A_47 : i32 to vector<16xi32>
        %slice3A = vector.extract_strided_slice %sub3A_33 {offsets = [0], sizes = [1], strides = [1]} : vector<16xi32> to vector<1xi32>
        %squeeze3A = vector.extract %slice3A[0] : i32 from vector<1xi32>
        %ge3A = vector.broadcast %squeeze3A : i32 to vector<16xi32>
        %ge3A_49 = arith.cmpi sge, %add3A_46, %ge3A : vector<16xi32>
        %convert_element_type3A_50 = arith.extui %ge3A_49 : vector<16xi1> to vector<16xi32>
        %add3A_51 = arith.addi %broadcast_in_dim3A_48, %convert_element_type3A_50 : vector<16xi32>
        %slice3A_52 = vector.extract_strided_slice %sub3A_34 {offsets = [0], sizes = [1], strides = [1]} : vector<16xi32> to vector<1xi32>
        %squeeze3A_53 = vector.extract %slice3A_52[0] : i32 from vector<1xi32>
        %ge3A_54 = vector.broadcast %squeeze3A_53 : i32 to vector<16xi32>
        %ge3A_55 = arith.cmpi sge, %add3A_46, %ge3A_54 : vector<16xi32>
        %convert_element_type3A_56 = arith.extui %ge3A_55 : vector<16xi1> to vector<16xi32>
        %add3A_57 = arith.addi %add3A_51, %convert_element_type3A_56 : vector<16xi32>
        %slice3A_58 = vector.extract_strided_slice %sub3A_33 {offsets = [1], sizes = [1], strides = [1]} : vector<16xi32> to vector<1xi32>
        %squeeze3A_59 = vector.extract %slice3A_58[0] : i32 from vector<1xi32>
        %ge3A_60 = vector.broadcast %squeeze3A_59 : i32 to vector<16xi32>
        %ge3A_61 = arith.cmpi sge, %add3A_46, %ge3A_60 : vector<16xi32>
        %convert_element_type3A_62 = arith.extui %ge3A_61 : vector<16xi1> to vector<16xi32>
        %add3A_63 = arith.addi %add3A_57, %convert_element_type3A_62 : vector<16xi32>
        %slice3A_64 = vector.extract_strided_slice %sub3A_34 {offsets = [1], sizes = [1], strides = [1]} : vector<16xi32> to vector<1xi32>
        %squeeze3A_65 = vector.extract %slice3A_64[0] : i32 from vector<1xi32>
        %ge3A_66 = vector.broadcast %squeeze3A_65 : i32 to vector<16xi32>
        %ge3A_67 = arith.cmpi sge, %add3A_46, %ge3A_66 : vector<16xi32>
        %convert_element_type3A_68 = arith.extui %ge3A_67 : vector<16xi1> to vector<16xi32>
        %add3A_69 = arith.addi %add3A_63, %convert_element_type3A_68 : vector<16xi32>
        %slice3A_70 = vector.extract_strided_slice %sub3A_33 {offsets = [2], sizes = [1], strides = [1]} : vector<16xi32> to vector<1xi32>
        %squeeze3A_71 = vector.extract %slice3A_70[0] : i32 from vector<1xi32>
        %ge3A_72 = vector.broadcast %squeeze3A_71 : i32 to vector<16xi32>
        %ge3A_73 = arith.cmpi sge, %add3A_46, %ge3A_72 : vector<16xi32>
        %convert_element_type3A_74 = arith.extui %ge3A_73 : vector<16xi1> to vector<16xi32>
        %add3A_75 = arith.addi %add3A_69, %convert_element_type3A_74 : vector<16xi32>
        %slice3A_76 = vector.extract_strided_slice %sub3A_34 {offsets = [2], sizes = [1], strides = [1]} : vector<16xi32> to vector<1xi32>
        %squeeze3A_77 = vector.extract %slice3A_76[0] : i32 from vector<1xi32>
        %ge3A_78 = vector.broadcast %squeeze3A_77 : i32 to vector<16xi32>
        %ge3A_79 = arith.cmpi sge, %add3A_46, %ge3A_78 : vector<16xi32>
        %convert_element_type3A_80 = arith.extui %ge3A_79 : vector<16xi1> to vector<16xi32>
        %add3A_81 = arith.addi %add3A_75, %convert_element_type3A_80 : vector<16xi32>
        %slice3A_82 = vector.extract_strided_slice %sub3A_33 {offsets = [3], sizes = [1], strides = [1]} : vector<16xi32> to vector<1xi32>
        %squeeze3A_83 = vector.extract %slice3A_82[0] : i32 from vector<1xi32>
        %ge3A_84 = vector.broadcast %squeeze3A_83 : i32 to vector<16xi32>
        %ge3A_85 = arith.cmpi sge, %add3A_46, %ge3A_84 : vector<16xi32>
        %convert_element_type3A_86 = arith.extui %ge3A_85 : vector<16xi1> to vector<16xi32>
        %add3A_87 = arith.addi %add3A_81, %convert_element_type3A_86 : vector<16xi32>
        %slice3A_88 = vector.extract_strided_slice %sub3A_34 {offsets = [3], sizes = [1], strides = [1]} : vector<16xi32> to vector<1xi32>
        %squeeze3A_89 = vector.extract %slice3A_88[0] : i32 from vector<1xi32>
        %ge3A_90 = vector.broadcast %squeeze3A_89 : i32 to vector<16xi32>
        %ge3A_91 = arith.cmpi sge, %add3A_46, %ge3A_90 : vector<16xi32>
        %convert_element_type3A_92 = arith.extui %ge3A_91 : vector<16xi1> to vector<16xi32>
        %add3A_93 = arith.addi %add3A_87, %convert_element_type3A_92 : vector<16xi32>
        %slice3A_94 = vector.extract_strided_slice %sub3A_33 {offsets = [4], sizes = [1], strides = [1]} : vector<16xi32> to vector<1xi32>
        %squeeze3A_95 = vector.extract %slice3A_94[0] : i32 from vector<1xi32>
        %ge3A_96 = vector.broadcast %squeeze3A_95 : i32 to vector<16xi32>
        %ge3A_97 = arith.cmpi sge, %add3A_46, %ge3A_96 : vector<16xi32>
        %convert_element_type3A_98 = arith.extui %ge3A_97 : vector<16xi1> to vector<16xi32>
        %add3A_99 = arith.addi %add3A_93, %convert_element_type3A_98 : vector<16xi32>
        %slice3A_100 = vector.extract_strided_slice %sub3A_34 {offsets = [4], sizes = [1], strides = [1]} : vector<16xi32> to vector<1xi32>
        %squeeze3A_101 = vector.extract %slice3A_100[0] : i32 from vector<1xi32>
        %ge3A_102 = vector.broadcast %squeeze3A_101 : i32 to vector<16xi32>
        %ge3A_103 = arith.cmpi sge, %add3A_46, %ge3A_102 : vector<16xi32>
        %convert_element_type3A_104 = arith.extui %ge3A_103 : vector<16xi1> to vector<16xi32>
        %add3A_105 = arith.addi %add3A_99, %convert_element_type3A_104 : vector<16xi32>
        %slice3A_106 = vector.extract_strided_slice %sub3A_33 {offsets = [5], sizes = [1], strides = [1]} : vector<16xi32> to vector<1xi32>
        %squeeze3A_107 = vector.extract %slice3A_106[0] : i32 from vector<1xi32>
        %ge3A_108 = vector.broadcast %squeeze3A_107 : i32 to vector<16xi32>
        %ge3A_109 = arith.cmpi sge, %add3A_46, %ge3A_108 : vector<16xi32>
        %convert_element_type3A_110 = arith.extui %ge3A_109 : vector<16xi1> to vector<16xi32>
        %add3A_111 = arith.addi %add3A_105, %convert_element_type3A_110 : vector<16xi32>
        %slice3A_112 = vector.extract_strided_slice %sub3A_34 {offsets = [5], sizes = [1], strides = [1]} : vector<16xi32> to vector<1xi32>
        %squeeze3A_113 = vector.extract %slice3A_112[0] : i32 from vector<1xi32>
        %ge3A_114 = vector.broadcast %squeeze3A_113 : i32 to vector<16xi32>
        %ge3A_115 = arith.cmpi sge, %add3A_46, %ge3A_114 : vector<16xi32>
        %convert_element_type3A_116 = arith.extui %ge3A_115 : vector<16xi1> to vector<16xi32>
        %add3A_117 = arith.addi %add3A_111, %convert_element_type3A_116 : vector<16xi32>
        %slice3A_118 = vector.extract_strided_slice %sub3A_33 {offsets = [6], sizes = [1], strides = [1]} : vector<16xi32> to vector<1xi32>
        %squeeze3A_119 = vector.extract %slice3A_118[0] : i32 from vector<1xi32>
        %ge3A_120 = vector.broadcast %squeeze3A_119 : i32 to vector<16xi32>
        %ge3A_121 = arith.cmpi sge, %add3A_46, %ge3A_120 : vector<16xi32>
        %convert_element_type3A_122 = arith.extui %ge3A_121 : vector<16xi1> to vector<16xi32>
        %add3A_123 = arith.addi %add3A_117, %convert_element_type3A_122 : vector<16xi32>
        %slice3A_124 = vector.extract_strided_slice %sub3A_34 {offsets = [6], sizes = [1], strides = [1]} : vector<16xi32> to vector<1xi32>
        %squeeze3A_125 = vector.extract %slice3A_124[0] : i32 from vector<1xi32>
        %ge3A_126 = vector.broadcast %squeeze3A_125 : i32 to vector<16xi32>
        %ge3A_127 = arith.cmpi sge, %add3A_46, %ge3A_126 : vector<16xi32>
        %convert_element_type3A_128 = arith.extui %ge3A_127 : vector<16xi1> to vector<16xi32>
        %add3A_129 = arith.addi %add3A_123, %convert_element_type3A_128 : vector<16xi32>
        %slice3A_130 = vector.extract_strided_slice %sub3A_33 {offsets = [7], sizes = [1], strides = [1]} : vector<16xi32> to vector<1xi32>
        %squeeze3A_131 = vector.extract %slice3A_130[0] : i32 from vector<1xi32>
        %ge3A_132 = vector.broadcast %squeeze3A_131 : i32 to vector<16xi32>
        %ge3A_133 = arith.cmpi sge, %add3A_46, %ge3A_132 : vector<16xi32>
        %convert_element_type3A_134 = arith.extui %ge3A_133 : vector<16xi1> to vector<16xi32>
        %add3A_135 = arith.addi %add3A_129, %convert_element_type3A_134 : vector<16xi32>
        %slice3A_136 = vector.extract_strided_slice %sub3A_34 {offsets = [7], sizes = [1], strides = [1]} : vector<16xi32> to vector<1xi32>
        %squeeze3A_137 = vector.extract %slice3A_136[0] : i32 from vector<1xi32>
        %ge3A_138 = vector.broadcast %squeeze3A_137 : i32 to vector<16xi32>
        %ge3A_139 = arith.cmpi sge, %add3A_46, %ge3A_138 : vector<16xi32>
        %convert_element_type3A_140 = arith.extui %ge3A_139 : vector<16xi1> to vector<16xi32>
        %add3A_141 = arith.addi %add3A_135, %convert_element_type3A_140 : vector<16xi32>
        %slice3A_142 = vector.extract_strided_slice %sub3A_33 {offsets = [8], sizes = [1], strides = [1]} : vector<16xi32> to vector<1xi32>
        %squeeze3A_143 = vector.extract %slice3A_142[0] : i32 from vector<1xi32>
        %ge3A_144 = vector.broadcast %squeeze3A_143 : i32 to vector<16xi32>
        %ge3A_145 = arith.cmpi sge, %add3A_46, %ge3A_144 : vector<16xi32>
        %convert_element_type3A_146 = arith.extui %ge3A_145 : vector<16xi1> to vector<16xi32>
        %add3A_147 = arith.addi %add3A_141, %convert_element_type3A_146 : vector<16xi32>
        %slice3A_148 = vector.extract_strided_slice %sub3A_34 {offsets = [8], sizes = [1], strides = [1]} : vector<16xi32> to vector<1xi32>
        %squeeze3A_149 = vector.extract %slice3A_148[0] : i32 from vector<1xi32>
        %ge3A_150 = vector.broadcast %squeeze3A_149 : i32 to vector<16xi32>
        %ge3A_151 = arith.cmpi sge, %add3A_46, %ge3A_150 : vector<16xi32>
        %convert_element_type3A_152 = arith.extui %ge3A_151 : vector<16xi1> to vector<16xi32>
        %add3A_153 = arith.addi %add3A_147, %convert_element_type3A_152 : vector<16xi32>
        %slice3A_154 = vector.extract_strided_slice %sub3A_33 {offsets = [9], sizes = [1], strides = [1]} : vector<16xi32> to vector<1xi32>
        %squeeze3A_155 = vector.extract %slice3A_154[0] : i32 from vector<1xi32>
        %ge3A_156 = vector.broadcast %squeeze3A_155 : i32 to vector<16xi32>
        %ge3A_157 = arith.cmpi sge, %add3A_46, %ge3A_156 : vector<16xi32>
        %convert_element_type3A_158 = arith.extui %ge3A_157 : vector<16xi1> to vector<16xi32>
        %add3A_159 = arith.addi %add3A_153, %convert_element_type3A_158 : vector<16xi32>
        %slice3A_160 = vector.extract_strided_slice %sub3A_34 {offsets = [9], sizes = [1], strides = [1]} : vector<16xi32> to vector<1xi32>
        %squeeze3A_161 = vector.extract %slice3A_160[0] : i32 from vector<1xi32>
        %ge3A_162 = vector.broadcast %squeeze3A_161 : i32 to vector<16xi32>
        %ge3A_163 = arith.cmpi sge, %add3A_46, %ge3A_162 : vector<16xi32>
        %convert_element_type3A_164 = arith.extui %ge3A_163 : vector<16xi1> to vector<16xi32>
        %add3A_165 = arith.addi %add3A_159, %convert_element_type3A_164 : vector<16xi32>
        %slice3A_166 = vector.extract_strided_slice %sub3A_33 {offsets = [10], sizes = [1], strides = [1]} : vector<16xi32> to vector<1xi32>
        %squeeze3A_167 = vector.extract %slice3A_166[0] : i32 from vector<1xi32>
        %ge3A_168 = vector.broadcast %squeeze3A_167 : i32 to vector<16xi32>
        %ge3A_169 = arith.cmpi sge, %add3A_46, %ge3A_168 : vector<16xi32>
        %convert_element_type3A_170 = arith.extui %ge3A_169 : vector<16xi1> to vector<16xi32>
        %add3A_171 = arith.addi %add3A_165, %convert_element_type3A_170 : vector<16xi32>
        %slice3A_172 = vector.extract_strided_slice %sub3A_34 {offsets = [10], sizes = [1], strides = [1]} : vector<16xi32> to vector<1xi32>
        %squeeze3A_173 = vector.extract %slice3A_172[0] : i32 from vector<1xi32>
        %ge3A_174 = vector.broadcast %squeeze3A_173 : i32 to vector<16xi32>
        %ge3A_175 = arith.cmpi sge, %add3A_46, %ge3A_174 : vector<16xi32>
        %convert_element_type3A_176 = arith.extui %ge3A_175 : vector<16xi1> to vector<16xi32>
        %add3A_177 = arith.addi %add3A_171, %convert_element_type3A_176 : vector<16xi32>
        %slice3A_178 = vector.extract_strided_slice %sub3A_33 {offsets = [11], sizes = [1], strides = [1]} : vector<16xi32> to vector<1xi32>
        %squeeze3A_179 = vector.extract %slice3A_178[0] : i32 from vector<1xi32>
        %ge3A_180 = vector.broadcast %squeeze3A_179 : i32 to vector<16xi32>
        %ge3A_181 = arith.cmpi sge, %add3A_46, %ge3A_180 : vector<16xi32>
        %convert_element_type3A_182 = arith.extui %ge3A_181 : vector<16xi1> to vector<16xi32>
        %add3A_183 = arith.addi %add3A_177, %convert_element_type3A_182 : vector<16xi32>
        %slice3A_184 = vector.extract_strided_slice %sub3A_34 {offsets = [11], sizes = [1], strides = [1]} : vector<16xi32> to vector<1xi32>
        %squeeze3A_185 = vector.extract %slice3A_184[0] : i32 from vector<1xi32>
        %ge3A_186 = vector.broadcast %squeeze3A_185 : i32 to vector<16xi32>
        %ge3A_187 = arith.cmpi sge, %add3A_46, %ge3A_186 : vector<16xi32>
        %convert_element_type3A_188 = arith.extui %ge3A_187 : vector<16xi1> to vector<16xi32>
        %add3A_189 = arith.addi %add3A_183, %convert_element_type3A_188 : vector<16xi32>
        %slice3A_190 = vector.extract_strided_slice %sub3A_33 {offsets = [12], sizes = [1], strides = [1]} : vector<16xi32> to vector<1xi32>
        %squeeze3A_191 = vector.extract %slice3A_190[0] : i32 from vector<1xi32>
        %ge3A_192 = vector.broadcast %squeeze3A_191 : i32 to vector<16xi32>
        %ge3A_193 = arith.cmpi sge, %add3A_46, %ge3A_192 : vector<16xi32>
        %convert_element_type3A_194 = arith.extui %ge3A_193 : vector<16xi1> to vector<16xi32>
        %add3A_195 = arith.addi %add3A_189, %convert_element_type3A_194 : vector<16xi32>
        %slice3A_196 = vector.extract_strided_slice %sub3A_34 {offsets = [12], sizes = [1], strides = [1]} : vector<16xi32> to vector<1xi32>
        %squeeze3A_197 = vector.extract %slice3A_196[0] : i32 from vector<1xi32>
        %ge3A_198 = vector.broadcast %squeeze3A_197 : i32 to vector<16xi32>
        %ge3A_199 = arith.cmpi sge, %add3A_46, %ge3A_198 : vector<16xi32>
        %convert_element_type3A_200 = arith.extui %ge3A_199 : vector<16xi1> to vector<16xi32>
        %add3A_201 = arith.addi %add3A_195, %convert_element_type3A_200 : vector<16xi32>
        %slice3A_202 = vector.extract_strided_slice %sub3A_33 {offsets = [13], sizes = [1], strides = [1]} : vector<16xi32> to vector<1xi32>
        %squeeze3A_203 = vector.extract %slice3A_202[0] : i32 from vector<1xi32>
        %ge3A_204 = vector.broadcast %squeeze3A_203 : i32 to vector<16xi32>
        %ge3A_205 = arith.cmpi sge, %add3A_46, %ge3A_204 : vector<16xi32>
        %convert_element_type3A_206 = arith.extui %ge3A_205 : vector<16xi1> to vector<16xi32>
        %add3A_207 = arith.addi %add3A_201, %convert_element_type3A_206 : vector<16xi32>
        %slice3A_208 = vector.extract_strided_slice %sub3A_34 {offsets = [13], sizes = [1], strides = [1]} : vector<16xi32> to vector<1xi32>
        %squeeze3A_209 = vector.extract %slice3A_208[0] : i32 from vector<1xi32>
        %ge3A_210 = vector.broadcast %squeeze3A_209 : i32 to vector<16xi32>
        %ge3A_211 = arith.cmpi sge, %add3A_46, %ge3A_210 : vector<16xi32>
        %convert_element_type3A_212 = arith.extui %ge3A_211 : vector<16xi1> to vector<16xi32>
        %add3A_213 = arith.addi %add3A_207, %convert_element_type3A_212 : vector<16xi32>
        %slice3A_214 = vector.extract_strided_slice %sub3A_33 {offsets = [14], sizes = [1], strides = [1]} : vector<16xi32> to vector<1xi32>
        %squeeze3A_215 = vector.extract %slice3A_214[0] : i32 from vector<1xi32>
        %ge3A_216 = vector.broadcast %squeeze3A_215 : i32 to vector<16xi32>
        %ge3A_217 = arith.cmpi sge, %add3A_46, %ge3A_216 : vector<16xi32>
        %convert_element_type3A_218 = arith.extui %ge3A_217 : vector<16xi1> to vector<16xi32>
        %add3A_219 = arith.addi %add3A_213, %convert_element_type3A_218 : vector<16xi32>
        %slice3A_220 = vector.extract_strided_slice %sub3A_34 {offsets = [14], sizes = [1], strides = [1]} : vector<16xi32> to vector<1xi32>
        %squeeze3A_221 = vector.extract %slice3A_220[0] : i32 from vector<1xi32>
        %ge3A_222 = vector.broadcast %squeeze3A_221 : i32 to vector<16xi32>
        %ge3A_223 = arith.cmpi sge, %add3A_46, %ge3A_222 : vector<16xi32>
        %convert_element_type3A_224 = arith.extui %ge3A_223 : vector<16xi1> to vector<16xi32>
        %add3A_225 = arith.addi %add3A_219, %convert_element_type3A_224 : vector<16xi32>
        %slice3A_226 = vector.extract_strided_slice %sub3A_33 {offsets = [15], sizes = [1], strides = [1]} : vector<16xi32> to vector<1xi32>
        %squeeze3A_227 = vector.extract %slice3A_226[0] : i32 from vector<1xi32>
        %ge3A_228 = vector.broadcast %squeeze3A_227 : i32 to vector<16xi32>
        %ge3A_229 = arith.cmpi sge, %add3A_46, %ge3A_228 : vector<16xi32>
        %convert_element_type3A_230 = arith.extui %ge3A_229 : vector<16xi1> to vector<16xi32>
        %add3A_231 = arith.addi %add3A_225, %convert_element_type3A_230 : vector<16xi32>
        %slice3A_232 = vector.extract_strided_slice %sub3A_34 {offsets = [15], sizes = [1], strides = [1]} : vector<16xi32> to vector<1xi32>
        %squeeze3A_233 = vector.extract %slice3A_232[0] : i32 from vector<1xi32>
        %ge3A_234 = vector.broadcast %squeeze3A_233 : i32 to vector<16xi32>
        %ge3A_235 = arith.cmpi sge, %add3A_46, %ge3A_234 : vector<16xi32>
        %convert_element_type3A_236 = arith.extui %ge3A_235 : vector<16xi1> to vector<16xi32>
        %add3A_237 = arith.addi %add3A_231, %convert_element_type3A_236 : vector<16xi32>
        %sub3A_238 = arith.constant 1 : i32
        %sub3A_239 = vector.broadcast %sub3A_238 : i32 to vector<16xi32>
        %sub3A_240 = arith.subi %add3A_237, %sub3A_239 : vector<16xi32>
        %gather3A_241 = tpu.vector_load_idx %arg8[%sub3A_240] : memref<32xi32, #tpu.memory_space<vmem>>[vector<16xi32>], vector<16xi32>,
        %sub3A_242 = arith.subi %add3A_46, %gather3A_241 : vector<16xi32>
        %jit3A = arith.constant 0 : i32
        %jit3A_243 = arith.constant 199 : i32
        %max3A = vector.broadcast %jit3A : i32 to vector<16xi32>
        %max3A_244 = arith.maxsi %max3A, %sub3A_242 : vector<16xi32>
        %min3A_245 = vector.broadcast %jit3A_243 : i32 to vector<16xi32>
        %min3A_246 = arith.minsi %min3A_245, %max3A_244 : vector<16xi32>
        %gather3A_247 = tpu.vector_load_idx %arg7[%sub3A_240, %min3A_246] : memref<32x200xi32, #tpu.memory_space<vmem>>[vector<16xi32>, vector<16xi32>], vector<16xi32>,
        %lt3A_248 = vector.broadcast %min3A_32 : i32 to vector<16xi32>
        %lt3A_249 = arith.cmpi slt, %add3A_46, %lt3A_248 : vector<16xi32>
        %jit3A_250 = arith.constant 1073741823 : i32
        %broadcast_in_dim3A_251 = vector.broadcast %jit3A_250 : i32 to vector<16xi32>
        %select_n3A = arith.select %lt3A_249, %gather3A_247, %broadcast_in_dim3A_251 : vector<16xi1>, vector<16xi32>
        %mul3A_252 = arith.constant 16 : i32
        %mul3A_253 = arith.muli %scan3A_41, %mul3A_252 : i32
        %swap3A_254 = arith.index_cast %mul3A_253 : i32 to index
        %swap3A_255 = tpu.vector_load %arg9[%swap3A_254] {strides = array<i32>} : memref<208xi32, #tpu.memory_space<vmem>>, vector<16xi32>,
        tpu.vector_store %arg9[%swap3A_254], %select_n3A {strides = array<i32>} : memref<208xi32, #tpu.memory_space<vmem>>, vector<16xi32>,
        %scan3A_256 = arith.constant 0 : i32
        scf.yield %scan3A_256 : i32
      }
      %scan3A_40 = arith.constant 13 : i32
      "tpu.region"() ({
        %run_scoped3A = tpu.sem_alloc : memref<!tpu.dma_semaphore, #tpu.memory_space<semaphore_mem>>
        %dma_start3A = arith.constant 0 : i32
        %dma_start3A_41 = tpu.memref_slice %arg4[%add3A, %dma_start3A] : memref<28x208xi32, #tpu.memory_space<hbm>> -> memref<1x208xi32, #tpu.memory_space<hbm>>
        %dma_start3A_42 = tpu.memref_squeeze %dma_start3A_41 : memref<1x208xi32, #tpu.memory_space<hbm>> -> memref<208xi32, #tpu.memory_space<hbm>>
        %dma_start3A_43 = arith.constant 0 : i32
        %dma_start3A_44 = tpu.memref_slice %arg4[%add3A, %dma_start3A_43] : memref<28x208xi32, #tpu.memory_space<hbm>> -> memref<1x208xi32, #tpu.memory_space<hbm>>
        %dma_start3A_45 = tpu.memref_squeeze %dma_start3A_44 : memref<1x208xi32, #tpu.memory_space<hbm>> -> memref<208xi32, #tpu.memory_space<hbm>>
        tpu.enqueue_dma source(%arg9 : memref<208xi32, #tpu.memory_space<vmem>>) target(%dma_start3A_45 : memref<208xi32, #tpu.memory_space<hbm>>) target_semaphore(%run_scoped3A : memref<!tpu.dma_semaphore, #tpu.memory_space<semaphore_mem>>)
        %dma_wait3A = arith.constant 0 : i32
        %dma_wait3A_46 = tpu.memref_slice %arg4[%add3A, %dma_wait3A] : memref<28x208xi32, #tpu.memory_space<hbm>> -> memref<1x208xi32, #tpu.memory_space<hbm>>
        %dma_wait3A_47 = tpu.memref_squeeze %dma_wait3A_46 : memref<1x208xi32, #tpu.memory_space<hbm>> -> memref<208xi32, #tpu.memory_space<hbm>>
        %dma_wait3A_48 = arith.constant 0 : i32
        %dma_wait3A_49 = tpu.memref_slice %arg4[%add3A, %dma_wait3A_48] : memref<28x208xi32, #tpu.memory_space<hbm>> -> memref<1x208xi32, #tpu.memory_space<hbm>>
        %dma_wait3A_50 = tpu.memref_squeeze %dma_wait3A_49 : memref<1x208xi32, #tpu.memory_space<hbm>> -> memref<208xi32, #tpu.memory_space<hbm>>
        tpu.wait_dma2 semaphore(%run_scoped3A : memref<!tpu.dma_semaphore, #tpu.memory_space<semaphore_mem>>) src(%arg9 : memref<208xi32, #tpu.memory_space<vmem>>) dst(%dma_wait3A_50 : memref<208xi32, #tpu.memory_space<hbm>>)
        tpu.yield
      }) : () -> ()
    } else {
    }
    return
  }
}

#map = affine_map<(d0, d1) -> (0)>
#map1 = affine_map<(d0, d1) -> (0, 0)>
#map2 = affine_map<(d0, d1) -> (0, 0, 0)>
module attributes {stable_mosaic.version = 14 : i64} {
  func.func @_k1_body(%arg0: i32, %arg1: i32, %arg2: memref<524288xi32, #tpu.memory_space<hbm>>, %arg3: memref<32x32xi32, #tpu.memory_space<hbm>>, %arg4: memref<28x32x200xi32, #tpu.memory_space<hbm>>, %arg5: memref<16384xi32, #tpu.memory_space<vmem>>, %arg6: memref<28x200xi32, #tpu.memory_space<vmem>>, %arg7: memref<32xi32, #tpu.memory_space<vmem>>, %arg8: memref<!tpu.dma_semaphore, #tpu.memory_space<semaphore_mem>>) attributes {dimension_semantics = [#tpu.dimension_semantics<core_parallel>, #tpu.dimension_semantics<subcore_parallel>], iteration_bounds = array<i64: 2, 16>, scalar_prefetch = 0 : i64, scratch_operands = 4 : i64, tpu.core_type = #tpu.core_type<sc_vector_subcore>, window_params = [{transform_indices = #map}, {transform_indices = #map1}, {transform_indices = #map2}]} {
    %mul3A = arith.constant 2 : i32
    %mul3A_0 = arith.muli %arg1, %mul3A : i32
    %add3A = arith.addi %mul3A_0, %arg0 : i32
    %mul3A_1 = arith.constant 16384 : i32
    %mul3A_2 = arith.muli %add3A, %mul3A_1 : i32
    "tpu.region"() ({
      %run_scoped3A = tpu.sem_alloc : memref<!tpu.dma_semaphore, #tpu.memory_space<semaphore_mem>>
      %dma_start3A_795 = tpu.memref_slice %arg2[%mul3A_2] : memref<524288xi32, #tpu.memory_space<hbm>> -> memref<16384xi32, #tpu.memory_space<hbm>>
      %dma_start3A_796 = tpu.memref_slice %arg2[%mul3A_2] : memref<524288xi32, #tpu.memory_space<hbm>> -> memref<16384xi32, #tpu.memory_space<hbm>>
      tpu.enqueue_dma source(%dma_start3A_796 : memref<16384xi32, #tpu.memory_space<hbm>>) target(%arg5 : memref<16384xi32, #tpu.memory_space<vmem>>) target_semaphore(%run_scoped3A : memref<!tpu.dma_semaphore, #tpu.memory_space<semaphore_mem>>)
      %dma_wait3A_797 = tpu.memref_slice %arg2[%mul3A_2] : memref<524288xi32, #tpu.memory_space<hbm>> -> memref<16384xi32, #tpu.memory_space<hbm>>
      %dma_wait3A_798 = tpu.memref_slice %arg2[%mul3A_2] : memref<524288xi32, #tpu.memory_space<hbm>> -> memref<16384xi32, #tpu.memory_space<hbm>>
      tpu.wait_dma2 semaphore(%run_scoped3A : memref<!tpu.dma_semaphore, #tpu.memory_space<semaphore_mem>>) src(%dma_wait3A_798 : memref<16384xi32, #tpu.memory_space<hbm>>) dst(%arg5 : memref<16384xi32, #tpu.memory_space<vmem>>)
      tpu.yield
    }) : () -> ()
    %broadcast_in_dim3A = arith.constant 0 : i32
    %broadcast_in_dim3A_3 = vector.broadcast %broadcast_in_dim3A : i32 to vector<16xi32>
    %swap3A = arith.constant 0 : index
    %swap3A_4 = tpu.vector_load %arg7[%swap3A] {strides = array<i32>} : memref<32xi32, #tpu.memory_space<vmem>>, vector<16xi32>,
    tpu.vector_store %arg7[%swap3A], %broadcast_in_dim3A_3 {strides = array<i32>} : memref<32xi32, #tpu.memory_space<vmem>>, vector<16xi32>,
    %swap3A_5 = arith.constant 16 : index
    %swap3A_6 = tpu.vector_load %arg7[%swap3A_5] {strides = array<i32>} : memref<32xi32, #tpu.memory_space<vmem>>, vector<16xi32>,
    tpu.vector_store %arg7[%swap3A_5], %broadcast_in_dim3A_3 {strides = array<i32>} : memref<32xi32, #tpu.memory_space<vmem>>, vector<16xi32>,
    %iota3A = tpu.iota {dimensions = array<i32: 0>} : vector<16xi32>
    %scan3A = arith.constant 0 : i32
    %scan3A_7 = arith.constant 0 : i32
    %scan3A_8 = arith.constant 1024 : i32
    %scan3A_9 = arith.addi %scan3A_7, %scan3A_8 : i32
    %scan3A_10 = arith.constant 1 : i32
    %scan3A_11 = scf.for %scan3A_795 = %scan3A_7 to %scan3A_9 step %scan3A_10 iter_args(%scan3A_796 = %scan3A) -> (i32)  : i32 {
      %mul3A_797 = arith.constant 16 : i32
      %mul3A_798 = arith.muli %scan3A_795, %mul3A_797 : i32
      %get3A = arith.index_cast %mul3A_798 : i32 to index
      %get3A_799 = tpu.vector_load %arg5[%get3A] {strides = array<i32>} : memref<16384xi32, #tpu.memory_space<vmem>>, vector<16xi32>,
      %broadcast_in_dim3A_800 = arith.constant true
      %broadcast_in_dim3A_801 = vector.broadcast %broadcast_in_dim3A_800 : i1 to vector<16xi1>
      %unique3A, %unique3A_802 = tpu.scan_count mask(%broadcast_in_dim3A_801 : vector<16xi1>) value(%get3A_799 : vector<16xi32>) : vector<16xi1>, vector<16xi32>
      %gather3A = tpu.vector_load_idx %arg7[%get3A_799] : memref<32xi32, #tpu.memory_space<vmem>>[vector<16xi32>], vector<16xi32>,
      %add3A_803 = arith.addi %gather3A, %unique3A_802 : vector<16xi32>
      %sub3A = arith.constant 1 : i32
      %sub3A_804 = vector.broadcast %sub3A : i32 to vector<16xi32>
      %sub3A_805 = arith.subi %add3A_803, %sub3A_804 : vector<16xi32>
      %lt3A = arith.constant 200 : i32
      %lt3A_806 = vector.broadcast %lt3A : i32 to vector<16xi32>
      %lt3A_807 = arith.cmpi slt, %sub3A_805, %lt3A_806 : vector<16xi32>
      %mul3A_808 = arith.constant 16 : i32
      %mul3A_809 = arith.muli %scan3A_795, %mul3A_808 : i32
      %add3A_810 = arith.addi %mul3A_2, %mul3A_809 : i32
      %add3A_811 = vector.broadcast %add3A_810 : i32 to vector<16xi32>
      %add3A_812 = arith.addi %add3A_811, %iota3A : vector<16xi32>
      %min3A = arith.constant 199 : i32
      %min3A_813 = vector.broadcast %min3A : i32 to vector<16xi32>
      %min3A_814 = arith.minsi %sub3A_805, %min3A_813 : vector<16xi32>
      tpu.vector_store_idx %arg6[%get3A_799, %min3A_814], %add3A_812 masked %lt3A_807 : memref<28x200xi32, #tpu.memory_space<vmem>>[vector<16xi32>, vector<16xi32>], vector<16xi32>, vector<16xi1>
      %add3A_815 = arith.addi %gather3A, %unique3A_802 : vector<16xi32>
      tpu.vector_store_idx %arg7[%get3A_799], %add3A_815 masked %unique3A : memref<32xi32, #tpu.memory_space<vmem>>[vector<16xi32>], vector<16xi32>, vector<16xi1>
      %scan3A_816 = arith.constant 0 : i32
      scf.yield %scan3A_816 : i32
    }
    %scan3A_12 = arith.constant 1024 : i32
    "tpu.region"() ({
      %run_scoped3A = tpu.sem_alloc : memref<!tpu.dma_semaphore, #tpu.memory_space<semaphore_mem>>
      %dma_start3A_795 = arith.constant 0 : i32
      %dma_start3A_796 = tpu.memref_slice %arg3[%add3A, %dma_start3A_795] : memref<32x32xi32, #tpu.memory_space<hbm>> -> memref<1x32xi32, #tpu.memory_space<hbm>>
      %dma_start3A_797 = tpu.memref_squeeze %dma_start3A_796 : memref<1x32xi32, #tpu.memory_space<hbm>> -> memref<32xi32, #tpu.memory_space<hbm>>
      %dma_start3A_798 = arith.constant 0 : i32
      %dma_start3A_799 = tpu.memref_slice %arg3[%add3A, %dma_start3A_798] : memref<32x32xi32, #tpu.memory_space<hbm>> -> memref<1x32xi32, #tpu.memory_space<hbm>>
      %dma_start3A_800 = tpu.memref_squeeze %dma_start3A_799 : memref<1x32xi32, #tpu.memory_space<hbm>> -> memref<32xi32, #tpu.memory_space<hbm>>
      tpu.enqueue_dma source(%arg7 : memref<32xi32, #tpu.memory_space<vmem>>) target(%dma_start3A_800 : memref<32xi32, #tpu.memory_space<hbm>>) target_semaphore(%run_scoped3A : memref<!tpu.dma_semaphore, #tpu.memory_space<semaphore_mem>>)
      %dma_wait3A_801 = arith.constant 0 : i32
      %dma_wait3A_802 = tpu.memref_slice %arg3[%add3A, %dma_wait3A_801] : memref<32x32xi32, #tpu.memory_space<hbm>> -> memref<1x32xi32, #tpu.memory_space<hbm>>
      %dma_wait3A_803 = tpu.memref_squeeze %dma_wait3A_802 : memref<1x32xi32, #tpu.memory_space<hbm>> -> memref<32xi32, #tpu.memory_space<hbm>>
      %dma_wait3A_804 = arith.constant 0 : i32
      %dma_wait3A_805 = tpu.memref_slice %arg3[%add3A, %dma_wait3A_804] : memref<32x32xi32, #tpu.memory_space<hbm>> -> memref<1x32xi32, #tpu.memory_space<hbm>>
      %dma_wait3A_806 = tpu.memref_squeeze %dma_wait3A_805 : memref<1x32xi32, #tpu.memory_space<hbm>> -> memref<32xi32, #tpu.memory_space<hbm>>
      tpu.wait_dma2 semaphore(%run_scoped3A : memref<!tpu.dma_semaphore, #tpu.memory_space<semaphore_mem>>) src(%arg7 : memref<32xi32, #tpu.memory_space<vmem>>) dst(%dma_wait3A_806 : memref<32xi32, #tpu.memory_space<hbm>>)
      tpu.yield
    }) : () -> ()
    %dma_start3A = arith.constant 0 : i32
    %dma_start3A_13 = arith.constant 0 : i32
    %dma_start3A_14 = arith.constant 0 : i32
    %dma_start3A_15 = tpu.memref_slice %arg6[%dma_start3A, %dma_start3A_14] : memref<28x200xi32, #tpu.memory_space<vmem>> -> memref<1x200xi32, #tpu.memory_space<vmem>>
    %dma_start3A_16 = tpu.memref_squeeze %dma_start3A_15 : memref<1x200xi32, #tpu.memory_space<vmem>> -> memref<200xi32, #tpu.memory_space<vmem>>
    %dma_start3A_17 = arith.constant 0 : i32
    %dma_start3A_18 = tpu.memref_slice %arg4[%dma_start3A_13, %add3A, %dma_start3A_17] : memref<28x32x200xi32, #tpu.memory_space<hbm>> -> memref<1x1x200xi32, #tpu.memory_space<hbm>>
    %dma_start3A_19 = tpu.memref_squeeze %dma_start3A_18 : memref<1x1x200xi32, #tpu.memory_space<hbm>> -> memref<200xi32, #tpu.memory_space<hbm>>
    %dma_start3A_20 = arith.constant 0 : i32
    %dma_start3A_21 = tpu.memref_slice %arg4[%dma_start3A_13, %add3A, %dma_start3A_20] : memref<28x32x200xi32, #tpu.memory_space<hbm>> -> memref<1x1x200xi32, #tpu.memory_space<hbm>>
    %dma_start3A_22 = tpu.memref_squeeze %dma_start3A_21 : memref<1x1x200xi32, #tpu.memory_space<hbm>> -> memref<200xi32, #tpu.memory_space<hbm>>
    %dma_start3A_23 = arith.constant 0 : i32
    %dma_start3A_24 = tpu.memref_slice %arg6[%dma_start3A, %dma_start3A_23] : memref<28x200xi32, #tpu.memory_space<vmem>> -> memref<1x200xi32, #tpu.memory_space<vmem>>
    %dma_start3A_25 = tpu.memref_squeeze %dma_start3A_24 : memref<1x200xi32, #tpu.memory_space<vmem>> -> memref<200xi32, #tpu.memory_space<vmem>>
    tpu.enqueue_dma source(%dma_start3A_25 : memref<200xi32, #tpu.memory_space<vmem>>) target(%dma_start3A_22 : memref<200xi32, #tpu.memory_space<hbm>>) target_semaphore(%arg8 : memref<!tpu.dma_semaphore, #tpu.memory_space<semaphore_mem>>)
    %dma_start3A_26 = arith.constant 1 : i32
    %dma_start3A_27 = arith.constant 1 : i32
    %dma_start3A_28 = arith.constant 0 : i32
    %dma_start3A_29 = tpu.memref_slice %arg6[%dma_start3A_26, %dma_start3A_28] : memref<28x200xi32, #tpu.memory_space<vmem>> -> memref<1x200xi32, #tpu.memory_space<vmem>>
    %dma_start3A_30 = tpu.memref_squeeze %dma_start3A_29 : memref<1x200xi32, #tpu.memory_space<vmem>> -> memref<200xi32, #tpu.memory_space<vmem>>
    %dma_start3A_31 = arith.constant 0 : i32
    %dma_start3A_32 = tpu.memref_slice %arg4[%dma_start3A_27, %add3A, %dma_start3A_31] : memref<28x32x200xi32, #tpu.memory_space<hbm>> -> memref<1x1x200xi32, #tpu.memory_space<hbm>>
    %dma_start3A_33 = tpu.memref_squeeze %dma_start3A_32 : memref<1x1x200xi32, #tpu.memory_space<hbm>> -> memref<200xi32, #tpu.memory_space<hbm>>
    %dma_start3A_34 = arith.constant 0 : i32
    %dma_start3A_35 = tpu.memref_slice %arg4[%dma_start3A_27, %add3A, %dma_start3A_34] : memref<28x32x200xi32, #tpu.memory_space<hbm>> -> memref<1x1x200xi32, #tpu.memory_space<hbm>>
    %dma_start3A_36 = tpu.memref_squeeze %dma_start3A_35 : memref<1x1x200xi32, #tpu.memory_space<hbm>> -> memref<200xi32, #tpu.memory_space<hbm>>
    %dma_start3A_37 = arith.constant 0 : i32
    %dma_start3A_38 = tpu.memref_slice %arg6[%dma_start3A_26, %dma_start3A_37] : memref<28x200xi32, #tpu.memory_space<vmem>> -> memref<1x200xi32, #tpu.memory_space<vmem>>
    %dma_start3A_39 = tpu.memref_squeeze %dma_start3A_38 : memref<1x200xi32, #tpu.memory_space<vmem>> -> memref<200xi32, #tpu.memory_space<vmem>>
    tpu.enqueue_dma source(%dma_start3A_39 : memref<200xi32, #tpu.memory_space<vmem>>) target(%dma_start3A_36 : memref<200xi32, #tpu.memory_space<hbm>>) target_semaphore(%arg8 : memref<!tpu.dma_semaphore, #tpu.memory_space<semaphore_mem>>)
    %dma_start3A_40 = arith.constant 2 : i32
    %dma_start3A_41 = arith.constant 2 : i32
    %dma_start3A_42 = arith.constant 0 : i32
    %dma_start3A_43 = tpu.memref_slice %arg6[%dma_start3A_40, %dma_start3A_42] : memref<28x200xi32, #tpu.memory_space<vmem>> -> memref<1x200xi32, #tpu.memory_space<vmem>>
    %dma_start3A_44 = tpu.memref_squeeze %dma_start3A_43 : memref<1x200xi32, #tpu.memory_space<vmem>> -> memref<200xi32, #tpu.memory_space<vmem>>
    %dma_start3A_45 = arith.constant 0 : i32
    %dma_start3A_46 = tpu.memref_slice %arg4[%dma_start3A_41, %add3A, %dma_start3A_45] : memref<28x32x200xi32, #tpu.memory_space<hbm>> -> memref<1x1x200xi32, #tpu.memory_space<hbm>>
    %dma_start3A_47 = tpu.memref_squeeze %dma_start3A_46 : memref<1x1x200xi32, #tpu.memory_space<hbm>> -> memref<200xi32, #tpu.memory_space<hbm>>
    %dma_start3A_48 = arith.constant 0 : i32
    %dma_start3A_49 = tpu.memref_slice %arg4[%dma_start3A_41, %add3A, %dma_start3A_48] : memref<28x32x200xi32, #tpu.memory_space<hbm>> -> memref<1x1x200xi32, #tpu.memory_space<hbm>>
    %dma_start3A_50 = tpu.memref_squeeze %dma_start3A_49 : memref<1x1x200xi32, #tpu.memory_space<hbm>> -> memref<200xi32, #tpu.memory_space<hbm>>
    %dma_start3A_51 = arith.constant 0 : i32
    %dma_start3A_52 = tpu.memref_slice %arg6[%dma_start3A_40, %dma_start3A_51] : memref<28x200xi32, #tpu.memory_space<vmem>> -> memref<1x200xi32, #tpu.memory_space<vmem>>
    %dma_start3A_53 = tpu.memref_squeeze %dma_start3A_52 : memref<1x200xi32, #tpu.memory_space<vmem>> -> memref<200xi32, #tpu.memory_space<vmem>>
    tpu.enqueue_dma source(%dma_start3A_53 : memref<200xi32, #tpu.memory_space<vmem>>) target(%dma_start3A_50 : memref<200xi32, #tpu.memory_space<hbm>>) target_semaphore(%arg8 : memref<!tpu.dma_semaphore, #tpu.memory_space<semaphore_mem>>)
    %dma_start3A_54 = arith.constant 3 : i32
    %dma_start3A_55 = arith.constant 3 : i32
    %dma_start3A_56 = arith.constant 0 : i32
    %dma_start3A_57 = tpu.memref_slice %arg6[%dma_start3A_54, %dma_start3A_56] : memref<28x200xi32, #tpu.memory_space<vmem>> -> memref<1x200xi32, #tpu.memory_space<vmem>>
    %dma_start3A_58 = tpu.memref_squeeze %dma_start3A_57 : memref<1x200xi32, #tpu.memory_space<vmem>> -> memref<200xi32, #tpu.memory_space<vmem>>
    %dma_start3A_59 = arith.constant 0 : i32
    %dma_start3A_60 = tpu.memref_slice %arg4[%dma_start3A_55, %add3A, %dma_start3A_59] : memref<28x32x200xi32, #tpu.memory_space<hbm>> -> memref<1x1x200xi32, #tpu.memory_space<hbm>>
    %dma_start3A_61 = tpu.memref_squeeze %dma_start3A_60 : memref<1x1x200xi32, #tpu.memory_space<hbm>> -> memref<200xi32, #tpu.memory_space<hbm>>
    %dma_start3A_62 = arith.constant 0 : i32
    %dma_start3A_63 = tpu.memref_slice %arg4[%dma_start3A_55, %add3A, %dma_start3A_62] : memref<28x32x200xi32, #tpu.memory_space<hbm>> -> memref<1x1x200xi32, #tpu.memory_space<hbm>>
    %dma_start3A_64 = tpu.memref_squeeze %dma_start3A_63 : memref<1x1x200xi32, #tpu.memory_space<hbm>> -> memref<200xi32, #tpu.memory_space<hbm>>
    %dma_start3A_65 = arith.constant 0 : i32
    %dma_start3A_66 = tpu.memref_slice %arg6[%dma_start3A_54, %dma_start3A_65] : memref<28x200xi32, #tpu.memory_space<vmem>> -> memref<1x200xi32, #tpu.memory_space<vmem>>
    %dma_start3A_67 = tpu.memref_squeeze %dma_start3A_66 : memref<1x200xi32, #tpu.memory_space<vmem>> -> memref<200xi32, #tpu.memory_space<vmem>>
    tpu.enqueue_dma source(%dma_start3A_67 : memref<200xi32, #tpu.memory_space<vmem>>) target(%dma_start3A_64 : memref<200xi32, #tpu.memory_space<hbm>>) target_semaphore(%arg8 : memref<!tpu.dma_semaphore, #tpu.memory_space<semaphore_mem>>)
    %dma_start3A_68 = arith.constant 4 : i32
    %dma_start3A_69 = arith.constant 4 : i32
    %dma_start3A_70 = arith.constant 0 : i32
    %dma_start3A_71 = tpu.memref_slice %arg6[%dma_start3A_68, %dma_start3A_70] : memref<28x200xi32, #tpu.memory_space<vmem>> -> memref<1x200xi32, #tpu.memory_space<vmem>>
    %dma_start3A_72 = tpu.memref_squeeze %dma_start3A_71 : memref<1x200xi32, #tpu.memory_space<vmem>> -> memref<200xi32, #tpu.memory_space<vmem>>
    %dma_start3A_73 = arith.constant 0 : i32
    %dma_start3A_74 = tpu.memref_slice %arg4[%dma_start3A_69, %add3A, %dma_start3A_73] : memref<28x32x200xi32, #tpu.memory_space<hbm>> -> memref<1x1x200xi32, #tpu.memory_space<hbm>>
    %dma_start3A_75 = tpu.memref_squeeze %dma_start3A_74 : memref<1x1x200xi32, #tpu.memory_space<hbm>> -> memref<200xi32, #tpu.memory_space<hbm>>
    %dma_start3A_76 = arith.constant 0 : i32
    %dma_start3A_77 = tpu.memref_slice %arg4[%dma_start3A_69, %add3A, %dma_start3A_76] : memref<28x32x200xi32, #tpu.memory_space<hbm>> -> memref<1x1x200xi32, #tpu.memory_space<hbm>>
    %dma_start3A_78 = tpu.memref_squeeze %dma_start3A_77 : memref<1x1x200xi32, #tpu.memory_space<hbm>> -> memref<200xi32, #tpu.memory_space<hbm>>
    %dma_start3A_79 = arith.constant 0 : i32
    %dma_start3A_80 = tpu.memref_slice %arg6[%dma_start3A_68, %dma_start3A_79] : memref<28x200xi32, #tpu.memory_space<vmem>> -> memref<1x200xi32, #tpu.memory_space<vmem>>
    %dma_start3A_81 = tpu.memref_squeeze %dma_start3A_80 : memref<1x200xi32, #tpu.memory_space<vmem>> -> memref<200xi32, #tpu.memory_space<vmem>>
    tpu.enqueue_dma source(%dma_start3A_81 : memref<200xi32, #tpu.memory_space<vmem>>) target(%dma_start3A_78 : memref<200xi32, #tpu.memory_space<hbm>>) target_semaphore(%arg8 : memref<!tpu.dma_semaphore, #tpu.memory_space<semaphore_mem>>)
    %dma_start3A_82 = arith.constant 5 : i32
    %dma_start3A_83 = arith.constant 5 : i32
    %dma_start3A_84 = arith.constant 0 : i32
    %dma_start3A_85 = tpu.memref_slice %arg6[%dma_start3A_82, %dma_start3A_84] : memref<28x200xi32, #tpu.memory_space<vmem>> -> memref<1x200xi32, #tpu.memory_space<vmem>>
    %dma_start3A_86 = tpu.memref_squeeze %dma_start3A_85 : memref<1x200xi32, #tpu.memory_space<vmem>> -> memref<200xi32, #tpu.memory_space<vmem>>
    %dma_start3A_87 = arith.constant 0 : i32
    %dma_start3A_88 = tpu.memref_slice %arg4[%dma_start3A_83, %add3A, %dma_start3A_87] : memref<28x32x200xi32, #tpu.memory_space<hbm>> -> memref<1x1x200xi32, #tpu.memory_space<hbm>>
    %dma_start3A_89 = tpu.memref_squeeze %dma_start3A_88 : memref<1x1x200xi32, #tpu.memory_space<hbm>> -> memref<200xi32, #tpu.memory_space<hbm>>
    %dma_start3A_90 = arith.constant 0 : i32
    %dma_start3A_91 = tpu.memref_slice %arg4[%dma_start3A_83, %add3A, %dma_start3A_90] : memref<28x32x200xi32, #tpu.memory_space<hbm>> -> memref<1x1x200xi32, #tpu.memory_space<hbm>>
    %dma_start3A_92 = tpu.memref_squeeze %dma_start3A_91 : memref<1x1x200xi32, #tpu.memory_space<hbm>> -> memref<200xi32, #tpu.memory_space<hbm>>
    %dma_start3A_93 = arith.constant 0 : i32
    %dma_start3A_94 = tpu.memref_slice %arg6[%dma_start3A_82, %dma_start3A_93] : memref<28x200xi32, #tpu.memory_space<vmem>> -> memref<1x200xi32, #tpu.memory_space<vmem>>
    %dma_start3A_95 = tpu.memref_squeeze %dma_start3A_94 : memref<1x200xi32, #tpu.memory_space<vmem>> -> memref<200xi32, #tpu.memory_space<vmem>>
    tpu.enqueue_dma source(%dma_start3A_95 : memref<200xi32, #tpu.memory_space<vmem>>) target(%dma_start3A_92 : memref<200xi32, #tpu.memory_space<hbm>>) target_semaphore(%arg8 : memref<!tpu.dma_semaphore, #tpu.memory_space<semaphore_mem>>)
    %dma_start3A_96 = arith.constant 6 : i32
    %dma_start3A_97 = arith.constant 6 : i32
    %dma_start3A_98 = arith.constant 0 : i32
    %dma_start3A_99 = tpu.memref_slice %arg6[%dma_start3A_96, %dma_start3A_98] : memref<28x200xi32, #tpu.memory_space<vmem>> -> memref<1x200xi32, #tpu.memory_space<vmem>>
    %dma_start3A_100 = tpu.memref_squeeze %dma_start3A_99 : memref<1x200xi32, #tpu.memory_space<vmem>> -> memref<200xi32, #tpu.memory_space<vmem>>
    %dma_start3A_101 = arith.constant 0 : i32
    %dma_start3A_102 = tpu.memref_slice %arg4[%dma_start3A_97, %add3A, %dma_start3A_101] : memref<28x32x200xi32, #tpu.memory_space<hbm>> -> memref<1x1x200xi32, #tpu.memory_space<hbm>>
    %dma_start3A_103 = tpu.memref_squeeze %dma_start3A_102 : memref<1x1x200xi32, #tpu.memory_space<hbm>> -> memref<200xi32, #tpu.memory_space<hbm>>
    %dma_start3A_104 = arith.constant 0 : i32
    %dma_start3A_105 = tpu.memref_slice %arg4[%dma_start3A_97, %add3A, %dma_start3A_104] : memref<28x32x200xi32, #tpu.memory_space<hbm>> -> memref<1x1x200xi32, #tpu.memory_space<hbm>>
    %dma_start3A_106 = tpu.memref_squeeze %dma_start3A_105 : memref<1x1x200xi32, #tpu.memory_space<hbm>> -> memref<200xi32, #tpu.memory_space<hbm>>
    %dma_start3A_107 = arith.constant 0 : i32
    %dma_start3A_108 = tpu.memref_slice %arg6[%dma_start3A_96, %dma_start3A_107] : memref<28x200xi32, #tpu.memory_space<vmem>> -> memref<1x200xi32, #tpu.memory_space<vmem>>
    %dma_start3A_109 = tpu.memref_squeeze %dma_start3A_108 : memref<1x200xi32, #tpu.memory_space<vmem>> -> memref<200xi32, #tpu.memory_space<vmem>>
    tpu.enqueue_dma source(%dma_start3A_109 : memref<200xi32, #tpu.memory_space<vmem>>) target(%dma_start3A_106 : memref<200xi32, #tpu.memory_space<hbm>>) target_semaphore(%arg8 : memref<!tpu.dma_semaphore, #tpu.memory_space<semaphore_mem>>)
    %dma_start3A_110 = arith.constant 7 : i32
    %dma_start3A_111 = arith.constant 7 : i32
    %dma_start3A_112 = arith.constant 0 : i32
    %dma_start3A_113 = tpu.memref_slice %arg6[%dma_start3A_110, %dma_start3A_112] : memref<28x200xi32, #tpu.memory_space<vmem>> -> memref<1x200xi32, #tpu.memory_space<vmem>>
    %dma_start3A_114 = tpu.memref_squeeze %dma_start3A_113 : memref<1x200xi32, #tpu.memory_space<vmem>> -> memref<200xi32, #tpu.memory_space<vmem>>
    %dma_start3A_115 = arith.constant 0 : i32
    %dma_start3A_116 = tpu.memref_slice %arg4[%dma_start3A_111, %add3A, %dma_start3A_115] : memref<28x32x200xi32, #tpu.memory_space<hbm>> -> memref<1x1x200xi32, #tpu.memory_space<hbm>>
    %dma_start3A_117 = tpu.memref_squeeze %dma_start3A_116 : memref<1x1x200xi32, #tpu.memory_space<hbm>> -> memref<200xi32, #tpu.memory_space<hbm>>
    %dma_start3A_118 = arith.constant 0 : i32
    %dma_start3A_119 = tpu.memref_slice %arg4[%dma_start3A_111, %add3A, %dma_start3A_118] : memref<28x32x200xi32, #tpu.memory_space<hbm>> -> memref<1x1x200xi32, #tpu.memory_space<hbm>>
    %dma_start3A_120 = tpu.memref_squeeze %dma_start3A_119 : memref<1x1x200xi32, #tpu.memory_space<hbm>> -> memref<200xi32, #tpu.memory_space<hbm>>
    %dma_start3A_121 = arith.constant 0 : i32
    %dma_start3A_122 = tpu.memref_slice %arg6[%dma_start3A_110, %dma_start3A_121] : memref<28x200xi32, #tpu.memory_space<vmem>> -> memref<1x200xi32, #tpu.memory_space<vmem>>
    %dma_start3A_123 = tpu.memref_squeeze %dma_start3A_122 : memref<1x200xi32, #tpu.memory_space<vmem>> -> memref<200xi32, #tpu.memory_space<vmem>>
    tpu.enqueue_dma source(%dma_start3A_123 : memref<200xi32, #tpu.memory_space<vmem>>) target(%dma_start3A_120 : memref<200xi32, #tpu.memory_space<hbm>>) target_semaphore(%arg8 : memref<!tpu.dma_semaphore, #tpu.memory_space<semaphore_mem>>)
    %dma_start3A_124 = arith.constant 8 : i32
    %dma_start3A_125 = arith.constant 8 : i32
    %dma_start3A_126 = arith.constant 0 : i32
    %dma_start3A_127 = tpu.memref_slice %arg6[%dma_start3A_124, %dma_start3A_126] : memref<28x200xi32, #tpu.memory_space<vmem>> -> memref<1x200xi32, #tpu.memory_space<vmem>>
    %dma_start3A_128 = tpu.memref_squeeze %dma_start3A_127 : memref<1x200xi32, #tpu.memory_space<vmem>> -> memref<200xi32, #tpu.memory_space<vmem>>
    %dma_start3A_129 = arith.constant 0 : i32
    %dma_start3A_130 = tpu.memref_slice %arg4[%dma_start3A_125, %add3A, %dma_start3A_129] : memref<28x32x200xi32, #tpu.memory_space<hbm>> -> memref<1x1x200xi32, #tpu.memory_space<hbm>>
    %dma_start3A_131 = tpu.memref_squeeze %dma_start3A_130 : memref<1x1x200xi32, #tpu.memory_space<hbm>> -> memref<200xi32, #tpu.memory_space<hbm>>
    %dma_start3A_132 = arith.constant 0 : i32
    %dma_start3A_133 = tpu.memref_slice %arg4[%dma_start3A_125, %add3A, %dma_start3A_132] : memref<28x32x200xi32, #tpu.memory_space<hbm>> -> memref<1x1x200xi32, #tpu.memory_space<hbm>>
    %dma_start3A_134 = tpu.memref_squeeze %dma_start3A_133 : memref<1x1x200xi32, #tpu.memory_space<hbm>> -> memref<200xi32, #tpu.memory_space<hbm>>
    %dma_start3A_135 = arith.constant 0 : i32
    %dma_start3A_136 = tpu.memref_slice %arg6[%dma_start3A_124, %dma_start3A_135] : memref<28x200xi32, #tpu.memory_space<vmem>> -> memref<1x200xi32, #tpu.memory_space<vmem>>
    %dma_start3A_137 = tpu.memref_squeeze %dma_start3A_136 : memref<1x200xi32, #tpu.memory_space<vmem>> -> memref<200xi32, #tpu.memory_space<vmem>>
    tpu.enqueue_dma source(%dma_start3A_137 : memref<200xi32, #tpu.memory_space<vmem>>) target(%dma_start3A_134 : memref<200xi32, #tpu.memory_space<hbm>>) target_semaphore(%arg8 : memref<!tpu.dma_semaphore, #tpu.memory_space<semaphore_mem>>)
    %dma_start3A_138 = arith.constant 9 : i32
    %dma_start3A_139 = arith.constant 9 : i32
    %dma_start3A_140 = arith.constant 0 : i32
    %dma_start3A_141 = tpu.memref_slice %arg6[%dma_start3A_138, %dma_start3A_140] : memref<28x200xi32, #tpu.memory_space<vmem>> -> memref<1x200xi32, #tpu.memory_space<vmem>>
    %dma_start3A_142 = tpu.memref_squeeze %dma_start3A_141 : memref<1x200xi32, #tpu.memory_space<vmem>> -> memref<200xi32, #tpu.memory_space<vmem>>
    %dma_start3A_143 = arith.constant 0 : i32
    %dma_start3A_144 = tpu.memref_slice %arg4[%dma_start3A_139, %add3A, %dma_start3A_143] : memref<28x32x200xi32, #tpu.memory_space<hbm>> -> memref<1x1x200xi32, #tpu.memory_space<hbm>>
    %dma_start3A_145 = tpu.memref_squeeze %dma_start3A_144 : memref<1x1x200xi32, #tpu.memory_space<hbm>> -> memref<200xi32, #tpu.memory_space<hbm>>
    %dma_start3A_146 = arith.constant 0 : i32
    %dma_start3A_147 = tpu.memref_slice %arg4[%dma_start3A_139, %add3A, %dma_start3A_146] : memref<28x32x200xi32, #tpu.memory_space<hbm>> -> memref<1x1x200xi32, #tpu.memory_space<hbm>>
    %dma_start3A_148 = tpu.memref_squeeze %dma_start3A_147 : memref<1x1x200xi32, #tpu.memory_space<hbm>> -> memref<200xi32, #tpu.memory_space<hbm>>
    %dma_start3A_149 = arith.constant 0 : i32
    %dma_start3A_150 = tpu.memref_slice %arg6[%dma_start3A_138, %dma_start3A_149] : memref<28x200xi32, #tpu.memory_space<vmem>> -> memref<1x200xi32, #tpu.memory_space<vmem>>
    %dma_start3A_151 = tpu.memref_squeeze %dma_start3A_150 : memref<1x200xi32, #tpu.memory_space<vmem>> -> memref<200xi32, #tpu.memory_space<vmem>>
    tpu.enqueue_dma source(%dma_start3A_151 : memref<200xi32, #tpu.memory_space<vmem>>) target(%dma_start3A_148 : memref<200xi32, #tpu.memory_space<hbm>>) target_semaphore(%arg8 : memref<!tpu.dma_semaphore, #tpu.memory_space<semaphore_mem>>)
    %dma_start3A_152 = arith.constant 10 : i32
    %dma_start3A_153 = arith.constant 10 : i32
    %dma_start3A_154 = arith.constant 0 : i32
    %dma_start3A_155 = tpu.memref_slice %arg6[%dma_start3A_152, %dma_start3A_154] : memref<28x200xi32, #tpu.memory_space<vmem>> -> memref<1x200xi32, #tpu.memory_space<vmem>>
    %dma_start3A_156 = tpu.memref_squeeze %dma_start3A_155 : memref<1x200xi32, #tpu.memory_space<vmem>> -> memref<200xi32, #tpu.memory_space<vmem>>
    %dma_start3A_157 = arith.constant 0 : i32
    %dma_start3A_158 = tpu.memref_slice %arg4[%dma_start3A_153, %add3A, %dma_start3A_157] : memref<28x32x200xi32, #tpu.memory_space<hbm>> -> memref<1x1x200xi32, #tpu.memory_space<hbm>>
    %dma_start3A_159 = tpu.memref_squeeze %dma_start3A_158 : memref<1x1x200xi32, #tpu.memory_space<hbm>> -> memref<200xi32, #tpu.memory_space<hbm>>
    %dma_start3A_160 = arith.constant 0 : i32
    %dma_start3A_161 = tpu.memref_slice %arg4[%dma_start3A_153, %add3A, %dma_start3A_160] : memref<28x32x200xi32, #tpu.memory_space<hbm>> -> memref<1x1x200xi32, #tpu.memory_space<hbm>>
    %dma_start3A_162 = tpu.memref_squeeze %dma_start3A_161 : memref<1x1x200xi32, #tpu.memory_space<hbm>> -> memref<200xi32, #tpu.memory_space<hbm>>
    %dma_start3A_163 = arith.constant 0 : i32
    %dma_start3A_164 = tpu.memref_slice %arg6[%dma_start3A_152, %dma_start3A_163] : memref<28x200xi32, #tpu.memory_space<vmem>> -> memref<1x200xi32, #tpu.memory_space<vmem>>
    %dma_start3A_165 = tpu.memref_squeeze %dma_start3A_164 : memref<1x200xi32, #tpu.memory_space<vmem>> -> memref<200xi32, #tpu.memory_space<vmem>>
    tpu.enqueue_dma source(%dma_start3A_165 : memref<200xi32, #tpu.memory_space<vmem>>) target(%dma_start3A_162 : memref<200xi32, #tpu.memory_space<hbm>>) target_semaphore(%arg8 : memref<!tpu.dma_semaphore, #tpu.memory_space<semaphore_mem>>)
    %dma_start3A_166 = arith.constant 11 : i32
    %dma_start3A_167 = arith.constant 11 : i32
    %dma_start3A_168 = arith.constant 0 : i32
    %dma_start3A_169 = tpu.memref_slice %arg6[%dma_start3A_166, %dma_start3A_168] : memref<28x200xi32, #tpu.memory_space<vmem>> -> memref<1x200xi32, #tpu.memory_space<vmem>>
    %dma_start3A_170 = tpu.memref_squeeze %dma_start3A_169 : memref<1x200xi32, #tpu.memory_space<vmem>> -> memref<200xi32, #tpu.memory_space<vmem>>
    %dma_start3A_171 = arith.constant 0 : i32
    %dma_start3A_172 = tpu.memref_slice %arg4[%dma_start3A_167, %add3A, %dma_start3A_171] : memref<28x32x200xi32, #tpu.memory_space<hbm>> -> memref<1x1x200xi32, #tpu.memory_space<hbm>>
    %dma_start3A_173 = tpu.memref_squeeze %dma_start3A_172 : memref<1x1x200xi32, #tpu.memory_space<hbm>> -> memref<200xi32, #tpu.memory_space<hbm>>
    %dma_start3A_174 = arith.constant 0 : i32
    %dma_start3A_175 = tpu.memref_slice %arg4[%dma_start3A_167, %add3A, %dma_start3A_174] : memref<28x32x200xi32, #tpu.memory_space<hbm>> -> memref<1x1x200xi32, #tpu.memory_space<hbm>>
    %dma_start3A_176 = tpu.memref_squeeze %dma_start3A_175 : memref<1x1x200xi32, #tpu.memory_space<hbm>> -> memref<200xi32, #tpu.memory_space<hbm>>
    %dma_start3A_177 = arith.constant 0 : i32
    %dma_start3A_178 = tpu.memref_slice %arg6[%dma_start3A_166, %dma_start3A_177] : memref<28x200xi32, #tpu.memory_space<vmem>> -> memref<1x200xi32, #tpu.memory_space<vmem>>
    %dma_start3A_179 = tpu.memref_squeeze %dma_start3A_178 : memref<1x200xi32, #tpu.memory_space<vmem>> -> memref<200xi32, #tpu.memory_space<vmem>>
    tpu.enqueue_dma source(%dma_start3A_179 : memref<200xi32, #tpu.memory_space<vmem>>) target(%dma_start3A_176 : memref<200xi32, #tpu.memory_space<hbm>>) target_semaphore(%arg8 : memref<!tpu.dma_semaphore, #tpu.memory_space<semaphore_mem>>)
    %dma_start3A_180 = arith.constant 12 : i32
    %dma_start3A_181 = arith.constant 12 : i32
    %dma_start3A_182 = arith.constant 0 : i32
    %dma_start3A_183 = tpu.memref_slice %arg6[%dma_start3A_180, %dma_start3A_182] : memref<28x200xi32, #tpu.memory_space<vmem>> -> memref<1x200xi32, #tpu.memory_space<vmem>>
    %dma_start3A_184 = tpu.memref_squeeze %dma_start3A_183 : memref<1x200xi32, #tpu.memory_space<vmem>> -> memref<200xi32, #tpu.memory_space<vmem>>
    %dma_start3A_185 = arith.constant 0 : i32
    %dma_start3A_186 = tpu.memref_slice %arg4[%dma_start3A_181, %add3A, %dma_start3A_185] : memref<28x32x200xi32, #tpu.memory_space<hbm>> -> memref<1x1x200xi32, #tpu.memory_space<hbm>>
    %dma_start3A_187 = tpu.memref_squeeze %dma_start3A_186 : memref<1x1x200xi32, #tpu.memory_space<hbm>> -> memref<200xi32, #tpu.memory_space<hbm>>
    %dma_start3A_188 = arith.constant 0 : i32
    %dma_start3A_189 = tpu.memref_slice %arg4[%dma_start3A_181, %add3A, %dma_start3A_188] : memref<28x32x200xi32, #tpu.memory_space<hbm>> -> memref<1x1x200xi32, #tpu.memory_space<hbm>>
    %dma_start3A_190 = tpu.memref_squeeze %dma_start3A_189 : memref<1x1x200xi32, #tpu.memory_space<hbm>> -> memref<200xi32, #tpu.memory_space<hbm>>
    %dma_start3A_191 = arith.constant 0 : i32
    %dma_start3A_192 = tpu.memref_slice %arg6[%dma_start3A_180, %dma_start3A_191] : memref<28x200xi32, #tpu.memory_space<vmem>> -> memref<1x200xi32, #tpu.memory_space<vmem>>
    %dma_start3A_193 = tpu.memref_squeeze %dma_start3A_192 : memref<1x200xi32, #tpu.memory_space<vmem>> -> memref<200xi32, #tpu.memory_space<vmem>>
    tpu.enqueue_dma source(%dma_start3A_193 : memref<200xi32, #tpu.memory_space<vmem>>) target(%dma_start3A_190 : memref<200xi32, #tpu.memory_space<hbm>>) target_semaphore(%arg8 : memref<!tpu.dma_semaphore, #tpu.memory_space<semaphore_mem>>)
    %dma_start3A_194 = arith.constant 13 : i32
    %dma_start3A_195 = arith.constant 13 : i32
    %dma_start3A_196 = arith.constant 0 : i32
    %dma_start3A_197 = tpu.memref_slice %arg6[%dma_start3A_194, %dma_start3A_196] : memref<28x200xi32, #tpu.memory_space<vmem>> -> memref<1x200xi32, #tpu.memory_space<vmem>>
    %dma_start3A_198 = tpu.memref_squeeze %dma_start3A_197 : memref<1x200xi32, #tpu.memory_space<vmem>> -> memref<200xi32, #tpu.memory_space<vmem>>
    %dma_start3A_199 = arith.constant 0 : i32
    %dma_start3A_200 = tpu.memref_slice %arg4[%dma_start3A_195, %add3A, %dma_start3A_199] : memref<28x32x200xi32, #tpu.memory_space<hbm>> -> memref<1x1x200xi32, #tpu.memory_space<hbm>>
    %dma_start3A_201 = tpu.memref_squeeze %dma_start3A_200 : memref<1x1x200xi32, #tpu.memory_space<hbm>> -> memref<200xi32, #tpu.memory_space<hbm>>
    %dma_start3A_202 = arith.constant 0 : i32
    %dma_start3A_203 = tpu.memref_slice %arg4[%dma_start3A_195, %add3A, %dma_start3A_202] : memref<28x32x200xi32, #tpu.memory_space<hbm>> -> memref<1x1x200xi32, #tpu.memory_space<hbm>>
    %dma_start3A_204 = tpu.memref_squeeze %dma_start3A_203 : memref<1x1x200xi32, #tpu.memory_space<hbm>> -> memref<200xi32, #tpu.memory_space<hbm>>
    %dma_start3A_205 = arith.constant 0 : i32
    %dma_start3A_206 = tpu.memref_slice %arg6[%dma_start3A_194, %dma_start3A_205] : memref<28x200xi32, #tpu.memory_space<vmem>> -> memref<1x200xi32, #tpu.memory_space<vmem>>
    %dma_start3A_207 = tpu.memref_squeeze %dma_start3A_206 : memref<1x200xi32, #tpu.memory_space<vmem>> -> memref<200xi32, #tpu.memory_space<vmem>>
    tpu.enqueue_dma source(%dma_start3A_207 : memref<200xi32, #tpu.memory_space<vmem>>) target(%dma_start3A_204 : memref<200xi32, #tpu.memory_space<hbm>>) target_semaphore(%arg8 : memref<!tpu.dma_semaphore, #tpu.memory_space<semaphore_mem>>)
    %dma_start3A_208 = arith.constant 14 : i32
    %dma_start3A_209 = arith.constant 14 : i32
    %dma_start3A_210 = arith.constant 0 : i32
    %dma_start3A_211 = tpu.memref_slice %arg6[%dma_start3A_208, %dma_start3A_210] : memref<28x200xi32, #tpu.memory_space<vmem>> -> memref<1x200xi32, #tpu.memory_space<vmem>>
    %dma_start3A_212 = tpu.memref_squeeze %dma_start3A_211 : memref<1x200xi32, #tpu.memory_space<vmem>> -> memref<200xi32, #tpu.memory_space<vmem>>
    %dma_start3A_213 = arith.constant 0 : i32
    %dma_start3A_214 = tpu.memref_slice %arg4[%dma_start3A_209, %add3A, %dma_start3A_213] : memref<28x32x200xi32, #tpu.memory_space<hbm>> -> memref<1x1x200xi32, #tpu.memory_space<hbm>>
    %dma_start3A_215 = tpu.memref_squeeze %dma_start3A_214 : memref<1x1x200xi32, #tpu.memory_space<hbm>> -> memref<200xi32, #tpu.memory_space<hbm>>
    %dma_start3A_216 = arith.constant 0 : i32
    %dma_start3A_217 = tpu.memref_slice %arg4[%dma_start3A_209, %add3A, %dma_start3A_216] : memref<28x32x200xi32, #tpu.memory_space<hbm>> -> memref<1x1x200xi32, #tpu.memory_space<hbm>>
    %dma_start3A_218 = tpu.memref_squeeze %dma_start3A_217 : memref<1x1x200xi32, #tpu.memory_space<hbm>> -> memref<200xi32, #tpu.memory_space<hbm>>
    %dma_start3A_219 = arith.constant 0 : i32
    %dma_start3A_220 = tpu.memref_slice %arg6[%dma_start3A_208, %dma_start3A_219] : memref<28x200xi32, #tpu.memory_space<vmem>> -> memref<1x200xi32, #tpu.memory_space<vmem>>
    %dma_start3A_221 = tpu.memref_squeeze %dma_start3A_220 : memref<1x200xi32, #tpu.memory_space<vmem>> -> memref<200xi32, #tpu.memory_space<vmem>>
    tpu.enqueue_dma source(%dma_start3A_221 : memref<200xi32, #tpu.memory_space<vmem>>) target(%dma_start3A_218 : memref<200xi32, #tpu.memory_space<hbm>>) target_semaphore(%arg8 : memref<!tpu.dma_semaphore, #tpu.memory_space<semaphore_mem>>)
    %dma_start3A_222 = arith.constant 15 : i32
    %dma_start3A_223 = arith.constant 15 : i32
    %dma_start3A_224 = arith.constant 0 : i32
    %dma_start3A_225 = tpu.memref_slice %arg6[%dma_start3A_222, %dma_start3A_224] : memref<28x200xi32, #tpu.memory_space<vmem>> -> memref<1x200xi32, #tpu.memory_space<vmem>>
    %dma_start3A_226 = tpu.memref_squeeze %dma_start3A_225 : memref<1x200xi32, #tpu.memory_space<vmem>> -> memref<200xi32, #tpu.memory_space<vmem>>
    %dma_start3A_227 = arith.constant 0 : i32
    %dma_start3A_228 = tpu.memref_slice %arg4[%dma_start3A_223, %add3A, %dma_start3A_227] : memref<28x32x200xi32, #tpu.memory_space<hbm>> -> memref<1x1x200xi32, #tpu.memory_space<hbm>>
    %dma_start3A_229 = tpu.memref_squeeze %dma_start3A_228 : memref<1x1x200xi32, #tpu.memory_space<hbm>> -> memref<200xi32, #tpu.memory_space<hbm>>
    %dma_start3A_230 = arith.constant 0 : i32
    %dma_start3A_231 = tpu.memref_slice %arg4[%dma_start3A_223, %add3A, %dma_start3A_230] : memref<28x32x200xi32, #tpu.memory_space<hbm>> -> memref<1x1x200xi32, #tpu.memory_space<hbm>>
    %dma_start3A_232 = tpu.memref_squeeze %dma_start3A_231 : memref<1x1x200xi32, #tpu.memory_space<hbm>> -> memref<200xi32, #tpu.memory_space<hbm>>
    %dma_start3A_233 = arith.constant 0 : i32
    %dma_start3A_234 = tpu.memref_slice %arg6[%dma_start3A_222, %dma_start3A_233] : memref<28x200xi32, #tpu.memory_space<vmem>> -> memref<1x200xi32, #tpu.memory_space<vmem>>
    %dma_start3A_235 = tpu.memref_squeeze %dma_start3A_234 : memref<1x200xi32, #tpu.memory_space<vmem>> -> memref<200xi32, #tpu.memory_space<vmem>>
    tpu.enqueue_dma source(%dma_start3A_235 : memref<200xi32, #tpu.memory_space<vmem>>) target(%dma_start3A_232 : memref<200xi32, #tpu.memory_space<hbm>>) target_semaphore(%arg8 : memref<!tpu.dma_semaphore, #tpu.memory_space<semaphore_mem>>)
    %dma_start3A_236 = arith.constant 16 : i32
    %dma_start3A_237 = arith.constant 16 : i32
    %dma_start3A_238 = arith.constant 0 : i32
    %dma_start3A_239 = tpu.memref_slice %arg6[%dma_start3A_236, %dma_start3A_238] : memref<28x200xi32, #tpu.memory_space<vmem>> -> memref<1x200xi32, #tpu.memory_space<vmem>>
    %dma_start3A_240 = tpu.memref_squeeze %dma_start3A_239 : memref<1x200xi32, #tpu.memory_space<vmem>> -> memref<200xi32, #tpu.memory_space<vmem>>
    %dma_start3A_241 = arith.constant 0 : i32
    %dma_start3A_242 = tpu.memref_slice %arg4[%dma_start3A_237, %add3A, %dma_start3A_241] : memref<28x32x200xi32, #tpu.memory_space<hbm>> -> memref<1x1x200xi32, #tpu.memory_space<hbm>>
    %dma_start3A_243 = tpu.memref_squeeze %dma_start3A_242 : memref<1x1x200xi32, #tpu.memory_space<hbm>> -> memref<200xi32, #tpu.memory_space<hbm>>
    %dma_start3A_244 = arith.constant 0 : i32
    %dma_start3A_245 = tpu.memref_slice %arg4[%dma_start3A_237, %add3A, %dma_start3A_244] : memref<28x32x200xi32, #tpu.memory_space<hbm>> -> memref<1x1x200xi32, #tpu.memory_space<hbm>>
    %dma_start3A_246 = tpu.memref_squeeze %dma_start3A_245 : memref<1x1x200xi32, #tpu.memory_space<hbm>> -> memref<200xi32, #tpu.memory_space<hbm>>
    %dma_start3A_247 = arith.constant 0 : i32
    %dma_start3A_248 = tpu.memref_slice %arg6[%dma_start3A_236, %dma_start3A_247] : memref<28x200xi32, #tpu.memory_space<vmem>> -> memref<1x200xi32, #tpu.memory_space<vmem>>
    %dma_start3A_249 = tpu.memref_squeeze %dma_start3A_248 : memref<1x200xi32, #tpu.memory_space<vmem>> -> memref<200xi32, #tpu.memory_space<vmem>>
    tpu.enqueue_dma source(%dma_start3A_249 : memref<200xi32, #tpu.memory_space<vmem>>) target(%dma_start3A_246 : memref<200xi32, #tpu.memory_space<hbm>>) target_semaphore(%arg8 : memref<!tpu.dma_semaphore, #tpu.memory_space<semaphore_mem>>)
    %dma_start3A_250 = arith.constant 17 : i32
    %dma_start3A_251 = arith.constant 17 : i32
    %dma_start3A_252 = arith.constant 0 : i32
    %dma_start3A_253 = tpu.memref_slice %arg6[%dma_start3A_250, %dma_start3A_252] : memref<28x200xi32, #tpu.memory_space<vmem>> -> memref<1x200xi32, #tpu.memory_space<vmem>>
    %dma_start3A_254 = tpu.memref_squeeze %dma_start3A_253 : memref<1x200xi32, #tpu.memory_space<vmem>> -> memref<200xi32, #tpu.memory_space<vmem>>
    %dma_start3A_255 = arith.constant 0 : i32
    %dma_start3A_256 = tpu.memref_slice %arg4[%dma_start3A_251, %add3A, %dma_start3A_255] : memref<28x32x200xi32, #tpu.memory_space<hbm>> -> memref<1x1x200xi32, #tpu.memory_space<hbm>>
    %dma_start3A_257 = tpu.memref_squeeze %dma_start3A_256 : memref<1x1x200xi32, #tpu.memory_space<hbm>> -> memref<200xi32, #tpu.memory_space<hbm>>
    %dma_start3A_258 = arith.constant 0 : i32
    %dma_start3A_259 = tpu.memref_slice %arg4[%dma_start3A_251, %add3A, %dma_start3A_258] : memref<28x32x200xi32, #tpu.memory_space<hbm>> -> memref<1x1x200xi32, #tpu.memory_space<hbm>>
    %dma_start3A_260 = tpu.memref_squeeze %dma_start3A_259 : memref<1x1x200xi32, #tpu.memory_space<hbm>> -> memref<200xi32, #tpu.memory_space<hbm>>
    %dma_start3A_261 = arith.constant 0 : i32
    %dma_start3A_262 = tpu.memref_slice %arg6[%dma_start3A_250, %dma_start3A_261] : memref<28x200xi32, #tpu.memory_space<vmem>> -> memref<1x200xi32, #tpu.memory_space<vmem>>
    %dma_start3A_263 = tpu.memref_squeeze %dma_start3A_262 : memref<1x200xi32, #tpu.memory_space<vmem>> -> memref<200xi32, #tpu.memory_space<vmem>>
    tpu.enqueue_dma source(%dma_start3A_263 : memref<200xi32, #tpu.memory_space<vmem>>) target(%dma_start3A_260 : memref<200xi32, #tpu.memory_space<hbm>>) target_semaphore(%arg8 : memref<!tpu.dma_semaphore, #tpu.memory_space<semaphore_mem>>)
    %dma_start3A_264 = arith.constant 18 : i32
    %dma_start3A_265 = arith.constant 18 : i32
    %dma_start3A_266 = arith.constant 0 : i32
    %dma_start3A_267 = tpu.memref_slice %arg6[%dma_start3A_264, %dma_start3A_266] : memref<28x200xi32, #tpu.memory_space<vmem>> -> memref<1x200xi32, #tpu.memory_space<vmem>>
    %dma_start3A_268 = tpu.memref_squeeze %dma_start3A_267 : memref<1x200xi32, #tpu.memory_space<vmem>> -> memref<200xi32, #tpu.memory_space<vmem>>
    %dma_start3A_269 = arith.constant 0 : i32
    %dma_start3A_270 = tpu.memref_slice %arg4[%dma_start3A_265, %add3A, %dma_start3A_269] : memref<28x32x200xi32, #tpu.memory_space<hbm>> -> memref<1x1x200xi32, #tpu.memory_space<hbm>>
    %dma_start3A_271 = tpu.memref_squeeze %dma_start3A_270 : memref<1x1x200xi32, #tpu.memory_space<hbm>> -> memref<200xi32, #tpu.memory_space<hbm>>
    %dma_start3A_272 = arith.constant 0 : i32
    %dma_start3A_273 = tpu.memref_slice %arg4[%dma_start3A_265, %add3A, %dma_start3A_272] : memref<28x32x200xi32, #tpu.memory_space<hbm>> -> memref<1x1x200xi32, #tpu.memory_space<hbm>>
    %dma_start3A_274 = tpu.memref_squeeze %dma_start3A_273 : memref<1x1x200xi32, #tpu.memory_space<hbm>> -> memref<200xi32, #tpu.memory_space<hbm>>
    %dma_start3A_275 = arith.constant 0 : i32
    %dma_start3A_276 = tpu.memref_slice %arg6[%dma_start3A_264, %dma_start3A_275] : memref<28x200xi32, #tpu.memory_space<vmem>> -> memref<1x200xi32, #tpu.memory_space<vmem>>
    %dma_start3A_277 = tpu.memref_squeeze %dma_start3A_276 : memref<1x200xi32, #tpu.memory_space<vmem>> -> memref<200xi32, #tpu.memory_space<vmem>>
    tpu.enqueue_dma source(%dma_start3A_277 : memref<200xi32, #tpu.memory_space<vmem>>) target(%dma_start3A_274 : memref<200xi32, #tpu.memory_space<hbm>>) target_semaphore(%arg8 : memref<!tpu.dma_semaphore, #tpu.memory_space<semaphore_mem>>)
    %dma_start3A_278 = arith.constant 19 : i32
    %dma_start3A_279 = arith.constant 19 : i32
    %dma_start3A_280 = arith.constant 0 : i32
    %dma_start3A_281 = tpu.memref_slice %arg6[%dma_start3A_278, %dma_start3A_280] : memref<28x200xi32, #tpu.memory_space<vmem>> -> memref<1x200xi32, #tpu.memory_space<vmem>>
    %dma_start3A_282 = tpu.memref_squeeze %dma_start3A_281 : memref<1x200xi32, #tpu.memory_space<vmem>> -> memref<200xi32, #tpu.memory_space<vmem>>
    %dma_start3A_283 = arith.constant 0 : i32
    %dma_start3A_284 = tpu.memref_slice %arg4[%dma_start3A_279, %add3A, %dma_start3A_283] : memref<28x32x200xi32, #tpu.memory_space<hbm>> -> memref<1x1x200xi32, #tpu.memory_space<hbm>>
    %dma_start3A_285 = tpu.memref_squeeze %dma_start3A_284 : memref<1x1x200xi32, #tpu.memory_space<hbm>> -> memref<200xi32, #tpu.memory_space<hbm>>
    %dma_start3A_286 = arith.constant 0 : i32
    %dma_start3A_287 = tpu.memref_slice %arg4[%dma_start3A_279, %add3A, %dma_start3A_286] : memref<28x32x200xi32, #tpu.memory_space<hbm>> -> memref<1x1x200xi32, #tpu.memory_space<hbm>>
    %dma_start3A_288 = tpu.memref_squeeze %dma_start3A_287 : memref<1x1x200xi32, #tpu.memory_space<hbm>> -> memref<200xi32, #tpu.memory_space<hbm>>
    %dma_start3A_289 = arith.constant 0 : i32
    %dma_start3A_290 = tpu.memref_slice %arg6[%dma_start3A_278, %dma_start3A_289] : memref<28x200xi32, #tpu.memory_space<vmem>> -> memref<1x200xi32, #tpu.memory_space<vmem>>
    %dma_start3A_291 = tpu.memref_squeeze %dma_start3A_290 : memref<1x200xi32, #tpu.memory_space<vmem>> -> memref<200xi32, #tpu.memory_space<vmem>>
    tpu.enqueue_dma source(%dma_start3A_291 : memref<200xi32, #tpu.memory_space<vmem>>) target(%dma_start3A_288 : memref<200xi32, #tpu.memory_space<hbm>>) target_semaphore(%arg8 : memref<!tpu.dma_semaphore, #tpu.memory_space<semaphore_mem>>)
    %dma_start3A_292 = arith.constant 20 : i32
    %dma_start3A_293 = arith.constant 20 : i32
    %dma_start3A_294 = arith.constant 0 : i32
    %dma_start3A_295 = tpu.memref_slice %arg6[%dma_start3A_292, %dma_start3A_294] : memref<28x200xi32, #tpu.memory_space<vmem>> -> memref<1x200xi32, #tpu.memory_space<vmem>>
    %dma_start3A_296 = tpu.memref_squeeze %dma_start3A_295 : memref<1x200xi32, #tpu.memory_space<vmem>> -> memref<200xi32, #tpu.memory_space<vmem>>
    %dma_start3A_297 = arith.constant 0 : i32
    %dma_start3A_298 = tpu.memref_slice %arg4[%dma_start3A_293, %add3A, %dma_start3A_297] : memref<28x32x200xi32, #tpu.memory_space<hbm>> -> memref<1x1x200xi32, #tpu.memory_space<hbm>>
    %dma_start3A_299 = tpu.memref_squeeze %dma_start3A_298 : memref<1x1x200xi32, #tpu.memory_space<hbm>> -> memref<200xi32, #tpu.memory_space<hbm>>
    %dma_start3A_300 = arith.constant 0 : i32
    %dma_start3A_301 = tpu.memref_slice %arg4[%dma_start3A_293, %add3A, %dma_start3A_300] : memref<28x32x200xi32, #tpu.memory_space<hbm>> -> memref<1x1x200xi32, #tpu.memory_space<hbm>>
    %dma_start3A_302 = tpu.memref_squeeze %dma_start3A_301 : memref<1x1x200xi32, #tpu.memory_space<hbm>> -> memref<200xi32, #tpu.memory_space<hbm>>
    %dma_start3A_303 = arith.constant 0 : i32
    %dma_start3A_304 = tpu.memref_slice %arg6[%dma_start3A_292, %dma_start3A_303] : memref<28x200xi32, #tpu.memory_space<vmem>> -> memref<1x200xi32, #tpu.memory_space<vmem>>
    %dma_start3A_305 = tpu.memref_squeeze %dma_start3A_304 : memref<1x200xi32, #tpu.memory_space<vmem>> -> memref<200xi32, #tpu.memory_space<vmem>>
    tpu.enqueue_dma source(%dma_start3A_305 : memref<200xi32, #tpu.memory_space<vmem>>) target(%dma_start3A_302 : memref<200xi32, #tpu.memory_space<hbm>>) target_semaphore(%arg8 : memref<!tpu.dma_semaphore, #tpu.memory_space<semaphore_mem>>)
    %dma_start3A_306 = arith.constant 21 : i32
    %dma_start3A_307 = arith.constant 21 : i32
    %dma_start3A_308 = arith.constant 0 : i32
    %dma_start3A_309 = tpu.memref_slice %arg6[%dma_start3A_306, %dma_start3A_308] : memref<28x200xi32, #tpu.memory_space<vmem>> -> memref<1x200xi32, #tpu.memory_space<vmem>>
    %dma_start3A_310 = tpu.memref_squeeze %dma_start3A_309 : memref<1x200xi32, #tpu.memory_space<vmem>> -> memref<200xi32, #tpu.memory_space<vmem>>
    %dma_start3A_311 = arith.constant 0 : i32
    %dma_start3A_312 = tpu.memref_slice %arg4[%dma_start3A_307, %add3A, %dma_start3A_311] : memref<28x32x200xi32, #tpu.memory_space<hbm>> -> memref<1x1x200xi32, #tpu.memory_space<hbm>>
    %dma_start3A_313 = tpu.memref_squeeze %dma_start3A_312 : memref<1x1x200xi32, #tpu.memory_space<hbm>> -> memref<200xi32, #tpu.memory_space<hbm>>
    %dma_start3A_314 = arith.constant 0 : i32
    %dma_start3A_315 = tpu.memref_slice %arg4[%dma_start3A_307, %add3A, %dma_start3A_314] : memref<28x32x200xi32, #tpu.memory_space<hbm>> -> memref<1x1x200xi32, #tpu.memory_space<hbm>>
    %dma_start3A_316 = tpu.memref_squeeze %dma_start3A_315 : memref<1x1x200xi32, #tpu.memory_space<hbm>> -> memref<200xi32, #tpu.memory_space<hbm>>
    %dma_start3A_317 = arith.constant 0 : i32
    %dma_start3A_318 = tpu.memref_slice %arg6[%dma_start3A_306, %dma_start3A_317] : memref<28x200xi32, #tpu.memory_space<vmem>> -> memref<1x200xi32, #tpu.memory_space<vmem>>
    %dma_start3A_319 = tpu.memref_squeeze %dma_start3A_318 : memref<1x200xi32, #tpu.memory_space<vmem>> -> memref<200xi32, #tpu.memory_space<vmem>>
    tpu.enqueue_dma source(%dma_start3A_319 : memref<200xi32, #tpu.memory_space<vmem>>) target(%dma_start3A_316 : memref<200xi32, #tpu.memory_space<hbm>>) target_semaphore(%arg8 : memref<!tpu.dma_semaphore, #tpu.memory_space<semaphore_mem>>)
    %dma_start3A_320 = arith.constant 22 : i32
    %dma_start3A_321 = arith.constant 22 : i32
    %dma_start3A_322 = arith.constant 0 : i32
    %dma_start3A_323 = tpu.memref_slice %arg6[%dma_start3A_320, %dma_start3A_322] : memref<28x200xi32, #tpu.memory_space<vmem>> -> memref<1x200xi32, #tpu.memory_space<vmem>>
    %dma_start3A_324 = tpu.memref_squeeze %dma_start3A_323 : memref<1x200xi32, #tpu.memory_space<vmem>> -> memref<200xi32, #tpu.memory_space<vmem>>
    %dma_start3A_325 = arith.constant 0 : i32
    %dma_start3A_326 = tpu.memref_slice %arg4[%dma_start3A_321, %add3A, %dma_start3A_325] : memref<28x32x200xi32, #tpu.memory_space<hbm>> -> memref<1x1x200xi32, #tpu.memory_space<hbm>>
    %dma_start3A_327 = tpu.memref_squeeze %dma_start3A_326 : memref<1x1x200xi32, #tpu.memory_space<hbm>> -> memref<200xi32, #tpu.memory_space<hbm>>
    %dma_start3A_328 = arith.constant 0 : i32
    %dma_start3A_329 = tpu.memref_slice %arg4[%dma_start3A_321, %add3A, %dma_start3A_328] : memref<28x32x200xi32, #tpu.memory_space<hbm>> -> memref<1x1x200xi32, #tpu.memory_space<hbm>>
    %dma_start3A_330 = tpu.memref_squeeze %dma_start3A_329 : memref<1x1x200xi32, #tpu.memory_space<hbm>> -> memref<200xi32, #tpu.memory_space<hbm>>
    %dma_start3A_331 = arith.constant 0 : i32
    %dma_start3A_332 = tpu.memref_slice %arg6[%dma_start3A_320, %dma_start3A_331] : memref<28x200xi32, #tpu.memory_space<vmem>> -> memref<1x200xi32, #tpu.memory_space<vmem>>
    %dma_start3A_333 = tpu.memref_squeeze %dma_start3A_332 : memref<1x200xi32, #tpu.memory_space<vmem>> -> memref<200xi32, #tpu.memory_space<vmem>>
    tpu.enqueue_dma source(%dma_start3A_333 : memref<200xi32, #tpu.memory_space<vmem>>) target(%dma_start3A_330 : memref<200xi32, #tpu.memory_space<hbm>>) target_semaphore(%arg8 : memref<!tpu.dma_semaphore, #tpu.memory_space<semaphore_mem>>)
    %dma_start3A_334 = arith.constant 23 : i32
    %dma_start3A_335 = arith.constant 23 : i32
    %dma_start3A_336 = arith.constant 0 : i32
    %dma_start3A_337 = tpu.memref_slice %arg6[%dma_start3A_334, %dma_start3A_336] : memref<28x200xi32, #tpu.memory_space<vmem>> -> memref<1x200xi32, #tpu.memory_space<vmem>>
    %dma_start3A_338 = tpu.memref_squeeze %dma_start3A_337 : memref<1x200xi32, #tpu.memory_space<vmem>> -> memref<200xi32, #tpu.memory_space<vmem>>
    %dma_start3A_339 = arith.constant 0 : i32
    %dma_start3A_340 = tpu.memref_slice %arg4[%dma_start3A_335, %add3A, %dma_start3A_339] : memref<28x32x200xi32, #tpu.memory_space<hbm>> -> memref<1x1x200xi32, #tpu.memory_space<hbm>>
    %dma_start3A_341 = tpu.memref_squeeze %dma_start3A_340 : memref<1x1x200xi32, #tpu.memory_space<hbm>> -> memref<200xi32, #tpu.memory_space<hbm>>
    %dma_start3A_342 = arith.constant 0 : i32
    %dma_start3A_343 = tpu.memref_slice %arg4[%dma_start3A_335, %add3A, %dma_start3A_342] : memref<28x32x200xi32, #tpu.memory_space<hbm>> -> memref<1x1x200xi32, #tpu.memory_space<hbm>>
    %dma_start3A_344 = tpu.memref_squeeze %dma_start3A_343 : memref<1x1x200xi32, #tpu.memory_space<hbm>> -> memref<200xi32, #tpu.memory_space<hbm>>
    %dma_start3A_345 = arith.constant 0 : i32
    %dma_start3A_346 = tpu.memref_slice %arg6[%dma_start3A_334, %dma_start3A_345] : memref<28x200xi32, #tpu.memory_space<vmem>> -> memref<1x200xi32, #tpu.memory_space<vmem>>
    %dma_start3A_347 = tpu.memref_squeeze %dma_start3A_346 : memref<1x200xi32, #tpu.memory_space<vmem>> -> memref<200xi32, #tpu.memory_space<vmem>>
    tpu.enqueue_dma source(%dma_start3A_347 : memref<200xi32, #tpu.memory_space<vmem>>) target(%dma_start3A_344 : memref<200xi32, #tpu.memory_space<hbm>>) target_semaphore(%arg8 : memref<!tpu.dma_semaphore, #tpu.memory_space<semaphore_mem>>)
    %dma_start3A_348 = arith.constant 24 : i32
    %dma_start3A_349 = arith.constant 24 : i32
    %dma_start3A_350 = arith.constant 0 : i32
    %dma_start3A_351 = tpu.memref_slice %arg6[%dma_start3A_348, %dma_start3A_350] : memref<28x200xi32, #tpu.memory_space<vmem>> -> memref<1x200xi32, #tpu.memory_space<vmem>>
    %dma_start3A_352 = tpu.memref_squeeze %dma_start3A_351 : memref<1x200xi32, #tpu.memory_space<vmem>> -> memref<200xi32, #tpu.memory_space<vmem>>
    %dma_start3A_353 = arith.constant 0 : i32
    %dma_start3A_354 = tpu.memref_slice %arg4[%dma_start3A_349, %add3A, %dma_start3A_353] : memref<28x32x200xi32, #tpu.memory_space<hbm>> -> memref<1x1x200xi32, #tpu.memory_space<hbm>>
    %dma_start3A_355 = tpu.memref_squeeze %dma_start3A_354 : memref<1x1x200xi32, #tpu.memory_space<hbm>> -> memref<200xi32, #tpu.memory_space<hbm>>
    %dma_start3A_356 = arith.constant 0 : i32
    %dma_start3A_357 = tpu.memref_slice %arg4[%dma_start3A_349, %add3A, %dma_start3A_356] : memref<28x32x200xi32, #tpu.memory_space<hbm>> -> memref<1x1x200xi32, #tpu.memory_space<hbm>>
    %dma_start3A_358 = tpu.memref_squeeze %dma_start3A_357 : memref<1x1x200xi32, #tpu.memory_space<hbm>> -> memref<200xi32, #tpu.memory_space<hbm>>
    %dma_start3A_359 = arith.constant 0 : i32
    %dma_start3A_360 = tpu.memref_slice %arg6[%dma_start3A_348, %dma_start3A_359] : memref<28x200xi32, #tpu.memory_space<vmem>> -> memref<1x200xi32, #tpu.memory_space<vmem>>
    %dma_start3A_361 = tpu.memref_squeeze %dma_start3A_360 : memref<1x200xi32, #tpu.memory_space<vmem>> -> memref<200xi32, #tpu.memory_space<vmem>>
    tpu.enqueue_dma source(%dma_start3A_361 : memref<200xi32, #tpu.memory_space<vmem>>) target(%dma_start3A_358 : memref<200xi32, #tpu.memory_space<hbm>>) target_semaphore(%arg8 : memref<!tpu.dma_semaphore, #tpu.memory_space<semaphore_mem>>)
    %dma_start3A_362 = arith.constant 25 : i32
    %dma_start3A_363 = arith.constant 25 : i32
    %dma_start3A_364 = arith.constant 0 : i32
    %dma_start3A_365 = tpu.memref_slice %arg6[%dma_start3A_362, %dma_start3A_364] : memref<28x200xi32, #tpu.memory_space<vmem>> -> memref<1x200xi32, #tpu.memory_space<vmem>>
    %dma_start3A_366 = tpu.memref_squeeze %dma_start3A_365 : memref<1x200xi32, #tpu.memory_space<vmem>> -> memref<200xi32, #tpu.memory_space<vmem>>
    %dma_start3A_367 = arith.constant 0 : i32
    %dma_start3A_368 = tpu.memref_slice %arg4[%dma_start3A_363, %add3A, %dma_start3A_367] : memref<28x32x200xi32, #tpu.memory_space<hbm>> -> memref<1x1x200xi32, #tpu.memory_space<hbm>>
    %dma_start3A_369 = tpu.memref_squeeze %dma_start3A_368 : memref<1x1x200xi32, #tpu.memory_space<hbm>> -> memref<200xi32, #tpu.memory_space<hbm>>
    %dma_start3A_370 = arith.constant 0 : i32
    %dma_start3A_371 = tpu.memref_slice %arg4[%dma_start3A_363, %add3A, %dma_start3A_370] : memref<28x32x200xi32, #tpu.memory_space<hbm>> -> memref<1x1x200xi32, #tpu.memory_space<hbm>>
    %dma_start3A_372 = tpu.memref_squeeze %dma_start3A_371 : memref<1x1x200xi32, #tpu.memory_space<hbm>> -> memref<200xi32, #tpu.memory_space<hbm>>
    %dma_start3A_373 = arith.constant 0 : i32
    %dma_start3A_374 = tpu.memref_slice %arg6[%dma_start3A_362, %dma_start3A_373] : memref<28x200xi32, #tpu.memory_space<vmem>> -> memref<1x200xi32, #tpu.memory_space<vmem>>
    %dma_start3A_375 = tpu.memref_squeeze %dma_start3A_374 : memref<1x200xi32, #tpu.memory_space<vmem>> -> memref<200xi32, #tpu.memory_space<vmem>>
    tpu.enqueue_dma source(%dma_start3A_375 : memref<200xi32, #tpu.memory_space<vmem>>) target(%dma_start3A_372 : memref<200xi32, #tpu.memory_space<hbm>>) target_semaphore(%arg8 : memref<!tpu.dma_semaphore, #tpu.memory_space<semaphore_mem>>)
    %dma_start3A_376 = arith.constant 26 : i32
    %dma_start3A_377 = arith.constant 26 : i32
    %dma_start3A_378 = arith.constant 0 : i32
    %dma_start3A_379 = tpu.memref_slice %arg6[%dma_start3A_376, %dma_start3A_378] : memref<28x200xi32, #tpu.memory_space<vmem>> -> memref<1x200xi32, #tpu.memory_space<vmem>>
    %dma_start3A_380 = tpu.memref_squeeze %dma_start3A_379 : memref<1x200xi32, #tpu.memory_space<vmem>> -> memref<200xi32, #tpu.memory_space<vmem>>
    %dma_start3A_381 = arith.constant 0 : i32
    %dma_start3A_382 = tpu.memref_slice %arg4[%dma_start3A_377, %add3A, %dma_start3A_381] : memref<28x32x200xi32, #tpu.memory_space<hbm>> -> memref<1x1x200xi32, #tpu.memory_space<hbm>>
    %dma_start3A_383 = tpu.memref_squeeze %dma_start3A_382 : memref<1x1x200xi32, #tpu.memory_space<hbm>> -> memref<200xi32, #tpu.memory_space<hbm>>
    %dma_start3A_384 = arith.constant 0 : i32
    %dma_start3A_385 = tpu.memref_slice %arg4[%dma_start3A_377, %add3A, %dma_start3A_384] : memref<28x32x200xi32, #tpu.memory_space<hbm>> -> memref<1x1x200xi32, #tpu.memory_space<hbm>>
    %dma_start3A_386 = tpu.memref_squeeze %dma_start3A_385 : memref<1x1x200xi32, #tpu.memory_space<hbm>> -> memref<200xi32, #tpu.memory_space<hbm>>
    %dma_start3A_387 = arith.constant 0 : i32
    %dma_start3A_388 = tpu.memref_slice %arg6[%dma_start3A_376, %dma_start3A_387] : memref<28x200xi32, #tpu.memory_space<vmem>> -> memref<1x200xi32, #tpu.memory_space<vmem>>
    %dma_start3A_389 = tpu.memref_squeeze %dma_start3A_388 : memref<1x200xi32, #tpu.memory_space<vmem>> -> memref<200xi32, #tpu.memory_space<vmem>>
    tpu.enqueue_dma source(%dma_start3A_389 : memref<200xi32, #tpu.memory_space<vmem>>) target(%dma_start3A_386 : memref<200xi32, #tpu.memory_space<hbm>>) target_semaphore(%arg8 : memref<!tpu.dma_semaphore, #tpu.memory_space<semaphore_mem>>)
    %dma_start3A_390 = arith.constant 27 : i32
    %dma_start3A_391 = arith.constant 27 : i32
    %dma_start3A_392 = arith.constant 0 : i32
    %dma_start3A_393 = tpu.memref_slice %arg6[%dma_start3A_390, %dma_start3A_392] : memref<28x200xi32, #tpu.memory_space<vmem>> -> memref<1x200xi32, #tpu.memory_space<vmem>>
    %dma_start3A_394 = tpu.memref_squeeze %dma_start3A_393 : memref<1x200xi32, #tpu.memory_space<vmem>> -> memref<200xi32, #tpu.memory_space<vmem>>
    %dma_start3A_395 = arith.constant 0 : i32
    %dma_start3A_396 = tpu.memref_slice %arg4[%dma_start3A_391, %add3A, %dma_start3A_395] : memref<28x32x200xi32, #tpu.memory_space<hbm>> -> memref<1x1x200xi32, #tpu.memory_space<hbm>>
    %dma_start3A_397 = tpu.memref_squeeze %dma_start3A_396 : memref<1x1x200xi32, #tpu.memory_space<hbm>> -> memref<200xi32, #tpu.memory_space<hbm>>
    %dma_start3A_398 = arith.constant 0 : i32
    %dma_start3A_399 = tpu.memref_slice %arg4[%dma_start3A_391, %add3A, %dma_start3A_398] : memref<28x32x200xi32, #tpu.memory_space<hbm>> -> memref<1x1x200xi32, #tpu.memory_space<hbm>>
    %dma_start3A_400 = tpu.memref_squeeze %dma_start3A_399 : memref<1x1x200xi32, #tpu.memory_space<hbm>> -> memref<200xi32, #tpu.memory_space<hbm>>
    %dma_start3A_401 = arith.constant 0 : i32
    %dma_start3A_402 = tpu.memref_slice %arg6[%dma_start3A_390, %dma_start3A_401] : memref<28x200xi32, #tpu.memory_space<vmem>> -> memref<1x200xi32, #tpu.memory_space<vmem>>
    %dma_start3A_403 = tpu.memref_squeeze %dma_start3A_402 : memref<1x200xi32, #tpu.memory_space<vmem>> -> memref<200xi32, #tpu.memory_space<vmem>>
    tpu.enqueue_dma source(%dma_start3A_403 : memref<200xi32, #tpu.memory_space<vmem>>) target(%dma_start3A_400 : memref<200xi32, #tpu.memory_space<hbm>>) target_semaphore(%arg8 : memref<!tpu.dma_semaphore, #tpu.memory_space<semaphore_mem>>)
    %dma_wait3A = arith.constant 0 : i32
    %dma_wait3A_404 = arith.constant 0 : i32
    %dma_wait3A_405 = arith.constant 0 : i32
    %dma_wait3A_406 = tpu.memref_slice %arg6[%dma_wait3A, %dma_wait3A_405] : memref<28x200xi32, #tpu.memory_space<vmem>> -> memref<1x200xi32, #tpu.memory_space<vmem>>
    %dma_wait3A_407 = tpu.memref_squeeze %dma_wait3A_406 : memref<1x200xi32, #tpu.memory_space<vmem>> -> memref<200xi32, #tpu.memory_space<vmem>>
    %dma_wait3A_408 = arith.constant 0 : i32
    %dma_wait3A_409 = tpu.memref_slice %arg4[%dma_wait3A_404, %add3A, %dma_wait3A_408] : memref<28x32x200xi32, #tpu.memory_space<hbm>> -> memref<1x1x200xi32, #tpu.memory_space<hbm>>
    %dma_wait3A_410 = tpu.memref_squeeze %dma_wait3A_409 : memref<1x1x200xi32, #tpu.memory_space<hbm>> -> memref<200xi32, #tpu.memory_space<hbm>>
    %dma_wait3A_411 = arith.constant 0 : i32
    %dma_wait3A_412 = tpu.memref_slice %arg4[%dma_wait3A_404, %add3A, %dma_wait3A_411] : memref<28x32x200xi32, #tpu.memory_space<hbm>> -> memref<1x1x200xi32, #tpu.memory_space<hbm>>
    %dma_wait3A_413 = tpu.memref_squeeze %dma_wait3A_412 : memref<1x1x200xi32, #tpu.memory_space<hbm>> -> memref<200xi32, #tpu.memory_space<hbm>>
    %dma_wait3A_414 = arith.constant 0 : i32
    %dma_wait3A_415 = tpu.memref_slice %arg6[%dma_wait3A, %dma_wait3A_414] : memref<28x200xi32, #tpu.memory_space<vmem>> -> memref<1x200xi32, #tpu.memory_space<vmem>>
    %dma_wait3A_416 = tpu.memref_squeeze %dma_wait3A_415 : memref<1x200xi32, #tpu.memory_space<vmem>> -> memref<200xi32, #tpu.memory_space<vmem>>
    tpu.wait_dma2 semaphore(%arg8 : memref<!tpu.dma_semaphore, #tpu.memory_space<semaphore_mem>>) src(%dma_wait3A_416 : memref<200xi32, #tpu.memory_space<vmem>>) dst(%dma_wait3A_413 : memref<200xi32, #tpu.memory_space<hbm>>)
    %dma_wait3A_417 = arith.constant 1 : i32
    %dma_wait3A_418 = arith.constant 1 : i32
    %dma_wait3A_419 = arith.constant 0 : i32
    %dma_wait3A_420 = tpu.memref_slice %arg6[%dma_wait3A_417, %dma_wait3A_419] : memref<28x200xi32, #tpu.memory_space<vmem>> -> memref<1x200xi32, #tpu.memory_space<vmem>>
    %dma_wait3A_421 = tpu.memref_squeeze %dma_wait3A_420 : memref<1x200xi32, #tpu.memory_space<vmem>> -> memref<200xi32, #tpu.memory_space<vmem>>
    %dma_wait3A_422 = arith.constant 0 : i32
    %dma_wait3A_423 = tpu.memref_slice %arg4[%dma_wait3A_418, %add3A, %dma_wait3A_422] : memref<28x32x200xi32, #tpu.memory_space<hbm>> -> memref<1x1x200xi32, #tpu.memory_space<hbm>>
    %dma_wait3A_424 = tpu.memref_squeeze %dma_wait3A_423 : memref<1x1x200xi32, #tpu.memory_space<hbm>> -> memref<200xi32, #tpu.memory_space<hbm>>
    %dma_wait3A_425 = arith.constant 0 : i32
    %dma_wait3A_426 = tpu.memref_slice %arg4[%dma_wait3A_418, %add3A, %dma_wait3A_425] : memref<28x32x200xi32, #tpu.memory_space<hbm>> -> memref<1x1x200xi32, #tpu.memory_space<hbm>>
    %dma_wait3A_427 = tpu.memref_squeeze %dma_wait3A_426 : memref<1x1x200xi32, #tpu.memory_space<hbm>> -> memref<200xi32, #tpu.memory_space<hbm>>
    %dma_wait3A_428 = arith.constant 0 : i32
    %dma_wait3A_429 = tpu.memref_slice %arg6[%dma_wait3A_417, %dma_wait3A_428] : memref<28x200xi32, #tpu.memory_space<vmem>> -> memref<1x200xi32, #tpu.memory_space<vmem>>
    %dma_wait3A_430 = tpu.memref_squeeze %dma_wait3A_429 : memref<1x200xi32, #tpu.memory_space<vmem>> -> memref<200xi32, #tpu.memory_space<vmem>>
    tpu.wait_dma2 semaphore(%arg8 : memref<!tpu.dma_semaphore, #tpu.memory_space<semaphore_mem>>) src(%dma_wait3A_430 : memref<200xi32, #tpu.memory_space<vmem>>) dst(%dma_wait3A_427 : memref<200xi32, #tpu.memory_space<hbm>>)
    %dma_wait3A_431 = arith.constant 2 : i32
    %dma_wait3A_432 = arith.constant 2 : i32
    %dma_wait3A_433 = arith.constant 0 : i32
    %dma_wait3A_434 = tpu.memref_slice %arg6[%dma_wait3A_431, %dma_wait3A_433] : memref<28x200xi32, #tpu.memory_space<vmem>> -> memref<1x200xi32, #tpu.memory_space<vmem>>
    %dma_wait3A_435 = tpu.memref_squeeze %dma_wait3A_434 : memref<1x200xi32, #tpu.memory_space<vmem>> -> memref<200xi32, #tpu.memory_space<vmem>>
    %dma_wait3A_436 = arith.constant 0 : i32
    %dma_wait3A_437 = tpu.memref_slice %arg4[%dma_wait3A_432, %add3A, %dma_wait3A_436] : memref<28x32x200xi32, #tpu.memory_space<hbm>> -> memref<1x1x200xi32, #tpu.memory_space<hbm>>
    %dma_wait3A_438 = tpu.memref_squeeze %dma_wait3A_437 : memref<1x1x200xi32, #tpu.memory_space<hbm>> -> memref<200xi32, #tpu.memory_space<hbm>>
    %dma_wait3A_439 = arith.constant 0 : i32
    %dma_wait3A_440 = tpu.memref_slice %arg4[%dma_wait3A_432, %add3A, %dma_wait3A_439] : memref<28x32x200xi32, #tpu.memory_space<hbm>> -> memref<1x1x200xi32, #tpu.memory_space<hbm>>
    %dma_wait3A_441 = tpu.memref_squeeze %dma_wait3A_440 : memref<1x1x200xi32, #tpu.memory_space<hbm>> -> memref<200xi32, #tpu.memory_space<hbm>>
    %dma_wait3A_442 = arith.constant 0 : i32
    %dma_wait3A_443 = tpu.memref_slice %arg6[%dma_wait3A_431, %dma_wait3A_442] : memref<28x200xi32, #tpu.memory_space<vmem>> -> memref<1x200xi32, #tpu.memory_space<vmem>>
    %dma_wait3A_444 = tpu.memref_squeeze %dma_wait3A_443 : memref<1x200xi32, #tpu.memory_space<vmem>> -> memref<200xi32, #tpu.memory_space<vmem>>
    tpu.wait_dma2 semaphore(%arg8 : memref<!tpu.dma_semaphore, #tpu.memory_space<semaphore_mem>>) src(%dma_wait3A_444 : memref<200xi32, #tpu.memory_space<vmem>>) dst(%dma_wait3A_441 : memref<200xi32, #tpu.memory_space<hbm>>)
    %dma_wait3A_445 = arith.constant 3 : i32
    %dma_wait3A_446 = arith.constant 3 : i32
    %dma_wait3A_447 = arith.constant 0 : i32
    %dma_wait3A_448 = tpu.memref_slice %arg6[%dma_wait3A_445, %dma_wait3A_447] : memref<28x200xi32, #tpu.memory_space<vmem>> -> memref<1x200xi32, #tpu.memory_space<vmem>>
    %dma_wait3A_449 = tpu.memref_squeeze %dma_wait3A_448 : memref<1x200xi32, #tpu.memory_space<vmem>> -> memref<200xi32, #tpu.memory_space<vmem>>
    %dma_wait3A_450 = arith.constant 0 : i32
    %dma_wait3A_451 = tpu.memref_slice %arg4[%dma_wait3A_446, %add3A, %dma_wait3A_450] : memref<28x32x200xi32, #tpu.memory_space<hbm>> -> memref<1x1x200xi32, #tpu.memory_space<hbm>>
    %dma_wait3A_452 = tpu.memref_squeeze %dma_wait3A_451 : memref<1x1x200xi32, #tpu.memory_space<hbm>> -> memref<200xi32, #tpu.memory_space<hbm>>
    %dma_wait3A_453 = arith.constant 0 : i32
    %dma_wait3A_454 = tpu.memref_slice %arg4[%dma_wait3A_446, %add3A, %dma_wait3A_453] : memref<28x32x200xi32, #tpu.memory_space<hbm>> -> memref<1x1x200xi32, #tpu.memory_space<hbm>>
    %dma_wait3A_455 = tpu.memref_squeeze %dma_wait3A_454 : memref<1x1x200xi32, #tpu.memory_space<hbm>> -> memref<200xi32, #tpu.memory_space<hbm>>
    %dma_wait3A_456 = arith.constant 0 : i32
    %dma_wait3A_457 = tpu.memref_slice %arg6[%dma_wait3A_445, %dma_wait3A_456] : memref<28x200xi32, #tpu.memory_space<vmem>> -> memref<1x200xi32, #tpu.memory_space<vmem>>
    %dma_wait3A_458 = tpu.memref_squeeze %dma_wait3A_457 : memref<1x200xi32, #tpu.memory_space<vmem>> -> memref<200xi32, #tpu.memory_space<vmem>>
    tpu.wait_dma2 semaphore(%arg8 : memref<!tpu.dma_semaphore, #tpu.memory_space<semaphore_mem>>) src(%dma_wait3A_458 : memref<200xi32, #tpu.memory_space<vmem>>) dst(%dma_wait3A_455 : memref<200xi32, #tpu.memory_space<hbm>>)
    %dma_wait3A_459 = arith.constant 4 : i32
    %dma_wait3A_460 = arith.constant 4 : i32
    %dma_wait3A_461 = arith.constant 0 : i32
    %dma_wait3A_462 = tpu.memref_slice %arg6[%dma_wait3A_459, %dma_wait3A_461] : memref<28x200xi32, #tpu.memory_space<vmem>> -> memref<1x200xi32, #tpu.memory_space<vmem>>
    %dma_wait3A_463 = tpu.memref_squeeze %dma_wait3A_462 : memref<1x200xi32, #tpu.memory_space<vmem>> -> memref<200xi32, #tpu.memory_space<vmem>>
    %dma_wait3A_464 = arith.constant 0 : i32
    %dma_wait3A_465 = tpu.memref_slice %arg4[%dma_wait3A_460, %add3A, %dma_wait3A_464] : memref<28x32x200xi32, #tpu.memory_space<hbm>> -> memref<1x1x200xi32, #tpu.memory_space<hbm>>
    %dma_wait3A_466 = tpu.memref_squeeze %dma_wait3A_465 : memref<1x1x200xi32, #tpu.memory_space<hbm>> -> memref<200xi32, #tpu.memory_space<hbm>>
    %dma_wait3A_467 = arith.constant 0 : i32
    %dma_wait3A_468 = tpu.memref_slice %arg4[%dma_wait3A_460, %add3A, %dma_wait3A_467] : memref<28x32x200xi32, #tpu.memory_space<hbm>> -> memref<1x1x200xi32, #tpu.memory_space<hbm>>
    %dma_wait3A_469 = tpu.memref_squeeze %dma_wait3A_468 : memref<1x1x200xi32, #tpu.memory_space<hbm>> -> memref<200xi32, #tpu.memory_space<hbm>>
    %dma_wait3A_470 = arith.constant 0 : i32
    %dma_wait3A_471 = tpu.memref_slice %arg6[%dma_wait3A_459, %dma_wait3A_470] : memref<28x200xi32, #tpu.memory_space<vmem>> -> memref<1x200xi32, #tpu.memory_space<vmem>>
    %dma_wait3A_472 = tpu.memref_squeeze %dma_wait3A_471 : memref<1x200xi32, #tpu.memory_space<vmem>> -> memref<200xi32, #tpu.memory_space<vmem>>
    tpu.wait_dma2 semaphore(%arg8 : memref<!tpu.dma_semaphore, #tpu.memory_space<semaphore_mem>>) src(%dma_wait3A_472 : memref<200xi32, #tpu.memory_space<vmem>>) dst(%dma_wait3A_469 : memref<200xi32, #tpu.memory_space<hbm>>)
    %dma_wait3A_473 = arith.constant 5 : i32
    %dma_wait3A_474 = arith.constant 5 : i32
    %dma_wait3A_475 = arith.constant 0 : i32
    %dma_wait3A_476 = tpu.memref_slice %arg6[%dma_wait3A_473, %dma_wait3A_475] : memref<28x200xi32, #tpu.memory_space<vmem>> -> memref<1x200xi32, #tpu.memory_space<vmem>>
    %dma_wait3A_477 = tpu.memref_squeeze %dma_wait3A_476 : memref<1x200xi32, #tpu.memory_space<vmem>> -> memref<200xi32, #tpu.memory_space<vmem>>
    %dma_wait3A_478 = arith.constant 0 : i32
    %dma_wait3A_479 = tpu.memref_slice %arg4[%dma_wait3A_474, %add3A, %dma_wait3A_478] : memref<28x32x200xi32, #tpu.memory_space<hbm>> -> memref<1x1x200xi32, #tpu.memory_space<hbm>>
    %dma_wait3A_480 = tpu.memref_squeeze %dma_wait3A_479 : memref<1x1x200xi32, #tpu.memory_space<hbm>> -> memref<200xi32, #tpu.memory_space<hbm>>
    %dma_wait3A_481 = arith.constant 0 : i32
    %dma_wait3A_482 = tpu.memref_slice %arg4[%dma_wait3A_474, %add3A, %dma_wait3A_481] : memref<28x32x200xi32, #tpu.memory_space<hbm>> -> memref<1x1x200xi32, #tpu.memory_space<hbm>>
    %dma_wait3A_483 = tpu.memref_squeeze %dma_wait3A_482 : memref<1x1x200xi32, #tpu.memory_space<hbm>> -> memref<200xi32, #tpu.memory_space<hbm>>
    %dma_wait3A_484 = arith.constant 0 : i32
    %dma_wait3A_485 = tpu.memref_slice %arg6[%dma_wait3A_473, %dma_wait3A_484] : memref<28x200xi32, #tpu.memory_space<vmem>> -> memref<1x200xi32, #tpu.memory_space<vmem>>
    %dma_wait3A_486 = tpu.memref_squeeze %dma_wait3A_485 : memref<1x200xi32, #tpu.memory_space<vmem>> -> memref<200xi32, #tpu.memory_space<vmem>>
    tpu.wait_dma2 semaphore(%arg8 : memref<!tpu.dma_semaphore, #tpu.memory_space<semaphore_mem>>) src(%dma_wait3A_486 : memref<200xi32, #tpu.memory_space<vmem>>) dst(%dma_wait3A_483 : memref<200xi32, #tpu.memory_space<hbm>>)
    %dma_wait3A_487 = arith.constant 6 : i32
    %dma_wait3A_488 = arith.constant 6 : i32
    %dma_wait3A_489 = arith.constant 0 : i32
    %dma_wait3A_490 = tpu.memref_slice %arg6[%dma_wait3A_487, %dma_wait3A_489] : memref<28x200xi32, #tpu.memory_space<vmem>> -> memref<1x200xi32, #tpu.memory_space<vmem>>
    %dma_wait3A_491 = tpu.memref_squeeze %dma_wait3A_490 : memref<1x200xi32, #tpu.memory_space<vmem>> -> memref<200xi32, #tpu.memory_space<vmem>>
    %dma_wait3A_492 = arith.constant 0 : i32
    %dma_wait3A_493 = tpu.memref_slice %arg4[%dma_wait3A_488, %add3A, %dma_wait3A_492] : memref<28x32x200xi32, #tpu.memory_space<hbm>> -> memref<1x1x200xi32, #tpu.memory_space<hbm>>
    %dma_wait3A_494 = tpu.memref_squeeze %dma_wait3A_493 : memref<1x1x200xi32, #tpu.memory_space<hbm>> -> memref<200xi32, #tpu.memory_space<hbm>>
    %dma_wait3A_495 = arith.constant 0 : i32
    %dma_wait3A_496 = tpu.memref_slice %arg4[%dma_wait3A_488, %add3A, %dma_wait3A_495] : memref<28x32x200xi32, #tpu.memory_space<hbm>> -> memref<1x1x200xi32, #tpu.memory_space<hbm>>
    %dma_wait3A_497 = tpu.memref_squeeze %dma_wait3A_496 : memref<1x1x200xi32, #tpu.memory_space<hbm>> -> memref<200xi32, #tpu.memory_space<hbm>>
    %dma_wait3A_498 = arith.constant 0 : i32
    %dma_wait3A_499 = tpu.memref_slice %arg6[%dma_wait3A_487, %dma_wait3A_498] : memref<28x200xi32, #tpu.memory_space<vmem>> -> memref<1x200xi32, #tpu.memory_space<vmem>>
    %dma_wait3A_500 = tpu.memref_squeeze %dma_wait3A_499 : memref<1x200xi32, #tpu.memory_space<vmem>> -> memref<200xi32, #tpu.memory_space<vmem>>
    tpu.wait_dma2 semaphore(%arg8 : memref<!tpu.dma_semaphore, #tpu.memory_space<semaphore_mem>>) src(%dma_wait3A_500 : memref<200xi32, #tpu.memory_space<vmem>>) dst(%dma_wait3A_497 : memref<200xi32, #tpu.memory_space<hbm>>)
    %dma_wait3A_501 = arith.constant 7 : i32
    %dma_wait3A_502 = arith.constant 7 : i32
    %dma_wait3A_503 = arith.constant 0 : i32
    %dma_wait3A_504 = tpu.memref_slice %arg6[%dma_wait3A_501, %dma_wait3A_503] : memref<28x200xi32, #tpu.memory_space<vmem>> -> memref<1x200xi32, #tpu.memory_space<vmem>>
    %dma_wait3A_505 = tpu.memref_squeeze %dma_wait3A_504 : memref<1x200xi32, #tpu.memory_space<vmem>> -> memref<200xi32, #tpu.memory_space<vmem>>
    %dma_wait3A_506 = arith.constant 0 : i32
    %dma_wait3A_507 = tpu.memref_slice %arg4[%dma_wait3A_502, %add3A, %dma_wait3A_506] : memref<28x32x200xi32, #tpu.memory_space<hbm>> -> memref<1x1x200xi32, #tpu.memory_space<hbm>>
    %dma_wait3A_508 = tpu.memref_squeeze %dma_wait3A_507 : memref<1x1x200xi32, #tpu.memory_space<hbm>> -> memref<200xi32, #tpu.memory_space<hbm>>
    %dma_wait3A_509 = arith.constant 0 : i32
    %dma_wait3A_510 = tpu.memref_slice %arg4[%dma_wait3A_502, %add3A, %dma_wait3A_509] : memref<28x32x200xi32, #tpu.memory_space<hbm>> -> memref<1x1x200xi32, #tpu.memory_space<hbm>>
    %dma_wait3A_511 = tpu.memref_squeeze %dma_wait3A_510 : memref<1x1x200xi32, #tpu.memory_space<hbm>> -> memref<200xi32, #tpu.memory_space<hbm>>
    %dma_wait3A_512 = arith.constant 0 : i32
    %dma_wait3A_513 = tpu.memref_slice %arg6[%dma_wait3A_501, %dma_wait3A_512] : memref<28x200xi32, #tpu.memory_space<vmem>> -> memref<1x200xi32, #tpu.memory_space<vmem>>
    %dma_wait3A_514 = tpu.memref_squeeze %dma_wait3A_513 : memref<1x200xi32, #tpu.memory_space<vmem>> -> memref<200xi32, #tpu.memory_space<vmem>>
    tpu.wait_dma2 semaphore(%arg8 : memref<!tpu.dma_semaphore, #tpu.memory_space<semaphore_mem>>) src(%dma_wait3A_514 : memref<200xi32, #tpu.memory_space<vmem>>) dst(%dma_wait3A_511 : memref<200xi32, #tpu.memory_space<hbm>>)
    %dma_wait3A_515 = arith.constant 8 : i32
    %dma_wait3A_516 = arith.constant 8 : i32
    %dma_wait3A_517 = arith.constant 0 : i32
    %dma_wait3A_518 = tpu.memref_slice %arg6[%dma_wait3A_515, %dma_wait3A_517] : memref<28x200xi32, #tpu.memory_space<vmem>> -> memref<1x200xi32, #tpu.memory_space<vmem>>
    %dma_wait3A_519 = tpu.memref_squeeze %dma_wait3A_518 : memref<1x200xi32, #tpu.memory_space<vmem>> -> memref<200xi32, #tpu.memory_space<vmem>>
    %dma_wait3A_520 = arith.constant 0 : i32
    %dma_wait3A_521 = tpu.memref_slice %arg4[%dma_wait3A_516, %add3A, %dma_wait3A_520] : memref<28x32x200xi32, #tpu.memory_space<hbm>> -> memref<1x1x200xi32, #tpu.memory_space<hbm>>
    %dma_wait3A_522 = tpu.memref_squeeze %dma_wait3A_521 : memref<1x1x200xi32, #tpu.memory_space<hbm>> -> memref<200xi32, #tpu.memory_space<hbm>>
    %dma_wait3A_523 = arith.constant 0 : i32
    %dma_wait3A_524 = tpu.memref_slice %arg4[%dma_wait3A_516, %add3A, %dma_wait3A_523] : memref<28x32x200xi32, #tpu.memory_space<hbm>> -> memref<1x1x200xi32, #tpu.memory_space<hbm>>
    %dma_wait3A_525 = tpu.memref_squeeze %dma_wait3A_524 : memref<1x1x200xi32, #tpu.memory_space<hbm>> -> memref<200xi32, #tpu.memory_space<hbm>>
    %dma_wait3A_526 = arith.constant 0 : i32
    %dma_wait3A_527 = tpu.memref_slice %arg6[%dma_wait3A_515, %dma_wait3A_526] : memref<28x200xi32, #tpu.memory_space<vmem>> -> memref<1x200xi32, #tpu.memory_space<vmem>>
    %dma_wait3A_528 = tpu.memref_squeeze %dma_wait3A_527 : memref<1x200xi32, #tpu.memory_space<vmem>> -> memref<200xi32, #tpu.memory_space<vmem>>
    tpu.wait_dma2 semaphore(%arg8 : memref<!tpu.dma_semaphore, #tpu.memory_space<semaphore_mem>>) src(%dma_wait3A_528 : memref<200xi32, #tpu.memory_space<vmem>>) dst(%dma_wait3A_525 : memref<200xi32, #tpu.memory_space<hbm>>)
    %dma_wait3A_529 = arith.constant 9 : i32
    %dma_wait3A_530 = arith.constant 9 : i32
    %dma_wait3A_531 = arith.constant 0 : i32
    %dma_wait3A_532 = tpu.memref_slice %arg6[%dma_wait3A_529, %dma_wait3A_531] : memref<28x200xi32, #tpu.memory_space<vmem>> -> memref<1x200xi32, #tpu.memory_space<vmem>>
    %dma_wait3A_533 = tpu.memref_squeeze %dma_wait3A_532 : memref<1x200xi32, #tpu.memory_space<vmem>> -> memref<200xi32, #tpu.memory_space<vmem>>
    %dma_wait3A_534 = arith.constant 0 : i32
    %dma_wait3A_535 = tpu.memref_slice %arg4[%dma_wait3A_530, %add3A, %dma_wait3A_534] : memref<28x32x200xi32, #tpu.memory_space<hbm>> -> memref<1x1x200xi32, #tpu.memory_space<hbm>>
    %dma_wait3A_536 = tpu.memref_squeeze %dma_wait3A_535 : memref<1x1x200xi32, #tpu.memory_space<hbm>> -> memref<200xi32, #tpu.memory_space<hbm>>
    %dma_wait3A_537 = arith.constant 0 : i32
    %dma_wait3A_538 = tpu.memref_slice %arg4[%dma_wait3A_530, %add3A, %dma_wait3A_537] : memref<28x32x200xi32, #tpu.memory_space<hbm>> -> memref<1x1x200xi32, #tpu.memory_space<hbm>>
    %dma_wait3A_539 = tpu.memref_squeeze %dma_wait3A_538 : memref<1x1x200xi32, #tpu.memory_space<hbm>> -> memref<200xi32, #tpu.memory_space<hbm>>
    %dma_wait3A_540 = arith.constant 0 : i32
    %dma_wait3A_541 = tpu.memref_slice %arg6[%dma_wait3A_529, %dma_wait3A_540] : memref<28x200xi32, #tpu.memory_space<vmem>> -> memref<1x200xi32, #tpu.memory_space<vmem>>
    %dma_wait3A_542 = tpu.memref_squeeze %dma_wait3A_541 : memref<1x200xi32, #tpu.memory_space<vmem>> -> memref<200xi32, #tpu.memory_space<vmem>>
    tpu.wait_dma2 semaphore(%arg8 : memref<!tpu.dma_semaphore, #tpu.memory_space<semaphore_mem>>) src(%dma_wait3A_542 : memref<200xi32, #tpu.memory_space<vmem>>) dst(%dma_wait3A_539 : memref<200xi32, #tpu.memory_space<hbm>>)
    %dma_wait3A_543 = arith.constant 10 : i32
    %dma_wait3A_544 = arith.constant 10 : i32
    %dma_wait3A_545 = arith.constant 0 : i32
    %dma_wait3A_546 = tpu.memref_slice %arg6[%dma_wait3A_543, %dma_wait3A_545] : memref<28x200xi32, #tpu.memory_space<vmem>> -> memref<1x200xi32, #tpu.memory_space<vmem>>
    %dma_wait3A_547 = tpu.memref_squeeze %dma_wait3A_546 : memref<1x200xi32, #tpu.memory_space<vmem>> -> memref<200xi32, #tpu.memory_space<vmem>>
    %dma_wait3A_548 = arith.constant 0 : i32
    %dma_wait3A_549 = tpu.memref_slice %arg4[%dma_wait3A_544, %add3A, %dma_wait3A_548] : memref<28x32x200xi32, #tpu.memory_space<hbm>> -> memref<1x1x200xi32, #tpu.memory_space<hbm>>
    %dma_wait3A_550 = tpu.memref_squeeze %dma_wait3A_549 : memref<1x1x200xi32, #tpu.memory_space<hbm>> -> memref<200xi32, #tpu.memory_space<hbm>>
    %dma_wait3A_551 = arith.constant 0 : i32
    %dma_wait3A_552 = tpu.memref_slice %arg4[%dma_wait3A_544, %add3A, %dma_wait3A_551] : memref<28x32x200xi32, #tpu.memory_space<hbm>> -> memref<1x1x200xi32, #tpu.memory_space<hbm>>
    %dma_wait3A_553 = tpu.memref_squeeze %dma_wait3A_552 : memref<1x1x200xi32, #tpu.memory_space<hbm>> -> memref<200xi32, #tpu.memory_space<hbm>>
    %dma_wait3A_554 = arith.constant 0 : i32
    %dma_wait3A_555 = tpu.memref_slice %arg6[%dma_wait3A_543, %dma_wait3A_554] : memref<28x200xi32, #tpu.memory_space<vmem>> -> memref<1x200xi32, #tpu.memory_space<vmem>>
    %dma_wait3A_556 = tpu.memref_squeeze %dma_wait3A_555 : memref<1x200xi32, #tpu.memory_space<vmem>> -> memref<200xi32, #tpu.memory_space<vmem>>
    tpu.wait_dma2 semaphore(%arg8 : memref<!tpu.dma_semaphore, #tpu.memory_space<semaphore_mem>>) src(%dma_wait3A_556 : memref<200xi32, #tpu.memory_space<vmem>>) dst(%dma_wait3A_553 : memref<200xi32, #tpu.memory_space<hbm>>)
    %dma_wait3A_557 = arith.constant 11 : i32
    %dma_wait3A_558 = arith.constant 11 : i32
    %dma_wait3A_559 = arith.constant 0 : i32
    %dma_wait3A_560 = tpu.memref_slice %arg6[%dma_wait3A_557, %dma_wait3A_559] : memref<28x200xi32, #tpu.memory_space<vmem>> -> memref<1x200xi32, #tpu.memory_space<vmem>>
    %dma_wait3A_561 = tpu.memref_squeeze %dma_wait3A_560 : memref<1x200xi32, #tpu.memory_space<vmem>> -> memref<200xi32, #tpu.memory_space<vmem>>
    %dma_wait3A_562 = arith.constant 0 : i32
    %dma_wait3A_563 = tpu.memref_slice %arg4[%dma_wait3A_558, %add3A, %dma_wait3A_562] : memref<28x32x200xi32, #tpu.memory_space<hbm>> -> memref<1x1x200xi32, #tpu.memory_space<hbm>>
    %dma_wait3A_564 = tpu.memref_squeeze %dma_wait3A_563 : memref<1x1x200xi32, #tpu.memory_space<hbm>> -> memref<200xi32, #tpu.memory_space<hbm>>
    %dma_wait3A_565 = arith.constant 0 : i32
    %dma_wait3A_566 = tpu.memref_slice %arg4[%dma_wait3A_558, %add3A, %dma_wait3A_565] : memref<28x32x200xi32, #tpu.memory_space<hbm>> -> memref<1x1x200xi32, #tpu.memory_space<hbm>>
    %dma_wait3A_567 = tpu.memref_squeeze %dma_wait3A_566 : memref<1x1x200xi32, #tpu.memory_space<hbm>> -> memref<200xi32, #tpu.memory_space<hbm>>
    %dma_wait3A_568 = arith.constant 0 : i32
    %dma_wait3A_569 = tpu.memref_slice %arg6[%dma_wait3A_557, %dma_wait3A_568] : memref<28x200xi32, #tpu.memory_space<vmem>> -> memref<1x200xi32, #tpu.memory_space<vmem>>
    %dma_wait3A_570 = tpu.memref_squeeze %dma_wait3A_569 : memref<1x200xi32, #tpu.memory_space<vmem>> -> memref<200xi32, #tpu.memory_space<vmem>>
    tpu.wait_dma2 semaphore(%arg8 : memref<!tpu.dma_semaphore, #tpu.memory_space<semaphore_mem>>) src(%dma_wait3A_570 : memref<200xi32, #tpu.memory_space<vmem>>) dst(%dma_wait3A_567 : memref<200xi32, #tpu.memory_space<hbm>>)
    %dma_wait3A_571 = arith.constant 12 : i32
    %dma_wait3A_572 = arith.constant 12 : i32
    %dma_wait3A_573 = arith.constant 0 : i32
    %dma_wait3A_574 = tpu.memref_slice %arg6[%dma_wait3A_571, %dma_wait3A_573] : memref<28x200xi32, #tpu.memory_space<vmem>> -> memref<1x200xi32, #tpu.memory_space<vmem>>
    %dma_wait3A_575 = tpu.memref_squeeze %dma_wait3A_574 : memref<1x200xi32, #tpu.memory_space<vmem>> -> memref<200xi32, #tpu.memory_space<vmem>>
    %dma_wait3A_576 = arith.constant 0 : i32
    %dma_wait3A_577 = tpu.memref_slice %arg4[%dma_wait3A_572, %add3A, %dma_wait3A_576] : memref<28x32x200xi32, #tpu.memory_space<hbm>> -> memref<1x1x200xi32, #tpu.memory_space<hbm>>
    %dma_wait3A_578 = tpu.memref_squeeze %dma_wait3A_577 : memref<1x1x200xi32, #tpu.memory_space<hbm>> -> memref<200xi32, #tpu.memory_space<hbm>>
    %dma_wait3A_579 = arith.constant 0 : i32
    %dma_wait3A_580 = tpu.memref_slice %arg4[%dma_wait3A_572, %add3A, %dma_wait3A_579] : memref<28x32x200xi32, #tpu.memory_space<hbm>> -> memref<1x1x200xi32, #tpu.memory_space<hbm>>
    %dma_wait3A_581 = tpu.memref_squeeze %dma_wait3A_580 : memref<1x1x200xi32, #tpu.memory_space<hbm>> -> memref<200xi32, #tpu.memory_space<hbm>>
    %dma_wait3A_582 = arith.constant 0 : i32
    %dma_wait3A_583 = tpu.memref_slice %arg6[%dma_wait3A_571, %dma_wait3A_582] : memref<28x200xi32, #tpu.memory_space<vmem>> -> memref<1x200xi32, #tpu.memory_space<vmem>>
    %dma_wait3A_584 = tpu.memref_squeeze %dma_wait3A_583 : memref<1x200xi32, #tpu.memory_space<vmem>> -> memref<200xi32, #tpu.memory_space<vmem>>
    tpu.wait_dma2 semaphore(%arg8 : memref<!tpu.dma_semaphore, #tpu.memory_space<semaphore_mem>>) src(%dma_wait3A_584 : memref<200xi32, #tpu.memory_space<vmem>>) dst(%dma_wait3A_581 : memref<200xi32, #tpu.memory_space<hbm>>)
    %dma_wait3A_585 = arith.constant 13 : i32
    %dma_wait3A_586 = arith.constant 13 : i32
    %dma_wait3A_587 = arith.constant 0 : i32
    %dma_wait3A_588 = tpu.memref_slice %arg6[%dma_wait3A_585, %dma_wait3A_587] : memref<28x200xi32, #tpu.memory_space<vmem>> -> memref<1x200xi32, #tpu.memory_space<vmem>>
    %dma_wait3A_589 = tpu.memref_squeeze %dma_wait3A_588 : memref<1x200xi32, #tpu.memory_space<vmem>> -> memref<200xi32, #tpu.memory_space<vmem>>
    %dma_wait3A_590 = arith.constant 0 : i32
    %dma_wait3A_591 = tpu.memref_slice %arg4[%dma_wait3A_586, %add3A, %dma_wait3A_590] : memref<28x32x200xi32, #tpu.memory_space<hbm>> -> memref<1x1x200xi32, #tpu.memory_space<hbm>>
    %dma_wait3A_592 = tpu.memref_squeeze %dma_wait3A_591 : memref<1x1x200xi32, #tpu.memory_space<hbm>> -> memref<200xi32, #tpu.memory_space<hbm>>
    %dma_wait3A_593 = arith.constant 0 : i32
    %dma_wait3A_594 = tpu.memref_slice %arg4[%dma_wait3A_586, %add3A, %dma_wait3A_593] : memref<28x32x200xi32, #tpu.memory_space<hbm>> -> memref<1x1x200xi32, #tpu.memory_space<hbm>>
    %dma_wait3A_595 = tpu.memref_squeeze %dma_wait3A_594 : memref<1x1x200xi32, #tpu.memory_space<hbm>> -> memref<200xi32, #tpu.memory_space<hbm>>
    %dma_wait3A_596 = arith.constant 0 : i32
    %dma_wait3A_597 = tpu.memref_slice %arg6[%dma_wait3A_585, %dma_wait3A_596] : memref<28x200xi32, #tpu.memory_space<vmem>> -> memref<1x200xi32, #tpu.memory_space<vmem>>
    %dma_wait3A_598 = tpu.memref_squeeze %dma_wait3A_597 : memref<1x200xi32, #tpu.memory_space<vmem>> -> memref<200xi32, #tpu.memory_space<vmem>>
    tpu.wait_dma2 semaphore(%arg8 : memref<!tpu.dma_semaphore, #tpu.memory_space<semaphore_mem>>) src(%dma_wait3A_598 : memref<200xi32, #tpu.memory_space<vmem>>) dst(%dma_wait3A_595 : memref<200xi32, #tpu.memory_space<hbm>>)
    %dma_wait3A_599 = arith.constant 14 : i32
    %dma_wait3A_600 = arith.constant 14 : i32
    %dma_wait3A_601 = arith.constant 0 : i32
    %dma_wait3A_602 = tpu.memref_slice %arg6[%dma_wait3A_599, %dma_wait3A_601] : memref<28x200xi32, #tpu.memory_space<vmem>> -> memref<1x200xi32, #tpu.memory_space<vmem>>
    %dma_wait3A_603 = tpu.memref_squeeze %dma_wait3A_602 : memref<1x200xi32, #tpu.memory_space<vmem>> -> memref<200xi32, #tpu.memory_space<vmem>>
    %dma_wait3A_604 = arith.constant 0 : i32
    %dma_wait3A_605 = tpu.memref_slice %arg4[%dma_wait3A_600, %add3A, %dma_wait3A_604] : memref<28x32x200xi32, #tpu.memory_space<hbm>> -> memref<1x1x200xi32, #tpu.memory_space<hbm>>
    %dma_wait3A_606 = tpu.memref_squeeze %dma_wait3A_605 : memref<1x1x200xi32, #tpu.memory_space<hbm>> -> memref<200xi32, #tpu.memory_space<hbm>>
    %dma_wait3A_607 = arith.constant 0 : i32
    %dma_wait3A_608 = tpu.memref_slice %arg4[%dma_wait3A_600, %add3A, %dma_wait3A_607] : memref<28x32x200xi32, #tpu.memory_space<hbm>> -> memref<1x1x200xi32, #tpu.memory_space<hbm>>
    %dma_wait3A_609 = tpu.memref_squeeze %dma_wait3A_608 : memref<1x1x200xi32, #tpu.memory_space<hbm>> -> memref<200xi32, #tpu.memory_space<hbm>>
    %dma_wait3A_610 = arith.constant 0 : i32
    %dma_wait3A_611 = tpu.memref_slice %arg6[%dma_wait3A_599, %dma_wait3A_610] : memref<28x200xi32, #tpu.memory_space<vmem>> -> memref<1x200xi32, #tpu.memory_space<vmem>>
    %dma_wait3A_612 = tpu.memref_squeeze %dma_wait3A_611 : memref<1x200xi32, #tpu.memory_space<vmem>> -> memref<200xi32, #tpu.memory_space<vmem>>
    tpu.wait_dma2 semaphore(%arg8 : memref<!tpu.dma_semaphore, #tpu.memory_space<semaphore_mem>>) src(%dma_wait3A_612 : memref<200xi32, #tpu.memory_space<vmem>>) dst(%dma_wait3A_609 : memref<200xi32, #tpu.memory_space<hbm>>)
    %dma_wait3A_613 = arith.constant 15 : i32
    %dma_wait3A_614 = arith.constant 15 : i32
    %dma_wait3A_615 = arith.constant 0 : i32
    %dma_wait3A_616 = tpu.memref_slice %arg6[%dma_wait3A_613, %dma_wait3A_615] : memref<28x200xi32, #tpu.memory_space<vmem>> -> memref<1x200xi32, #tpu.memory_space<vmem>>
    %dma_wait3A_617 = tpu.memref_squeeze %dma_wait3A_616 : memref<1x200xi32, #tpu.memory_space<vmem>> -> memref<200xi32, #tpu.memory_space<vmem>>
    %dma_wait3A_618 = arith.constant 0 : i32
    %dma_wait3A_619 = tpu.memref_slice %arg4[%dma_wait3A_614, %add3A, %dma_wait3A_618] : memref<28x32x200xi32, #tpu.memory_space<hbm>> -> memref<1x1x200xi32, #tpu.memory_space<hbm>>
    %dma_wait3A_620 = tpu.memref_squeeze %dma_wait3A_619 : memref<1x1x200xi32, #tpu.memory_space<hbm>> -> memref<200xi32, #tpu.memory_space<hbm>>
    %dma_wait3A_621 = arith.constant 0 : i32
    %dma_wait3A_622 = tpu.memref_slice %arg4[%dma_wait3A_614, %add3A, %dma_wait3A_621] : memref<28x32x200xi32, #tpu.memory_space<hbm>> -> memref<1x1x200xi32, #tpu.memory_space<hbm>>
    %dma_wait3A_623 = tpu.memref_squeeze %dma_wait3A_622 : memref<1x1x200xi32, #tpu.memory_space<hbm>> -> memref<200xi32, #tpu.memory_space<hbm>>
    %dma_wait3A_624 = arith.constant 0 : i32
    %dma_wait3A_625 = tpu.memref_slice %arg6[%dma_wait3A_613, %dma_wait3A_624] : memref<28x200xi32, #tpu.memory_space<vmem>> -> memref<1x200xi32, #tpu.memory_space<vmem>>
    %dma_wait3A_626 = tpu.memref_squeeze %dma_wait3A_625 : memref<1x200xi32, #tpu.memory_space<vmem>> -> memref<200xi32, #tpu.memory_space<vmem>>
    tpu.wait_dma2 semaphore(%arg8 : memref<!tpu.dma_semaphore, #tpu.memory_space<semaphore_mem>>) src(%dma_wait3A_626 : memref<200xi32, #tpu.memory_space<vmem>>) dst(%dma_wait3A_623 : memref<200xi32, #tpu.memory_space<hbm>>)
    %dma_wait3A_627 = arith.constant 16 : i32
    %dma_wait3A_628 = arith.constant 16 : i32
    %dma_wait3A_629 = arith.constant 0 : i32
    %dma_wait3A_630 = tpu.memref_slice %arg6[%dma_wait3A_627, %dma_wait3A_629] : memref<28x200xi32, #tpu.memory_space<vmem>> -> memref<1x200xi32, #tpu.memory_space<vmem>>
    %dma_wait3A_631 = tpu.memref_squeeze %dma_wait3A_630 : memref<1x200xi32, #tpu.memory_space<vmem>> -> memref<200xi32, #tpu.memory_space<vmem>>
    %dma_wait3A_632 = arith.constant 0 : i32
    %dma_wait3A_633 = tpu.memref_slice %arg4[%dma_wait3A_628, %add3A, %dma_wait3A_632] : memref<28x32x200xi32, #tpu.memory_space<hbm>> -> memref<1x1x200xi32, #tpu.memory_space<hbm>>
    %dma_wait3A_634 = tpu.memref_squeeze %dma_wait3A_633 : memref<1x1x200xi32, #tpu.memory_space<hbm>> -> memref<200xi32, #tpu.memory_space<hbm>>
    %dma_wait3A_635 = arith.constant 0 : i32
    %dma_wait3A_636 = tpu.memref_slice %arg4[%dma_wait3A_628, %add3A, %dma_wait3A_635] : memref<28x32x200xi32, #tpu.memory_space<hbm>> -> memref<1x1x200xi32, #tpu.memory_space<hbm>>
    %dma_wait3A_637 = tpu.memref_squeeze %dma_wait3A_636 : memref<1x1x200xi32, #tpu.memory_space<hbm>> -> memref<200xi32, #tpu.memory_space<hbm>>
    %dma_wait3A_638 = arith.constant 0 : i32
    %dma_wait3A_639 = tpu.memref_slice %arg6[%dma_wait3A_627, %dma_wait3A_638] : memref<28x200xi32, #tpu.memory_space<vmem>> -> memref<1x200xi32, #tpu.memory_space<vmem>>
    %dma_wait3A_640 = tpu.memref_squeeze %dma_wait3A_639 : memref<1x200xi32, #tpu.memory_space<vmem>> -> memref<200xi32, #tpu.memory_space<vmem>>
    tpu.wait_dma2 semaphore(%arg8 : memref<!tpu.dma_semaphore, #tpu.memory_space<semaphore_mem>>) src(%dma_wait3A_640 : memref<200xi32, #tpu.memory_space<vmem>>) dst(%dma_wait3A_637 : memref<200xi32, #tpu.memory_space<hbm>>)
    %dma_wait3A_641 = arith.constant 17 : i32
    %dma_wait3A_642 = arith.constant 17 : i32
    %dma_wait3A_643 = arith.constant 0 : i32
    %dma_wait3A_644 = tpu.memref_slice %arg6[%dma_wait3A_641, %dma_wait3A_643] : memref<28x200xi32, #tpu.memory_space<vmem>> -> memref<1x200xi32, #tpu.memory_space<vmem>>
    %dma_wait3A_645 = tpu.memref_squeeze %dma_wait3A_644 : memref<1x200xi32, #tpu.memory_space<vmem>> -> memref<200xi32, #tpu.memory_space<vmem>>
    %dma_wait3A_646 = arith.constant 0 : i32
    %dma_wait3A_647 = tpu.memref_slice %arg4[%dma_wait3A_642, %add3A, %dma_wait3A_646] : memref<28x32x200xi32, #tpu.memory_space<hbm>> -> memref<1x1x200xi32, #tpu.memory_space<hbm>>
    %dma_wait3A_648 = tpu.memref_squeeze %dma_wait3A_647 : memref<1x1x200xi32, #tpu.memory_space<hbm>> -> memref<200xi32, #tpu.memory_space<hbm>>
    %dma_wait3A_649 = arith.constant 0 : i32
    %dma_wait3A_650 = tpu.memref_slice %arg4[%dma_wait3A_642, %add3A, %dma_wait3A_649] : memref<28x32x200xi32, #tpu.memory_space<hbm>> -> memref<1x1x200xi32, #tpu.memory_space<hbm>>
    %dma_wait3A_651 = tpu.memref_squeeze %dma_wait3A_650 : memref<1x1x200xi32, #tpu.memory_space<hbm>> -> memref<200xi32, #tpu.memory_space<hbm>>
    %dma_wait3A_652 = arith.constant 0 : i32
    %dma_wait3A_653 = tpu.memref_slice %arg6[%dma_wait3A_641, %dma_wait3A_652] : memref<28x200xi32, #tpu.memory_space<vmem>> -> memref<1x200xi32, #tpu.memory_space<vmem>>
    %dma_wait3A_654 = tpu.memref_squeeze %dma_wait3A_653 : memref<1x200xi32, #tpu.memory_space<vmem>> -> memref<200xi32, #tpu.memory_space<vmem>>
    tpu.wait_dma2 semaphore(%arg8 : memref<!tpu.dma_semaphore, #tpu.memory_space<semaphore_mem>>) src(%dma_wait3A_654 : memref<200xi32, #tpu.memory_space<vmem>>) dst(%dma_wait3A_651 : memref<200xi32, #tpu.memory_space<hbm>>)
    %dma_wait3A_655 = arith.constant 18 : i32
    %dma_wait3A_656 = arith.constant 18 : i32
    %dma_wait3A_657 = arith.constant 0 : i32
    %dma_wait3A_658 = tpu.memref_slice %arg6[%dma_wait3A_655, %dma_wait3A_657] : memref<28x200xi32, #tpu.memory_space<vmem>> -> memref<1x200xi32, #tpu.memory_space<vmem>>
    %dma_wait3A_659 = tpu.memref_squeeze %dma_wait3A_658 : memref<1x200xi32, #tpu.memory_space<vmem>> -> memref<200xi32, #tpu.memory_space<vmem>>
    %dma_wait3A_660 = arith.constant 0 : i32
    %dma_wait3A_661 = tpu.memref_slice %arg4[%dma_wait3A_656, %add3A, %dma_wait3A_660] : memref<28x32x200xi32, #tpu.memory_space<hbm>> -> memref<1x1x200xi32, #tpu.memory_space<hbm>>
    %dma_wait3A_662 = tpu.memref_squeeze %dma_wait3A_661 : memref<1x1x200xi32, #tpu.memory_space<hbm>> -> memref<200xi32, #tpu.memory_space<hbm>>
    %dma_wait3A_663 = arith.constant 0 : i32
    %dma_wait3A_664 = tpu.memref_slice %arg4[%dma_wait3A_656, %add3A, %dma_wait3A_663] : memref<28x32x200xi32, #tpu.memory_space<hbm>> -> memref<1x1x200xi32, #tpu.memory_space<hbm>>
    %dma_wait3A_665 = tpu.memref_squeeze %dma_wait3A_664 : memref<1x1x200xi32, #tpu.memory_space<hbm>> -> memref<200xi32, #tpu.memory_space<hbm>>
    %dma_wait3A_666 = arith.constant 0 : i32
    %dma_wait3A_667 = tpu.memref_slice %arg6[%dma_wait3A_655, %dma_wait3A_666] : memref<28x200xi32, #tpu.memory_space<vmem>> -> memref<1x200xi32, #tpu.memory_space<vmem>>
    %dma_wait3A_668 = tpu.memref_squeeze %dma_wait3A_667 : memref<1x200xi32, #tpu.memory_space<vmem>> -> memref<200xi32, #tpu.memory_space<vmem>>
    tpu.wait_dma2 semaphore(%arg8 : memref<!tpu.dma_semaphore, #tpu.memory_space<semaphore_mem>>) src(%dma_wait3A_668 : memref<200xi32, #tpu.memory_space<vmem>>) dst(%dma_wait3A_665 : memref<200xi32, #tpu.memory_space<hbm>>)
    %dma_wait3A_669 = arith.constant 19 : i32
    %dma_wait3A_670 = arith.constant 19 : i32
    %dma_wait3A_671 = arith.constant 0 : i32
    %dma_wait3A_672 = tpu.memref_slice %arg6[%dma_wait3A_669, %dma_wait3A_671] : memref<28x200xi32, #tpu.memory_space<vmem>> -> memref<1x200xi32, #tpu.memory_space<vmem>>
    %dma_wait3A_673 = tpu.memref_squeeze %dma_wait3A_672 : memref<1x200xi32, #tpu.memory_space<vmem>> -> memref<200xi32, #tpu.memory_space<vmem>>
    %dma_wait3A_674 = arith.constant 0 : i32
    %dma_wait3A_675 = tpu.memref_slice %arg4[%dma_wait3A_670, %add3A, %dma_wait3A_674] : memref<28x32x200xi32, #tpu.memory_space<hbm>> -> memref<1x1x200xi32, #tpu.memory_space<hbm>>
    %dma_wait3A_676 = tpu.memref_squeeze %dma_wait3A_675 : memref<1x1x200xi32, #tpu.memory_space<hbm>> -> memref<200xi32, #tpu.memory_space<hbm>>
    %dma_wait3A_677 = arith.constant 0 : i32
    %dma_wait3A_678 = tpu.memref_slice %arg4[%dma_wait3A_670, %add3A, %dma_wait3A_677] : memref<28x32x200xi32, #tpu.memory_space<hbm>> -> memref<1x1x200xi32, #tpu.memory_space<hbm>>
    %dma_wait3A_679 = tpu.memref_squeeze %dma_wait3A_678 : memref<1x1x200xi32, #tpu.memory_space<hbm>> -> memref<200xi32, #tpu.memory_space<hbm>>
    %dma_wait3A_680 = arith.constant 0 : i32
    %dma_wait3A_681 = tpu.memref_slice %arg6[%dma_wait3A_669, %dma_wait3A_680] : memref<28x200xi32, #tpu.memory_space<vmem>> -> memref<1x200xi32, #tpu.memory_space<vmem>>
    %dma_wait3A_682 = tpu.memref_squeeze %dma_wait3A_681 : memref<1x200xi32, #tpu.memory_space<vmem>> -> memref<200xi32, #tpu.memory_space<vmem>>
    tpu.wait_dma2 semaphore(%arg8 : memref<!tpu.dma_semaphore, #tpu.memory_space<semaphore_mem>>) src(%dma_wait3A_682 : memref<200xi32, #tpu.memory_space<vmem>>) dst(%dma_wait3A_679 : memref<200xi32, #tpu.memory_space<hbm>>)
    %dma_wait3A_683 = arith.constant 20 : i32
    %dma_wait3A_684 = arith.constant 20 : i32
    %dma_wait3A_685 = arith.constant 0 : i32
    %dma_wait3A_686 = tpu.memref_slice %arg6[%dma_wait3A_683, %dma_wait3A_685] : memref<28x200xi32, #tpu.memory_space<vmem>> -> memref<1x200xi32, #tpu.memory_space<vmem>>
    %dma_wait3A_687 = tpu.memref_squeeze %dma_wait3A_686 : memref<1x200xi32, #tpu.memory_space<vmem>> -> memref<200xi32, #tpu.memory_space<vmem>>
    %dma_wait3A_688 = arith.constant 0 : i32
    %dma_wait3A_689 = tpu.memref_slice %arg4[%dma_wait3A_684, %add3A, %dma_wait3A_688] : memref<28x32x200xi32, #tpu.memory_space<hbm>> -> memref<1x1x200xi32, #tpu.memory_space<hbm>>
    %dma_wait3A_690 = tpu.memref_squeeze %dma_wait3A_689 : memref<1x1x200xi32, #tpu.memory_space<hbm>> -> memref<200xi32, #tpu.memory_space<hbm>>
    %dma_wait3A_691 = arith.constant 0 : i32
    %dma_wait3A_692 = tpu.memref_slice %arg4[%dma_wait3A_684, %add3A, %dma_wait3A_691] : memref<28x32x200xi32, #tpu.memory_space<hbm>> -> memref<1x1x200xi32, #tpu.memory_space<hbm>>
    %dma_wait3A_693 = tpu.memref_squeeze %dma_wait3A_692 : memref<1x1x200xi32, #tpu.memory_space<hbm>> -> memref<200xi32, #tpu.memory_space<hbm>>
    %dma_wait3A_694 = arith.constant 0 : i32
    %dma_wait3A_695 = tpu.memref_slice %arg6[%dma_wait3A_683, %dma_wait3A_694] : memref<28x200xi32, #tpu.memory_space<vmem>> -> memref<1x200xi32, #tpu.memory_space<vmem>>
    %dma_wait3A_696 = tpu.memref_squeeze %dma_wait3A_695 : memref<1x200xi32, #tpu.memory_space<vmem>> -> memref<200xi32, #tpu.memory_space<vmem>>
    tpu.wait_dma2 semaphore(%arg8 : memref<!tpu.dma_semaphore, #tpu.memory_space<semaphore_mem>>) src(%dma_wait3A_696 : memref<200xi32, #tpu.memory_space<vmem>>) dst(%dma_wait3A_693 : memref<200xi32, #tpu.memory_space<hbm>>)
    %dma_wait3A_697 = arith.constant 21 : i32
    %dma_wait3A_698 = arith.constant 21 : i32
    %dma_wait3A_699 = arith.constant 0 : i32
    %dma_wait3A_700 = tpu.memref_slice %arg6[%dma_wait3A_697, %dma_wait3A_699] : memref<28x200xi32, #tpu.memory_space<vmem>> -> memref<1x200xi32, #tpu.memory_space<vmem>>
    %dma_wait3A_701 = tpu.memref_squeeze %dma_wait3A_700 : memref<1x200xi32, #tpu.memory_space<vmem>> -> memref<200xi32, #tpu.memory_space<vmem>>
    %dma_wait3A_702 = arith.constant 0 : i32
    %dma_wait3A_703 = tpu.memref_slice %arg4[%dma_wait3A_698, %add3A, %dma_wait3A_702] : memref<28x32x200xi32, #tpu.memory_space<hbm>> -> memref<1x1x200xi32, #tpu.memory_space<hbm>>
    %dma_wait3A_704 = tpu.memref_squeeze %dma_wait3A_703 : memref<1x1x200xi32, #tpu.memory_space<hbm>> -> memref<200xi32, #tpu.memory_space<hbm>>
    %dma_wait3A_705 = arith.constant 0 : i32
    %dma_wait3A_706 = tpu.memref_slice %arg4[%dma_wait3A_698, %add3A, %dma_wait3A_705] : memref<28x32x200xi32, #tpu.memory_space<hbm>> -> memref<1x1x200xi32, #tpu.memory_space<hbm>>
    %dma_wait3A_707 = tpu.memref_squeeze %dma_wait3A_706 : memref<1x1x200xi32, #tpu.memory_space<hbm>> -> memref<200xi32, #tpu.memory_space<hbm>>
    %dma_wait3A_708 = arith.constant 0 : i32
    %dma_wait3A_709 = tpu.memref_slice %arg6[%dma_wait3A_697, %dma_wait3A_708] : memref<28x200xi32, #tpu.memory_space<vmem>> -> memref<1x200xi32, #tpu.memory_space<vmem>>
    %dma_wait3A_710 = tpu.memref_squeeze %dma_wait3A_709 : memref<1x200xi32, #tpu.memory_space<vmem>> -> memref<200xi32, #tpu.memory_space<vmem>>
    tpu.wait_dma2 semaphore(%arg8 : memref<!tpu.dma_semaphore, #tpu.memory_space<semaphore_mem>>) src(%dma_wait3A_710 : memref<200xi32, #tpu.memory_space<vmem>>) dst(%dma_wait3A_707 : memref<200xi32, #tpu.memory_space<hbm>>)
    %dma_wait3A_711 = arith.constant 22 : i32
    %dma_wait3A_712 = arith.constant 22 : i32
    %dma_wait3A_713 = arith.constant 0 : i32
    %dma_wait3A_714 = tpu.memref_slice %arg6[%dma_wait3A_711, %dma_wait3A_713] : memref<28x200xi32, #tpu.memory_space<vmem>> -> memref<1x200xi32, #tpu.memory_space<vmem>>
    %dma_wait3A_715 = tpu.memref_squeeze %dma_wait3A_714 : memref<1x200xi32, #tpu.memory_space<vmem>> -> memref<200xi32, #tpu.memory_space<vmem>>
    %dma_wait3A_716 = arith.constant 0 : i32
    %dma_wait3A_717 = tpu.memref_slice %arg4[%dma_wait3A_712, %add3A, %dma_wait3A_716] : memref<28x32x200xi32, #tpu.memory_space<hbm>> -> memref<1x1x200xi32, #tpu.memory_space<hbm>>
    %dma_wait3A_718 = tpu.memref_squeeze %dma_wait3A_717 : memref<1x1x200xi32, #tpu.memory_space<hbm>> -> memref<200xi32, #tpu.memory_space<hbm>>
    %dma_wait3A_719 = arith.constant 0 : i32
    %dma_wait3A_720 = tpu.memref_slice %arg4[%dma_wait3A_712, %add3A, %dma_wait3A_719] : memref<28x32x200xi32, #tpu.memory_space<hbm>> -> memref<1x1x200xi32, #tpu.memory_space<hbm>>
    %dma_wait3A_721 = tpu.memref_squeeze %dma_wait3A_720 : memref<1x1x200xi32, #tpu.memory_space<hbm>> -> memref<200xi32, #tpu.memory_space<hbm>>
    %dma_wait3A_722 = arith.constant 0 : i32
    %dma_wait3A_723 = tpu.memref_slice %arg6[%dma_wait3A_711, %dma_wait3A_722] : memref<28x200xi32, #tpu.memory_space<vmem>> -> memref<1x200xi32, #tpu.memory_space<vmem>>
    %dma_wait3A_724 = tpu.memref_squeeze %dma_wait3A_723 : memref<1x200xi32, #tpu.memory_space<vmem>> -> memref<200xi32, #tpu.memory_space<vmem>>
    tpu.wait_dma2 semaphore(%arg8 : memref<!tpu.dma_semaphore, #tpu.memory_space<semaphore_mem>>) src(%dma_wait3A_724 : memref<200xi32, #tpu.memory_space<vmem>>) dst(%dma_wait3A_721 : memref<200xi32, #tpu.memory_space<hbm>>)
    %dma_wait3A_725 = arith.constant 23 : i32
    %dma_wait3A_726 = arith.constant 23 : i32
    %dma_wait3A_727 = arith.constant 0 : i32
    %dma_wait3A_728 = tpu.memref_slice %arg6[%dma_wait3A_725, %dma_wait3A_727] : memref<28x200xi32, #tpu.memory_space<vmem>> -> memref<1x200xi32, #tpu.memory_space<vmem>>
    %dma_wait3A_729 = tpu.memref_squeeze %dma_wait3A_728 : memref<1x200xi32, #tpu.memory_space<vmem>> -> memref<200xi32, #tpu.memory_space<vmem>>
    %dma_wait3A_730 = arith.constant 0 : i32
    %dma_wait3A_731 = tpu.memref_slice %arg4[%dma_wait3A_726, %add3A, %dma_wait3A_730] : memref<28x32x200xi32, #tpu.memory_space<hbm>> -> memref<1x1x200xi32, #tpu.memory_space<hbm>>
    %dma_wait3A_732 = tpu.memref_squeeze %dma_wait3A_731 : memref<1x1x200xi32, #tpu.memory_space<hbm>> -> memref<200xi32, #tpu.memory_space<hbm>>
    %dma_wait3A_733 = arith.constant 0 : i32
    %dma_wait3A_734 = tpu.memref_slice %arg4[%dma_wait3A_726, %add3A, %dma_wait3A_733] : memref<28x32x200xi32, #tpu.memory_space<hbm>> -> memref<1x1x200xi32, #tpu.memory_space<hbm>>
    %dma_wait3A_735 = tpu.memref_squeeze %dma_wait3A_734 : memref<1x1x200xi32, #tpu.memory_space<hbm>> -> memref<200xi32, #tpu.memory_space<hbm>>
    %dma_wait3A_736 = arith.constant 0 : i32
    %dma_wait3A_737 = tpu.memref_slice %arg6[%dma_wait3A_725, %dma_wait3A_736] : memref<28x200xi32, #tpu.memory_space<vmem>> -> memref<1x200xi32, #tpu.memory_space<vmem>>
    %dma_wait3A_738 = tpu.memref_squeeze %dma_wait3A_737 : memref<1x200xi32, #tpu.memory_space<vmem>> -> memref<200xi32, #tpu.memory_space<vmem>>
    tpu.wait_dma2 semaphore(%arg8 : memref<!tpu.dma_semaphore, #tpu.memory_space<semaphore_mem>>) src(%dma_wait3A_738 : memref<200xi32, #tpu.memory_space<vmem>>) dst(%dma_wait3A_735 : memref<200xi32, #tpu.memory_space<hbm>>)
    %dma_wait3A_739 = arith.constant 24 : i32
    %dma_wait3A_740 = arith.constant 24 : i32
    %dma_wait3A_741 = arith.constant 0 : i32
    %dma_wait3A_742 = tpu.memref_slice %arg6[%dma_wait3A_739, %dma_wait3A_741] : memref<28x200xi32, #tpu.memory_space<vmem>> -> memref<1x200xi32, #tpu.memory_space<vmem>>
    %dma_wait3A_743 = tpu.memref_squeeze %dma_wait3A_742 : memref<1x200xi32, #tpu.memory_space<vmem>> -> memref<200xi32, #tpu.memory_space<vmem>>
    %dma_wait3A_744 = arith.constant 0 : i32
    %dma_wait3A_745 = tpu.memref_slice %arg4[%dma_wait3A_740, %add3A, %dma_wait3A_744] : memref<28x32x200xi32, #tpu.memory_space<hbm>> -> memref<1x1x200xi32, #tpu.memory_space<hbm>>
    %dma_wait3A_746 = tpu.memref_squeeze %dma_wait3A_745 : memref<1x1x200xi32, #tpu.memory_space<hbm>> -> memref<200xi32, #tpu.memory_space<hbm>>
    %dma_wait3A_747 = arith.constant 0 : i32
    %dma_wait3A_748 = tpu.memref_slice %arg4[%dma_wait3A_740, %add3A, %dma_wait3A_747] : memref<28x32x200xi32, #tpu.memory_space<hbm>> -> memref<1x1x200xi32, #tpu.memory_space<hbm>>
    %dma_wait3A_749 = tpu.memref_squeeze %dma_wait3A_748 : memref<1x1x200xi32, #tpu.memory_space<hbm>> -> memref<200xi32, #tpu.memory_space<hbm>>
    %dma_wait3A_750 = arith.constant 0 : i32
    %dma_wait3A_751 = tpu.memref_slice %arg6[%dma_wait3A_739, %dma_wait3A_750] : memref<28x200xi32, #tpu.memory_space<vmem>> -> memref<1x200xi32, #tpu.memory_space<vmem>>
    %dma_wait3A_752 = tpu.memref_squeeze %dma_wait3A_751 : memref<1x200xi32, #tpu.memory_space<vmem>> -> memref<200xi32, #tpu.memory_space<vmem>>
    tpu.wait_dma2 semaphore(%arg8 : memref<!tpu.dma_semaphore, #tpu.memory_space<semaphore_mem>>) src(%dma_wait3A_752 : memref<200xi32, #tpu.memory_space<vmem>>) dst(%dma_wait3A_749 : memref<200xi32, #tpu.memory_space<hbm>>)
    %dma_wait3A_753 = arith.constant 25 : i32
    %dma_wait3A_754 = arith.constant 25 : i32
    %dma_wait3A_755 = arith.constant 0 : i32
    %dma_wait3A_756 = tpu.memref_slice %arg6[%dma_wait3A_753, %dma_wait3A_755] : memref<28x200xi32, #tpu.memory_space<vmem>> -> memref<1x200xi32, #tpu.memory_space<vmem>>
    %dma_wait3A_757 = tpu.memref_squeeze %dma_wait3A_756 : memref<1x200xi32, #tpu.memory_space<vmem>> -> memref<200xi32, #tpu.memory_space<vmem>>
    %dma_wait3A_758 = arith.constant 0 : i32
    %dma_wait3A_759 = tpu.memref_slice %arg4[%dma_wait3A_754, %add3A, %dma_wait3A_758] : memref<28x32x200xi32, #tpu.memory_space<hbm>> -> memref<1x1x200xi32, #tpu.memory_space<hbm>>
    %dma_wait3A_760 = tpu.memref_squeeze %dma_wait3A_759 : memref<1x1x200xi32, #tpu.memory_space<hbm>> -> memref<200xi32, #tpu.memory_space<hbm>>
    %dma_wait3A_761 = arith.constant 0 : i32
    %dma_wait3A_762 = tpu.memref_slice %arg4[%dma_wait3A_754, %add3A, %dma_wait3A_761] : memref<28x32x200xi32, #tpu.memory_space<hbm>> -> memref<1x1x200xi32, #tpu.memory_space<hbm>>
    %dma_wait3A_763 = tpu.memref_squeeze %dma_wait3A_762 : memref<1x1x200xi32, #tpu.memory_space<hbm>> -> memref<200xi32, #tpu.memory_space<hbm>>
    %dma_wait3A_764 = arith.constant 0 : i32
    %dma_wait3A_765 = tpu.memref_slice %arg6[%dma_wait3A_753, %dma_wait3A_764] : memref<28x200xi32, #tpu.memory_space<vmem>> -> memref<1x200xi32, #tpu.memory_space<vmem>>
    %dma_wait3A_766 = tpu.memref_squeeze %dma_wait3A_765 : memref<1x200xi32, #tpu.memory_space<vmem>> -> memref<200xi32, #tpu.memory_space<vmem>>
    tpu.wait_dma2 semaphore(%arg8 : memref<!tpu.dma_semaphore, #tpu.memory_space<semaphore_mem>>) src(%dma_wait3A_766 : memref<200xi32, #tpu.memory_space<vmem>>) dst(%dma_wait3A_763 : memref<200xi32, #tpu.memory_space<hbm>>)
    %dma_wait3A_767 = arith.constant 26 : i32
    %dma_wait3A_768 = arith.constant 26 : i32
    %dma_wait3A_769 = arith.constant 0 : i32
    %dma_wait3A_770 = tpu.memref_slice %arg6[%dma_wait3A_767, %dma_wait3A_769] : memref<28x200xi32, #tpu.memory_space<vmem>> -> memref<1x200xi32, #tpu.memory_space<vmem>>
    %dma_wait3A_771 = tpu.memref_squeeze %dma_wait3A_770 : memref<1x200xi32, #tpu.memory_space<vmem>> -> memref<200xi32, #tpu.memory_space<vmem>>
    %dma_wait3A_772 = arith.constant 0 : i32
    %dma_wait3A_773 = tpu.memref_slice %arg4[%dma_wait3A_768, %add3A, %dma_wait3A_772] : memref<28x32x200xi32, #tpu.memory_space<hbm>> -> memref<1x1x200xi32, #tpu.memory_space<hbm>>
    %dma_wait3A_774 = tpu.memref_squeeze %dma_wait3A_773 : memref<1x1x200xi32, #tpu.memory_space<hbm>> -> memref<200xi32, #tpu.memory_space<hbm>>
    %dma_wait3A_775 = arith.constant 0 : i32
    %dma_wait3A_776 = tpu.memref_slice %arg4[%dma_wait3A_768, %add3A, %dma_wait3A_775] : memref<28x32x200xi32, #tpu.memory_space<hbm>> -> memref<1x1x200xi32, #tpu.memory_space<hbm>>
    %dma_wait3A_777 = tpu.memref_squeeze %dma_wait3A_776 : memref<1x1x200xi32, #tpu.memory_space<hbm>> -> memref<200xi32, #tpu.memory_space<hbm>>
    %dma_wait3A_778 = arith.constant 0 : i32
    %dma_wait3A_779 = tpu.memref_slice %arg6[%dma_wait3A_767, %dma_wait3A_778] : memref<28x200xi32, #tpu.memory_space<vmem>> -> memref<1x200xi32, #tpu.memory_space<vmem>>
    %dma_wait3A_780 = tpu.memref_squeeze %dma_wait3A_779 : memref<1x200xi32, #tpu.memory_space<vmem>> -> memref<200xi32, #tpu.memory_space<vmem>>
    tpu.wait_dma2 semaphore(%arg8 : memref<!tpu.dma_semaphore, #tpu.memory_space<semaphore_mem>>) src(%dma_wait3A_780 : memref<200xi32, #tpu.memory_space<vmem>>) dst(%dma_wait3A_777 : memref<200xi32, #tpu.memory_space<hbm>>)
    %dma_wait3A_781 = arith.constant 27 : i32
    %dma_wait3A_782 = arith.constant 27 : i32
    %dma_wait3A_783 = arith.constant 0 : i32
    %dma_wait3A_784 = tpu.memref_slice %arg6[%dma_wait3A_781, %dma_wait3A_783] : memref<28x200xi32, #tpu.memory_space<vmem>> -> memref<1x200xi32, #tpu.memory_space<vmem>>
    %dma_wait3A_785 = tpu.memref_squeeze %dma_wait3A_784 : memref<1x200xi32, #tpu.memory_space<vmem>> -> memref<200xi32, #tpu.memory_space<vmem>>
    %dma_wait3A_786 = arith.constant 0 : i32
    %dma_wait3A_787 = tpu.memref_slice %arg4[%dma_wait3A_782, %add3A, %dma_wait3A_786] : memref<28x32x200xi32, #tpu.memory_space<hbm>> -> memref<1x1x200xi32, #tpu.memory_space<hbm>>
    %dma_wait3A_788 = tpu.memref_squeeze %dma_wait3A_787 : memref<1x1x200xi32, #tpu.memory_space<hbm>> -> memref<200xi32, #tpu.memory_space<hbm>>
    %dma_wait3A_789 = arith.constant 0 : i32
    %dma_wait3A_790 = tpu.memref_slice %arg4[%dma_wait3A_782, %add3A, %dma_wait3A_789] : memref<28x32x200xi32, #tpu.memory_space<hbm>> -> memref<1x1x200xi32, #tpu.memory_space<hbm>>
    %dma_wait3A_791 = tpu.memref_squeeze %dma_wait3A_790 : memref<1x1x200xi32, #tpu.memory_space<hbm>> -> memref<200xi32, #tpu.memory_space<hbm>>
    %dma_wait3A_792 = arith.constant 0 : i32
    %dma_wait3A_793 = tpu.memref_slice %arg6[%dma_wait3A_781, %dma_wait3A_792] : memref<28x200xi32, #tpu.memory_space<vmem>> -> memref<1x200xi32, #tpu.memory_space<vmem>>
    %dma_wait3A_794 = tpu.memref_squeeze %dma_wait3A_793 : memref<1x200xi32, #tpu.memory_space<vmem>> -> memref<200xi32, #tpu.memory_space<vmem>>
    tpu.wait_dma2 semaphore(%arg8 : memref<!tpu.dma_semaphore, #tpu.memory_space<semaphore_mem>>) src(%dma_wait3A_794 : memref<200xi32, #tpu.memory_space<vmem>>) dst(%dma_wait3A_791 : memref<200xi32, #tpu.memory_space<hbm>>)
    return
  }
}

#map = affine_map<(d0, d1) -> (0, 0)>
#map1 = affine_map<(d0, d1) -> (0)>
module attributes {stable_mosaic.version = 14 : i64} {
  func.func @_k3_body(%arg0: i32, %arg1: i32, %arg2: memref<32x16xf32, #tpu.memory_space<hbm>>, %arg3: memref<16xf32, #tpu.memory_space<hbm>>, %arg4: memref<32x16xf32, #tpu.memory_space<vmem>>, %arg5: memref<16xf32, #tpu.memory_space<vmem>>) attributes {dimension_semantics = [#tpu.dimension_semantics<core_parallel>, #tpu.dimension_semantics<subcore_parallel>], iteration_bounds = array<i64: 2, 16>, scalar_prefetch = 0 : i64, scratch_operands = 2 : i64, tpu.core_type = #tpu.core_type<sc_vector_subcore>, window_params = [{transform_indices = #map}, {transform_indices = #map1}]} {
    %mul3A = arith.constant 2 : i32
    %mul3A_0 = arith.muli %arg1, %mul3A : i32
    %add3A = arith.addi %mul3A_0, %arg0 : i32
    %iota3A = tpu.iota {dimensions = array<i32: 0>} : vector<16xi32>
    %eq3A = arith.constant 0 : i32
    %eq3A_1 = arith.cmpi eq, %add3A, %eq3A : i32
    %convert_element_type3A = arith.extui %eq3A_1 : i1 to i32
    %cond3A = arith.constant 0 : i32
    %cond3A_2 = arith.cmpi ne, %convert_element_type3A, %cond3A : i32
    scf.if %cond3A_2 {
      "tpu.region"() ({
        %run_scoped3A = tpu.sem_alloc : memref<!tpu.dma_semaphore, #tpu.memory_space<semaphore_mem>>
        tpu.enqueue_dma source(%arg2 : memref<32x16xf32, #tpu.memory_space<hbm>>) target(%arg4 : memref<32x16xf32, #tpu.memory_space<vmem>>) target_semaphore(%run_scoped3A : memref<!tpu.dma_semaphore, #tpu.memory_space<semaphore_mem>>)
        tpu.wait_dma2 semaphore(%run_scoped3A : memref<!tpu.dma_semaphore, #tpu.memory_space<semaphore_mem>>) src(%arg2 : memref<32x16xf32, #tpu.memory_space<hbm>>) dst(%arg4 : memref<32x16xf32, #tpu.memory_space<vmem>>)
        tpu.yield
      }) : () -> ()
      %broadcast_in_dim3A = arith.constant 0 : i32
      %broadcast_in_dim3A_3 = vector.broadcast %broadcast_in_dim3A : i32 to vector<16xi32>
      %broadcast_in_dim3A_4 = arith.constant 1 : i32
      %broadcast_in_dim3A_5 = vector.broadcast %broadcast_in_dim3A_4 : i32 to vector<16xi32>
      %gather3A = tpu.vector_load_idx %arg4[%iota3A, %broadcast_in_dim3A_3] : memref<32x16xf32, #tpu.memory_space<vmem>>[vector<16xi32>, vector<16xi32>], vector<16xf32>,
      %add3A_6 = arith.constant 16 : i32
      %add3A_7 = vector.broadcast %add3A_6 : i32 to vector<16xi32>
      %add3A_8 = arith.addi %iota3A, %add3A_7 : vector<16xi32>
      %gather3A_9 = tpu.vector_load_idx %arg4[%add3A_8, %broadcast_in_dim3A_3] : memref<32x16xf32, #tpu.memory_space<vmem>>[vector<16xi32>, vector<16xi32>], vector<16xf32>,
      %gather3A_10 = tpu.vector_load_idx %arg4[%iota3A, %broadcast_in_dim3A_5] : memref<32x16xf32, #tpu.memory_space<vmem>>[vector<16xi32>, vector<16xi32>], vector<16xf32>,
      %add3A_11 = arith.constant 16 : i32
      %add3A_12 = vector.broadcast %add3A_11 : i32 to vector<16xi32>
      %add3A_13 = arith.addi %iota3A, %add3A_12 : vector<16xi32>
      %gather3A_14 = tpu.vector_load_idx %arg4[%add3A_13, %broadcast_in_dim3A_5] : memref<32x16xf32, #tpu.memory_space<vmem>>[vector<16xi32>, vector<16xi32>], vector<16xf32>,
      %reduce_sum3A = arith.constant true
      %reduce_sum3A_15 = vector.broadcast %reduce_sum3A : i1 to vector<16xi1>
      %reduce_sum3A_16 = tpu.scan <sum>, %gather3A masked %reduce_sum3A_15 : vector<16xf32>, vector<16xi1> -> vector<16xf32>
      %reduce_sum3A_17 = vector.extract %reduce_sum3A_16[15] : f32 from vector<16xf32>
      %reduce_sum3A_18 = arith.constant true
      %reduce_sum3A_19 = vector.broadcast %reduce_sum3A_18 : i1 to vector<16xi1>
      %reduce_sum3A_20 = tpu.scan <sum>, %gather3A_9 masked %reduce_sum3A_19 : vector<16xf32>, vector<16xi1> -> vector<16xf32>
      %reduce_sum3A_21 = vector.extract %reduce_sum3A_20[15] : f32 from vector<16xf32>
      %add3A_22 = arith.addf %reduce_sum3A_17, %reduce_sum3A_21 : f32
      %reduce_sum3A_23 = arith.constant true
      %reduce_sum3A_24 = vector.broadcast %reduce_sum3A_23 : i1 to vector<16xi1>
      %reduce_sum3A_25 = tpu.scan <sum>, %gather3A_10 masked %reduce_sum3A_24 : vector<16xf32>, vector<16xi1> -> vector<16xf32>
      %reduce_sum3A_26 = vector.extract %reduce_sum3A_25[15] : f32 from vector<16xf32>
      %reduce_sum3A_27 = arith.constant true
      %reduce_sum3A_28 = vector.broadcast %reduce_sum3A_27 : i1 to vector<16xi1>
      %reduce_sum3A_29 = tpu.scan <sum>, %gather3A_14 masked %reduce_sum3A_28 : vector<16xf32>, vector<16xi1> -> vector<16xf32>
      %reduce_sum3A_30 = vector.extract %reduce_sum3A_29[15] : f32 from vector<16xf32>
      %add3A_31 = arith.addf %reduce_sum3A_26, %reduce_sum3A_30 : f32
      %broadcast_in_dim3A_32 = vector.broadcast %add3A_22 : f32 to vector<16xf32>
      %broadcast_in_dim3A_33 = vector.broadcast %add3A_31 : f32 to vector<16xf32>
      %eq3A_34 = arith.constant 0.000000e+00 : f32
      %eq3A_35 = vector.broadcast %eq3A_34 : f32 to vector<16xf32>
      %eq3A_36 = arith.cmpf oeq, %broadcast_in_dim3A_33, %eq3A_35 : vector<16xf32>
      %max3A = arith.constant 1.000000e+00 : f32
      %max3A_37 = vector.broadcast %max3A : f32 to vector<16xf32>
      %max3A_38 = arith.maximumf %broadcast_in_dim3A_33, %max3A_37 : vector<16xf32>
      %div3A = arith.divf %broadcast_in_dim3A_32, %max3A_38 : vector<16xf32>
      %jit3A = arith.constant 0.000000e+00 : f32
      %broadcast_in_dim3A_39 = vector.broadcast %jit3A : f32 to vector<16xf32>
      %select_n3A = arith.select %eq3A_36, %broadcast_in_dim3A_39, %div3A : vector<16xi1>, vector<16xf32>
      %swap3A = arith.constant 0 : index
      %swap3A_40 = tpu.vector_load %arg5[%swap3A] {strides = array<i32>} : memref<16xf32, #tpu.memory_space<vmem>>, vector<16xf32>,
      tpu.vector_store %arg5[%swap3A], %select_n3A {strides = array<i32>} : memref<16xf32, #tpu.memory_space<vmem>>, vector<16xf32>,
      "tpu.region"() ({
        %run_scoped3A = tpu.sem_alloc : memref<!tpu.dma_semaphore, #tpu.memory_space<semaphore_mem>>
        tpu.enqueue_dma source(%arg5 : memref<16xf32, #tpu.memory_space<vmem>>) target(%arg3 : memref<16xf32, #tpu.memory_space<hbm>>) target_semaphore(%run_scoped3A : memref<!tpu.dma_semaphore, #tpu.memory_space<semaphore_mem>>)
        tpu.wait_dma2 semaphore(%run_scoped3A : memref<!tpu.dma_semaphore, #tpu.memory_space<semaphore_mem>>) src(%arg5 : memref<16xf32, #tpu.memory_space<vmem>>) dst(%arg3 : memref<16xf32, #tpu.memory_space<hbm>>)
        tpu.yield
      }) : () -> ()
    } else {
    }
    return
  }
}

</mosaic_0001>

<sc_bundles>
// kernel: kernel.12.cloned.1.call-start
scs
__scs_entry_jumppad:
0x0: {  	(pc) =	sbr.rel $0x88, $3  }
0x1: {  	(tag) =	ssettag $0x0;
	lr =	simm.s32 $0x1  }
0x2: {  	[smem:$0x3F9D] =	sst lr;
	_ =	strace $0xD0000000  }
0x3: {  	_ = 	snop  }
0x4: {  	_ = 	snop  }
0x5: {  	_ = 	snop  }
0x6: {  	_ = 	snop  }
0x7: {  	_ = 	snop  }
__scs_overlays_trampoline_lowered:
0x8: {  	[smem:$0x3FAC] =	sst s0  }
0x9: {  	[smem:$0x3FAD] =	sst s1  }
0xa: {  	[smem:$0x3FAE] =	sst s2  }
0xb: {  	[smem:$0x3FAF] =	sst s3  }
0xc: {  	[smem:$0x3FB0] =	sst s4  }
0xd: {  	[smem:$0x3FB1] =	sst s5  }
0xe: {  	[smem:$0x3FB2] =	sst s6  }
0xf: {  	[smem:$0x3FB3] =	sst s7  }
0x10: {  	[smem:$0x3FB4] =	sst s8  }
0x11: {  	[smem:$0x3FB5] =	sst s9;
	s0 =	simm.s32 @!p0 $0x0  }
0x12: {  	s1 =	sld [smem:$0x3F9B];
	s0 =	simm.s32 @p0 $0x1  }
0x13: {  	[smem:$0x3FB6] =	sst s0;
	s0 =	simm.s32 @!p1 $0x0  }
0x14: {  	s2 =	sld [smem:$0x3F9A];
	s0 =	simm.s32 @p1 $0x1  }
0x15: {  	[smem:$0x3FB7] =	sst s0;
	s0 =	simm.s32 @!p2 $0x0  }
0x16: {  	s3 =	sld [smem:$0x3FDB];
	s0 =	simm.s32 @p2 $0x1  }
0x17: {  	s4 =	simm.s32 $0x1BF5;
	[smem:$0x3FB9] =	sst s0  }
0x18: {  	s0 =	sld [smem:$0x3F9C];
	_ =	swait.ge [sflag:s4], $0x0  }
0x19: {  	s7 =	sld [smem:$0x3F9D]  }
0x1a: {  	s8 =	sadd.s32 $0xFFFFE003, lr  }
0x1b: {  	s9 =	sadd.s32 $0xFFFFFEF7, lr;
	s5 =	simm.s32 $0xFFFFFFFF;
	p2 =	slt.u32 s8, $0xFFFFF086  }
0x1c: {  	p1 =	slt.u32 s9, $0xF7A;
	s5 =	simm.s32 @!p2 $0x0  }
0x1d: {  	s5 =	simm.s32 @p1 $0x1;
	p0 =	seq.s32 s7, s2  }
0x1e: {  	s7 =	smul.u32 @!p0 $0xF7A, s2;
	p2 =	seq.s32 @!p0 s5, $0x0  }
0x1f: {  	s9 =	smul.u32 $0xF7A, s1;
	s8 =	simm.s32 @!p0 $0x1BF5;
	p2 =	por !p2, p0  }
0x20: {  	[sflag:s8] =	ssyncset.s32 @!p0 $0xFFFFF086;
	s6 =	sadd.s32 @!p0 s3, s7;
	s7 =	simm.s32 @!p0 $0x108  }
0x21: {  	s3 =	sadd.s32 s3, s9;
	s6 =	sadd.s32 @!p0 $0x88, s6;
	s7 =	simm.s32 @p2 $0x1082  }
0x22: {  	[simem:s7], [sflag:s8] =	dma.local @!p0 [hbm:s6], $0xF7A  }
0x23: {  	s9 =	sor.u32 $0xD0000000, s2;
	s6 =	simm.s32 $0x108;
	_ =	swait.ge @!p0 [sflag:s8], $0x0  }
0x24: {  	s3 =	sadd.s32 $0x88, s3;
	s6 =	simm.s32 @!p1 $0x1082;
	[sflag:s4] =	ssyncset.s32 $0xFFFFF086  }
0x25: {  	[simem:s6], [sflag:s4] =	dma.local [hbm:s3], $0xF7A  }
0x26: {  	[smem:$0x3F9D] =	sst s1;
	(tag) =	ssettag s2;
	_ =	strace s9  }
0x27: {  	s1 =	sld [smem:$0x3FAD]  }
0x28: {  	s2 =	sld [smem:$0x3FAE]  }
0x29: {  	s4 =	sld [smem:$0x3FB0]  }
0x2a: {  	p0 =	seq.s32 s5, $0x0;
	s5 =	sld [smem:$0x3FB1]  }
0x2b: {  	s6 =	sld [smem:$0x3FB2]  }
0x2c: {  	s7 =	sld [smem:$0x3FB3]  }
0x2d: {  	s3 =	simm.s32 $0x108;
	s8 =	sld [smem:$0x3FB4]  }
0x2e: {  	s3 =	simm.s32 @!p0 $0x1082;
	s9 =	sld [smem:$0x3FB5]  }
0x2f: {  	lr =	sadd.s32 s0, s3;
	s0 =	sld [smem:$0x3FAC]  }
0x30: {  	s3 =	sld [smem:$0x3FAF]  }
0x31: {  	[smem:$0x3FB8] =	sst s10  }
0x32: {  	s10 =	sld [smem:$0x3FB6];
	_ =	sdelay $0x3  }
0x33: {  	p0 =	seq.s32 s10, $0x1;
	s10 =	sld [smem:$0x3FB8];
	_ =	sdelay $0x3  }
0x34: {  	[smem:$0x3FB8] =	sst s10  }
0x35: {  	s10 =	sld [smem:$0x3FB7];
	_ =	sdelay $0x3  }
0x36: {  	p1 =	seq.s32 s10, $0x1;
	s10 =	sld [smem:$0x3FB8];
	_ =	sdelay $0x3  }
0x37: {  	[smem:$0x3FB8] =	sst s10  }
0x38: {  	s10 =	sld [smem:$0x3FB9]  }
0x39: {  	_ = 	snop;
	(pc) =	sbr.ind lr, $3  }
0x3a: {  	_ = 	snop  }
0x3b: {  	_ = 	snop  }
0x3c: {  	p2 =	seq.s32 s10, $0x1;
	s10 =	sld [smem:$0x3FB8]  }
0x3d: {  	_ =	shalt  }
0x3e: {  	_ =	shalt  }
0x3f: {  	_ =	shalt  }
0x40: {  	_ =	shalt  }
0x41: {  	_ =	shalt  }
0x42: {  	_ =	shalt  }
0x43: {  	_ =	shalt  }
0x44: {  	_ =	shalt  }
0x45: {  	_ =	shalt  }
0x46: {  	_ =	shalt  }
0x47: {  	_ =	shalt  }
0x48: {  	_ =	shalt  }
0x49: {  	_ =	shalt  }
0x4a: {  	_ =	shalt  }
0x4b: {  	_ =	shalt  }
0x4c: {  	_ =	shalt  }
0x4d: {  	_ =	shalt  }
0x4e: {  	_ =	shalt  }
0x4f: {  	_ =	shalt  }
0x50: {  	_ =	shalt  }
0x51: {  	_ =	shalt  }
0x52: {  	_ =	shalt  }
0x53: {  	_ =	shalt  }
0x54: {  	_ =	shalt  }
0x55: {  	_ =	shalt  }
0x56: {  	_ =	shalt  }
0x57: {  	_ =	shalt  }
0x58: {  	_ =	shalt  }
0x59: {  	_ =	shalt  }
0x5a: {  	_ =	shalt  }
0x5b: {  	_ =	shalt  }
0x5c: {  	_ =	shalt  }
0x5d: {  	_ =	shalt  }
0x5e: {  	_ =	shalt  }
0x5f: {  	_ =	shalt  }
0x60: {  	_ =	shalt  }
0x61: {  	_ =	shalt  }
0x62: {  	_ =	shalt  }
0x63: {  	_ =	shalt  }
0x64: {  	_ =	shalt  }
0x65: {  	_ =	shalt  }
0x66: {  	_ =	shalt  }
0x67: {  	_ =	shalt  }
0x68: {  	_ =	shalt  }
0x69: {  	_ =	shalt  }
0x6a: {  	_ =	shalt  }
0x6b: {  	_ =	shalt  }
0x6c: {  	_ =	shalt  }
0x6d: {  	_ =	shalt  }
0x6e: {  	_ =	shalt  }
0x6f: {  	_ =	shalt  }
0x70: {  	_ =	shalt  }
0x71: {  	_ =	shalt  }
0x72: {  	_ =	shalt  }
0x73: {  	_ =	shalt  }
0x74: {  	_ =	shalt  }
0x75: {  	_ =	shalt  }
0x76: {  	_ =	shalt  }
0x77: {  	_ =	shalt  }
0x78: {  	_ =	shalt  }
0x79: {  	_ =	shalt  }
0x7a: {  	_ =	shalt  }
0x7b: {  	_ =	shalt  }
0x7c: {  	_ =	shalt  }
0x7d: {  	_ =	shalt  }
0x7e: {  	_ =	shalt  }
0x7f: {  	_ =	shalt  }
0x80: {  	_ =	shalt  }
0x81: {  	_ =	shalt  }
0x82: {  	_ =	shalt  }
0x83: {  	_ =	shalt  }
0x84: {  	_ =	shalt  }
0x85: {  	_ =	shalt  }
0x86: {  	_ =	shalt  }
0x87: {  	_ =	shalt  }
.Lfunc_end0:
.L_simem_size_0:
called_computation.3_lowered:
.L_overlay_start_0:
0x88: {  	s2 =	sld [smem:$0x3FD9]  }
0x89: {  	s3 =	sld [smem:$0x3FFE];
	_ =	sdelay $0x1  }
0x8a: {  	s1 =	srdreg.scid  }
0x8b: {  	s0 =	sand.u32 $0x1, s1  }
0x8c: {  	s17 =	sshll.u32 s0, $0xA;
	s2 =	sadd.s32 s3, s2  }
0x8d: {  	s2 =	sadd.s32 s2, s17  }
0x8e: {  	[smem:$0x3FC4] =	sst s2  }
0x8f: {  	_ = 	snop  }
0x90: {  	s2 =	sld [smem:$0x3FD0];
	(tm) =	ssettm $0x1  }
0x91: {  	s18 =	sld [smem:$0x3FFB];
	_ =	sdelay $0x3  }
0x92: {  	_ =	strace s18  }
0x93: {  	s3 =	sld [smem:$0x3FFC];
	_ =	sdelay $0x3  }
0x94: {  	_ =	strace s3  }
0x95: {  	s3 =	sld [smem:$0x3FFD];
	_ =	sdelay $0x3  }
0x96: {  	_ =	strace s3  }
0x97: {  	_ =	strace $0x8FFFFFFF  }
0x98: {  	s19 =	sld [smem:$0x3FDB];
	_ =	sdelay $0x1  }
0x99: {  	s4 =	simm.s32 $_scs_section_size  }
0x9a: {  	s5 =	simm.s32 $_size__tile_overlayer_lowered;
	s6 =	simm.s32 $_tile_overlayer_lowered  }
0x9b: {  	s22 =	simm.s32 $0x1BFF;
	s21 =	sshll.u32 s6, $0x1;
	s3 =	sadd.s32 s4, s19  }
0x9c: {  	s7 =	simm.s32 $0x0;
	s20 =	sshll.u32 s5, $0x1;
	s5 =	sadd.s32 s21, s3  }
0x9d: {  	[timem:s7], [sflag:s22] =	dma.local [hbm:s5], s20  }
0x9e: {  	_ =	swait.ge [sflag:s22], s20  }
0x9f: {  	s4 =	ssub.s32 $0x0, s20;
	[sflag:s22] =	ssyncset.done $0x0  }
0xa0: {  	[sflag:s22] =	ssyncadd.s32 s4;
	_ =	sdelay $0x1  }
0xa1: {  	s23 =	simm.s32 $0x1B8B  }
0xa2: {  	_ =	swait.ge [sflag:s23], $0x1  }
0xa3: {  	[sflag:s23] =	ssyncset.done $0x0  }
0xa4: {  	s25 =	simm.s32 $0x1B8E;
	s24 =	sld [smem:$0x3FFE];
	[sflag:s23] =	ssyncadd.s32 $0xFFFFFFFF  }
0xa5: {  	s26 =	simm.s32 $execute0_lowered;
	[smem:$0x3FD2] =	sst s25  }
0xa6: {  	s5 =	sshll.u32 s26, $0x1;
	_ =	strace $0x8000004F;
	[dreg:$0x1] =	wrdreg $0xFFFFFFFF  }
0xa7: {  	s28 =	simm.s32 $_size_execute0_lowered;
	s3 =	sadd.s32 s3, s5;
	[dreg:$0x0] =	wrdreg $0x0  }
0xa8: {  	s5 =	sshll.u32 s28, $0x1;
	[dreg:$0x2] =	wrdreg s3  }
0xa9: {  	[dreg:$0x3] =	wrdreg s5  }
0xaa: {  	[dreg:$0x4] =	wrdreg $0xC0  }
0xab: {  	_ =	task [dreg:s7], $0x5FFFF  }
0xac: {  	[dreg:$0x1] =	wrdreg $0xFFFFFFFF  }
0xad: {  	[dreg:$0x0] =	wrdreg $0x60  }
0xae: {  	[dreg:$0x2] =	wrdreg s24  }
0xaf: {  	[dreg:$0x3] =	wrdreg s2  }
0xb0: {  	[dreg:$0x4] =	wrdreg $0x9  }
0xb1: {  	_ =	task.clear_ibuf [dreg:s7], $0x5FFFF;
	_ =	strace $0x9000004F  }
0xb2: {  	s29 =	simm.s32 $0x9;
	_ =	strace $0x80000051  }
0xb3: {  	_ =	swait.ge [sflag:s29], $0x1  }
0xb4: {  	[sflag:s29] =	ssyncadd.s32 $0xFFFFFFFF  }
0xb5: {  	_ =	strace $0x90000051  }
0xb6: {  	_ =	sfence  }
0xb7: {  	s30 =	sld [smem:$0x0];
	_ =	sdelay $0x2  }
0xb8: {  	s31 =	sshll.u32 s1, $0xD;
	s1 =	sshrl.u32 s1, $0x2  }
0xb9: {  	s3 =	sand.u32 $0x4000, s31;
	s1 =	sadd.s32 s1, s30  }
0xba: {  	s0 =	sor.u32 s3, s0;
	s1 =	sshll.u32 s1, $0x11  }
0xbb: {  	s0 =	sor.u32 s1, s0  }
0xbc: {  	s0 =	sadd.s32 $0x8F2B, s0  }
0xbd: {  	[sflag:s0] =	ssyncadd.remote.s32 $0x1  }
0xbe: {  	_ =	sfence.sel $0xFFFF  }
0xbf: {  	[dreg:$0x0] =	wrdreg $0xFFFFFFFF;
	(pc) =	sbr.abs _section_cstart, $3  }
0xc0: {  	[dreg:$0x1] =	wrdreg $0xFFFFFFFF  }
0xc1: {  	_ =	task.clear_ibuf [dreg:s7], $0x2FFFF;
	_ =	strace $0x9FFFFFFF  }
0xc2: {  	(tm) =	ssettm $0x7FFFFFFF  }
0xc3: {  	_ =	shalt  }
tec
execute0_lowered:
.L_overlay_start_1:
0x0: {  	(tag) =	ssettag $0x1  }
0x1: {  	s0 =	srdreg.scid;
	s1 =	stileid.u32  }
0x2: {  	s0 =	sand.u32 $0x1, s0;
	s1 =	sshll.u32 s1, $0x1  }
0x3: {  	s1 =	sor.u32 s0, s1  }
0x4: {  	s4 =	sadd.s32 $0x1, s1  }
0x5: {  	v3 =	vmov s4  }
0x6: {  	s3 =	simm.s32 $0x0;
	v0 =	vlaneseq.u32;
	v1 =	vshll.u32 v3, $0x5  }
0x7: {  	[smem:$0x7FF] =	sst s3;
	v2 =	vor.u32 $0x10, v0;
	v4 =	vor.u32 v0, v1  }
0x8: {  	s2 =	rddreg [dreg:$0x0];
	_ =	strace $0x80000050;
	[tilespmem:$0x1FF80] =	vst v4;
	v4 =	vor.u32 v2, v1  }
0x9: {  	vm1 =	vcmask $0x300;
	[tilespmem:$0x1FF90] =	vst v4;
	v4 =	vimm.s32 $0x15F0  }
0xa: {  	vm3 =	vcmask $0x704;
	v4 =	vsel vm1, $0xD00, v4  }
0xb: {  	vm0 =	vcmask $0x3F04;
	vm6 =	vcmask $0xB08;
	v4 =	vsel vm3, $0xDD0, v4  }
0xc: {  	vm4 =	vmmov $0xfff;
	s10 =	simm.s32 $0x7330;
	s11 =	simm.s32 $0x2;
	s13 =	simm.s32 $0x16E0;
	v4 =	vsel vm6, $0xEA0, v4;
	vm6 =	vcmask $0xF0C  }
0xd: {  	s15 =	simm.s32 $0x1AF0;
	v6 =	vimm.f32 $0.0e+00;
	s16 =	simm.s32 $0x70;
	s17 =	simm.s32 $0x1F30;
	v4 =	vsel vm6, $0xF70, v4;
	vm6 =	vcmask $0x1310  }
0xe: {  	s30 =	simm.s32 $0xFFFFFF90;
	v9 =	vimm.s32 $0x70;
	s21 =	simm.s32 $0x1BD0;
	s22 =	simm.s32 $0x1D90;
	v4 =	vsel vm6, $0x1040, v4;
	vm6 =	vcmask $0x1714  }
0xf: {  	s23 =	simm.s32 $0x1CB0;
	s24 =	simm.s32 $0x1E60;
	s25 =	simm.s32 $0x3B30;
	v10 =	vand.u32 $0x7, v0;
	v4 =	vsel vm6, $0x1110, v4;
	vm6 =	vcmask $0x1B18  }
0x10: {  	s20 =	simm.s32 $0x1;
	s29 =	simm.s32 $0x5730;
	s31 =	simm.s32 $0x6530;
	v11 =	vmul.u32 $0xD0, v0;
	[tilespmem:$0x1FFA0] =	vst v2;
	v4 =	vsel vm6, $0x11E0, v4;
	vm6 =	vcmask $0x1F1C  }
.Ltmp0:
0x11: {  	v7 =	vimm.s32 $0x0;
	s5 =	sadd.s32 $0x2200, s2;
	s6 =	sadd.s32 $0x2400, s2;
	[tilespmem:$0x1FFC0] =	vst v10;
	v4 =	vsel vm6, $0x12B0, v4;
	vm6 =	vcmask $0x2320;
	(pc) =	sbr.rel .LBB2_1-.Ltmp0, $4  }
0x12: {  	s7 =	sadd.s32 $0x819000, s2;
	s0 =	ssub.s32 $0x2, s0;
	[dreg:$0x3] =	wrdreg s30;
	[tilespmem:$0x1FFD0] =	vst v11;
	v5 =	vmul.u32 $0xD0, v3;
	v4 =	vsel vm6, $0x1380, v4;
	vm6 =	vcmask $0x2724  }
0x13: {  	s8 =	sshll.u32 s1, $0x1;
	s9 =	sshrl.u32 s0, $0x1;
	p0 =	slt.u32 s1, $0x1B;
	vm2 =	vne.s32 v3, v0;
	[tilespmem:$0x1FFF0] =	vst v1;
	v4 =	vsel vm6, $0x1450, v4;
	vm6 =	vcmask $0x2B28  }
0x14: {  	s4 =	sadd.s32 $0x2600, s2;
	s2 =	sadd.s32 s8, s2;
	s0 =	ssub.s32 s0, s9;
	vm5 =	vne.s32 v3, v2;
	vm7 =	veq.s32 v3, v0;
	[tilespmem:$0x1FFB0] =	vst v5;
	v28 =	vsel vm6, $0x1520, v4  }
0x15: {  	s1 =	simm.s32 $0x0;
	s8 =	sadd.s32 $0x1E00, s2;
	s9 =	smax.u32 s0, $0x1;
	vm2 =	vmand vm2, vm0;
	vm5 =	vmand vm5, vm4;
	vm6 =	veq.s32 v3, v2;
	[tilespmem:$0x1FFE0] =	vst v28  }
.LBB2_2:
0x16: {  	[tilespmem:$0x7330] =	vst v6  }
.LBB2_10:
0x17: {  	s1 =	sadd.s32 $0x1, s1  }
0x18: {  	p1 =	sne.s32 s1, s9  }
.Ltmp1:
0x19: {  	_ = 	snop;
	(pc) =	sbr.rel @!p1 .LBB2_11-.Ltmp1, $4  }
0x1a: {  	[hbm4b:s8+s3] =	stream.linear.scatter [tilespmem:s10], [sflag:$0x2], $0x10, $0x38;
	[tilespmem:$0x7340] =	vst v63  }
0x1b: {  	_ =	swait.ge [sflag:s11], $0x10  }
0x1c: {  	[sflag:s11] =	ssyncset.done $0x0  }
0x1d: {  	[sflag:s11] =	ssyncadd.s32 $0xFFFFFFF0  }
.LBB2_1:
.Ltmp2:
0x1e: {  	(pc) =	sbr.rel @!p0 .LBB2_2-.Ltmp2, $1  }
0x1f: {  	_ =	sdelay $0x3  }
0x20: {  	s0 =	simm.s32 $0x0  }
0x21: {  	[tilespmem:s0], [sflag:$0x2] =	stream.linear.gather [hbm4b:s4+s0], $0x16C0, $0x38;
	[tilespmem:$0x7340] =	vst v63  }
0x22: {  	_ =	swait.ge [sflag:s11], $0x16C0  }
0x23: {  	[sflag:s11] =	ssyncset.done $0x0  }
0x24: {  	s2 =	simm.s32 $0x16C0;
	[sflag:s11] =	ssyncadd.s32 $0xFFFFE940  }
0x25: {  	[tilespmem:s2], [sflag:$0x2] =	stream.linear.gather [hbm4b:s5+s0], $0x20, $0x38;
	[tilespmem:$0x7340] =	vst v63  }
0x26: {  	_ =	swait.ge [sflag:s11], $0x20  }
0x27: {  	[sflag:s11] =	ssyncset.done $0x0  }
0x28: {  	[sflag:s11] =	ssyncadd.s32 $0xFFFFFFE0  }
0x29: {  	[tilespmem:s13], [sflag:$0x2] =	stream.linear.gather [hbm4b:s6+s0], $0x400, $0x38;
	[tilespmem:$0x7340] =	vst v63  }
0x2a: {  	_ =	swait.ge [sflag:s11], $0x400  }
0x2b: {  	[sflag:s11] =	ssyncset.done $0x0  }
0x2c: {  	[sflag:s11] =	ssyncadd.s32 $0xFFFFFC00  }
0x2d: {  	s12 =	simm.s32 $0x1AE0;
	s30 =	rddreg [dreg:$0x1]  }
0x2e: {  	[tilespmem:s12], [sflag:$0x2] =	stream.linear.gather [hbm4b:s30+s0], $0x10, $0x38;
	[tilespmem:$0x7340] =	vst v63  }
0x2f: {  	_ =	swait.ge [sflag:s11], $0x10  }
0x30: {  	v3 =	vld [tilespmem:$0x1FF80];
	_ =	sdelay $0x5  }
0x31: {  	[sflag:s11] =	ssyncset.done $0x0  }
0x32: {  	[sflag:s11] =	ssyncadd.s32 $0xFFFFFFF0  }
0x33: {  	v4 =	vld.idx.msk [tilespmem:v3+s13+$0x0], $0xffff  }
0x34: {  	v3 =	vld [tilespmem:$0x1FF90];
	_ =	sdelay $0x7  }
0x35: {  	v3 =	vld.idx.msk [tilespmem:v3+s13+$0x0], $0xffff;
	[tilespmem:$0x1AF0] =	vst v7  }
0x36: {  	[tilespmem:$0x1BD0] =	vst v7  }
0x37: {  	[tilespmem:$0x1CB0] =	vst v7  }
0x38: {  	[tilespmem:$0x1B00] =	vst v7  }
0x39: {  	[tilespmem:$0x1BE0] =	vst v7  }
0x3a: {  	[tilespmem:$0x1CC0] =	vst v7  }
0x3b: {  	[tilespmem:$0x1B10] =	vst v7  }
0x3c: {  	[tilespmem:$0x1BF0] =	vst v7  }
0x3d: {  	[tilespmem:$0x1CD0] =	vst v7  }
0x3e: {  	[tilespmem:$0x1B20] =	vst v7  }
0x3f: {  	[tilespmem:$0x1C00] =	vst v7  }
0x40: {  	[tilespmem:$0x1CE0] =	vst v7  }
0x41: {  	[tilespmem:$0x1B30] =	vst v7  }
0x42: {  	[tilespmem:$0x1C10] =	vst v7  }
0x43: {  	[tilespmem:$0x1CF0] =	vst v7  }
0x44: {  	[tilespmem:$0x1B40] =	vst v7  }
0x45: {  	[tilespmem:$0x1C20] =	vst v7  }
0x46: {  	[tilespmem:$0x1D00] =	vst v7  }
0x47: {  	[tilespmem:$0x1B50] =	vst v7  }
0x48: {  	[tilespmem:$0x1C30] =	vst v7  }
0x49: {  	[tilespmem:$0x1D10] =	vst v7  }
0x4a: {  	[tilespmem:$0x1B60] =	vst v7  }
0x4b: {  	[tilespmem:$0x1C40] =	vst v7  }
0x4c: {  	[tilespmem:$0x1D20] =	vst v7  }
0x4d: {  	[tilespmem:$0x1B70] =	vst v7  }
0x4e: {  	[tilespmem:$0x1C50] =	vst v7  }
0x4f: {  	[tilespmem:$0x1D30] =	vst v7  }
0x50: {  	[tilespmem:$0x1B80] =	vst v7  }
0x51: {  	[tilespmem:$0x1C60] =	vst v7  }
0x52: {  	[tilespmem:$0x1D40] =	vst v7  }
0x53: {  	[tilespmem:$0x1B90] =	vst v7  }
0x54: {  	[tilespmem:$0x1C70] =	vst v7  }
0x55: {  	[tilespmem:$0x1D50] =	vst v7  }
0x56: {  	[tilespmem:$0x1BA0] =	vst v7  }
0x57: {  	[tilespmem:$0x1C80] =	vst v7  }
0x58: {  	[tilespmem:$0x1D60] =	vst v7  }
0x59: {  	[tilespmem:$0x1BB0] =	vst v7  }
0x5a: {  	[tilespmem:$0x1C90] =	vst v7  }
0x5b: {  	[tilespmem:$0x1D70] =	vst v7  }
0x5c: {  	[tilespmem:$0x1BC0] =	vst v7  }
0x5d: {  	[tilespmem:$0x1CA0] =	vst v7  }
0x5e: {  	[tilespmem:$0x1D80] =	vst v7  }
0x5f: {  	[tilespmem:$0x1D90] =	vst v7  }
0x60: {  	[tilespmem:$0x1E60] =	vst v7  }
0x61: {  	[tilespmem:$0x1DA0] =	vst v7  }
0x62: {  	[tilespmem:$0x1E70] =	vst v7  }
0x63: {  	[tilespmem:$0x1DB0] =	vst v7  }
0x64: {  	[tilespmem:$0x1E80] =	vst v7  }
0x65: {  	[tilespmem:$0x1DC0] =	vst v7  }
0x66: {  	[tilespmem:$0x1E90] =	vst v7  }
0x67: {  	[tilespmem:$0x1DD0] =	vst v7  }
0x68: {  	[tilespmem:$0x1EA0] =	vst v7  }
0x69: {  	[tilespmem:$0x1DE0] =	vst v7  }
0x6a: {  	[tilespmem:$0x1EB0] =	vst v7  }
0x6b: {  	[tilespmem:$0x1DF0] =	vst v7  }
0x6c: {  	[tilespmem:$0x1EC0] =	vst v7  }
0x6d: {  	[tilespmem:$0x1E00] =	vst v7  }
0x6e: {  	[tilespmem:$0x1ED0] =	vst v7  }
0x6f: {  	v8 =	vor.u32 s0, v0;
	[tilespmem:$0x1E10] =	vst v7  }
0x70: {  	vm8 =	vlt.s32 v8, $0xCF;
	[tilespmem:$0x1EE0] =	vst v7  }
0x71: {  	v14 =	vnsel vm8, $0xCF, v8;
	[tilespmem:$0x1E20] =	vst v7  }
0x72: {  	v15 =	vand.u32 $0xF8, v14;
	[tilespmem:$0x1EF0] =	vst v7  }
0x73: {  	v16 =	vmov s0;
	v17 =	vand.u32 $0x7, v14;
	v15 =	vadd.s32 v5, v15;
	[tilespmem:$0x1E30] =	vst v7  }
0x74: {  	vm8 =	vlt.u32 v16, $0x70;
	v16 =	vor.u32 v17, v15;
	[tilespmem:$0x1F00] =	vst v7  }
0x75: {  	[tilespmem:$0x1E40] =	vst v7  }
0x76: {  	v12 =	vld [tilespmem:$0x16C0];
	[tilespmem:$0x1F10] =	vst v7  }
0x77: {  	s0 =	simm.s32 $0x10;
	v13 =	vld [tilespmem:$0x16D0];
	[tilespmem:$0x1E50] =	vst v7  }
0x78: {  	s2 =	simm.s32 $0x20;
	v17 =	vsel vm8, $0x0, v9;
	v15 =	vor.u32 s0, v0;
	v14 =	vld [tilespmem:$0x1AE0];
	[tilespmem:$0x1F20] =	vst v7  }
.LBB2_4:
0x79: {  	p1 =	sne.s32 s2, $0xD0;
	vm8 =	vlt.s32 v15, $0xCF;
	v18 =	vld.idx.msk [tilespmem:v16+s3+$0x0], $0xffff;
	v16 =	vsub.s32 v8, v17;
	v8 =	vmov v15  }
0x7a: {  	v15 =	vnsel vm8, $0xCF, v8;
	v16 =	vand.u32 $0xFFFFFFF8, v16  }
0x7b: {  	v19 =	vand.u32 $0xF8, v15;
	v16 =	vadd.s32 v17, v16  }
0x7c: {  	v15 =	vand.u32 $0x7, v15;
	v17 =	vadd.s32 v5, v19;
	v19 =	vor.u32 v10, v16  }
.Ltmp3:
0x7d: {  	v16 =	vor.u32 v15, v17;
	(pc) =	sbr.rel @p1 .LBB2_4-.Ltmp3, $4  }
0x7e: {  	_ = 	snop  }
0x7f: {  	v15 =	vmov s0;
	s0 =	smov.u32 s2;
	vm8 =	vlt.s32 v18, $0x7FFFF  }
0x80: {  	vm9 =	vlt.u32 v15, $0x70;
	v18 =	vnsel vm8, $0x7FFFF, v18  }
0x81: {  	s2 =	sadd.s32 $0x10, s2;
	v15 =	vor.u32 s0, v0;
	v17 =	vsel vm9, $0x0, v9;
	[tilespmem:v19+s15+$0x0] =	vst.idx.msk $0xffff, v18  }
0x82: {  	vm8 =	veq.f32 v4, $0.0e+00  }
0x83: {  	vm0 =	vcmask $0x3F04;
	v4 =	vsel vm8, $0x43800000, v4;
	vm8 =	vgt.s32 v12, $0x0  }
0x84: {  	vm9 =	veq.f32 v3, $0.0e+00;
	vm10 =	vgt.s32 v13, $0x0;
	vm8 =	vmand vm8, vm0  }
0x85: {  	v3 =	vsel vm9, $0x43800000, v3;
	vm9 =	vmand vm10, vm4;
	v18 =	vnsel vm8, $0x7F800000, v4  }
0x86: {  	vm10 =	vlt.s32 v15, $0xCF;
	(xrf0) =	vmin.scan.msk.f32 $0xffff, v18;
	v18 =	vnsel vm9, $0x7F800000, v3  }
0x87: {  	v8 =	vsub.s32 v8, v17;
	(xrf0) =	vmin.scan.msk.f32 $0xffff, v18;
	v18 =	vnsel vm10, $0xCF, v15  }
0x88: {  	v8 =	vand.u32 $0xFFFFFFF8, v8;
	v19 =	vand.u32 $0xF8, v18  }
0x89: {  	v16 =	vld.idx.msk [tilespmem:v16+s3+$0x0], $0xffff;
	v8 =	vadd.s32 v17, v8;
	v17 =	vand.u32 $0x7, v18;
	v18 =	vadd.s32 v5, v19  }
0x8a: {  	v17 =	vor.u32 v17, v18;
	v18 =	vmov s0  }
0x8b: {  	v8 =	vor.u32 v10, v8  }
0x8c: {  	v19, _, _ =	vpop (xrf0)  }
0x8d: {  	vm11 =	vlt.u32 v18, $0x70;
	(v2sf) =	vpush v19, $0xF;
	v18, _, _ =	vpop (xrf0)  }
0x8e: {  	vm10 =	vlt.s32 v16, $0x7FFFF;
	(v2sf) =	vpush v18, $0xF  }
0x8f: {  	v16 =	vnsel vm10, $0x7FFFF, v16;
	v19 =	vsel vm11, $0x0, v9  }
0x90: {  	[tilespmem:v8+s15+$0x0] =	vst.idx.msk $0xffff, v16;
	v8 =	vsub.s32 v15, v19  }
0x91: {  	v15 =	vld.idx.msk [tilespmem:v17+s3+$0x0], $0xffff;
	v8 =	vand.u32 $0xFFFFFFF8, v8  }
0x92: {  	v8 =	vadd.s32 v19, v8  }
0x93: {  	v8 =	vor.u32 v10, v8;
	_ =	sdelay $0x2  }
0x94: {  	vm10 =	vlt.s32 v15, $0x7FFFF  }
0x95: {  	v15 =	vnsel vm10, $0x7FFFF, v15  }
0x96: {  	[tilespmem:v8+s15+$0x0] =	vst.idx.msk $0xffff, v15  }
0x97: {  	[tilespmem:s17], [sflag:$0x1] =	stream.indirect.gather [hbm4b:s7+s16], $0x20, s15, s16, $0xb8;
	[tilespmem:$0x7340] =	vst v63  }
0x98: {  	s28 =	simm.s32 $0x1B60;
	s2 =	simm.s32 $0x2D30;
	s30 =	simm.s32 $0x0  }
0x99: {  	[tilespmem:s2], [sflag:$0x1] =	stream.indirect.gather [hbm4b:s7+s16], $0x20, s28, s16, $0xb8;
	[tilespmem:$0x7340] =	vst v63  }
0x9a: {  	v8 =	vld.idx.msk [tilespmem:v11+s30+$0x0], $0xffff;
	s18 =	spop (v2sf)  }
0x9b: {  	v17 =	vld.idx.msk [tilespmem:v28+s30+$0x0], $0xffff;
	s12 =	spop (v2sf)  }
0x9c: {  	s2 =	smin.f32 s18, s12  }
0x9d: {  	vm10 =	veq.f32 v4, s2  }
0x9e: {  	vm8 =	vmand vm8, vm10;
	vm10 =	veq.f32 v3, s2  }
0x9f: {  	vm9 =	vmand vm9, vm10;
	v16 =	vnsel vm8, $0x3FFFFFFF, v8  }
0xa0: {  	v15 =	vnsel vm9, $0x3FFFFFFF, v17;
	v3 =	vxor.u32 $0x80000000, v16  }
0xa1: {  	v4 =	vxor.u32 $0x80000000, v15;
	(xrf0) =	vmin.scan.msk.u32 $0xffff, v3  }
0xa2: {  	(xrf0) =	vmin.scan.msk.u32 $0xffff, v4;
	_ =	sdelay $0x1  }
0xa3: {  	vm10 =	vmneg vm8  }
0xa4: {  	vm11 =	vmand vm2, vm10;
	vm10 =	vmneg vm9  }
0xa5: {  	vm10 =	vmand vm5, vm10;
	v18 =	vnsel vm11, $0x3FFFFFFF, v8  }
0xa6: {  	v17 =	vnsel vm10, $0x3FFFFFFF, v17;
	v4 =	vxor.u32 $0x80000000, v18;
	v3, _, _ =	vpop (xrf0)  }
0xa7: {  	v8 =	vxor.u32 $0x80000000, v17;
	(xrf0) =	vmin.scan.msk.u32 $0xffff, v4;
	(v2sf) =	vpush v3, $0xF;
	v3, _, _ =	vpop (xrf0)  }
0xa8: {  	(xrf0) =	vmin.scan.msk.u32 $0xffff, v8;
	(v2sf) =	vpush v3, $0xF;
	_ =	sdelay $0x4  }
0xa9: {  	v3, _, _ =	vpop (xrf0)  }
0xaa: {  	(v2sf) =	vpush v3, $0xF;
	v3, _, _ =	vpop (xrf0)  }
0xab: {  	(v2sf) =	vpush v3, $0xF;
	_ =	sdelay $0x6  }
0xac: {  	s19 =	spop (v2sf)  }
0xad: {  	s26 =	spop (v2sf)  }
0xae: {  	s2 =	sxor.u32 $0x80000000, s19;
	s12 =	sxor.u32 $0x80000000, s26  }
0xaf: {  	p1 =	slt.s32 s2, s12  }
0xb0: {  	s12 =	smov.u32 @p1 s2  }
0xb1: {  	vm12 =	veq.s32 v16, s12  }
0xb2: {  	v3 =	vsel vm12, $0x3F800000, v6  }
0xb3: {  	s28 =	spop (v2sf);
	(xrf0) =	vmax.scan.msk.f32 $0xffff, v3  }
0xb4: {  	s14 =	spop (v2sf)  }
0xb5: {  	s18 =	sxor.u32 $0x80000000, s28;
	s2 =	sxor.u32 $0x80000000, s14  }
0xb6: {  	p1 =	slt.s32 s18, s2  }
0xb7: {  	s2 =	smov.u32 @p1 s18  }
0xb8: {  	vm14 =	veq.s32 v18, s2  }
0xb9: {  	v4 =	vsel vm14, $0x3F800000, v6;
	v3, _, _ =	vpop (xrf0)  }
0xba: {  	(xrf0) =	vmax.scan.msk.f32 $0xffff, v4;
	(v2sf) =	vpush v3, $0xF;
	_ =	sdelay $0x5  }
0xbb: {  	v3, _, _ =	vpop (xrf0)  }
0xbc: {  	(v2sf) =	vpush v3, $0xF;
	_ =	sdelay $0x5  }
0xbd: {  	p1 =	por $0x0, $0x0;
	s18 =	simm.s32 $0x1  }
0xbe: {  	vm13 =	veq.s32 v15, s12;
	s14 =	rddreg [dreg:$0x3];
	s18 =	simm.s32 @!p1 $0x0  }
0xbf: {  	s14 =	simm.s32 @!p1 $0x0;
	v19 =	vmov s18;
	v3 =	vmctz.xlane vm13;
	s19 =	spop (v2sf)  }
0xc0: {  	v24 =	vmov s30;
	v8 =	vmctz.xlane vm12;
	s14 =	sadd.s32 $0x0, s14;
	v19 =	vmul.u32 $0x70, v19;
	p5 =	sgt.f32 s19, $0.0e+00  }
0xc1: {  	v4 =	vimm.s32 $0x0;
	v20 =	vmov s14;
	v3 =	vadd.s32 $0x10, v3  }
0xc2: {  	v19 =	vbroadcast v19, $0x0;
	vm13 =	veq.s32 v17, s2;
	v3 =	vpsel p5, v8, v3  }
0xc3: {  	v21 =	vmctz.xlane vm13;
	v8 =	vand.u32 $0xFFFFFFF8, v20;
	vm12 =	veq.s32 v3, v0  }
0xc4: {  	v20 =	vand.u32 $0x7, v20;
	vm15 =	veq.s32 v3, v2;
	vm13 =	vmand vm8, vm12  }
0xc5: {  	v8 =	vadd.s32 v19, v8;
	vm12 =	vmand vm9, vm15;
	v22 =	vsel vm13, $0x1, v7  }
0xc6: {  	v8 =	vor.u32 v20, v8;
	s30 =	spop (v2sf);
	v19 =	vadd.s32 v22, v4;
	v22 =	vsel vm12, $0x1, v7  }
0xc7: {  	p6 =	sgt.f32 s30, $0.0e+00;
	v20 =	vadd.s32 v22, v4;
	vm15 =	vlt.s32 v19, $0xCF;
	v22 =	vmctz.xlane vm14  }
0xc8: {  	v21 =	vadd.s32 $0x10, v21;
	v23 =	vnsel vm15, $0xCF, v19;
	vm14 =	vlt.s32 v20, $0xCF  }
0xc9: {  	p2 =	slt.s32 s12, $0x7FFFF;
	v23 =	vadd.s32 v11, v23;
	v25 =	vnsel vm14, $0xCF, v20;
	v26 =	vpsel p6, v22, v21  }
0xca: {  	s12 =	simm.s32 @!p2 $0x7FFFF;
	v25 =	vadd.s32 v28, v25;
	vm14 =	veq.s32 v26, v0;
	vm0 =	veq.s32 v26, v2  }
0xcb: {  	v21 =	vmov s12;
	vm15 =	vmand vm11, vm14;
	vm14 =	vmand vm10, vm0  }
0xcc: {  	p1 =	slt.s32 s2, $0x7FFFF;
	[tilespmem:v8+s21+$0x0] =	vst.idx.msk $0x1, v21;
	v21 =	vsel vm15, $0x1, v7;
	v22 =	vsel vm14, $0x1, v7  }
0xcd: {  	s2 =	simm.s32 @!p1 $0x7FFFF;
	[tilespmem:v24+s22+$0x0] =	vst.idx.msk $0x1, v3;
	v21 =	vadd.s32 v21, v4;
	v22 =	vadd.s32 v22, v4  }
0xce: {  	v4 =	vld.idx.msk [tilespmem:v23+s3+$0x0], $0xffff;
	vm0 =	vlt.s32 v21, $0xCF;
	vm1 =	vlt.s32 v22, $0xCF;
	v23 =	vmov s2  }
0xcf: {  	v3 =	vld.idx.msk [tilespmem:v25+s3+$0x0], $0xffff;
	v63 =	vnsel vm0, $0xCF, v21;
	v27 =	vnsel vm1, $0xCF, v22;
	[tilespmem:v8+s23+$0x0] =	vst.idx.msk $0x1, v23  }
0xd0: {  	s0 =	simm.s32 $0x1;
	s2 =	simm.s32 $0x2;
	v23 =	vadd.s32 v11, v63;
	v8 =	vadd.s32 v28, v27;
	[tilespmem:v24+s24+$0x0] =	vst.idx.msk $0x1, v26  }
.LBB2_6:
0xd1: {  	_ =	sdelay $0x2  }
0xd2: {  	v16 =	vsel vm13, v4, v16  }
0xd3: {  	v4 =	vld.idx.msk [tilespmem:v23+s3+$0x0], $0xffff;
	v15 =	vsel vm12, v3, v15;
	v23 =	vxor.u32 $0x80000000, v16  }
0xd4: {  	v3 =	vld.idx.msk [tilespmem:v8+s3+$0x0], $0xffff;
	v8 =	vxor.u32 $0x80000000, v15;
	(xrf0) =	vmin.scan.msk.u32 $0xffff, v23  }
0xd5: {  	(xrf0) =	vmin.scan.msk.u32 $0xffff, v8;
	_ =	sdelay $0x2  }
0xd6: {  	v18 =	vsel vm15, v4, v18  }
0xd7: {  	v17 =	vsel vm14, v3, v17;
	v1 =	vxor.u32 $0x80000000, v18  }
0xd8: {  	v3 =	vxor.u32 $0x80000000, v17;
	v8, _, _ =	vpop (xrf0);
	(xrf0) =	vmin.scan.msk.u32 $0xffff, v1  }
0xd9: {  	(v2sf) =	vpush v8, $0xF;
	v4, _, _ =	vpop (xrf0);
	(xrf0) =	vmin.scan.msk.u32 $0xffff, v3  }
0xda: {  	(v2sf) =	vpush v4, $0xF;
	_ =	sdelay $0x3  }
0xdb: {  	v3, _, _ =	vpop (xrf0)  }
0xdc: {  	(v2sf) =	vpush v3, $0xF;
	v3, _, _ =	vpop (xrf0)  }
0xdd: {  	(v2sf) =	vpush v3, $0xF;
	_ =	sdelay $0x7  }
0xde: {  	s14 =	spop (v2sf)  }
0xdf: {  	s18 =	spop (v2sf)  }
0xe0: {  	s19 =	sxor.u32 $0x80000000, s14;
	s14 =	sxor.u32 $0x80000000, s18  }
0xe1: {  	p2 =	slt.s32 s19, s14  }
0xe2: {  	s14 =	smov.u32 @p2 s19  }
0xe3: {  	vm12 =	veq.s32 v16, s14  }
0xe4: {  	v4 =	vsel vm12, $0x3F800000, v6;
	s19 =	spop (v2sf)  }
0xe5: {  	(xrf0) =	vmax.scan.msk.f32 $0xffff, v4;
	s26 =	spop (v2sf)  }
0xe6: {  	p2 =	slt.s32 s14, $0x7FFFF;
	s19 =	sxor.u32 $0x80000000, s19;
	s18 =	sxor.u32 $0x80000000, s26  }
0xe7: {  	vm0 =	veq.s32 v15, s14;
	s14 =	simm.s32 @!p2 $0x7FFFF;
	p2 =	slt.s32 s19, s18  }
0xe8: {  	s18 =	smov.u32 @p2 s19  }
0xe9: {  	vm13 =	veq.s32 v18, s18  }
0xea: {  	v8 =	vsel vm13, $0x3F800000, v6  }
0xeb: {  	v23, _, _ =	vpop (xrf0);
	(xrf0) =	vmax.scan.msk.f32 $0xffff, v8  }
0xec: {  	(v2sf) =	vpush v23, $0xF;
	_ =	sdelay $0x4  }
0xed: {  	v8, _, _ =	vpop (xrf0)  }
0xee: {  	(v2sf) =	vpush v8, $0xF;
	_ =	sdelay $0x6  }
0xef: {  	p2 =	slt.s32 s18, $0x7FFFF  }
0xf0: {  	v3 =	vmctz.xlane vm0;
	s26 =	simm.s32 $0x1;
	vm0 =	veq.s32 v17, s18;
	s18 =	simm.s32 @!p2 $0x7FFFF;
	p2 =	sgt.u32 s0, $0x6F  }
0xf1: {  	s19 =	rddreg [dreg:$0x3];
	s26 =	simm.s32 @!p2 $0x0;
	s28 =	spop (v2sf)  }
0xf2: {  	v4 =	vmctz.xlane vm0;
	s19 =	simm.s32 @!p2 $0x0;
	v23 =	vmctz.xlane vm12;
	v8 =	vmov s26;
	p5 =	sgt.f32 s28, $0.0e+00  }
0xf3: {  	v24 =	vmov s0;
	v3 =	vadd.s32 $0x10, v3;
	s19 =	sadd.s32 s0, s19;
	v8 =	vmul.u32 $0x70, v8  }
0xf4: {  	v4 =	vadd.s32 $0x10, v4;
	v25 =	vmov s19;
	v3 =	vpsel p5, v23, v3  }
0xf5: {  	v26 =	vand.u32 $0xFFFFFFF8, v25;
	v8 =	vbroadcast v8, $0x0;
	vm0 =	veq.s32 v3, v0  }
0xf6: {  	v23 =	vmctz.xlane vm13;
	vm1 =	veq.s32 v3, v2;
	vm13 =	vmand vm8, vm0  }
0xf7: {  	v25 =	vand.u32 $0x7, v25;
	vm12 =	vmand vm9, vm1;
	v27 =	vsel vm13, $0x1, v7;
	s30 =	spop (v2sf)  }
0xf8: {  	v8 =	vadd.s32 v8, v26;
	v57 =	vsel vm12, $0x1, v7;
	v19 =	vadd.s32 v27, v19;
	p6 =	sgt.f32 s30, $0.0e+00  }
0xf9: {  	v8 =	vor.u32 v25, v8;
	v20 =	vadd.s32 v57, v20;
	vm0 =	vlt.s32 v19, $0xCF  }
0xfa: {  	v58 =	vnsel vm0, $0xCF, v19;
	vm0 =	vlt.s32 v20, $0xCF;
	v59 =	vpsel p6, v23, v4  }
0xfb: {  	v4 =	vadd.s32 v11, v58;
	v23 =	vnsel vm0, $0xCF, v20;
	vm0 =	veq.s32 v59, v0  }
0xfc: {  	v23 =	vadd.s32 v28, v23;
	vm15 =	vmand vm11, vm0;
	vm0 =	veq.s32 v59, v2  }
0xfd: {  	p1 =	sne.s32 s2, $0xC7;
	v60 =	vmov s14;
	vm14 =	vmand vm10, vm0;
	v27 =	vsel vm15, $0x1, v7  }
.Ltmp4:
0xfe: {  	[tilespmem:v8+s21+$0x0] =	vst.idx.msk $0x1, v60;
	v21 =	vadd.s32 v27, v21;
	v61 =	vsel vm14, $0x1, v7;
	(pc) =	sbr.rel @p1 .LBB2_6-.Ltmp4, $4  }
0xff: {  	[tilespmem:v24+s22+$0x0] =	vst.idx.msk $0x1, v3;
	v22 =	vadd.s32 v61, v22;
	vm0 =	vlt.s32 v21, $0xCF  }
0x100: {  	v27 =	vmov s18;
	v4 =	vld.idx.msk [tilespmem:v4+s3+$0x0], $0xffff;
	v62 =	vnsel vm0, $0xCF, v21;
	vm0 =	vlt.s32 v22, $0xCF  }
0x101: {  	s12 =	smov.u32 s2;
	v3 =	vld.idx.msk [tilespmem:v23+s3+$0x0], $0xffff;
	v63 =	vnsel vm0, $0xCF, v22;
	[tilespmem:v8+s23+$0x0] =	vst.idx.msk $0x1, v27  }
0x102: {  	s2 =	sadd.s32 $0x1, s2;
	s0 =	smov.u32 s12;
	v23 =	vadd.s32 v11, v62;
	v8 =	vadd.s32 v28, v63;
	[tilespmem:v24+s24+$0x0] =	vst.idx.msk $0x1, v59  }
0x103: {  	_ =	sdelay $0x3  }
0x104: {  	v19 =	vld.idx.msk [tilespmem:v23+s3+$0x0], $0xffff  }
0x105: {  	v8 =	vld.idx.msk [tilespmem:v8+s3+$0x0], $0xffff;
	_ =	sdelay $0x1  }
0x106: {  	v4 =	vsel vm13, v4, v16  }
0x107: {  	v16 =	vxor.u32 $0x80000000, v4;
	v3 =	vsel vm12, v3, v15  }
0x108: {  	v15 =	vxor.u32 $0x80000000, v3;
	(xrf0) =	vmin.scan.msk.u32 $0xffff, v16;
	v16 =	vsel vm15, v19, v18  }
0x109: {  	(xrf0) =	vmin.scan.msk.u32 $0xffff, v15;
	v8 =	vsel vm14, v8, v17;
	v15 =	vxor.u32 $0x80000000, v16  }
0x10a: {  	v17 =	vxor.u32 $0x80000000, v8;
	(xrf0) =	vmin.scan.msk.u32 $0xffff, v15  }
0x10b: {  	(xrf0) =	vmin.scan.msk.u32 $0xffff, v17;
	_ =	sdelay $0x2  }
0x10c: {  	v15, _, _ =	vpop (xrf0)  }
0x10d: {  	(v2sf) =	vpush v15, $0xF;
	v15, _, _ =	vpop (xrf0)  }
0x10e: {  	(v2sf) =	vpush v15, $0xF;
	v15, _, _ =	vpop (xrf0)  }
0x10f: {  	(v2sf) =	vpush v15, $0xF;
	v15, _, _ =	vpop (xrf0)  }
0x110: {  	(v2sf) =	vpush v15, $0xF;
	_ =	sdelay $0xb  }
0x111: {  	s2 =	spop (v2sf)  }
0x112: {  	s12 =	spop (v2sf)  }
0x113: {  	s18 =	sxor.u32 $0x80000000, s2;
	s12 =	sxor.u32 $0x80000000, s12;
	s14 =	spop (v2sf)  }
0x114: {  	p1 =	slt.s32 s18, s12;
	s30 =	spop (v2sf)  }
0x115: {  	s14 =	sxor.u32 $0x80000000, s14;
	s12 =	smov.u32 @p1 s18;
	s2 =	sxor.u32 $0x80000000, s30  }
0x116: {  	vm13 =	veq.s32 v4, s12;
	p1 =	slt.s32 s14, s2  }
0x117: {  	v4 =	vsel vm13, $0x3F800000, v6;
	s2 =	smov.u32 @p1 s14  }
0x118: {  	(xrf0) =	vmax.scan.msk.f32 $0xffff, v4;
	vm12 =	veq.s32 v16, s2  }
0x119: {  	v4 =	vsel vm12, $0x3F800000, v6  }
0x11a: {  	(xrf0) =	vmax.scan.msk.f32 $0xffff, v4;
	v4 =	vnsel vm8, $0x0, v12  }
0x11b: {  	(xrf0) =	vadd.scan.msk.s32 $0xffff, v4  }
0x11c: {  	v4 =	vnsel vm9, $0x0, v13  }
0x11d: {  	(xrf0) =	vadd.scan.msk.s32 $0xffff, v4;
	v4 =	vnsel vm11, $0x0, v12  }
0x11e: {  	v15, _, _ =	vpop (xrf0);
	(xrf0) =	vadd.scan.msk.s32 $0xffff, v4  }
0x11f: {  	v4 =	vnsel vm10, $0x0, v13;
	(v2sf) =	vpush v15, $0xF  }
0x120: {  	v15, _, _ =	vpop (xrf0);
	(xrf0) =	vadd.scan.msk.s32 $0xffff, v4;
	v4 =	vnsel vm7, $0x0, v12  }
0x121: {  	(v2sf) =	vpush v15, $0xF;
	v12, _, _ =	vpop (xrf0);
	(xrf0) =	vadd.scan.msk.s32 $0xffff, v4;
	v4 =	vnsel vm6, $0x0, v13;
	_ =	sdelay $0x1  }
0x122: {  	(v2sf) =	vpush v12, $0xF;
	v12, _, _ =	vpop (xrf0);
	(xrf0) =	vadd.scan.msk.s32 $0xffff, v4  }
0x123: {  	s18 =	simm.s32 $0x1;
	p1 =	sgt.u32 s0, $0x6F;
	(v2sf) =	vpush v12, $0xF;
	v12 =	vxor.u32 $0x80000000, v14;
	v4, _, _ =	vpop (xrf0)  }
0x124: {  	s18 =	simm.s32 @!p1 $0x0;
	(xrf0) =	vmin.scan.msk.u32 $0xffff, v12;
	(v2sf) =	vpush v4, $0xF  }
0x125: {  	s14 =	rddreg [dreg:$0x3];
	v12 =	vmov s18;
	v4, _, _ =	vpop (xrf0)  }
0x126: {  	s14 =	simm.s32 @!p1 $0x0;
	v12 =	vmul.u32 $0x70, v12;
	(v2sf) =	vpush v4, $0xF;
	v4, _, _ =	vpop (xrf0)  }
0x127: {  	s14 =	sadd.s32 s0, s14;
	(v2sf) =	vpush v4, $0xF  }
0x128: {  	v13 =	vmov s14;
	v12 =	vbroadcast v12, $0x0;
	v4, _, _ =	vpop (xrf0)  }
0x129: {  	(v2sf) =	vpush v4, $0xF;
	v4 =	vand.u32 $0xFFFFFFF8, v13  }
0x12a: {  	v13 =	vand.u32 $0x7, v13;
	v14, _, _ =	vpop (xrf0);
	v4 =	vadd.s32 v12, v4  }
0x12b: {  	(v2sf) =	vpush v14, $0xF;
	v4 =	vor.u32 v13, v4  }
0x12c: {  	vm0 =	veq.s32 v3, s12;
	v3 =	vmov s0  }
0x12d: {  	p1 =	slt.s32 s12, $0x7FFFF;
	v12 =	vmctz.xlane vm0;
	s19 =	spop (v2sf)  }
0x12e: {  	s12 =	simm.s32 @!p1 $0x7FFFF;
	vm0 =	veq.s32 v8, s2;
	v8 =	vmctz.xlane vm13;
	p5 =	sgt.f32 s19, $0.0e+00  }
0x12f: {  	p2 =	slt.s32 s2, $0x7FFFF;
	v13 =	vmctz.xlane vm0;
	v14 =	vmov s12;
	v12 =	vadd.s32 $0x10, v12;
	s26 =	spop (v2sf)  }
0x130: {  	s2 =	simm.s32 @!p2 $0x7FFFF;
	v8 =	vpsel p5, v8, v12;
	v12 =	vmctz.xlane vm12;
	[tilespmem:v4+s21+$0x0] =	vst.idx.msk $0x1, v14;
	p6 =	sgt.f32 s26, $0.0e+00  }
0x131: {  	v13 =	vadd.s32 $0x10, v13;
	s0 =	spop (v2sf);
	[tilespmem:v3+s22+$0x0] =	vst.idx.msk $0x1, v8;
	v8 =	vmov s2  }
0x132: {  	s18 =	spop (v2sf);
	[tilespmem:v4+s23+$0x0] =	vst.idx.msk $0x1, v8;
	v12 =	vpsel p6, v12, v13  }
0x133: {  	s2 =	spop (v2sf);
	[tilespmem:v3+s24+$0x0] =	vst.idx.msk $0x1, v12  }
0x134: {  	[tilespmem:s25], [sflag:$0x1] =	stream.indirect.gather [hbm4b:s7+s16], $0x20, s21, s16, $0xb8;
	[tilespmem:$0x7340] =	vst v63  }
0x135: {  	s19 =	spop (v2sf)  }
0x136: {  	s28 =	simm.s32 $0x1C40;
	s30 =	simm.s32 $0x4930;
	s26 =	spop (v2sf)  }
0x137: {  	[tilespmem:s30], [sflag:$0x1] =	stream.indirect.gather [hbm4b:s7+s16], $0x20, s28, s16, $0xb8;
	[tilespmem:$0x7340] =	vst v63  }
0x138: {  	s28 =	spop (v2sf)  }
0x139: {  	[tilespmem:s29], [sflag:$0x1] =	stream.indirect.gather [hbm4b:s7+s16], $0x20, s23, s16, $0xb8;
	[tilespmem:$0x7340] =	vst v63  }
0x13a: {  	s14 =	simm.s32 $0x1D20;
	s30 =	spop (v2sf)  }
0x13b: {  	[tilespmem:s31], [sflag:$0x1] =	stream.indirect.gather [hbm4b:s7+s16], $0x20, s14, s16, $0xb8;
	[tilespmem:$0x7340] =	vst v63  }
0x13c: {  	_ =	swait.ge [sflag:s20], $0xE00  }
0x13d: {  	[sflag:s20] =	ssyncset.done $0x0  }
0x13e: {  	[sflag:s20] =	ssyncadd.s32 $0xFFFFF200  }
0x13f: {  	_ =	swait.ge [sflag:s20], $0xE00  }
0x140: {  	[sflag:s20] =	ssyncset.done $0x0  }
0x141: {  	[sflag:s20] =	ssyncadd.s32 $0xFFFFF200  }
0x142: {  	_ =	swait.ge [sflag:s20], $0xE00  }
0x143: {  	[sflag:s20] =	ssyncset.done $0x0  }
0x144: {  	[sflag:s20] =	ssyncadd.s32 $0xFFFFF200  }
0x145: {  	s14 =	simm.s32 $0x0;
	_ =	swait.ge [sflag:s20], $0xE00  }
0x146: {  	v3 =	vmov s14;
	[sflag:s20] =	ssyncset.done $0x0  }
0x147: {  	vm0 =	vgt.u32 v3, $0x6F;
	[sflag:s20] =	ssyncadd.s32 $0xFFFFF200  }
0x148: {  	v2 =	vor.u32 s14, v0;
	v3 =	vsel vm0, $0x7FFFF90, v7;
	_ =	swait.ge [sflag:s20], $0xE00  }
0x149: {  	v3 =	vadd.s32 v2, v3;
	[sflag:s20] =	ssyncset.done $0x0  }
0x14a: {  	v4 =	vsel vm0, $0xE00, v7;
	v3 =	vshll.u32 v3, $0x5;
	[sflag:s20] =	ssyncadd.s32 $0xFFFFF200  }
0x14b: {  	v4 =	vadd.s32 v4, v3;
	_ =	swait.ge [sflag:s20], $0xE00  }
0x14c: {  	[sflag:s20] =	ssyncset.done $0x0  }
0x14d: {  	s12 =	simm.s32 $0x1D90;
	[sflag:s20] =	ssyncadd.s32 $0xFFFFF200  }
0x14e: {  	s14 =	simm.s32 $0x1E60;
	v34 =	vor.u32 $0x16, v4;
	v1 =	vld [tilespmem:s12+$0x0]  }
0x14f: {  	v37 =	vor.u32 $0xA, v4;
	v3 =	vld [tilespmem:s14+$0x0]  }
0x150: {  	v38 =	vor.u32 $0x9, v4;
	v14 =	vld.idx.msk [tilespmem:v4+s17+$0x0], $0xffff  }
0x151: {  	v39 =	vor.u32 $0x8, v4;
	v35 =	vld.idx.msk [tilespmem:v4+s25+$0x0], $0xffff  }
0x152: {  	v40 =	vor.u32 $0x7, v4;
	v36 =	vld.idx.msk [tilespmem:v4+s29+$0x0], $0xffff  }
0x153: {  	v41 =	vor.u32 $0x6, v4;
	v5 =	vld.idx.msk [tilespmem:v34+s17+$0x0], $0xffff  }
0x154: {  	v42 =	vor.u32 $0x5, v4;
	v43 =	vld.idx.msk [tilespmem:v37+s17+$0x0], $0xffff  }
0x155: {  	v44 =	vor.u32 $0x4, v4;
	v46 =	vld.idx.msk [tilespmem:v38+s17+$0x0], $0xffff  }
0x156: {  	v47 =	vor.u32 $0x3, v4;
	v48 =	vld.idx.msk [tilespmem:v39+s17+$0x0], $0xffff  }
0x157: {  	v49 =	vor.u32 $0x2, v4;
	v50 =	vld.idx.msk [tilespmem:v40+s17+$0x0], $0xffff  }
0x158: {  	v51 =	vor.u32 $0x1, v4;
	v52 =	vld.idx.msk [tilespmem:v41+s17+$0x0], $0xffff  }
0x159: {  	v53 =	vld.idx.msk [tilespmem:v42+s17+$0x0], $0xffff  }
0x15a: {  	v54 =	vld.idx.msk [tilespmem:v44+s17+$0x0], $0xffff  }
0x15b: {  	v55 =	vld.idx.msk [tilespmem:v47+s17+$0x0], $0xffff  }
0x15c: {  	v56 =	vld.idx.msk [tilespmem:v49+s17+$0x0], $0xffff  }
0x15d: {  	v57 =	vld.idx.msk [tilespmem:v51+s17+$0x0], $0xffff  }
0x15e: {  	v58 =	vld.idx.msk [tilespmem:v51+s25+$0x0], $0xffff  }
0x15f: {  	v51 =	vld.idx.msk [tilespmem:v51+s29+$0x0], $0xffff  }
0x160: {  	v59 =	vld.idx.msk [tilespmem:v49+s25+$0x0], $0xffff  }
0x161: {  	v49 =	vld.idx.msk [tilespmem:v49+s29+$0x0], $0xffff  }
0x162: {  	v60 =	vld.idx.msk [tilespmem:v47+s25+$0x0], $0xffff  }
0x163: {  	v47 =	vld.idx.msk [tilespmem:v47+s29+$0x0], $0xffff  }
0x164: {  	v61 =	vld.idx.msk [tilespmem:v44+s25+$0x0], $0xffff  }
0x165: {  	v44 =	vld.idx.msk [tilespmem:v44+s29+$0x0], $0xffff  }
0x166: {  	v62 =	vld.idx.msk [tilespmem:v42+s25+$0x0], $0xffff  }
0x167: {  	v42 =	vld.idx.msk [tilespmem:v42+s29+$0x0], $0xffff  }
0x168: {  	v63 =	vld.idx.msk [tilespmem:v41+s25+$0x0], $0xffff  }
0x169: {  	v41 =	vld.idx.msk [tilespmem:v41+s29+$0x0], $0xffff  }
0x16a: {  	v18 =	vld.idx.msk [tilespmem:v40+s25+$0x0], $0xffff  }
0x16b: {  	v40 =	vld.idx.msk [tilespmem:v40+s29+$0x0], $0xffff  }
0x16c: {  	v20 =	vld.idx.msk [tilespmem:v39+s25+$0x0], $0xffff  }
0x16d: {  	v26 =	vor.u32 $0x1A, v4;
	v39 =	vld.idx.msk [tilespmem:v39+s29+$0x0], $0xffff  }
0x16e: {  	v16 =	vor.u32 $0x14, v4;
	v22 =	vld.idx.msk [tilespmem:v38+s25+$0x0], $0xffff  }
0x16f: {  	v15 =	vor.u32 $0x13, v4;
	v38 =	vld.idx.msk [tilespmem:v38+s29+$0x0], $0xffff  }
0x170: {  	v45 =	vor.u32 $0x1F, v4;
	v31 =	vor.u32 $0x1E, v4;
	v13 =	vor.u32 $0x12, v4;
	v24 =	vld.idx.msk [tilespmem:v37+s25+$0x0], $0xffff  }
0x171: {  	v29 =	vor.u32 $0x1D, v4;
	v28 =	vor.u32 $0x1C, v4;
	v37 =	vld.idx.msk [tilespmem:v37+s29+$0x0], $0xffff;
	v35 =	vmul.f32 v35, v14  }
0x172: {  	v27 =	vor.u32 $0x1B, v4;
	v30 =	vor.u32 $0x19, v4;
	[tilespmem:$0x1FED0] =	vst v3;
	v3 =	vld.idx.msk [tilespmem:v26+s17+$0x0], $0xffff;
	v14 =	vmul.f32 v36, v14  }
0x173: {  	v12 =	vor.u32 $0x11, v4;
	v25 =	vld.idx.msk [tilespmem:v16+s17+$0x0], $0xffff;
	v58 =	vmul.f32 v58, v57;
	v35 =	vadd.f32 $0.0e+00, v35  }
0x174: {  	v8 =	vor.u32 $0x10, v4;
	v23 =	vld.idx.msk [tilespmem:v15+s17+$0x0], $0xffff;
	v51 =	vmul.f32 v51, v57;
	v14 =	vadd.f32 $0.0e+00, v14  }
0x175: {  	v32 =	vor.u32 $0x18, v4;
	v19 =	vld.idx.msk [tilespmem:v13+s17+$0x0], $0xffff;
	[tilespmem:$0x1FEC0] =	vst v1;
	v35 =	vadd.f32 v58, v35;
	v58 =	vmul.f32 v59, v56  }
0x176: {  	v1 =	vld.idx.msk [tilespmem:v45+s17+$0x0], $0xffff;
	v49 =	vmul.f32 v49, v56;
	v60 =	vmul.f32 v60, v55;
	v14 =	vadd.f32 v51, v14  }
0x177: {  	v57 =	vor.u32 $0xD, v4;
	v47 =	vmul.f32 v47, v55;
	[tilespmem:$0x1FF10] =	vst v3;
	v3 =	vld.idx.msk [tilespmem:v30+s17+$0x0], $0xffff;
	v35 =	vadd.f32 v58, v35  }
0x178: {  	v17 =	vld.idx.msk [tilespmem:v12+s17+$0x0], $0xffff;
	v61 =	vmul.f32 v61, v54;
	v62 =	vmul.f32 v62, v53;
	v14 =	vadd.f32 v49, v14  }
0x179: {  	v42 =	vmul.f32 v42, v53;
	v53 =	vld.idx.msk [tilespmem:v8+s25+$0x0], $0xffff;
	v59 =	vor.u32 $0xC, v4;
	v35 =	vadd.f32 v60, v35  }
0x17a: {  	v33 =	vor.u32 $0x17, v4;
	v44 =	vmul.f32 v44, v54;
	v51 =	vld.idx.msk [tilespmem:v8+s17+$0x0], $0xffff;
	v14 =	vadd.f32 v47, v14  }
0x17b: {  	v21 =	vor.u32 $0x15, v4;
	v36 =	vor.u32 $0xF, v4;
	[tilespmem:$0x1FF60] =	vst v1;
	v1 =	vld.idx.msk [tilespmem:v32+s17+$0x0], $0xffff;
	v35 =	vadd.f32 v61, v35  }
0x17c: {  	v8 =	vld.idx.msk [tilespmem:v8+s29+$0x0], $0xffff;
	[tilespmem:$0x1FEE0] =	vst v3;
	v3 =	vor.u32 $0xE, v4;
	v4 =	vor.u32 $0xB, v4;
	v14 =	vadd.f32 v44, v14  }
0x17d: {  	v63 =	vmul.f32 v63, v52;
	v56 =	vld.idx.msk [tilespmem:v57+s17+$0x0], $0xffff;
	v35 =	vadd.f32 v62, v35  }
0x17e: {  	v41 =	vmul.f32 v41, v52;
	v47 =	vld.idx.msk [tilespmem:v59+s17+$0x0], $0xffff;
	v14 =	vadd.f32 v42, v14  }
0x17f: {  	v18 =	vmul.f32 v18, v50;
	v60 =	vld.idx.msk [tilespmem:v59+s25+$0x0], $0xffff;
	v35 =	vadd.f32 v63, v35  }
0x180: {  	v40 =	vmul.f32 v40, v50;
	[tilespmem:$0x1FEB0] =	vst v1;
	v1 =	vld.idx.msk [tilespmem:v33+s17+$0x0], $0xffff;
	v14 =	vadd.f32 v41, v14  }
0x181: {  	v20 =	vmul.f32 v20, v48;
	v55 =	vld.idx.msk [tilespmem:v4+s17+$0x0], $0xffff;
	v18 =	vadd.f32 v18, v35  }
0x182: {  	v39 =	vmul.f32 v39, v48;
	v44 =	vld.idx.msk [tilespmem:v4+s25+$0x0], $0xffff;
	v14 =	vadd.f32 v40, v14  }
0x183: {  	v4 =	vld.idx.msk [tilespmem:v4+s29+$0x0], $0xffff;
	v18 =	vadd.f32 v20, v18  }
0x184: {  	v61 =	vld.idx.msk [tilespmem:v59+s29+$0x0], $0xffff;
	v20 =	vmul.f32 v22, v46;
	v14 =	vadd.f32 v39, v14;
	v22 =	vmul.f32 v38, v46  }
0x185: {  	v62 =	vld.idx.msk [tilespmem:v57+s25+$0x0], $0xffff  }
0x186: {  	v63 =	vld.idx.msk [tilespmem:v57+s29+$0x0], $0xffff;
	v14 =	vadd.f32 v22, v14;
	v22 =	vmul.f32 v24, v43;
	v24 =	vmul.f32 v37, v43  }
0x187: {  	v49 =	vld.idx.msk [tilespmem:v3+s17+$0x0], $0xffff;
	v18 =	vadd.f32 v20, v18  }
0x188: {  	v48 =	vld.idx.msk [tilespmem:v3+s25+$0x0], $0xffff;
	v4 =	vmul.f32 v4, v55;
	v14 =	vadd.f32 v24, v14  }
0x189: {  	v3 =	vld.idx.msk [tilespmem:v3+s29+$0x0], $0xffff;
	v54 =	vmul.f32 v44, v55;
	v18 =	vadd.f32 v22, v18  }
0x18a: {  	v58 =	vld.idx.msk [tilespmem:v36+s17+$0x0], $0xffff;
	v4 =	vadd.f32 v4, v14;
	v14 =	vmul.f32 v61, v47  }
0x18b: {  	v20 =	vld.idx.msk [tilespmem:v36+s29+$0x0], $0xffff;
	v24 =	vmul.f32 v60, v47;
	v18 =	vadd.f32 v54, v18  }
0x18c: {  	v50 =	vld.idx.msk [tilespmem:v36+s25+$0x0], $0xffff;
	v4 =	vadd.f32 v14, v4;
	v14 =	vmul.f32 v63, v56  }
0x18d: {  	[tilespmem:$0x1FEA0] =	vst v1;
	v1 =	vld.idx.msk [tilespmem:v21+s17+$0x0], $0xffff;
	v57 =	vmul.f32 v62, v56;
	v18 =	vadd.f32 v24, v18  }
0x18e: {  	v3 =	vmul.f32 v3, v49;
	v22 =	vld.idx.msk [tilespmem:v12+s25+$0x0], $0xffff;
	v4 =	vadd.f32 v14, v4  }
0x18f: {  	v59 =	vmul.f32 v48, v49;
	v12 =	vld.idx.msk [tilespmem:v12+s29+$0x0], $0xffff;
	v18 =	vadd.f32 v57, v18  }
0x190: {  	v55 =	vld.idx.msk [tilespmem:v13+s25+$0x0], $0xffff;
	v3 =	vadd.f32 v3, v4;
	v4 =	vmul.f32 v20, v58  }
0x191: {  	v38 =	vmul.f32 v50, v58;
	v13 =	vld.idx.msk [tilespmem:v13+s29+$0x0], $0xffff;
	v18 =	vadd.f32 v59, v18  }
0x192: {  	v24 =	vld.idx.msk [tilespmem:v15+s25+$0x0], $0xffff;
	v3 =	vadd.f32 v4, v3;
	v4 =	vmul.f32 v8, v51  }
0x193: {  	v60 =	vmul.f32 v53, v51;
	v15 =	vld.idx.msk [tilespmem:v15+s29+$0x0], $0xffff;
	v18 =	vadd.f32 v38, v18  }
0x194: {  	v14 =	vld.idx.msk [tilespmem:v16+s25+$0x0], $0xffff;
	v3 =	vadd.f32 v4, v3;
	v4 =	vmul.f32 v12, v17  }
0x195: {  	v22 =	vmul.f32 v22, v17;
	v16 =	vld.idx.msk [tilespmem:v16+s29+$0x0], $0xffff;
	v18 =	vadd.f32 v60, v18  }
0x196: {  	v20 =	vld.idx.msk [tilespmem:v21+s25+$0x0], $0xffff;
	v3 =	vadd.f32 v4, v3;
	v4 =	vmul.f32 v13, v19  }
0x197: {  	v21 =	vld.idx.msk [tilespmem:v21+s29+$0x0], $0xffff;
	v12 =	vmul.f32 v55, v19;
	v18 =	vadd.f32 v22, v18  }
0x198: {  	v8 =	vld.idx.msk [tilespmem:v34+s25+$0x0], $0xffff;
	v3 =	vadd.f32 v4, v3;
	v4 =	vmul.f32 v15, v23  }
0x199: {  	s14 =	simm.s32 $0x10;
	v34 =	vld.idx.msk [tilespmem:v34+s29+$0x0], $0xffff;
	v12 =	vadd.f32 v12, v18  }
0x19a: {  	v17 =	vld.idx.msk [tilespmem:v33+s25+$0x0], $0xffff;
	v18 =	vmov s14;
	v3 =	vadd.f32 v4, v3;
	v4 =	vmul.f32 v16, v25  }
0x19b: {  	v33 =	vld.idx.msk [tilespmem:v33+s29+$0x0], $0xffff;
	vm0 =	vgt.u32 v18, $0x6F  }
0x19c: {  	v18 =	vmul.f32 v20, v1;
	v3 =	vadd.f32 v4, v3;
	v4 =	vmul.f32 v21, v1;
	v1 =	vld [tilespmem:$0x1FEA0];
	_ =	sdelay $0x2  }
0x19d: {  	v13 =	vld.idx.msk [tilespmem:v32+s25+$0x0], $0xffff;
	v3 =	vadd.f32 v4, v3;
	v4 =	vmul.f32 v34, v5  }
0x19e: {  	v19 =	vmul.f32 v24, v23;
	v22 =	vld.idx.msk [tilespmem:v32+s29+$0x0], $0xffff  }
0x19f: {  	v3 =	vadd.f32 v4, v3;
	v17 =	vmul.f32 v17, v1;
	v4 =	vmul.f32 v33, v1;
	v1 =	vld [tilespmem:$0x1FEB0]  }
0x1a0: {  	s12 =	simm.s32 $0x1DA0;
	v0 =	vor.u32 s14, v0;
	v21 =	vsel vm0, $0x7FFFF90, v7  }
0x1a1: {  	[tilespmem:$0x1FE90] =	vst v0;
	v14 =	vmul.f32 v14, v25;
	v12 =	vadd.f32 v19, v12;
	v21 =	vadd.s32 v0, v21;
	v0 =	vld [tilespmem:s12+$0x0]  }
0x1a2: {  	v9 =	vld.idx.msk [tilespmem:v29+s17+$0x0], $0xffff  }
0x1a3: {  	v10 =	vld.idx.msk [tilespmem:v28+s17+$0x0], $0xffff;
	v14 =	vadd.f32 v14, v12  }
0x1a4: {  	v13 =	vmul.f32 v13, v1;
	v22 =	vmul.f32 v22, v1;
	v1 =	vld [tilespmem:$0x1FEC0]  }
0x1a5: {  	v11 =	vld.idx.msk [tilespmem:v27+s17+$0x0], $0xffff;
	v8 =	vmul.f32 v8, v5;
	s14 =	simm.s32 $0x1E70;
	v14 =	vadd.f32 v18, v14  }
0x1a6: {  	[tilespmem:$0x1FEF0] =	vst v0;
	v0 =	vld [tilespmem:s14+$0x0]  }
0x1a7: {  	v24 =	vld.idx.msk [tilespmem:v27+s29+$0x0], $0xffff;
	v21 =	vshll.u32 v21, $0x5;
	v8 =	vadd.f32 v8, v14;
	v14 =	vsel vm0, $0xE00, v7  }
0x1a8: {  	v16 =	vld.idx.msk [tilespmem:v26+s25+$0x0], $0xffff;
	v50 =	vadd.s32 v14, v21  }
0x1a9: {  	v8 =	vadd.f32 v17, v8;
	v14 =	vand.u32 $0xFFFFFFF8, v1;
	v17 =	vand.u32 $0x7, v1;
	v1 =	vld [tilespmem:$0x1FED0]  }
0x1aa: {  	v19 =	vld.idx.msk [tilespmem:v26+s29+$0x0], $0xffff  }
0x1ab: {  	[tilespmem:$0x1FF00] =	vst v0;
	v0 =	vld [tilespmem:$0x1FF10];
	v8 =	vadd.f32 v13, v8;
	v13 =	vor.u32 $0x1F, v50  }
0x1ac: {  	v23 =	vld.idx.msk [tilespmem:v30+s29+$0x0], $0xffff  }
0x1ad: {  	v7 =	vld [tilespmem:$0x1FFF0];
	v3 =	vadd.f32 v4, v3  }
0x1ae: {  	v21 =	vand.u32 $0xFFFFFFF8, v1;
	v25 =	vand.u32 $0x7, v1;
	v1 =	vld [tilespmem:$0x1FEE0]  }
0x1af: {  	v15 =	vld.idx.msk [tilespmem:v30+s25+$0x0], $0xffff;
	v3 =	vadd.f32 v22, v3  }
0x1b0: {  	v22 =	vmul.f32 v16, v0;
	v19 =	vmul.f32 v19, v0;
	v16 =	vor.u32 $0x1E, v50;
	v0 =	vld.idx.msk [tilespmem:v13+s17+$0x0], $0xffff  }
0x1b1: {  	v20 =	vld.idx.msk [tilespmem:v27+s25+$0x0], $0xffff  }
0x1b2: {  	v27 =	vld.idx.msk [tilespmem:v29+s25+$0x0], $0xffff;
	v21 =	vadd.s32 v7, v21  }
0x1b3: {  	v26 =	vld.idx.msk [tilespmem:v28+s29+$0x0], $0xffff;
	v25 =	vor.u32 v25, v21;
	v21 =	vmul.f32 v23, v1  }
0x1b4: {  	v18 =	vld.idx.msk [tilespmem:v28+s25+$0x0], $0xffff  }
0x1b5: {  	[tilespmem:$0x1FF20] =	vst v0;
	v0 =	vld.idx.msk [tilespmem:v16+s17+$0x0], $0xffff;
	v3 =	vadd.f32 v21, v3;
	v21 =	vor.u32 $0x1D, v50  }
0x1b6: {  	v28 =	vld.idx.msk [tilespmem:v29+s29+$0x0], $0xffff;
	v29 =	vmul.f32 v15, v1;
	_ =	sdelay $0x1  }
0x1b7: {  	v8 =	vadd.f32 v29, v8;
	_ =	sdelay $0x1  }
0x1b8: {  	[tilespmem:$0x1FF30] =	vst v0;
	v8 =	vadd.f32 v22, v8;
	v22 =	vor.u32 $0x1C, v50;
	v0 =	vld.idx.msk [tilespmem:v21+s17+$0x0], $0xffff  }
0x1b9: {  	v6 =	vld.idx.msk [tilespmem:v31+s17+$0x0], $0xffff;
	v14 =	vadd.s32 v7, v14  }
0x1ba: {  	v62 =	vld.idx.msk [tilespmem:v45+s29+$0x0], $0xffff;
	v14 =	vor.u32 v17, v14  }
0x1bb: {  	v61 =	vld.idx.msk [tilespmem:v45+s25+$0x0], $0xffff  }
0x1bc: {  	v30 =	vld.idx.msk [tilespmem:v31+s29+$0x0], $0xffff  }
0x1bd: {  	[tilespmem:$0x1FF40] =	vst v0;
	v0 =	vld.idx.msk [tilespmem:v22+s17+$0x0], $0xffff  }
0x1be: {  	v20 =	vmul.f32 v20, v11;
	v4 =	vld.idx.msk [tilespmem:v31+s25+$0x0], $0xffff  }
0x1bf: {  	v35 =	vor.u32 $0x16, v50;
	v63 =	vld.idx.msk [tilespmem:v14+s13+$0x0], $0xffff;
	v14 =	vmul.f32 v24, v11;
	v3 =	vadd.f32 v19, v3  }
0x1c0: {  	v36 =	vor.u32 $0x15, v50;
	v18 =	vmul.f32 v18, v10;
	v53 =	vld.idx.msk [tilespmem:v50+s17+$0x0], $0xffff;
	v8 =	vadd.f32 v20, v8  }
0x1c1: {  	v38 =	vor.u32 $0x14, v50;
	v56 =	vld.idx.msk [tilespmem:v50+s25+$0x0], $0xffff;
	v3 =	vadd.f32 v14, v3;
	v20 =	vmul.f32 v26, v10  }
0x1c2: {  	v40 =	vor.u32 $0x13, v50;
	v23 =	vmul.f32 v27, v9;
	v8 =	vadd.f32 v18, v8;
	[tilespmem:$0x1FF50] =	vst v0;
	v0 =	vld [tilespmem:$0x1FF60]  }
0x1c3: {  	v59 =	vld.idx.msk [tilespmem:v50+s29+$0x0], $0xffff;
	v24 =	vmul.f32 v28, v9;
	v3 =	vadd.f32 v20, v3  }
0x1c4: {  	v42 =	vor.u32 $0x12, v50;
	v34 =	vld.idx.msk [tilespmem:v35+s17+$0x0], $0xffff;
	v4 =	vmul.f32 v4, v6;
	v8 =	vadd.f32 v23, v8  }
0x1c5: {  	v44 =	vor.u32 $0x11, v50;
	v37 =	vld.idx.msk [tilespmem:v36+s17+$0x0], $0xffff;
	v28 =	vmul.f32 v30, v6;
	v3 =	vadd.f32 v24, v3  }
0x1c6: {  	v47 =	vor.u32 $0x10, v50;
	v49 =	vor.u32 $0xF, v50;
	v39 =	vld.idx.msk [tilespmem:v38+s17+$0x0], $0xffff;
	v4 =	vadd.f32 v4, v8  }
0x1c7: {  	v41 =	vld.idx.msk [tilespmem:v40+s17+$0x0], $0xffff;
	v3 =	vadd.f32 v28, v3;
	v32 =	vmul.f32 v61, v0;
	v8 =	vmul.f32 v62, v0  }
0x1c8: {  	v52 =	vor.u32 $0xE, v50;
	v19 =	vld.idx.msk [tilespmem:v25+s13+$0x0], $0xffff  }
0x1c9: {  	v55 =	vor.u32 $0xD, v50;
	v43 =	vld.idx.msk [tilespmem:v42+s17+$0x0], $0xffff;
	v4 =	vadd.f32 v32, v4;
	v3 =	vadd.f32 v8, v3  }
0x1ca: {  	v58 =	vor.u32 $0xC, v50;
	v46 =	vld.idx.msk [tilespmem:v44+s17+$0x0], $0xffff  }
0x1cb: {  	s18 =	sadd.s32 s18, s0;
	v31 =	vor.u32 $0x18, v50;
	v48 =	vld.idx.msk [tilespmem:v47+s17+$0x0], $0xffff;
	v4 =	vsub.f32 $1.000000000e+00, v4;
	v3 =	vadd.f32 $-1.000000000e+00, v3  }
0x1cc: {  	s2 =	sadd.s32 s19, s2;
	s19 =	sadd.s32 s26, s28;
	s0 =	sxor.u32 $0x80000000, s30;
	v51 =	vld.idx.msk [tilespmem:v49+s17+$0x0], $0xffff;
	v25 =	vor.u32 $0x1B, v50  }
0x1cd: {  	p1 =	slt.s32 s19, s18;
	p2 =	slt.s32 s2, s0;
	v45 =	vld.idx.msk [tilespmem:v52+s17+$0x0], $0xffff;
	v26 =	vor.u32 $0x1A, v50;
	v3 =	vadd.f32 v3, v4;
	v4 =	vsub.f32 v19, v63  }
0x1ce: {  	s18 =	smov.u32 @p1 s19;
	s0 =	smov.u32 @p2 s2;
	v54 =	vld.idx.msk [tilespmem:v55+s17+$0x0], $0xffff;
	v29 =	vor.u32 $0x19, v50  }
0x1cf: {  	p1 =	slt.s32 s18, s0;
	v33 =	vor.u32 $0x17, v50;
	v57 =	vld.idx.msk [tilespmem:v58+s17+$0x0], $0xffff;
	v3 =	vadd.f32 $1.000000010e-01, v3;
	v4 =	vmul.f32 $1.250000000e-01, v4  }
0x1d0: {  	s0 =	smov.u32 @p1 s18;
	v30 =	vld.idx.msk [tilespmem:v31+s17+$0x0], $0xffff;
	v61 =	vor.u32 $0xB, v50  }
0x1d1: {  	v24 =	vld.idx.msk [tilespmem:v25+s17+$0x0], $0xffff;
	v0 =	vmov s0;
	v3 =	vadd.f32 v4, v3  }
0x1d2: {  	vm1 =	vlt.u32 v2, $0xC8;
	v27 =	vld.idx.msk [tilespmem:v26+s17+$0x0], $0xffff;
	vm0 =	vlt.s32 v2, v0  }
0x1d3: {  	v28 =	vld.idx.msk [tilespmem:v29+s17+$0x0], $0xffff;
	vm0 =	vmand vm0, vm1;
	v3 =	vmax.f32 v3, $0.0e+00  }
0x1d4: {  	v62 =	vor.u32 $0xA, v50;
	[tilespmem:$0x1FF70] =	vst v0;
	v32 =	vld.idx.msk [tilespmem:v33+s17+$0x0], $0xffff;
	v8 =	vor.u32 $0x6, v50;
	v3 =	vnsel vm0, $0x0, v3  }
0x1d5: {  	s2 =	simm.f32 $0.0e+00;
	s18 =	simm.s32 $0x20;
	v60 =	vld.idx.msk [tilespmem:v61+s17+$0x0], $0xffff;
	v63 =	vor.u32 $0x9, v50;
	v4 =	vor.u32 $0x7, v50;
	(xrf2) =	vadd.scan.msk.f32 $0xffff, v3;
	v3 =	vor.u32 $0x8, v50  }
.LBB2_8:
0x1d6: {  	_ =	sdelay $0x6  }
0x1d7: {  	v5 =	vor.u32 $0x5, v50  }
0x1d8: {  	v9 =	vor.u32 $0x4, v50;
	v0 =	vld.idx.msk [tilespmem:v63+s17+$0x0], $0xffff  }
0x1d9: {  	v1 =	vor.u32 $0x3, v50;
	v10 =	vld.idx.msk [tilespmem:v3+s17+$0x0], $0xffff;
	v2, _, _ =	vpop (xrf2)  }
0x1da: {  	v11 =	vld.idx.msk [tilespmem:v4+s17+$0x0], $0xffff;
	(v2sf) =	vpush v2, $0xF;
	v2 =	vor.u32 $0x2, v50  }
0x1db: {  	v19 =	vld.idx.msk [tilespmem:v8+s17+$0x0], $0xffff;
	v50 =	vor.u32 $0x1, v50  }
0x1dc: {  	v7 =	vld.idx.msk [tilespmem:v5+s17+$0x0], $0xffff  }
0x1dd: {  	v12 =	vld.idx.msk [tilespmem:v9+s17+$0x0], $0xffff  }
0x1de: {  	v14 =	vld.idx.msk [tilespmem:v1+s17+$0x0], $0xffff  }
0x1df: {  	v15 =	vld.idx.msk [tilespmem:v2+s17+$0x0], $0xffff  }
0x1e0: {  	v17 =	vld.idx.msk [tilespmem:v50+s17+$0x0], $0xffff  }
0x1e1: {  	v18 =	vld.idx.msk [tilespmem:v50+s25+$0x0], $0xffff  }
0x1e2: {  	v50 =	vld.idx.msk [tilespmem:v50+s29+$0x0], $0xffff  }
0x1e3: {  	v20 =	vld.idx.msk [tilespmem:v2+s25+$0x0], $0xffff  }
0x1e4: {  	v2 =	vld.idx.msk [tilespmem:v2+s29+$0x0], $0xffff  }
0x1e5: {  	v56 =	vmul.f32 v56, v53;
	v53 =	vmul.f32 v59, v53;
	v23 =	vld.idx.msk [tilespmem:v1+s25+$0x0], $0xffff  }
0x1e6: {  	v1 =	vld.idx.msk [tilespmem:v1+s29+$0x0], $0xffff  }
0x1e7: {  	v59 =	vld.idx.msk [tilespmem:v9+s25+$0x0], $0xffff;
	v53 =	vadd.f32 $0.0e+00, v53;
	v18 =	vmul.f32 v18, v17;
	v17 =	vmul.f32 v50, v17  }
0x1e8: {  	v9 =	vld.idx.msk [tilespmem:v9+s29+$0x0], $0xffff;
	v56 =	vadd.f32 $0.0e+00, v56  }
0x1e9: {  	v50 =	vld.idx.msk [tilespmem:v5+s25+$0x0], $0xffff;
	v2 =	vmul.f32 v2, v15;
	v17 =	vadd.f32 v17, v53  }
0x1ea: {  	v20 =	vmul.f32 v20, v15;
	v5 =	vld.idx.msk [tilespmem:v5+s29+$0x0], $0xffff;
	v18 =	vadd.f32 v18, v56  }
0x1eb: {  	v1 =	vmul.f32 v1, v14;
	v15 =	vmul.f32 v23, v14;
	v23 =	vld.idx.msk [tilespmem:v8+s25+$0x0], $0xffff;
	v2 =	vadd.f32 v2, v17  }
0x1ec: {  	v8 =	vld.idx.msk [tilespmem:v8+s29+$0x0], $0xffff;
	v18 =	vadd.f32 v20, v18  }
0x1ed: {  	v17 =	vld.idx.msk [tilespmem:v4+s25+$0x0], $0xffff;
	v1 =	vadd.f32 v1, v2;
	v2 =	vmul.f32 v9, v12  }
0x1ee: {  	v14 =	vmul.f32 v59, v12;
	v4 =	vld.idx.msk [tilespmem:v4+s29+$0x0], $0xffff;
	v15 =	vadd.f32 v15, v18  }
0x1ef: {  	v12 =	vld.idx.msk [tilespmem:v3+s25+$0x0], $0xffff;
	v1 =	vadd.f32 v2, v1;
	v2 =	vmul.f32 v5, v7  }
0x1f0: {  	v9 =	vmul.f32 v50, v7;
	v3 =	vld.idx.msk [tilespmem:v3+s29+$0x0], $0xffff;
	v14 =	vadd.f32 v14, v15  }
0x1f1: {  	v7 =	vld.idx.msk [tilespmem:v63+s25+$0x0], $0xffff;
	v1 =	vadd.f32 v2, v1;
	v2 =	vmul.f32 v8, v19  }
0x1f2: {  	v5 =	vmul.f32 v23, v19;
	v9 =	vadd.f32 v9, v14;
	v8 =	vld.idx.msk [tilespmem:v63+s29+$0x0], $0xffff  }
0x1f3: {  	v6 =	vld.idx.msk [tilespmem:v62+s17+$0x0], $0xffff;
	v1 =	vadd.f32 v2, v1;
	v2 =	vmul.f32 v4, v11  }
0x1f4: {  	v14 =	vmul.f32 v17, v11;
	v5 =	vadd.f32 v5, v9;
	v4 =	vld.idx.msk [tilespmem:v62+s29+$0x0], $0xffff  }
0x1f5: {  	v15 =	vld.idx.msk [tilespmem:v62+s25+$0x0], $0xffff;
	v1 =	vadd.f32 v2, v1;
	v2 =	vmul.f32 v3, v10  }
0x1f6: {  	v9 =	vmul.f32 v12, v10;
	v5 =	vadd.f32 v14, v5;
	v3 =	vld.idx.msk [tilespmem:v61+s29+$0x0], $0xffff  }
0x1f7: {  	v11 =	vld.idx.msk [tilespmem:v61+s25+$0x0], $0xffff;
	v7 =	vmul.f32 v7, v0;
	v0 =	vmul.f32 v8, v0;
	v1 =	vadd.f32 v2, v1  }
0x1f8: {  	v5 =	vadd.f32 v9, v5;
	v2 =	vld.idx.msk [tilespmem:v58+s29+$0x0], $0xffff  }
0x1f9: {  	v10 =	vld.idx.msk [tilespmem:v58+s25+$0x0], $0xffff;
	v0 =	vadd.f32 v0, v1;
	v1 =	vmul.f32 v4, v6  }
0x1fa: {  	v8 =	vmul.f32 v15, v6;
	v5 =	vadd.f32 v7, v5;
	v4 =	vld.idx.msk [tilespmem:v55+s29+$0x0], $0xffff  }
0x1fb: {  	v9 =	vld.idx.msk [tilespmem:v55+s25+$0x0], $0xffff;
	v0 =	vadd.f32 v1, v0;
	v1 =	vmul.f32 v3, v60  }
0x1fc: {  	v6 =	vmul.f32 v11, v60;
	v5 =	vadd.f32 v8, v5;
	v3 =	vld.idx.msk [tilespmem:v52+s29+$0x0], $0xffff  }
0x1fd: {  	v7 =	vld.idx.msk [tilespmem:v52+s25+$0x0], $0xffff;
	v0 =	vadd.f32 v1, v0;
	v1 =	vmul.f32 v2, v57  }
0x1fe: {  	v8 =	vmul.f32 v10, v57;
	v5 =	vadd.f32 v6, v5;
	v2 =	vld.idx.msk [tilespmem:v49+s29+$0x0], $0xffff  }
0x1ff: {  	v10 =	vld.idx.msk [tilespmem:v49+s25+$0x0], $0xffff;
	v0 =	vadd.f32 v1, v0;
	v1 =	vmul.f32 v4, v54  }
0x200: {  	v6 =	vmul.f32 v9, v54;
	v5 =	vadd.f32 v8, v5;
	v4 =	vld.idx.msk [tilespmem:v47+s29+$0x0], $0xffff  }
0x201: {  	v9 =	vld.idx.msk [tilespmem:v47+s25+$0x0], $0xffff;
	v0 =	vadd.f32 v1, v0;
	v1 =	vmul.f32 v3, v45  }
0x202: {  	v7 =	vmul.f32 v7, v45;
	v5 =	vadd.f32 v6, v5;
	v3 =	vld.idx.msk [tilespmem:v44+s29+$0x0], $0xffff  }
0x203: {  	v8 =	vld.idx.msk [tilespmem:v44+s25+$0x0], $0xffff;
	v0 =	vadd.f32 v1, v0;
	v1 =	vmul.f32 v2, v51  }
0x204: {  	v6 =	vmul.f32 v10, v51;
	v5 =	vadd.f32 v7, v5;
	v2 =	vld.idx.msk [tilespmem:v42+s29+$0x0], $0xffff  }
0x205: {  	v10 =	vld.idx.msk [tilespmem:v42+s25+$0x0], $0xffff;
	v0 =	vadd.f32 v1, v0;
	v1 =	vmul.f32 v4, v48  }
0x206: {  	v7 =	vmul.f32 v9, v48;
	v5 =	vadd.f32 v6, v5;
	v4 =	vld.idx.msk [tilespmem:v40+s29+$0x0], $0xffff  }
0x207: {  	v9 =	vld.idx.msk [tilespmem:v40+s25+$0x0], $0xffff;
	v0 =	vadd.f32 v1, v0;
	v1 =	vmul.f32 v3, v46  }
0x208: {  	v6 =	vmul.f32 v8, v46;
	v5 =	vadd.f32 v7, v5;
	v3 =	vld.idx.msk [tilespmem:v38+s29+$0x0], $0xffff  }
0x209: {  	v8 =	vld.idx.msk [tilespmem:v38+s25+$0x0], $0xffff;
	v0 =	vadd.f32 v1, v0;
	v1 =	vmul.f32 v2, v43  }
0x20a: {  	v7 =	vmul.f32 v10, v43;
	v5 =	vadd.f32 v6, v5;
	v2 =	vld.idx.msk [tilespmem:v36+s29+$0x0], $0xffff  }
0x20b: {  	v10 =	vld.idx.msk [tilespmem:v36+s25+$0x0], $0xffff;
	v0 =	vadd.f32 v1, v0;
	v1 =	vmul.f32 v4, v41  }
0x20c: {  	v6 =	vmul.f32 v9, v41;
	v5 =	vadd.f32 v7, v5;
	v4 =	vld.idx.msk [tilespmem:v35+s29+$0x0], $0xffff  }
0x20d: {  	v9 =	vld.idx.msk [tilespmem:v35+s25+$0x0], $0xffff;
	v0 =	vadd.f32 v1, v0;
	v1 =	vmul.f32 v3, v39  }
0x20e: {  	v14 =	vimm.s32 $0x0;
	v8 =	vmul.f32 v8, v39;
	v5 =	vadd.f32 v6, v5;
	v6 =	vld.idx.msk [tilespmem:v33+s29+$0x0], $0xffff  }
0x20f: {  	v11 =	vld.idx.msk [tilespmem:v33+s25+$0x0], $0xffff;
	v7 =	vmov s18;
	v0 =	vadd.f32 v1, v0;
	v1 =	vmul.f32 v2, v37  }
0x210: {  	vm0 =	vgt.u32 v7, $0x6F;
	v7 =	vmul.f32 v10, v37;
	v5 =	vadd.f32 v8, v5;
	v2 =	vld.idx.msk [tilespmem:v31+s29+$0x0], $0xffff  }
0x211: {  	v10 =	vld.idx.msk [tilespmem:v31+s25+$0x0], $0xffff;
	v3 =	vlaneseq.u32;
	v0 =	vadd.f32 v1, v0;
	v1 =	vmul.f32 v4, v34  }
0x212: {  	v3 =	vor.u32 s18, v3;
	v9 =	vmul.f32 v9, v34;
	v5 =	vadd.f32 v7, v5;
	v4 =	vld.idx.msk [tilespmem:v29+s29+$0x0], $0xffff  }
0x213: {  	v12 =	vld.idx.msk [tilespmem:v29+s25+$0x0], $0xffff;
	v8 =	vsel vm0, $0x7FFFF90, v14;
	v0 =	vadd.f32 v1, v0;
	v1 =	vmul.f32 v6, v32  }
0x214: {  	v7 =	vadd.s32 v3, v8;
	v8 =	vmul.f32 v11, v32;
	v5 =	vadd.f32 v9, v5;
	v6 =	vld.idx.msk [tilespmem:v26+s29+$0x0], $0xffff  }
0x215: {  	v9 =	vsel vm0, $0xE00, v14;
	v14 =	vld.idx.msk [tilespmem:v25+s25+$0x0], $0xffff;
	v0 =	vadd.f32 v1, v0;
	v1 =	vmul.f32 v2, v30  }
0x216: {  	v10 =	vmul.f32 v10, v30;
	v5 =	vadd.f32 v8, v5;
	v2 =	vld.idx.msk [tilespmem:v25+s29+$0x0], $0xffff  }
0x217: {  	v7 =	vshll.u32 v7, $0x5;
	v0 =	vadd.f32 v1, v0;
	v1 =	vmul.f32 v4, v28  }
0x218: {  	v11 =	vld.idx.msk [tilespmem:v26+s25+$0x0], $0xffff;
	v50 =	vadd.s32 v9, v7;
	v7 =	vmul.f32 v12, v28;
	v5 =	vadd.f32 v10, v5  }
0x219: {  	v4 =	vld.idx.msk [tilespmem:v22+s29+$0x0], $0xffff;
	v0 =	vadd.f32 v1, v0;
	v1 =	vmul.f32 v6, v27  }
0x21a: {  	v5 =	vadd.f32 v7, v5;
	v7 =	vmul.f32 v14, v24;
	v14 =	vld.idx.msk [tilespmem:v16+s25+$0x0], $0xffff  }
0x21b: {  	v0 =	vadd.f32 v1, v0;
	v1 =	vmul.f32 v2, v24;
	v2 =	vld.idx.msk [tilespmem:v16+s29+$0x0], $0xffff  }
0x21c: {  	v16 =	vld [tilespmem:$0x1FF50]  }
0x21d: {  	v8 =	vld.idx.msk [tilespmem:v22+s25+$0x0], $0xffff  }
0x21e: {  	v10 =	vmul.f32 v11, v27  }
0x21f: {  	v6 =	vld.idx.msk [tilespmem:v21+s29+$0x0], $0xffff  }
0x220: {  	v5 =	vadd.f32 v10, v5;
	v10 =	vld.idx.msk [tilespmem:v13+s25+$0x0], $0xffff  }
0x221: {  	v0 =	vadd.f32 v1, v0;
	v1 =	vmul.f32 v4, v16;
	v4 =	vld.idx.msk [tilespmem:v13+s29+$0x0], $0xffff  }
0x222: {  	v5 =	vadd.f32 v7, v5;
	v8 =	vmul.f32 v8, v16;
	v13 =	vld [tilespmem:$0x1FF40];
	_ =	sdelay $0x1  }
0x223: {  	v5 =	vadd.f32 v8, v5;
	v8 =	vld [tilespmem:$0x1FF30];
	_ =	sdelay $0x1  }
0x224: {  	v18 =	vld [tilespmem:$0x1FFF0]  }
0x225: {  	v17 =	vld [tilespmem:$0x1FF00];
	v0 =	vadd.f32 v1, v0;
	v1 =	vmul.f32 v6, v13  }
0x226: {  	v12 =	vld [tilespmem:$0x1FEF0]  }
0x227: {  	v6 =	vmul.f32 v14, v8;
	v0 =	vadd.f32 v1, v0;
	v1 =	vmul.f32 v2, v8;
	v8 =	vld [tilespmem:$0x1FF20]  }
0x228: {  	v26 =	vor.u32 $0x1A, v50;
	v11 =	vld.idx.msk [tilespmem:v21+s25+$0x0], $0xffff  }
0x229: {  	v53 =	vld.idx.msk [tilespmem:v50+s17+$0x0], $0xffff;
	v16 =	vor.u32 $0x1E, v50  }
0x22a: {  	s12 =	sadd.s32 $0x10, s12;
	v29 =	vor.u32 $0x19, v50;
	v56 =	vld.idx.msk [tilespmem:v50+s25+$0x0], $0xffff  }
0x22b: {  	v15 =	vand.u32 $0x7, v17;
	v17 =	vand.u32 $0xFFFFFFF8, v17;
	v31 =	vor.u32 $0x18, v50;
	v7 =	vld [tilespmem:s12+$0x0]  }
0x22c: {  	v33 =	vor.u32 $0x17, v50;
	v59 =	vld.idx.msk [tilespmem:v50+s29+$0x0], $0xffff;
	v0 =	vadd.f32 v1, v0;
	v1 =	vmul.f32 v4, v8  }
0x22d: {  	v35 =	vor.u32 $0x16, v50;
	v9 =	vand.u32 $0x7, v12;
	v12 =	vand.u32 $0xFFFFFFF8, v12;
	v27 =	vld.idx.msk [tilespmem:v26+s17+$0x0], $0xffff  }
0x22e: {  	v21 =	vor.u32 $0x1D, v50;
	v12 =	vadd.s32 v18, v12;
	v0 =	vadd.f32 v1, v0;
	v1 =	vld.idx.msk [tilespmem:v16+s17+$0x0], $0xffff  }
0x22f: {  	v28 =	vld.idx.msk [tilespmem:v29+s17+$0x0], $0xffff;
	v9 =	vor.u32 v9, v12;
	v12 =	vadd.s32 v18, v17  }
0x230: {  	v30 =	vld.idx.msk [tilespmem:v31+s17+$0x0], $0xffff;
	[tilespmem:$0x1FEF0] =	vst v7;
	v7 =	vmul.f32 v11, v13;
	v11 =	vor.u32 v15, v12  }
0x231: {  	v36 =	vor.u32 $0x15, v50;
	v32 =	vld.idx.msk [tilespmem:v33+s17+$0x0], $0xffff  }
0x232: {  	v38 =	vor.u32 $0x14, v50;
	v34 =	vld.idx.msk [tilespmem:v35+s17+$0x0], $0xffff;
	v5 =	vadd.f32 v7, v5  }
0x233: {  	v22 =	vor.u32 $0x1C, v50;
	[tilespmem:$0x1FF30] =	vst v1;
	v1 =	vld.idx.msk [tilespmem:v21+s17+$0x0], $0xffff  }
0x234: {  	v40 =	vor.u32 $0x13, v50;
	v7 =	vld.idx.msk [tilespmem:v9+s13+$0x0], $0xffff;
	v5 =	vadd.f32 v6, v5;
	v2 =	vmul.f32 v10, v8  }
0x235: {  	v42 =	vor.u32 $0x12, v50;
	v4 =	vld.idx.msk [tilespmem:v11+s13+$0x0], $0xffff  }
0x236: {  	v44 =	vor.u32 $0x11, v50;
	v37 =	vld.idx.msk [tilespmem:v36+s17+$0x0], $0xffff;
	v2 =	vadd.f32 v2, v5  }
0x237: {  	v47 =	vor.u32 $0x10, v50;
	v39 =	vld.idx.msk [tilespmem:v38+s17+$0x0], $0xffff  }
0x238: {  	v0 =	vadd.f32 $-1.000000000e+00, v0;
	[tilespmem:$0x1FF40] =	vst v1;
	v1 =	vsub.f32 $1.000000000e+00, v2;
	v2 =	vld.idx.msk [tilespmem:v22+s17+$0x0], $0xffff  }
0x239: {  	v41 =	vld.idx.msk [tilespmem:v40+s17+$0x0], $0xffff  }
0x23a: {  	v43 =	vld.idx.msk [tilespmem:v42+s17+$0x0], $0xffff;
	v0 =	vadd.f32 v0, v1;
	v1 =	vsub.f32 v4, v7  }
0x23b: {  	v46 =	vld.idx.msk [tilespmem:v44+s17+$0x0], $0xffff;
	v13 =	vor.u32 $0x1F, v50  }
0x23c: {  	v49 =	vor.u32 $0xF, v50;
	v48 =	vld.idx.msk [tilespmem:v47+s17+$0x0], $0xffff;
	v0 =	vadd.f32 $1.000000010e-01, v0;
	v1 =	vmul.f32 $1.250000000e-01, v1  }
0x23d: {  	v52 =	vor.u32 $0xE, v50;
	[tilespmem:$0x1FF50] =	vst v2;
	v2 =	vld [tilespmem:$0x1FF70]  }
0x23e: {  	s14 =	sadd.s32 $0x10, s14;
	v55 =	vor.u32 $0xD, v50;
	v0 =	vadd.f32 v1, v0;
	v1 =	vld [tilespmem:$0x1FE90]  }
0x23f: {  	v58 =	vor.u32 $0xC, v50;
	v12 =	vld [tilespmem:s14+$0x0]  }
0x240: {  	v61 =	vor.u32 $0xB, v50;
	v6 =	vld.idx.msk [tilespmem:v13+s17+$0x0], $0xffff  }
0x241: {  	p1 =	sne.s32 s18, $0xC0;
	v25 =	vor.u32 $0x1B, v50;
	v51 =	vld.idx.msk [tilespmem:v49+s17+$0x0], $0xffff  }
.Ltmp5:
0x242: {  	v45 =	vld.idx.msk [tilespmem:v52+s17+$0x0], $0xffff;
	(pc) =	sbr.rel @p1 .LBB2_8-.Ltmp5, $4  }
0x243: {  	v54 =	vld.idx.msk [tilespmem:v55+s17+$0x0], $0xffff;
	vm0 =	vlt.s32 v1, v2;
	vm1 =	vlt.u32 v1, $0xC8  }
0x244: {  	v62 =	vor.u32 $0xA, v50;
	v57 =	vld.idx.msk [tilespmem:v58+s17+$0x0], $0xffff;
	[tilespmem:$0x1FF00] =	vst v12;
	v0 =	vmax.f32 v0, $0.0e+00;
	vm0 =	vmand vm0, vm1  }
0x245: {  	s19 =	spop (v2sf);
	v63 =	vor.u32 $0x9, v50;
	v60 =	vld.idx.msk [tilespmem:v61+s17+$0x0], $0xffff;
	v8 =	vor.u32 $0x6, v50;
	[tilespmem:$0x1FF20] =	vst v6;
	v1 =	vmovc v3;
	v0 =	vnsel vm0, $0x0, v0  }
0x246: {  	s2 =	sadd.f32 s19, s2;
	s18 =	sadd.s32 $0x10, s18;
	v24 =	vld.idx.msk [tilespmem:v25+s17+$0x0], $0xffff;
	v4 =	vor.u32 $0x7, v50;
	v3 =	vor.u32 $0x8, v50;
	[tilespmem:$0x1FE90] =	vst v1;
	(xrf2) =	vadd.scan.msk.f32 $0xffff, v0  }
0x247: {  	_ =	sdelay $0x2  }
0x248: {  	v0 =	vor.u32 $0x3, v50  }
0x249: {  	v1 =	vor.u32 $0x2, v50;
	v19 =	vmul.f32 v56, v53;
	v23 =	vmul.f32 v59, v53;
	v53 =	vld.idx.msk [tilespmem:v8+s17+$0x0], $0xffff  }
0x24a: {  	v2 =	vor.u32 $0x1, v50;
	v56 =	vld.idx.msk [tilespmem:v8+s25+$0x0], $0xffff  }
0x24b: {  	v8 =	vld.idx.msk [tilespmem:v8+s29+$0x0], $0xffff  }
0x24c: {  	v59 =	vld.idx.msk [tilespmem:v3+s25+$0x0], $0xffff  }
0x24d: {  	v5 =	vld.idx.msk [tilespmem:v0+s17+$0x0], $0xffff  }
0x24e: {  	v6 =	vld.idx.msk [tilespmem:v1+s17+$0x0], $0xffff  }
0x24f: {  	v7 =	vld.idx.msk [tilespmem:v2+s17+$0x0], $0xffff  }
0x250: {  	v9 =	vld.idx.msk [tilespmem:v2+s25+$0x0], $0xffff  }
0x251: {  	v10 =	vor.u32 $0x4, v50;
	v2 =	vld.idx.msk [tilespmem:v2+s29+$0x0], $0xffff  }
0x252: {  	v11 =	vld.idx.msk [tilespmem:v1+s25+$0x0], $0xffff  }
0x253: {  	v1 =	vld.idx.msk [tilespmem:v1+s29+$0x0], $0xffff  }
0x254: {  	v12 =	vor.u32 $0x5, v50;
	v14 =	vld.idx.msk [tilespmem:v0+s25+$0x0], $0xffff  }
0x255: {  	v0 =	vld.idx.msk [tilespmem:v0+s29+$0x0], $0xffff  }
0x256: {  	v15 =	vld.idx.msk [tilespmem:v10+s17+$0x0], $0xffff  }
0x257: {  	v17 =	vld.idx.msk [tilespmem:v10+s25+$0x0], $0xffff  }
0x258: {  	v19 =	vadd.f32 $0.0e+00, v19;
	v10 =	vld.idx.msk [tilespmem:v10+s29+$0x0], $0xffff;
	v9 =	vmul.f32 v9, v7  }
0x259: {  	v18 =	vld.idx.msk [tilespmem:v12+s17+$0x0], $0xffff;
	v2 =	vmul.f32 v2, v7;
	v7 =	vadd.f32 $0.0e+00, v23  }
0x25a: {  	v20 =	vld.idx.msk [tilespmem:v12+s25+$0x0], $0xffff;
	v11 =	vmul.f32 v11, v6;
	v9 =	vadd.f32 v9, v19  }
0x25b: {  	v12 =	vld.idx.msk [tilespmem:v12+s29+$0x0], $0xffff;
	v1 =	vmul.f32 v1, v6;
	v2 =	vadd.f32 v2, v7  }
0x25c: {  	v6 =	vld.idx.msk [tilespmem:v62+s17+$0x0], $0xffff;
	v7 =	vadd.f32 v11, v9;
	v9 =	vmul.f32 v14, v5  }
0x25d: {  	v0 =	vmul.f32 v0, v5;
	v11 =	vld.idx.msk [tilespmem:v63+s17+$0x0], $0xffff;
	v1 =	vadd.f32 v1, v2  }
0x25e: {  	v5 =	vadd.f32 v9, v7;
	v7 =	vmul.f32 v17, v15;
	v9 =	vld.idx.msk [tilespmem:v4+s17+$0x0], $0xffff  }
0x25f: {  	v0 =	vadd.f32 v0, v1;
	v1 =	vmul.f32 v10, v15;
	v10 =	vld.idx.msk [tilespmem:v4+s25+$0x0], $0xffff  }
0x260: {  	v4 =	vld.idx.msk [tilespmem:v4+s29+$0x0], $0xffff;
	v5 =	vadd.f32 v7, v5;
	v7 =	vmul.f32 v20, v18  }
0x261: {  	v2 =	vld.idx.msk [tilespmem:v3+s17+$0x0], $0xffff;
	v0 =	vadd.f32 v1, v0;
	v1 =	vmul.f32 v12, v18  }
0x262: {  	v3 =	vld.idx.msk [tilespmem:v3+s29+$0x0], $0xffff;
	v5 =	vadd.f32 v7, v5;
	v7 =	vmul.f32 v56, v53  }
0x263: {  	v0 =	vadd.f32 v1, v0;
	v1 =	vmul.f32 v8, v53;
	v8 =	vld.idx.msk [tilespmem:v63+s25+$0x0], $0xffff  }
0x264: {  	v5 =	vadd.f32 v7, v5;
	v7 =	vld.idx.msk [tilespmem:v63+s29+$0x0], $0xffff  }
0x265: {  	v10 =	vmul.f32 v10, v9;
	v0 =	vadd.f32 v1, v0;
	v1 =	vmul.f32 v4, v9;
	v4 =	vld.idx.msk [tilespmem:v62+s25+$0x0], $0xffff  }
0x266: {  	v9 =	vld.idx.msk [tilespmem:v62+s29+$0x0], $0xffff  }
0x267: {  	v62 =	vld [tilespmem:$0x1FFF0];
	v5 =	vadd.f32 v10, v5;
	v10 =	vmul.f32 v59, v2  }
0x268: {  	v0 =	vadd.f32 v1, v0;
	v1 =	vmul.f32 v3, v2;
	v2 =	vld.idx.msk [tilespmem:v61+s25+$0x0], $0xffff  }
0x269: {  	v8 =	vmul.f32 v8, v11;
	v3 =	vadd.f32 v10, v5;
	v5 =	vld.idx.msk [tilespmem:v61+s29+$0x0], $0xffff  }
0x26a: {  	v0 =	vadd.f32 v1, v0;
	v1 =	vmul.f32 v7, v11;
	v7 =	vld.idx.msk [tilespmem:v58+s25+$0x0], $0xffff  }
0x26b: {  	v4 =	vmul.f32 v4, v6;
	v3 =	vadd.f32 v8, v3;
	v8 =	vld.idx.msk [tilespmem:v58+s29+$0x0], $0xffff  }
0x26c: {  	v0 =	vadd.f32 v1, v0;
	v1 =	vmul.f32 v9, v6;
	v6 =	vld.idx.msk [tilespmem:v55+s25+$0x0], $0xffff  }
0x26d: {  	v2 =	vmul.f32 v2, v60;
	v3 =	vadd.f32 v4, v3;
	v4 =	vld.idx.msk [tilespmem:v55+s29+$0x0], $0xffff  }
0x26e: {  	v0 =	vadd.f32 v1, v0;
	v1 =	vmul.f32 v5, v60;
	v5 =	vld.idx.msk [tilespmem:v52+s25+$0x0], $0xffff  }
0x26f: {  	v2 =	vadd.f32 v2, v3;
	v3 =	vld.idx.msk [tilespmem:v52+s29+$0x0], $0xffff;
	v7 =	vmul.f32 v7, v57  }
0x270: {  	v0 =	vadd.f32 v1, v0;
	v1 =	vmul.f32 v8, v57;
	v8 =	vld.idx.msk [tilespmem:v49+s25+$0x0], $0xffff  }
0x271: {  	v2 =	vadd.f32 v7, v2;
	v7 =	vld.idx.msk [tilespmem:v49+s29+$0x0], $0xffff;
	v6 =	vmul.f32 v6, v54  }
0x272: {  	v0 =	vadd.f32 v1, v0;
	v1 =	vmul.f32 v4, v54;
	v4 =	vld.idx.msk [tilespmem:v47+s25+$0x0], $0xffff  }
0x273: {  	v2 =	vadd.f32 v6, v2;
	v6 =	vld.idx.msk [tilespmem:v47+s29+$0x0], $0xffff;
	v5 =	vmul.f32 v5, v45  }
0x274: {  	v0 =	vadd.f32 v1, v0;
	v1 =	vmul.f32 v3, v45;
	v3 =	vld.idx.msk [tilespmem:v44+s25+$0x0], $0xffff  }
0x275: {  	v2 =	vadd.f32 v5, v2;
	v5 =	vld.idx.msk [tilespmem:v44+s29+$0x0], $0xffff;
	v8 =	vmul.f32 v8, v51  }
0x276: {  	v0 =	vadd.f32 v1, v0;
	v1 =	vmul.f32 v7, v51;
	v7 =	vld.idx.msk [tilespmem:v42+s25+$0x0], $0xffff  }
0x277: {  	v2 =	vadd.f32 v8, v2;
	v8 =	vld.idx.msk [tilespmem:v42+s29+$0x0], $0xffff;
	v4 =	vmul.f32 v4, v48  }
0x278: {  	v0 =	vadd.f32 v1, v0;
	v1 =	vmul.f32 v6, v48;
	v6 =	vld.idx.msk [tilespmem:v40+s25+$0x0], $0xffff  }
0x279: {  	v2 =	vadd.f32 v4, v2;
	v4 =	vld.idx.msk [tilespmem:v40+s29+$0x0], $0xffff;
	v3 =	vmul.f32 v3, v46  }
0x27a: {  	v0 =	vadd.f32 v1, v0;
	v1 =	vmul.f32 v5, v46;
	v5 =	vld.idx.msk [tilespmem:v38+s25+$0x0], $0xffff  }
0x27b: {  	v2 =	vadd.f32 v3, v2;
	v3 =	vld.idx.msk [tilespmem:v38+s29+$0x0], $0xffff;
	v7 =	vmul.f32 v7, v43  }
0x27c: {  	v0 =	vadd.f32 v1, v0;
	v1 =	vmul.f32 v8, v43;
	v8 =	vld.idx.msk [tilespmem:v36+s25+$0x0], $0xffff  }
0x27d: {  	v2 =	vadd.f32 v7, v2;
	v7 =	vld.idx.msk [tilespmem:v36+s29+$0x0], $0xffff;
	v6 =	vmul.f32 v6, v41  }
0x27e: {  	v0 =	vadd.f32 v1, v0;
	v1 =	vmul.f32 v4, v41;
	v4 =	vld.idx.msk [tilespmem:v35+s25+$0x0], $0xffff  }
0x27f: {  	v2 =	vadd.f32 v6, v2;
	v6 =	vld.idx.msk [tilespmem:v35+s29+$0x0], $0xffff;
	v5 =	vmul.f32 v5, v39  }
0x280: {  	v0 =	vadd.f32 v1, v0;
	v1 =	vmul.f32 v3, v39;
	v3 =	vld.idx.msk [tilespmem:v33+s25+$0x0], $0xffff  }
0x281: {  	v2 =	vadd.f32 v5, v2;
	v5 =	vld.idx.msk [tilespmem:v33+s29+$0x0], $0xffff;
	v8 =	vmul.f32 v8, v37  }
0x282: {  	v0 =	vadd.f32 v1, v0;
	v1 =	vmul.f32 v7, v37;
	v7 =	vld.idx.msk [tilespmem:v31+s25+$0x0], $0xffff  }
0x283: {  	v2 =	vadd.f32 v8, v2;
	v8 =	vld.idx.msk [tilespmem:v31+s29+$0x0], $0xffff;
	v4 =	vmul.f32 v4, v34  }
0x284: {  	v0 =	vadd.f32 v1, v0;
	v1 =	vmul.f32 v6, v34;
	v6 =	vld.idx.msk [tilespmem:v29+s25+$0x0], $0xffff  }
0x285: {  	v2 =	vadd.f32 v4, v2;
	v4 =	vld.idx.msk [tilespmem:v29+s29+$0x0], $0xffff;
	v3 =	vmul.f32 v3, v32  }
0x286: {  	v63 =	vld [tilespmem:$0x1FF40];
	v0 =	vadd.f32 v1, v0;
	v1 =	vmul.f32 v5, v32  }
0x287: {  	v5 =	vld.idx.msk [tilespmem:v26+s25+$0x0], $0xffff;
	v2 =	vadd.f32 v3, v2;
	v7 =	vmul.f32 v7, v30  }
0x288: {  	v3 =	vld.idx.msk [tilespmem:v26+s29+$0x0], $0xffff;
	v0 =	vadd.f32 v1, v0;
	v1 =	vmul.f32 v8, v30  }
0x289: {  	v2 =	vadd.f32 v7, v2;
	v7 =	vld.idx.msk [tilespmem:v25+s25+$0x0], $0xffff  }
0x28a: {  	v6 =	vmul.f32 v6, v28;
	v0 =	vadd.f32 v1, v0;
	v1 =	vmul.f32 v4, v28;
	v4 =	vld.idx.msk [tilespmem:v25+s29+$0x0], $0xffff  }
0x28b: {  	v10 =	vld [tilespmem:$0x1FF50]  }
0x28c: {  	v2 =	vadd.f32 v6, v2;
	v0 =	vadd.f32 v1, v0;
	v1 =	vmul.f32 v5, v27;
	v5 =	vld.idx.msk [tilespmem:v22+s29+$0x0], $0xffff  }
0x28d: {  	v9 =	vld.idx.msk [tilespmem:v21+s29+$0x0], $0xffff;
	v3 =	vmul.f32 v3, v27  }
0x28e: {  	v6 =	vld.idx.msk [tilespmem:v22+s25+$0x0], $0xffff;
	v1 =	vadd.f32 v1, v2  }
0x28f: {  	v8 =	vld [tilespmem:$0x1FEF0];
	v0 =	vadd.f32 v3, v0;
	v3 =	vmul.f32 v7, v24;
	v4 =	vmul.f32 v4, v24  }
0x290: {  	v2 =	vld.idx.msk [tilespmem:v21+s25+$0x0], $0xffff  }
0x291: {  	v1 =	vadd.f32 v3, v1;
	v3 =	vld.idx.msk [tilespmem:v16+s25+$0x0], $0xffff;
	v0 =	vadd.f32 v4, v0;
	v5 =	vmul.f32 v5, v10  }
0x292: {  	v4 =	vld.idx.msk [tilespmem:v16+s29+$0x0], $0xffff  }
0x293: {  	v6 =	vmul.f32 v6, v10;
	v0 =	vadd.f32 v5, v0;
	v5 =	vmul.f32 v9, v63;
	v9 =	vld [tilespmem:$0x1FF30]  }
0x294: {  	v10 =	vld [tilespmem:$0x1FF00]  }
0x295: {  	v1 =	vadd.f32 v6, v1;
	v2 =	vmul.f32 v2, v63  }
0x296: {  	v7 =	vand.u32 $0x7, v8;
	v8 =	vand.u32 $0xFFFFFFF8, v8  }
0x297: {  	v8 =	vadd.s32 v62, v8;
	v1 =	vadd.f32 v2, v1  }
0x298: {  	v11 =	vld.idx.msk [tilespmem:v13+s29+$0x0], $0xffff;
	v0 =	vadd.f32 v5, v0;
	v2 =	vmul.f32 v3, v9;
	v3 =	vmul.f32 v4, v9  }
0x299: {  	v7 =	vor.u32 v7, v8;
	v6 =	vld.idx.msk [tilespmem:v13+s25+$0x0], $0xffff;
	v8 =	vand.u32 $0xFFFFFFF8, v10  }
0x29a: {  	v10 =	vand.u32 $0x7, v10;
	v8 =	vadd.s32 v62, v8;
	v0 =	vadd.f32 v3, v0;
	v3 =	vld [tilespmem:$0x1FF20]  }
0x29b: {  	v8 =	vor.u32 v10, v8;
	_ =	sdelay $0x3  }
0x29c: {  	v4 =	vld.idx.msk [tilespmem:v7+s13+$0x0], $0xffff;
	v1 =	vadd.f32 v2, v1;
	v2 =	vmul.f32 v6, v3;
	v3 =	vmul.f32 v11, v3  }
0x29d: {  	v5 =	vld.idx.msk [tilespmem:v8+s13+$0x0], $0xffff  }
0x29e: {  	v1 =	vadd.f32 v2, v1;
	v0 =	vadd.f32 v3, v0;
	_ =	sdelay $0x1  }
0x29f: {  	v1 =	vsub.f32 $1.000000000e+00, v1;
	v0 =	vadd.f32 $-1.000000000e+00, v0;
	_ =	sdelay $0x1  }
0x2a0: {  	v0 =	vadd.f32 v0, v1;
	v1 =	vsub.f32 v5, v4;
	_ =	sdelay $0x1  }
0x2a1: {  	v0 =	vadd.f32 $1.000000010e-01, v0;
	v1 =	vmul.f32 $1.250000000e-01, v1  }
0x2a2: {  	v2 =	vld [tilespmem:$0x1FF70]  }
0x2a3: {  	v0 =	vadd.f32 v1, v0;
	v1 =	vld [tilespmem:$0x1FE90];
	_ =	sdelay $0x4  }
0x2a4: {  	vm0 =	vlt.s32 v1, v2;
	vm1 =	vlt.u32 v1, $0xC8  }
0x2a5: {  	v0 =	vmax.f32 v0, $0.0e+00;
	vm0 =	vmand vm0, vm1  }
0x2a6: {  	v0 =	vnsel vm0, $0x0, v0  }
0x2a7: {  	(xrf2) =	vadd.scan.msk.f32 $0xffff, v0;
	_ =	sdelay $0x7  }
0x2a8: {  	v0, _, _ =	vpop (xrf2)  }
0x2a9: {  	(v2sf) =	vpush v0, $0xF  }
0x2aa: {  	v0, _, _ =	vpop (xrf2)  }
0x2ab: {  	(v2sf) =	vpush v0, $0xF;
	_ =	sdelay $0x2  }
0x2ac: {  	p2 =	sgt.s32 s0, $0x1  }
0x2ad: {  	p1 =	sgt.s32 s0, $0x0;
	s0 =	simm.s32 @!p2 $0x1  }
0x2ae: {  	s0 =	scvt.s32.f32 s0;
	_ =	sdelay $0x1  }
0x2af: {  	v0 =	vmov s0  }
0x2b0: {  	(erf) = vrcp.f32 v0;
	_ =	sdelay $0x4  }
0x2b1: {  	s28 =	spop (v2sf)  }
0x2b2: {  	s0 =	sadd.f32 s28, s2  }
0x2b3: {  	s30 =	spop (v2sf)  }
0x2b4: {  	s0 =	sadd.f32 s30, s0  }
0x2b5: {  	v0 =	vpop (erf)  }
0x2b6: {  	v6 =	vimm.f32 $0.0e+00;
	vm0 =	vcmask $0x300;
	v0 =	vmul.f32 s0, v0  }
0x2b7: {  	v1 =	vsel vm0, $0x3F800000, v6;
	s0 =	simm.f32 $1.000000000e+00  }
0x2b8: {  	s0 =	simm.s32 @!p1 $0x0;
	v0 =	vmul.f32 v1, v0;
	v1 =	vsel vm3, $0x3F800000, v6  }
.Ltmp6:
0x2b9: {  	v28 =	vld [tilespmem:$0x1FFE0];
	v1 =	vmul.f32 s0, v1;
	(pc) =	sbr.rel .LBB2_10-.Ltmp6, $4  }
0x2ba: {  	v10 =	vld [tilespmem:$0x1FFC0];
	v0 =	vpsel !p1, $0x0, v0  }
0x2bb: {  	v11 =	vld [tilespmem:$0x1FFD0];
	v0 =	vadd.f32 v0, v1  }
0x2bc: {  	v5 =	vld [tilespmem:$0x1FFB0]  }
0x2bd: {  	v7 =	vimm.s32 $0x0;
	v9 =	vimm.s32 $0x70;
	v2 =	vld [tilespmem:$0x1FFA0];
	[tilespmem:$0x7330] =	vst v0;
	v0 =	vlaneseq.u32  }
.LBB2_11:
0x2be: {  	_ =	sfence.sel $0x180000  }
0x2bf: {  	[bflag:$0x0] =	sbarrier.arrive $0xFFFF  }
0x2c0: {  	_ =	strace $0x90000050  }
0x2c1: {  	s0 =	stileid.u32;
	[bflag:$0x2] =	sbarrier.arrive $0xFFFF  }
0x2c2: {  	p0 =	sne.s32 s0, $0x0;
	s0 =	rddreg [dreg:$0x2]  }
0x2c3: {  	s0 =	sadd.s32 @!p0 $0x100000, s0  }
0x2c4: {  	[sflag:s0] =	ssyncadd.tile.s32 @!p0 $0x1;
	_ =	shalt  }
.Lfunc_end2:
_tile_overlayer_lowered:
.L_overlay_start_2:
0x2c5: {  	(tag) =	ssettag $0x2  }
0x2c6: {  	s0 =	rddreg [dreg:$0x0];
	s2 =	stileid.u32  }
0x2c7: {  	s1 =	rddreg [dreg:$0x1];
	p0 =	sne.s32 s2, $0x0  }
0x2c8: {  	s3 =	rddreg [dreg:$0x2];
	[bflag:$0x3] =	sbarrier.arrive $0xFFFF;
	s2 =	simm.s32 @!p0 $0x1C02  }
0x2c9: {  	[timem:s3], [sflag:s2] =	dma.local @!p0 [hbm:s0], s1  }
0x2ca: {  	s0 =	simm.s32 @!p0 $0x2  }
0x2cb: {  	_ =	swait.ge @!p0 [sflag:s0], s1  }
0x2cc: {  	s1 =	ssub.s32 @!p0 $0x0, s1;
	[sflag:s0] =	ssyncset.done @!p0 $0x0  }
0x2cd: {  	[sflag:s0] =	ssyncadd.s32 @!p0 s1  }
0x2ce: {  	[bflag:$0x3] =	sbarrier.arrive $0xFFFF  }
0x2cf: {  	_ =	shalt  }

// kernel: kernel.15.cloned.1.call-start
scs
__scs_entry_jumppad:
0x0: {  	(pc) =	sbr.rel $0x88, $3  }
0x1: {  	(tag) =	ssettag $0x0;
	lr =	simm.s32 $0x1  }
0x2: {  	[smem:$0x3F9D] =	sst lr;
	_ =	strace $0xD0000000  }
0x3: {  	_ = 	snop  }
0x4: {  	_ = 	snop  }
0x5: {  	_ = 	snop  }
0x6: {  	_ = 	snop  }
0x7: {  	_ = 	snop  }
__scs_overlays_trampoline_lowered:
0x8: {  	[smem:$0x3FAC] =	sst s0  }
0x9: {  	[smem:$0x3FAD] =	sst s1  }
0xa: {  	[smem:$0x3FAE] =	sst s2  }
0xb: {  	[smem:$0x3FAF] =	sst s3  }
0xc: {  	[smem:$0x3FB0] =	sst s4  }
0xd: {  	[smem:$0x3FB1] =	sst s5  }
0xe: {  	[smem:$0x3FB2] =	sst s6  }
0xf: {  	[smem:$0x3FB3] =	sst s7  }
0x10: {  	[smem:$0x3FB4] =	sst s8  }
0x11: {  	[smem:$0x3FB5] =	sst s9;
	s0 =	simm.s32 @!p0 $0x0  }
0x12: {  	s1 =	sld [smem:$0x3F9B];
	s0 =	simm.s32 @p0 $0x1  }
0x13: {  	[smem:$0x3FB6] =	sst s0;
	s0 =	simm.s32 @!p1 $0x0  }
0x14: {  	s2 =	sld [smem:$0x3F9A];
	s0 =	simm.s32 @p1 $0x1  }
0x15: {  	[smem:$0x3FB7] =	sst s0;
	s0 =	simm.s32 @!p2 $0x0  }
0x16: {  	s3 =	sld [smem:$0x3FDB];
	s0 =	simm.s32 @p2 $0x1  }
0x17: {  	s4 =	simm.s32 $0x1BF5;
	[smem:$0x3FB9] =	sst s0  }
0x18: {  	s0 =	sld [smem:$0x3F9C];
	_ =	swait.ge [sflag:s4], $0x0  }
0x19: {  	s7 =	sld [smem:$0x3F9D]  }
0x1a: {  	s8 =	sadd.s32 $0xFFFFE003, lr  }
0x1b: {  	s9 =	sadd.s32 $0xFFFFFEF7, lr;
	s5 =	simm.s32 $0xFFFFFFFF;
	p2 =	slt.u32 s8, $0xFFFFF086  }
0x1c: {  	p1 =	slt.u32 s9, $0xF7A;
	s5 =	simm.s32 @!p2 $0x0  }
0x1d: {  	s5 =	simm.s32 @p1 $0x1;
	p0 =	seq.s32 s7, s2  }
0x1e: {  	s7 =	smul.u32 @!p0 $0xF7A, s2;
	p2 =	seq.s32 @!p0 s5, $0x0  }
0x1f: {  	s9 =	smul.u32 $0xF7A, s1;
	s8 =	simm.s32 @!p0 $0x1BF5;
	p2 =	por !p2, p0  }
0x20: {  	[sflag:s8] =	ssyncset.s32 @!p0 $0xFFFFF086;
	s6 =	sadd.s32 @!p0 s3, s7;
	s7 =	simm.s32 @!p0 $0x108  }
0x21: {  	s3 =	sadd.s32 s3, s9;
	s6 =	sadd.s32 @!p0 $0x88, s6;
	s7 =	simm.s32 @p2 $0x1082  }
0x22: {  	[simem:s7], [sflag:s8] =	dma.local @!p0 [hbm:s6], $0xF7A  }
0x23: {  	s9 =	sor.u32 $0xD0000000, s2;
	s6 =	simm.s32 $0x108;
	_ =	swait.ge @!p0 [sflag:s8], $0x0  }
0x24: {  	s3 =	sadd.s32 $0x88, s3;
	s6 =	simm.s32 @!p1 $0x1082;
	[sflag:s4] =	ssyncset.s32 $0xFFFFF086  }
0x25: {  	[simem:s6], [sflag:s4] =	dma.local [hbm:s3], $0xF7A  }
0x26: {  	[smem:$0x3F9D] =	sst s1;
	(tag) =	ssettag s2;
	_ =	strace s9  }
0x27: {  	s1 =	sld [smem:$0x3FAD]  }
0x28: {  	s2 =	sld [smem:$0x3FAE]  }
0x29: {  	s4 =	sld [smem:$0x3FB0]  }
0x2a: {  	p0 =	seq.s32 s5, $0x0;
	s5 =	sld [smem:$0x3FB1]  }
0x2b: {  	s6 =	sld [smem:$0x3FB2]  }
0x2c: {  	s7 =	sld [smem:$0x3FB3]  }
0x2d: {  	s3 =	simm.s32 $0x108;
	s8 =	sld [smem:$0x3FB4]  }
0x2e: {  	s3 =	simm.s32 @!p0 $0x1082;
	s9 =	sld [smem:$0x3FB5]  }
0x2f: {  	lr =	sadd.s32 s0, s3;
	s0 =	sld [smem:$0x3FAC]  }
0x30: {  	s3 =	sld [smem:$0x3FAF]  }
0x31: {  	[smem:$0x3FB8] =	sst s10  }
0x32: {  	s10 =	sld [smem:$0x3FB6];
	_ =	sdelay $0x3  }
0x33: {  	p0 =	seq.s32 s10, $0x1;
	s10 =	sld [smem:$0x3FB8];
	_ =	sdelay $0x3  }
0x34: {  	[smem:$0x3FB8] =	sst s10  }
0x35: {  	s10 =	sld [smem:$0x3FB7];
	_ =	sdelay $0x3  }
0x36: {  	p1 =	seq.s32 s10, $0x1;
	s10 =	sld [smem:$0x3FB8];
	_ =	sdelay $0x3  }
0x37: {  	[smem:$0x3FB8] =	sst s10  }
0x38: {  	s10 =	sld [smem:$0x3FB9]  }
0x39: {  	_ = 	snop;
	(pc) =	sbr.ind lr, $3  }
0x3a: {  	_ = 	snop  }
0x3b: {  	_ = 	snop  }
0x3c: {  	p2 =	seq.s32 s10, $0x1;
	s10 =	sld [smem:$0x3FB8]  }
0x3d: {  	_ =	shalt  }
0x3e: {  	_ =	shalt  }
0x3f: {  	_ =	shalt  }
0x40: {  	_ =	shalt  }
0x41: {  	_ =	shalt  }
0x42: {  	_ =	shalt  }
0x43: {  	_ =	shalt  }
0x44: {  	_ =	shalt  }
0x45: {  	_ =	shalt  }
0x46: {  	_ =	shalt  }
0x47: {  	_ =	shalt  }
0x48: {  	_ =	shalt  }
0x49: {  	_ =	shalt  }
0x4a: {  	_ =	shalt  }
0x4b: {  	_ =	shalt  }
0x4c: {  	_ =	shalt  }
0x4d: {  	_ =	shalt  }
0x4e: {  	_ =	shalt  }
0x4f: {  	_ =	shalt  }
0x50: {  	_ =	shalt  }
0x51: {  	_ =	shalt  }
0x52: {  	_ =	shalt  }
0x53: {  	_ =	shalt  }
0x54: {  	_ =	shalt  }
0x55: {  	_ =	shalt  }
0x56: {  	_ =	shalt  }
0x57: {  	_ =	shalt  }
0x58: {  	_ =	shalt  }
0x59: {  	_ =	shalt  }
0x5a: {  	_ =	shalt  }
0x5b: {  	_ =	shalt  }
0x5c: {  	_ =	shalt  }
0x5d: {  	_ =	shalt  }
0x5e: {  	_ =	shalt  }
0x5f: {  	_ =	shalt  }
0x60: {  	_ =	shalt  }
0x61: {  	_ =	shalt  }
0x62: {  	_ =	shalt  }
0x63: {  	_ =	shalt  }
0x64: {  	_ =	shalt  }
0x65: {  	_ =	shalt  }
0x66: {  	_ =	shalt  }
0x67: {  	_ =	shalt  }
0x68: {  	_ =	shalt  }
0x69: {  	_ =	shalt  }
0x6a: {  	_ =	shalt  }
0x6b: {  	_ =	shalt  }
0x6c: {  	_ =	shalt  }
0x6d: {  	_ =	shalt  }
0x6e: {  	_ =	shalt  }
0x6f: {  	_ =	shalt  }
0x70: {  	_ =	shalt  }
0x71: {  	_ =	shalt  }
0x72: {  	_ =	shalt  }
0x73: {  	_ =	shalt  }
0x74: {  	_ =	shalt  }
0x75: {  	_ =	shalt  }
0x76: {  	_ =	shalt  }
0x77: {  	_ =	shalt  }
0x78: {  	_ =	shalt  }
0x79: {  	_ =	shalt  }
0x7a: {  	_ =	shalt  }
0x7b: {  	_ =	shalt  }
0x7c: {  	_ =	shalt  }
0x7d: {  	_ =	shalt  }
0x7e: {  	_ =	shalt  }
0x7f: {  	_ =	shalt  }
0x80: {  	_ =	shalt  }
0x81: {  	_ =	shalt  }
0x82: {  	_ =	shalt  }
0x83: {  	_ =	shalt  }
0x84: {  	_ =	shalt  }
0x85: {  	_ =	shalt  }
0x86: {  	_ =	shalt  }
0x87: {  	_ =	shalt  }
.Lfunc_end0:
.L_simem_size_0:
called_computation.4_lowered:
.L_overlay_start_0:
0x88: {  	s2 =	sld [smem:$0x3FD9]  }
0x89: {  	s3 =	sld [smem:$0x3FFE];
	_ =	sdelay $0x1  }
0x8a: {  	s1 =	srdreg.scid  }
0x8b: {  	s0 =	sand.u32 $0x1, s1  }
0x8c: {  	s17 =	sshll.u32 s0, $0xA;
	s2 =	sadd.s32 s3, s2  }
0x8d: {  	s2 =	sadd.s32 s2, s17  }
0x8e: {  	[smem:$0x3FC4] =	sst s2  }
0x8f: {  	_ = 	snop  }
0x90: {  	s2 =	sld [smem:$0x3FD0];
	(tm) =	ssettm $0x1  }
0x91: {  	s18 =	sld [smem:$0x3FFB];
	_ =	sdelay $0x3  }
0x92: {  	_ =	strace s18  }
0x93: {  	s3 =	sld [smem:$0x3FFC];
	_ =	sdelay $0x3  }
0x94: {  	_ =	strace s3  }
0x95: {  	s3 =	sld [smem:$0x3FFD];
	_ =	sdelay $0x3  }
0x96: {  	_ =	strace s3  }
0x97: {  	_ =	strace $0x8FFFFFFF  }
0x98: {  	s19 =	sld [smem:$0x3FDB];
	_ =	sdelay $0x1  }
0x99: {  	s4 =	simm.s32 $_scs_section_size  }
0x9a: {  	s5 =	simm.s32 $_size__tile_overlayer_lowered;
	s6 =	simm.s32 $_tile_overlayer_lowered  }
0x9b: {  	s22 =	simm.s32 $0x1BFF;
	s21 =	sshll.u32 s6, $0x1;
	s3 =	sadd.s32 s4, s19  }
0x9c: {  	s7 =	simm.s32 $0x0;
	s20 =	sshll.u32 s5, $0x1;
	s5 =	sadd.s32 s21, s3  }
0x9d: {  	[timem:s7], [sflag:s22] =	dma.local [hbm:s5], s20  }
0x9e: {  	_ =	swait.ge [sflag:s22], s20  }
0x9f: {  	s4 =	ssub.s32 $0x0, s20;
	[sflag:s22] =	ssyncset.done $0x0  }
0xa0: {  	[sflag:s22] =	ssyncadd.s32 s4;
	_ =	sdelay $0x1  }
0xa1: {  	s23 =	simm.s32 $0x1B8B  }
0xa2: {  	_ =	swait.ge [sflag:s23], $0x1  }
0xa3: {  	[sflag:s23] =	ssyncset.done $0x0  }
0xa4: {  	s25 =	simm.s32 $0x1B8E;
	s24 =	sld [smem:$0x3FFE];
	[sflag:s23] =	ssyncadd.s32 $0xFFFFFFFF  }
0xa5: {  	s26 =	simm.s32 $execute0_lowered;
	[smem:$0x3FD2] =	sst s25  }
0xa6: {  	s5 =	sshll.u32 s26, $0x1;
	_ =	strace $0x80000052;
	[dreg:$0x1] =	wrdreg $0xFFFFFFFF  }
0xa7: {  	s28 =	simm.s32 $_size_execute0_lowered;
	s3 =	sadd.s32 s3, s5;
	[dreg:$0x0] =	wrdreg $0x0  }
0xa8: {  	s5 =	sshll.u32 s28, $0x1;
	[dreg:$0x2] =	wrdreg s3  }
0xa9: {  	[dreg:$0x3] =	wrdreg s5  }
0xaa: {  	[dreg:$0x4] =	wrdreg $0xC0  }
0xab: {  	_ =	task [dreg:s7], $0x5FFFF  }
0xac: {  	[dreg:$0x1] =	wrdreg $0xFFFFFFFF  }
0xad: {  	[dreg:$0x0] =	wrdreg $0x60  }
0xae: {  	[dreg:$0x2] =	wrdreg s24  }
0xaf: {  	[dreg:$0x3] =	wrdreg s2  }
0xb0: {  	[dreg:$0x4] =	wrdreg $0x9  }
0xb1: {  	_ =	task.clear_ibuf [dreg:s7], $0x5FFFF;
	_ =	strace $0x90000052  }
0xb2: {  	s29 =	simm.s32 $0x9;
	_ =	strace $0x80000054  }
0xb3: {  	_ =	swait.ge [sflag:s29], $0x1  }
0xb4: {  	[sflag:s29] =	ssyncadd.s32 $0xFFFFFFFF  }
0xb5: {  	_ =	strace $0x90000054  }
0xb6: {  	_ =	sfence  }
0xb7: {  	s30 =	sld [smem:$0x0];
	_ =	sdelay $0x2  }
0xb8: {  	s31 =	sshll.u32 s1, $0xD;
	s1 =	sshrl.u32 s1, $0x2  }
0xb9: {  	s3 =	sand.u32 $0x4000, s31;
	s1 =	sadd.s32 s1, s30  }
0xba: {  	s0 =	sor.u32 s3, s0;
	s1 =	sshll.u32 s1, $0x11  }
0xbb: {  	s0 =	sor.u32 s1, s0  }
0xbc: {  	s0 =	sadd.s32 $0x8F2B, s0  }
0xbd: {  	[sflag:s0] =	ssyncadd.remote.s32 $0x1  }
0xbe: {  	_ =	sfence.sel $0xFFFF  }
0xbf: {  	[dreg:$0x0] =	wrdreg $0xFFFFFFFF;
	(pc) =	sbr.abs _section_cstart, $3  }
0xc0: {  	[dreg:$0x1] =	wrdreg $0xFFFFFFFF  }
0xc1: {  	_ =	task.clear_ibuf [dreg:s7], $0x2FFFF;
	_ =	strace $0x9FFFFFFF  }
0xc2: {  	(tm) =	ssettm $0x7FFFFFFF  }
0xc3: {  	_ =	shalt  }
tec
execute0_lowered:
.L_overlay_start_1:
0x0: {  	(tag) =	ssettag $0x1  }
0x1: {  	s0 =	srdreg.scid  }
0x2: {  	s6 =	sand.u32 $0x1, s0;
	s0 =	stileid.u32  }
0x3: {  	s4 =	sshll.u32 s0, $0x1;
	s5 =	ssub.s32 $0x0, s6  }
0x4: {  	p0 =	sne.s32 s4, s5  }
.Ltmp0:
0x5: {  	_ = 	snop;
	(pc) =	sbr.rel @p0 .LBB2_4-.Ltmp0, $4  }
0x6: {  	_ = 	snop  }
0x7: {  	s3 =	rddreg [dreg:$0x0]  }
0x8: {  	s2 =	rddreg [dreg:$0x1]  }
0x9: {  	s1 =	rddreg [dreg:$0x2];
	_ =	strace $0x80000053  }
0xa: {  	v0 =	vlaneseq.u32  }
0xb: {  	v0 =	vmul.u32 $0x80, v0;
	_ =	sdelay $0x1  }
0xc: {  	s5 =	sadd.s32 $0x2000, s3;
	s4 =	simm.s32 $0x0;
	s3 =	simm.s32 $0x1;
	v1 =	vor.u32 $0x1, v0  }
0xd: {  	[tilespmem:s4], [sflag:$0x1] =	stream.linear.gather [hbm4b:s5+s4], $0x1000, $0x38;
	v2 =	vor.u32 $0x801, v0;
	[tilespmem:$0x1080] =	vst v63  }
0xe: {  	_ =	swait.ge [sflag:s3], $0x1000  }
0xf: {  	[sflag:s3] =	ssyncset.done $0x0  }
0x10: {  	[sflag:s3] =	ssyncadd.s32 $0xFFFFF000  }
0x11: {  	v3 =	vld.idx.msk [tilespmem:v1+s4+$0x0], $0xffff  }
0x12: {  	v4 =	vld.idx.msk [tilespmem:v2+s4+$0x0], $0xffff;
	_ =	sdelay $0x3  }
0x13: {  	(xrf2) =	vadd.scan.msk.f32 $0xffff, v3  }
0x14: {  	(xrf2) =	vadd.scan.msk.f32 $0xffff, v4  }
0x15: {  	v3 =	vor.u32 $0x800, v0;
	_ =	sdelay $0x4  }
0x16: {  	v4 =	vld.idx.msk [tilespmem:v3+s4+$0x0], $0xffff  }
0x17: {  	v5 =	vld.idx.msk [tilespmem:v0+s4+$0x0], $0xffff;
	_ =	sdelay $0x1  }
0x18: {  	v6, _, _ =	vpop (xrf2)  }
0x19: {  	(v2sf) =	vpush v6, $0xF;
	v6, _, _ =	vpop (xrf2)  }
0x1a: {  	(xrf2) =	vadd.scan.msk.f32 $0xffff, v4;
	(v2sf) =	vpush v6, $0xF  }
0x1b: {  	(xrf2) =	vadd.scan.msk.f32 $0xffff, v5;
	_ =	sdelay $0x8  }
0x1c: {  	v4, _, _ =	vpop (xrf2)  }
0x1d: {  	v5, _, _ =	vpop (xrf2);
	(v2sf) =	vpush v4, $0xF  }
0x1e: {  	(v2sf) =	vpush v5, $0xF;
	_ =	sdelay $0x1  }
0x1f: {  	s7 =	spop (v2sf)  }
0x20: {  	s8 =	spop (v2sf)  }
0x21: {  	s7 =	sadd.f32 s8, s7;
	_ =	sdelay $0x1  }
0x22: {  	v4 =	vmov s7  }
0x23: {  	v5 =	vmax.f32 v4, $1.000000000e+00  }
0x24: {  	(erf) = vrcp.f32 v5  }
0x25: {  	s6 =	ssub.s32 $0x2, s6  }
0x26: {  	s29 =	sshrl.u32 s6, $0x1  }
0x27: {  	s6 =	ssub.s32 s6, s29  }
0x28: {  	s9 =	smax.u32 s6, $0x1  }
0x29: {  	p0 =	sne.s32 s9, $0x1  }
.Ltmp1:
0x2a: {  	s30 =	spop (v2sf);
	(pc) =	sbr.rel @!p0 .LBB2_3-.Ltmp1, $4  }
0x2b: {  	s31 =	spop (v2sf)  }
0x2c: {  	s8 =	sadd.f32 s30, s31  }
0x2d: {  	v5 =	vpop (erf)  }
0x2e: {  	s6 =	simm.s32 $0x1000;
	s7 =	sadd.s32 $0xFFFFFFFF, s9;
	vm0 =	veq.f32 v4, $0.0e+00;
	v4 =	vmul.f32 s8, v5  }
.LBB2_2:
0x2f: {  	_ = 	snop  }
0x30: {  	p0 =	sne.s32 s7, $0x1;
	s7 =	sadd.s32 $0xFFFFFFFF, s7;
	v4 =	vsel vm0, $0x0, v4  }
0x31: {  	[tilespmem:$0x1000] =	vst v4  }
0x32: {  	[hbm4b:s2+s4] =	stream.linear.scatter [tilespmem:s6], [sflag:$0x1], $0x80, $0x38;
	[tilespmem:$0x1080] =	vst v63  }
0x33: {  	_ =	swait.ge [sflag:s3], $0x80  }
0x34: {  	[sflag:s3] =	ssyncset.done $0x0  }
0x35: {  	[sflag:s3] =	ssyncadd.s32 $0xFFFFFF80  }
0x36: {  	[tilespmem:s4], [sflag:$0x1] =	stream.linear.gather [hbm4b:s5+s4], $0x1000, $0x38;
	[tilespmem:$0x1080] =	vst v63  }
0x37: {  	_ =	swait.ge [sflag:s3], $0x1000  }
0x38: {  	[sflag:s3] =	ssyncset.done $0x0  }
0x39: {  	[sflag:s3] =	ssyncadd.s32 $0xFFFFF000  }
0x3a: {  	v4 =	vld.idx.msk [tilespmem:v1+s4+$0x0], $0xffff;
	_ =	sdelay $0x2  }
0x3b: {  	v5 =	vld.idx.msk [tilespmem:v2+s4+$0x0], $0xffff;
	_ =	sdelay $0x2  }
0x3c: {  	(xrf2) =	vadd.scan.msk.f32 $0xffff, v4;
	_ =	sdelay $0x2  }
0x3d: {  	(xrf2) =	vadd.scan.msk.f32 $0xffff, v5;
	_ =	sdelay $0x1  }
0x3e: {  	v4 =	vld.idx.msk [tilespmem:v3+s4+$0x0], $0xffff  }
0x3f: {  	v5 =	vld.idx.msk [tilespmem:v0+s4+$0x0], $0xffff;
	_ =	sdelay $0x3  }
0x40: {  	v6, _, _ =	vpop (xrf2)  }
0x41: {  	(xrf2) =	vadd.scan.msk.f32 $0xffff, v4;
	_ =	sdelay $0x1  }
0x42: {  	(v2sf) =	vpush v6, $0xF;
	v4, _, _ =	vpop (xrf2)  }
0x43: {  	(xrf2) =	vadd.scan.msk.f32 $0xffff, v5;
	(v2sf) =	vpush v4, $0xF;
	_ =	sdelay $0x6  }
0x44: {  	v4, _, _ =	vpop (xrf2);
	_ =	sdelay $0x2  }
0x45: {  	v5, _, _ =	vpop (xrf2);
	(v2sf) =	vpush v4, $0xF  }
0x46: {  	(v2sf) =	vpush v5, $0xF;
	_ =	sdelay $0x2  }
0x47: {  	s8 =	spop (v2sf)  }
0x48: {  	s9 =	spop (v2sf)  }
0x49: {  	s8 =	sadd.f32 s9, s8;
	_ =	sdelay $0x1  }
0x4a: {  	v4 =	vmov s8  }
0x4b: {  	v5 =	vmax.f32 v4, $1.000000000e+00  }
0x4c: {  	(erf) = vrcp.f32 v5;
	_ =	sdelay $0x4  }
0x4d: {  	s8 =	spop (v2sf)  }
.Ltmp2:
0x4e: {  	s9 =	spop (v2sf);
	(pc) =	sbr.rel @p0 .LBB2_2-.Ltmp2, $3  }
0x4f: {  	s8 =	sadd.f32 s8, s9;
	_ =	sdelay $0x1  }
0x50: {  	v5 =	vpop (erf)  }
0x51: {  	vm0 =	veq.f32 v4, $0.0e+00;
	v4 =	vmul.f32 s8, v5  }
.LBB2_3:
0x52: {  	_ = 	snop  }
0x53: {  	v0 =	vsel vm0, $0x0, v4  }
0x54: {  	[tilespmem:$0x1000] =	vst v0  }
0x55: {  	[hbm4b:s2+s4] =	stream.linear.scatter [tilespmem:s6], [sflag:$0x1], $0x80, $0x38;
	[tilespmem:$0x1080] =	vst v63  }
0x56: {  	_ =	swait.ge [sflag:s3], $0x80  }
0x57: {  	[sflag:s3] =	ssyncset.done $0x0  }
0x58: {  	[sflag:s3] =	ssyncadd.s32 $0xFFFFFF80  }
.LBB2_4:
0x59: {  	_ =	sfence.sel $0x180000  }
0x5a: {  	[bflag:$0x0] =	sbarrier.arrive $0xFFFF  }
0x5b: {  	p0 =	sne.s32 s0, $0x0;
	_ =	strace $0x90000053  }
0x5c: {  	s0 =	sadd.s32 @!p0 $0x100000, s1;
	[bflag:$0x2] =	sbarrier.arrive $0xFFFF  }
0x5d: {  	[sflag:s0] =	ssyncadd.tile.s32 @!p0 $0x1;
	_ =	shalt  }
.Lfunc_end2:
_tile_overlayer_lowered:
.L_overlay_start_2:
0x5e: {  	(tag) =	ssettag $0x2  }
0x5f: {  	s0 =	rddreg [dreg:$0x0];
	s2 =	stileid.u32  }
0x60: {  	s1 =	rddreg [dreg:$0x1];
	p0 =	sne.s32 s2, $0x0  }
0x61: {  	s3 =	rddreg [dreg:$0x2];
	[bflag:$0x3] =	sbarrier.arrive $0xFFFF;
	s2 =	simm.s32 @!p0 $0x1C01  }
0x62: {  	[timem:s3], [sflag:s2] =	dma.local @!p0 [hbm:s0], s1  }
0x63: {  	s0 =	simm.s32 @!p0 $0x1  }
0x64: {  	_ =	swait.ge @!p0 [sflag:s0], s1  }
0x65: {  	s1 =	ssub.s32 @!p0 $0x0, s1;
	[sflag:s0] =	ssyncset.done @!p0 $0x0  }
0x66: {  	[sflag:s0] =	ssyncadd.s32 @!p0 s1  }
0x67: {  	[bflag:$0x3] =	sbarrier.arrive $0xFFFF  }
0x68: {  	_ =	shalt  }

// kernel: kernel.6.cloned.1.call-start
scs
__scs_entry_jumppad:
0x0: {  	(pc) =	sbr.rel $0x88, $3  }
0x1: {  	(tag) =	ssettag $0x0;
	lr =	simm.s32 $0x1  }
0x2: {  	[smem:$0x3F9D] =	sst lr;
	_ =	strace $0xD0000000  }
0x3: {  	_ = 	snop  }
0x4: {  	_ = 	snop  }
0x5: {  	_ = 	snop  }
0x6: {  	_ = 	snop  }
0x7: {  	_ = 	snop  }
__scs_overlays_trampoline_lowered:
0x8: {  	[smem:$0x3FAC] =	sst s0  }
0x9: {  	[smem:$0x3FAD] =	sst s1  }
0xa: {  	[smem:$0x3FAE] =	sst s2  }
0xb: {  	[smem:$0x3FAF] =	sst s3  }
0xc: {  	[smem:$0x3FB0] =	sst s4  }
0xd: {  	[smem:$0x3FB1] =	sst s5  }
0xe: {  	[smem:$0x3FB2] =	sst s6  }
0xf: {  	[smem:$0x3FB3] =	sst s7  }
0x10: {  	[smem:$0x3FB4] =	sst s8  }
0x11: {  	[smem:$0x3FB5] =	sst s9;
	s0 =	simm.s32 @!p0 $0x0  }
0x12: {  	s1 =	sld [smem:$0x3F9B];
	s0 =	simm.s32 @p0 $0x1  }
0x13: {  	[smem:$0x3FB6] =	sst s0;
	s0 =	simm.s32 @!p1 $0x0  }
0x14: {  	s2 =	sld [smem:$0x3F9A];
	s0 =	simm.s32 @p1 $0x1  }
0x15: {  	[smem:$0x3FB7] =	sst s0;
	s0 =	simm.s32 @!p2 $0x0  }
0x16: {  	s3 =	sld [smem:$0x3FDB];
	s0 =	simm.s32 @p2 $0x1  }
0x17: {  	s4 =	simm.s32 $0x1BF5;
	[smem:$0x3FB9] =	sst s0  }
0x18: {  	s0 =	sld [smem:$0x3F9C];
	_ =	swait.ge [sflag:s4], $0x0  }
0x19: {  	s7 =	sld [smem:$0x3F9D]  }
0x1a: {  	s8 =	sadd.s32 $0xFFFFE003, lr  }
0x1b: {  	s9 =	sadd.s32 $0xFFFFFEF7, lr;
	s5 =	simm.s32 $0xFFFFFFFF;
	p2 =	slt.u32 s8, $0xFFFFF086  }
0x1c: {  	p1 =	slt.u32 s9, $0xF7A;
	s5 =	simm.s32 @!p2 $0x0  }
0x1d: {  	s5 =	simm.s32 @p1 $0x1;
	p0 =	seq.s32 s7, s2  }
0x1e: {  	s7 =	smul.u32 @!p0 $0xF7A, s2;
	p2 =	seq.s32 @!p0 s5, $0x0  }
0x1f: {  	s9 =	smul.u32 $0xF7A, s1;
	s8 =	simm.s32 @!p0 $0x1BF5;
	p2 =	por !p2, p0  }
0x20: {  	[sflag:s8] =	ssyncset.s32 @!p0 $0xFFFFF086;
	s6 =	sadd.s32 @!p0 s3, s7;
	s7 =	simm.s32 @!p0 $0x108  }
0x21: {  	s3 =	sadd.s32 s3, s9;
	s6 =	sadd.s32 @!p0 $0x88, s6;
	s7 =	simm.s32 @p2 $0x1082  }
0x22: {  	[simem:s7], [sflag:s8] =	dma.local @!p0 [hbm:s6], $0xF7A  }
0x23: {  	s9 =	sor.u32 $0xD0000000, s2;
	s6 =	simm.s32 $0x108;
	_ =	swait.ge @!p0 [sflag:s8], $0x0  }
0x24: {  	s3 =	sadd.s32 $0x88, s3;
	s6 =	simm.s32 @!p1 $0x1082;
	[sflag:s4] =	ssyncset.s32 $0xFFFFF086  }
0x25: {  	[simem:s6], [sflag:s4] =	dma.local [hbm:s3], $0xF7A  }
0x26: {  	[smem:$0x3F9D] =	sst s1;
	(tag) =	ssettag s2;
	_ =	strace s9  }
0x27: {  	s1 =	sld [smem:$0x3FAD]  }
0x28: {  	s2 =	sld [smem:$0x3FAE]  }
0x29: {  	s4 =	sld [smem:$0x3FB0]  }
0x2a: {  	p0 =	seq.s32 s5, $0x0;
	s5 =	sld [smem:$0x3FB1]  }
0x2b: {  	s6 =	sld [smem:$0x3FB2]  }
0x2c: {  	s7 =	sld [smem:$0x3FB3]  }
0x2d: {  	s3 =	simm.s32 $0x108;
	s8 =	sld [smem:$0x3FB4]  }
0x2e: {  	s3 =	simm.s32 @!p0 $0x1082;
	s9 =	sld [smem:$0x3FB5]  }
0x2f: {  	lr =	sadd.s32 s0, s3;
	s0 =	sld [smem:$0x3FAC]  }
0x30: {  	s3 =	sld [smem:$0x3FAF]  }
0x31: {  	[smem:$0x3FB8] =	sst s10  }
0x32: {  	s10 =	sld [smem:$0x3FB6];
	_ =	sdelay $0x3  }
0x33: {  	p0 =	seq.s32 s10, $0x1;
	s10 =	sld [smem:$0x3FB8];
	_ =	sdelay $0x3  }
0x34: {  	[smem:$0x3FB8] =	sst s10  }
0x35: {  	s10 =	sld [smem:$0x3FB7];
	_ =	sdelay $0x3  }
0x36: {  	p1 =	seq.s32 s10, $0x1;
	s10 =	sld [smem:$0x3FB8];
	_ =	sdelay $0x3  }
0x37: {  	[smem:$0x3FB8] =	sst s10  }
0x38: {  	s10 =	sld [smem:$0x3FB9]  }
0x39: {  	_ = 	snop;
	(pc) =	sbr.ind lr, $3  }
0x3a: {  	_ = 	snop  }
0x3b: {  	_ = 	snop  }
0x3c: {  	p2 =	seq.s32 s10, $0x1;
	s10 =	sld [smem:$0x3FB8]  }
0x3d: {  	_ =	shalt  }
0x3e: {  	_ =	shalt  }
0x3f: {  	_ =	shalt  }
0x40: {  	_ =	shalt  }
0x41: {  	_ =	shalt  }
0x42: {  	_ =	shalt  }
0x43: {  	_ =	shalt  }
0x44: {  	_ =	shalt  }
0x45: {  	_ =	shalt  }
0x46: {  	_ =	shalt  }
0x47: {  	_ =	shalt  }
0x48: {  	_ =	shalt  }
0x49: {  	_ =	shalt  }
0x4a: {  	_ =	shalt  }
0x4b: {  	_ =	shalt  }
0x4c: {  	_ =	shalt  }
0x4d: {  	_ =	shalt  }
0x4e: {  	_ =	shalt  }
0x4f: {  	_ =	shalt  }
0x50: {  	_ =	shalt  }
0x51: {  	_ =	shalt  }
0x52: {  	_ =	shalt  }
0x53: {  	_ =	shalt  }
0x54: {  	_ =	shalt  }
0x55: {  	_ =	shalt  }
0x56: {  	_ =	shalt  }
0x57: {  	_ =	shalt  }
0x58: {  	_ =	shalt  }
0x59: {  	_ =	shalt  }
0x5a: {  	_ =	shalt  }
0x5b: {  	_ =	shalt  }
0x5c: {  	_ =	shalt  }
0x5d: {  	_ =	shalt  }
0x5e: {  	_ =	shalt  }
0x5f: {  	_ =	shalt  }
0x60: {  	_ =	shalt  }
0x61: {  	_ =	shalt  }
0x62: {  	_ =	shalt  }
0x63: {  	_ =	shalt  }
0x64: {  	_ =	shalt  }
0x65: {  	_ =	shalt  }
0x66: {  	_ =	shalt  }
0x67: {  	_ =	shalt  }
0x68: {  	_ =	shalt  }
0x69: {  	_ =	shalt  }
0x6a: {  	_ =	shalt  }
0x6b: {  	_ =	shalt  }
0x6c: {  	_ =	shalt  }
0x6d: {  	_ =	shalt  }
0x6e: {  	_ =	shalt  }
0x6f: {  	_ =	shalt  }
0x70: {  	_ =	shalt  }
0x71: {  	_ =	shalt  }
0x72: {  	_ =	shalt  }
0x73: {  	_ =	shalt  }
0x74: {  	_ =	shalt  }
0x75: {  	_ =	shalt  }
0x76: {  	_ =	shalt  }
0x77: {  	_ =	shalt  }
0x78: {  	_ =	shalt  }
0x79: {  	_ =	shalt  }
0x7a: {  	_ =	shalt  }
0x7b: {  	_ =	shalt  }
0x7c: {  	_ =	shalt  }
0x7d: {  	_ =	shalt  }
0x7e: {  	_ =	shalt  }
0x7f: {  	_ =	shalt  }
0x80: {  	_ =	shalt  }
0x81: {  	_ =	shalt  }
0x82: {  	_ =	shalt  }
0x83: {  	_ =	shalt  }
0x84: {  	_ =	shalt  }
0x85: {  	_ =	shalt  }
0x86: {  	_ =	shalt  }
0x87: {  	_ =	shalt  }
.Lfunc_end0:
.L_simem_size_0:
called_computation.1_lowered:
.L_overlay_start_0:
0x88: {  	s2 =	sld [smem:$0x3FD9]  }
0x89: {  	s3 =	sld [smem:$0x3FFE];
	_ =	sdelay $0x1  }
0x8a: {  	s1 =	srdreg.scid  }
0x8b: {  	s0 =	sand.u32 $0x1, s1  }
0x8c: {  	s16 =	sshll.u32 s0, $0xA;
	s2 =	sadd.s32 s3, s2  }
0x8d: {  	s2 =	sadd.s32 s2, s16  }
0x8e: {  	[smem:$0x3FC4] =	sst s2  }
0x8f: {  	_ = 	snop  }
0x90: {  	(tm) =	ssettm $0x1  }
0x91: {  	s17 =	sld [smem:$0x3FFB];
	_ =	sdelay $0x3  }
0x92: {  	_ =	strace s17  }
0x93: {  	s2 =	sld [smem:$0x3FFC];
	_ =	sdelay $0x3  }
0x94: {  	_ =	strace s2  }
0x95: {  	s2 =	sld [smem:$0x3FFD];
	_ =	sdelay $0x3  }
0x96: {  	_ =	strace s2  }
0x97: {  	_ =	strace $0x8FFFFFFF  }
0x98: {  	s18 =	sld [smem:$0x3FDB];
	_ =	sdelay $0x1  }
0x99: {  	s19 =	simm.s32 $_scs_section_size  }
0x9a: {  	s4 =	simm.s32 $_size__tile_overlayer_lowered;
	s5 =	simm.s32 $_tile_overlayer_lowered  }
0x9b: {  	s22 =	simm.s32 $0x1BFF;
	s21 =	sshll.u32 s5, $0x1;
	s2 =	sadd.s32 s19, s18  }
0x9c: {  	s6 =	simm.s32 $0x0;
	s20 =	sshll.u32 s4, $0x1;
	s4 =	sadd.s32 s21, s2  }
0x9d: {  	[timem:s6], [sflag:s22] =	dma.local [hbm:s4], s20  }
0x9e: {  	_ =	swait.ge [sflag:s22], s20  }
0x9f: {  	s3 =	ssub.s32 $0x0, s20;
	[sflag:s22] =	ssyncset.done $0x0  }
0xa0: {  	[sflag:s22] =	ssyncadd.s32 s3;
	_ =	sdelay $0x1  }
0xa1: {  	s23 =	simm.s32 $0x1B8B  }
0xa2: {  	_ =	swait.ge [sflag:s23], $0x1  }
0xa3: {  	[sflag:s23] =	ssyncset.done $0x0  }
0xa4: {  	s25 =	simm.s32 $0x1B8E;
	s24 =	sld [smem:$0x3FFE];
	[sflag:s23] =	ssyncadd.s32 $0xFFFFFFFF  }
0xa5: {  	s26 =	simm.s32 $execute0_lowered;
	[smem:$0x3FD2] =	sst s25  }
0xa6: {  	s4 =	sshll.u32 s26, $0x1;
	_ =	strace $0x80000046;
	[dreg:$0x1] =	wrdreg $0xFFFFFFFF  }
0xa7: {  	s28 =	simm.s32 $_size_execute0_lowered;
	s2 =	sadd.s32 s2, s4;
	[dreg:$0x0] =	wrdreg $0x0  }
0xa8: {  	s4 =	sshll.u32 s28, $0x1;
	[dreg:$0x2] =	wrdreg s2  }
0xa9: {  	[dreg:$0x3] =	wrdreg s4  }
0xaa: {  	[dreg:$0x4] =	wrdreg $0xC0  }
0xab: {  	_ =	task [dreg:s6], $0x5FFFF  }
0xac: {  	[dreg:$0x1] =	wrdreg $0xFFFFFFFF  }
0xad: {  	[dreg:$0x0] =	wrdreg $0x60  }
0xae: {  	[dreg:$0x2] =	wrdreg s24  }
0xaf: {  	[dreg:$0x3] =	wrdreg $0xA  }
0xb0: {  	_ =	task.clear_ibuf [dreg:s6], $0x4FFFF;
	_ =	strace $0x90000046  }
0xb1: {  	s29 =	simm.s32 $0xA;
	_ =	strace $0x80000048  }
0xb2: {  	_ =	swait.ge [sflag:s29], $0x1  }
0xb3: {  	[sflag:s29] =	ssyncadd.s32 $0xFFFFFFFF  }
0xb4: {  	_ =	strace $0x90000048  }
0xb5: {  	_ =	sfence  }
0xb6: {  	s30 =	sld [smem:$0x0];
	_ =	sdelay $0x2  }
0xb7: {  	s31 =	sshll.u32 s1, $0xD;
	s1 =	sshrl.u32 s1, $0x2  }
0xb8: {  	s3 =	sand.u32 $0x4000, s31;
	s1 =	sadd.s32 s1, s30  }
0xb9: {  	s0 =	sor.u32 s3, s0;
	s1 =	sshll.u32 s1, $0x11  }
0xba: {  	s0 =	sor.u32 s1, s0  }
0xbb: {  	s0 =	sadd.s32 $0x8F2B, s0  }
0xbc: {  	[sflag:s0] =	ssyncadd.remote.s32 $0x1  }
0xbd: {  	_ =	sfence.sel $0xFFFF  }
0xbe: {  	[dreg:$0x0] =	wrdreg $0xFFFFFFFF;
	(pc) =	sbr.abs _section_cstart, $3  }
0xbf: {  	[dreg:$0x1] =	wrdreg $0xFFFFFFFF  }
0xc0: {  	_ =	task.clear_ibuf [dreg:s6], $0x2FFFF;
	_ =	strace $0x9FFFFFFF  }
0xc1: {  	(tm) =	ssettm $0x7FFFFFFF  }
tec
execute0_lowered:
.L_overlay_start_1:
0x0: {  	(tag) =	ssettag $0x1  }
0x1: {  	s0 =	rddreg [dreg:$0x0];
	s1 =	srdreg.scid  }
0x2: {  	s8 =	stileid.u32;
	s2 =	simm.s32 $0x0;
	s1 =	sand.u32 $0x1, s1  }
0x3: {  	s3 =	sshll.u32 s8, $0x1;
	[smem:$0x7FF] =	sst s2;
	s5 =	sshrl.u32 s8, $0x2  }
0x4: {  	s11 =	sshll.u32 s8, $0xF;
	s8 =	simm.s32 $0x0;
	s3 =	sor.u32 s1, s3  }
0x5: {  	_ =	strace $0x80000047;
	s6 =	sshll.u32 s5, $0xA;
	s5 =	sshll.u32 s5, $0xB  }
0x6: {  	s22 =	ssub.s32 $0x2, s1;
	s1 =	sshll.u32 s1, $0xE;
	s4 =	sshll.u32 s3, $0x7  }
0x7: {  	s3 =	sshll.u32 s3, $0xB;
	s7 =	sshrl.u32 s22, $0x1;
	s4 =	sand.u32 $0x380, s4  }
0x8: {  	s3 =	sadd.s32 s3, s0;
	s6 =	sor.u32 s6, s4;
	s4 =	sor.u32 s5, s4  }
0x9: {  	s5 =	ssub.s32 s22, s7;
	s23 =	sadd.s32 $0x1E00, s3;
	s6 =	sshrl.u32 s6, $0x3  }
0xa: {  	s4 =	sshrl.u32 s4, $0x3;
	[dreg:$0x2] =	wrdreg s23;
	s22 =	smax.u32 s5, $0x1  }
0xb: {  	s5 =	simm.s32 $0x6000;
	s6 =	sadd.s32 s6, s0;
	s4 =	sadd.s32 s4, s0  }
0xc: {  	[dreg:$0xb] =	wrdreg s22;
	s24 =	sadd.s32 $0x11E00, s6;
	s25 =	sadd.s32 $0x12000, s4  }
0xd: {  	s26 =	sadd.s32 $0x12400, s4;
	s3 =	sadd.s32 $0x12800, s4;
	s6 =	sadd.s32 $0x12C00, s4  }
0xe: {  	s7 =	sadd.s32 $0x13000, s4;
	s9 =	sadd.s32 $0x13400, s4;
	s10 =	sadd.s32 $0x13800, s4  }
0xf: {  	s12 =	sadd.s32 $0x13C00, s4;
	s13 =	sadd.s32 $0x14000, s4;
	[dreg:$0x3] =	wrdreg s24  }
0x10: {  	s14 =	sadd.s32 $0x14400, s4;
	s15 =	sadd.s32 $0x14800, s4;
	[dreg:$0x4] =	wrdreg s25  }
0x11: {  	s16 =	sadd.s32 $0x14C00, s4;
	s17 =	sadd.s32 $0x15000, s4;
	[dreg:$0x5] =	wrdreg s26  }
0x12: {  	s18 =	sadd.s32 $0x15400, s4;
	s19 =	sadd.s32 $0x15800, s4;
	[dreg:$0x6] =	wrdreg s3  }
0x13: {  	s20 =	sadd.s32 $0x15C00, s4;
	s21 =	sadd.s32 $0x16000, s4;
	[dreg:$0x7] =	wrdreg s6  }
0x14: {  	s23 =	sadd.s32 $0x16400, s4;
	s28 =	sadd.s32 $0x17400, s4;
	[dreg:$0x8] =	wrdreg s7  }
0x15: {  	s29 =	sadd.s32 $0x17800, s4;
	s30 =	sadd.s32 $0x17C00, s4;
	[dreg:$0x9] =	wrdreg s9  }
0x16: {  	s31 =	sadd.s32 $0x18000, s4;
	s0 =	sadd.s32 $0x18400, s4;
	[dreg:$0xa] =	wrdreg s10  }
0x17: {  	s9 =	sor.u32 s1, s11;
	s24 =	sadd.s32 $0x16800, s4;
	s25 =	sadd.s32 $0x16C00, s4  }
0x18: {  	s26 =	sadd.s32 $0x17000, s4;
	s1 =	sadd.s32 $0x18800, s4;
	s3 =	sadd.s32 $0x18C00, s4  }
0x19: {  	v0 =	vimm.s32 $0x0;
	v1 =	vlaneseq.u32;
	s4 =	simm.s32 $0x2;
	s6 =	simm.s32 $0x4000;
	s7 =	simm.s32 $0x1  }
.LBB2_1:
0x1a: {  	s10 =	rddreg [dreg:$0x2]  }
0x1b: {  	[tilespmem:s2], [sflag:$0x2] =	stream.linear.gather [hbm4b:s10+s2], $0x4000, $0x38;
	[tilespmem:$0x6080] =	vst v63  }
0x1c: {  	_ =	swait.ge [sflag:s4], $0x4000  }
0x1d: {  	[sflag:s4] =	ssyncset.done $0x0  }
0x1e: {  	[sflag:s4] =	ssyncadd.s32 $0xFFFFC000  }
0x1f: {  	[tilespmem:$0x6000] =	vst v0  }
0x20: {  	s11 =	simm.s32 $0x0;
	[tilespmem:$0x6010] =	vst v0  }
0x21: {  	v2 =	vld [tilespmem:s11+$0x0];
	_ =	sdelay $0x4  }
0x22: {  	(xrf1) =	vunique.msk.u32 $0xffff, v2;
	_ =	sdelay $0x9  }
0x23: {  	v3 =	vld.idx.msk [tilespmem:v2+s5+$0x0], $0xffff;
	_ =	sdelay $0x3  }
0x24: {  	_, v4, vm0 =	vpop (xrf1)  }
0x25: {  	v3 =	vadd.s32 v3, v4  }
0x26: {  	v4 =	vadd.s32 $0xFFFFFFFF, v3  }
0x27: {  	vm1 =	vlt.s32 v4, $0xC7  }
0x28: {  	v5 =	vnsel vm1, $0xC7, v4  }
0x29: {  	v6 =	vshll.u32 v2, $0x8;
	v7 =	vshll.u32 v5, $0x3  }
0x2a: {  	v8 =	vshll.u32 v2, $0x7;
	v6 =	vand.u32 $0xFFFFF800, v6;
	v7 =	vand.u32 $0xFFFFFC00, v7  }
0x2b: {  	v60 =	vand.u32 $0x380, v8;
	v6 =	vadd.s32 v6, v7  }
0x2c: {  	vm15 =	vlt.s32 v4, $0xC8;
	v61 =	vand.u32 $0x7F, v5;
	v62 =	vor.u32 v60, v6  }
0x2d: {  	v4 =	vor.u32 v61, v62;
	_ =	sdelay $0x3  }
0x2e: {  	v63 =	vor.u32 s9, v1  }
0x2f: {  	[tilespmem:v4+s6+$0x0] =	vst.idx.msk vm15, v63  }
0x30: {  	s22 =	simm.s32 $0x10;
	[tilespmem:v2+s5+$0x0] =	vst.idx.msk vm0, v3  }
0x31: {  	s10 =	simm.s32 $0x80;
	v2 =	vld [tilespmem:s22+$0x0];
	s22 =	smov.u32 s9  }
.LBB2_2:
0x32: {  	p0 =	sne.s32 s10, $0xFFC0;
	_ =	sdelay $0x3  }
0x33: {  	(xrf1) =	vunique.msk.u32 $0xffff, v2;
	_ =	sdelay $0x8  }
0x34: {  	v3 =	vld.idx.msk [tilespmem:v2+s5+$0x0], $0xffff;
	_ =	sdelay $0x4  }
0x35: {  	_, v4, vm0 =	vpop (xrf1)  }
0x36: {  	v3 =	vadd.s32 v3, v4  }
0x37: {  	v4 =	vadd.s32 $0xFFFFFFFF, v3  }
0x38: {  	vm1 =	vlt.s32 v4, $0xC7  }
0x39: {  	v5 =	vnsel vm1, $0xC7, v4  }
0x3a: {  	v6 =	vshll.u32 v2, $0x8;
	v7 =	vshll.u32 v5, $0x3  }
0x3b: {  	v8 =	vshll.u32 v2, $0x7;
	v6 =	vand.u32 $0xFFFFF800, v6;
	v7 =	vand.u32 $0xFFFFFC00, v7  }
0x3c: {  	v6 =	vadd.s32 v6, v7;
	v7 =	vand.u32 $0x380, v8  }
0x3d: {  	vm1 =	vlt.s32 v4, $0xC8;
	v4 =	vand.u32 $0x7F, v5;
	v5 =	vor.u32 v7, v6  }
0x3e: {  	v4 =	vor.u32 v4, v5;
	_ =	sdelay $0x2  }
.Ltmp0:
0x3f: {  	s22 =	sadd.s32 $0x10, s22;
	(pc) =	sbr.rel @p0 .LBB2_2-.Ltmp0, $4  }
0x40: {  	v5 =	vor.u32 s22, v1  }
0x41: {  	[tilespmem:v4+s6+$0x0] =	vst.idx.msk vm1, v5  }
0x42: {  	s11 =	sshra.s32 s10, $0x2;
	[tilespmem:v2+s5+$0x0] =	vst.idx.msk vm0, v3  }
0x43: {  	s10 =	sadd.s32 $0x40, s10;
	v2 =	vld [tilespmem:s11+$0x0]  }
0x44: {  	_ =	sdelay $0x3  }
0x45: {  	(xrf1) =	vunique.msk.u32 $0xffff, v2;
	_ =	sdelay $0x9  }
0x46: {  	v3 =	vld.idx.msk [tilespmem:v2+s5+$0x0], $0xffff;
	_ =	sdelay $0x3  }
0x47: {  	_, v4, vm0 =	vpop (xrf1)  }
0x48: {  	v3 =	vadd.s32 v3, v4  }
0x49: {  	v4 =	vadd.s32 $0xFFFFFFFF, v3  }
0x4a: {  	vm1 =	vlt.s32 v4, $0xC7  }
0x4b: {  	v5 =	vnsel vm1, $0xC7, v4  }
0x4c: {  	v6 =	vshll.u32 v2, $0x8;
	v7 =	vshll.u32 v5, $0x3  }
0x4d: {  	v8 =	vshll.u32 v2, $0x7;
	v6 =	vand.u32 $0xFFFFF800, v6;
	v7 =	vand.u32 $0xFFFFFC00, v7  }
0x4e: {  	v60 =	vand.u32 $0x380, v8;
	v6 =	vadd.s32 v6, v7  }
0x4f: {  	vm15 =	vlt.s32 v4, $0xC8;
	v61 =	vand.u32 $0x7F, v5;
	v62 =	vor.u32 v60, v6  }
0x50: {  	v4 =	vor.u32 v61, v62;
	_ =	sdelay $0x2  }
0x51: {  	s10 =	sadd.s32 $0x10, s22  }
0x52: {  	v63 =	vor.u32 s10, v1  }
0x53: {  	[tilespmem:v4+s6+$0x0] =	vst.idx.msk vm15, v63  }
0x54: {  	s22 =	rddreg [dreg:$0x3];
	[tilespmem:v2+s5+$0x0] =	vst.idx.msk vm0, v3  }
0x55: {  	[hbm4b:s22+s2] =	stream.linear.scatter [tilespmem:s5], [sflag:$0x2], $0x80, $0x38;
	[tilespmem:$0x6080] =	vst v63  }
0x56: {  	_ =	swait.ge [sflag:s4], $0x80  }
0x57: {  	[sflag:s4] =	ssyncset.done $0x0  }
0x58: {  	s11 =	rddreg [dreg:$0x4];
	[sflag:s4] =	ssyncadd.s32 $0xFFFFFF80  }
0x59: {  	[hbm4b:s11+s2] =	stream.linear.scatter [tilespmem:s6], [sflag:$0x1], $0x80, $0x38;
	[tilespmem:$0x6080] =	vst v63  }
0x5a: {  	s10 =	sadd.s32 $0x80, s11;
	s11 =	simm.s32 $0x4400  }
0x5b: {  	[hbm4b:s10+s2] =	stream.linear.scatter [tilespmem:s11], [sflag:$0x1], $0x80, $0x38;
	[tilespmem:$0x6080] =	vst v63  }
0x5c: {  	s22 =	simm.s32 $0x4080;
	s10 =	rddreg [dreg:$0x5]  }
0x5d: {  	[hbm4b:s10+s2] =	stream.linear.scatter [tilespmem:s22], [sflag:$0x1], $0x80, $0x38;
	[tilespmem:$0x6080] =	vst v63  }
0x5e: {  	s10 =	sadd.s32 $0x80, s10;
	s22 =	simm.s32 $0x4480  }
0x5f: {  	[hbm4b:s10+s2] =	stream.linear.scatter [tilespmem:s22], [sflag:$0x1], $0x80, $0x38;
	[tilespmem:$0x6080] =	vst v63  }
0x60: {  	s10 =	rddreg [dreg:$0x6];
	s22 =	simm.s32 $0x4100  }
0x61: {  	[hbm4b:s10+s2] =	stream.linear.scatter [tilespmem:s22], [sflag:$0x1], $0x80, $0x38;
	[tilespmem:$0x6080] =	vst v63  }
0x62: {  	s10 =	sadd.s32 $0x80, s10;
	s22 =	simm.s32 $0x4500  }
0x63: {  	[hbm4b:s10+s2] =	stream.linear.scatter [tilespmem:s22], [sflag:$0x1], $0x80, $0x38;
	[tilespmem:$0x6080] =	vst v63  }
0x64: {  	s10 =	rddreg [dreg:$0x7];
	s22 =	simm.s32 $0x4180  }
0x65: {  	[hbm4b:s10+s2] =	stream.linear.scatter [tilespmem:s22], [sflag:$0x1], $0x80, $0x38;
	[tilespmem:$0x6080] =	vst v63  }
0x66: {  	s10 =	sadd.s32 $0x80, s10;
	s22 =	simm.s32 $0x4580  }
0x67: {  	[hbm4b:s10+s2] =	stream.linear.scatter [tilespmem:s22], [sflag:$0x1], $0x80, $0x38;
	[tilespmem:$0x6080] =	vst v63  }
0x68: {  	s10 =	rddreg [dreg:$0x8];
	s22 =	simm.s32 $0x4200  }
0x69: {  	[hbm4b:s10+s2] =	stream.linear.scatter [tilespmem:s22], [sflag:$0x1], $0x80, $0x38;
	[tilespmem:$0x6080] =	vst v63  }
0x6a: {  	s10 =	sadd.s32 $0x80, s10;
	s22 =	simm.s32 $0x4600  }
0x6b: {  	[hbm4b:s10+s2] =	stream.linear.scatter [tilespmem:s22], [sflag:$0x1], $0x80, $0x38;
	[tilespmem:$0x6080] =	vst v63  }
0x6c: {  	s10 =	rddreg [dreg:$0x9];
	s22 =	simm.s32 $0x4280  }
0x6d: {  	[hbm4b:s10+s2] =	stream.linear.scatter [tilespmem:s22], [sflag:$0x1], $0x80, $0x38;
	[tilespmem:$0x6080] =	vst v63  }
0x6e: {  	s10 =	sadd.s32 $0x80, s10;
	s22 =	simm.s32 $0x4680  }
0x6f: {  	[hbm4b:s10+s2] =	stream.linear.scatter [tilespmem:s22], [sflag:$0x1], $0x80, $0x38;
	[tilespmem:$0x6080] =	vst v63  }
0x70: {  	s10 =	rddreg [dreg:$0xa];
	s22 =	simm.s32 $0x4300  }
0x71: {  	[hbm4b:s10+s2] =	stream.linear.scatter [tilespmem:s22], [sflag:$0x1], $0x80, $0x38;
	[tilespmem:$0x6080] =	vst v63  }
0x72: {  	s10 =	sadd.s32 $0x80, s10;
	s22 =	simm.s32 $0x4700  }
0x73: {  	[hbm4b:s10+s2] =	stream.linear.scatter [tilespmem:s22], [sflag:$0x1], $0x80, $0x38;
	[tilespmem:$0x6080] =	vst v63  }
0x74: {  	s22 =	simm.s32 $0x4380  }
0x75: {  	[hbm4b:s12+s2] =	stream.linear.scatter [tilespmem:s22], [sflag:$0x1], $0x80, $0x38;
	[tilespmem:$0x6080] =	vst v63  }
0x76: {  	s11 =	sadd.s32 $0x80, s12;
	s22 =	simm.s32 $0x4780  }
0x77: {  	[hbm4b:s11+s2] =	stream.linear.scatter [tilespmem:s22], [sflag:$0x1], $0x80, $0x38;
	[tilespmem:$0x6080] =	vst v63  }
0x78: {  	s22 =	simm.s32 $0x4800  }
0x79: {  	[hbm4b:s13+s2] =	stream.linear.scatter [tilespmem:s22], [sflag:$0x1], $0x80, $0x38;
	[tilespmem:$0x6080] =	vst v63  }
0x7a: {  	s11 =	sadd.s32 $0x80, s13;
	s22 =	simm.s32 $0x4C00  }
0x7b: {  	[hbm4b:s11+s2] =	stream.linear.scatter [tilespmem:s22], [sflag:$0x1], $0x80, $0x38;
	[tilespmem:$0x6080] =	vst v63  }
0x7c: {  	s22 =	simm.s32 $0x4880  }
0x7d: {  	[hbm4b:s14+s2] =	stream.linear.scatter [tilespmem:s22], [sflag:$0x1], $0x80, $0x38;
	[tilespmem:$0x6080] =	vst v63  }
0x7e: {  	s11 =	sadd.s32 $0x80, s14;
	s22 =	simm.s32 $0x4C80  }
0x7f: {  	[hbm4b:s11+s2] =	stream.linear.scatter [tilespmem:s22], [sflag:$0x1], $0x80, $0x38;
	[tilespmem:$0x6080] =	vst v63  }
0x80: {  	s22 =	simm.s32 $0x4900  }
0x81: {  	[hbm4b:s15+s2] =	stream.linear.scatter [tilespmem:s22], [sflag:$0x1], $0x80, $0x38;
	[tilespmem:$0x6080] =	vst v63  }
0x82: {  	s11 =	sadd.s32 $0x80, s15;
	s22 =	simm.s32 $0x4D00  }
0x83: {  	[hbm4b:s11+s2] =	stream.linear.scatter [tilespmem:s22], [sflag:$0x1], $0x80, $0x38;
	[tilespmem:$0x6080] =	vst v63  }
0x84: {  	s22 =	simm.s32 $0x4980  }
0x85: {  	[hbm4b:s16+s2] =	stream.linear.scatter [tilespmem:s22], [sflag:$0x1], $0x80, $0x38;
	[tilespmem:$0x6080] =	vst v63  }
0x86: {  	s11 =	sadd.s32 $0x80, s16;
	s22 =	simm.s32 $0x4D80  }
0x87: {  	[hbm4b:s11+s2] =	stream.linear.scatter [tilespmem:s22], [sflag:$0x1], $0x80, $0x38;
	[tilespmem:$0x6080] =	vst v63  }
0x88: {  	s22 =	simm.s32 $0x4A00  }
0x89: {  	[hbm4b:s17+s2] =	stream.linear.scatter [tilespmem:s22], [sflag:$0x1], $0x80, $0x38;
	[tilespmem:$0x6080] =	vst v63  }
0x8a: {  	s11 =	sadd.s32 $0x80, s17;
	s22 =	simm.s32 $0x4E00  }
0x8b: {  	[hbm4b:s11+s2] =	stream.linear.scatter [tilespmem:s22], [sflag:$0x1], $0x80, $0x38;
	[tilespmem:$0x6080] =	vst v63  }
0x8c: {  	s22 =	simm.s32 $0x4A80  }
0x8d: {  	[hbm4b:s18+s2] =	stream.linear.scatter [tilespmem:s22], [sflag:$0x1], $0x80, $0x38;
	[tilespmem:$0x6080] =	vst v63  }
0x8e: {  	s11 =	sadd.s32 $0x80, s18;
	s22 =	simm.s32 $0x4E80  }
0x8f: {  	[hbm4b:s11+s2] =	stream.linear.scatter [tilespmem:s22], [sflag:$0x1], $0x80, $0x38;
	[tilespmem:$0x6080] =	vst v63  }
0x90: {  	s22 =	simm.s32 $0x4B00  }
0x91: {  	[hbm4b:s19+s2] =	stream.linear.scatter [tilespmem:s22], [sflag:$0x1], $0x80, $0x38;
	[tilespmem:$0x6080] =	vst v63  }
0x92: {  	s11 =	sadd.s32 $0x80, s19;
	s22 =	simm.s32 $0x4F00  }
0x93: {  	[hbm4b:s11+s2] =	stream.linear.scatter [tilespmem:s22], [sflag:$0x1], $0x80, $0x38;
	[tilespmem:$0x6080] =	vst v63  }
0x94: {  	s22 =	simm.s32 $0x4B80  }
0x95: {  	[hbm4b:s20+s2] =	stream.linear.scatter [tilespmem:s22], [sflag:$0x1], $0x80, $0x38;
	[tilespmem:$0x6080] =	vst v63  }
0x96: {  	s11 =	sadd.s32 $0x80, s20;
	s22 =	simm.s32 $0x4F80  }
0x97: {  	[hbm4b:s11+s2] =	stream.linear.scatter [tilespmem:s22], [sflag:$0x1], $0x80, $0x38;
	[tilespmem:$0x6080] =	vst v63  }
0x98: {  	s22 =	simm.s32 $0x5000  }
0x99: {  	[hbm4b:s21+s2] =	stream.linear.scatter [tilespmem:s22], [sflag:$0x1], $0x80, $0x38;
	[tilespmem:$0x6080] =	vst v63  }
0x9a: {  	s11 =	sadd.s32 $0x80, s21;
	s22 =	simm.s32 $0x5400  }
0x9b: {  	[hbm4b:s11+s2] =	stream.linear.scatter [tilespmem:s22], [sflag:$0x1], $0x80, $0x38;
	[tilespmem:$0x6080] =	vst v63  }
0x9c: {  	s22 =	simm.s32 $0x5080  }
0x9d: {  	[hbm4b:s23+s2] =	stream.linear.scatter [tilespmem:s22], [sflag:$0x1], $0x80, $0x38;
	[tilespmem:$0x6080] =	vst v63  }
0x9e: {  	s11 =	sadd.s32 $0x80, s23;
	s22 =	simm.s32 $0x5480  }
0x9f: {  	[hbm4b:s11+s2] =	stream.linear.scatter [tilespmem:s22], [sflag:$0x1], $0x80, $0x38;
	[tilespmem:$0x6080] =	vst v63  }
0xa0: {  	s22 =	simm.s32 $0x5100  }
0xa1: {  	[hbm4b:s24+s2] =	stream.linear.scatter [tilespmem:s22], [sflag:$0x1], $0x80, $0x38;
	[tilespmem:$0x6080] =	vst v63  }
0xa2: {  	s11 =	sadd.s32 $0x80, s24;
	s22 =	simm.s32 $0x5500  }
0xa3: {  	[hbm4b:s11+s2] =	stream.linear.scatter [tilespmem:s22], [sflag:$0x1], $0x80, $0x38;
	[tilespmem:$0x6080] =	vst v63  }
0xa4: {  	s22 =	simm.s32 $0x5180  }
0xa5: {  	[hbm4b:s25+s2] =	stream.linear.scatter [tilespmem:s22], [sflag:$0x1], $0x80, $0x38;
	[tilespmem:$0x6080] =	vst v63  }
0xa6: {  	s11 =	sadd.s32 $0x80, s25;
	s22 =	simm.s32 $0x5580  }
0xa7: {  	[hbm4b:s11+s2] =	stream.linear.scatter [tilespmem:s22], [sflag:$0x1], $0x80, $0x38;
	[tilespmem:$0x6080] =	vst v63  }
0xa8: {  	s22 =	simm.s32 $0x5200  }
0xa9: {  	[hbm4b:s26+s2] =	stream.linear.scatter [tilespmem:s22], [sflag:$0x1], $0x80, $0x38;
	[tilespmem:$0x6080] =	vst v63  }
0xaa: {  	s11 =	sadd.s32 $0x80, s26;
	s22 =	simm.s32 $0x5600  }
0xab: {  	[hbm4b:s11+s2] =	stream.linear.scatter [tilespmem:s22], [sflag:$0x1], $0x80, $0x38;
	[tilespmem:$0x6080] =	vst v63  }
0xac: {  	s22 =	simm.s32 $0x5280  }
0xad: {  	[hbm4b:s28+s2] =	stream.linear.scatter [tilespmem:s22], [sflag:$0x1], $0x80, $0x38;
	[tilespmem:$0x6080] =	vst v63  }
0xae: {  	s11 =	sadd.s32 $0x80, s28;
	s22 =	simm.s32 $0x5680  }
0xaf: {  	[hbm4b:s11+s2] =	stream.linear.scatter [tilespmem:s22], [sflag:$0x1], $0x80, $0x38;
	[tilespmem:$0x6080] =	vst v63  }
0xb0: {  	s22 =	simm.s32 $0x5300  }
0xb1: {  	[hbm4b:s29+s2] =	stream.linear.scatter [tilespmem:s22], [sflag:$0x1], $0x80, $0x38;
	[tilespmem:$0x6080] =	vst v63  }
0xb2: {  	s11 =	sadd.s32 $0x80, s29;
	s22 =	simm.s32 $0x5700  }
0xb3: {  	[hbm4b:s11+s2] =	stream.linear.scatter [tilespmem:s22], [sflag:$0x1], $0x80, $0x38;
	[tilespmem:$0x6080] =	vst v63  }
0xb4: {  	s22 =	simm.s32 $0x5380  }
0xb5: {  	[hbm4b:s30+s2] =	stream.linear.scatter [tilespmem:s22], [sflag:$0x1], $0x80, $0x38;
	[tilespmem:$0x6080] =	vst v63  }
0xb6: {  	s11 =	sadd.s32 $0x80, s30;
	s22 =	simm.s32 $0x5780  }
0xb7: {  	[hbm4b:s11+s2] =	stream.linear.scatter [tilespmem:s22], [sflag:$0x1], $0x80, $0x38;
	[tilespmem:$0x6080] =	vst v63  }
0xb8: {  	s22 =	simm.s32 $0x5800  }
0xb9: {  	[hbm4b:s31+s2] =	stream.linear.scatter [tilespmem:s22], [sflag:$0x1], $0x80, $0x38;
	[tilespmem:$0x6080] =	vst v63  }
0xba: {  	s11 =	sadd.s32 $0x80, s31;
	s22 =	simm.s32 $0x5C00  }
0xbb: {  	[hbm4b:s11+s2] =	stream.linear.scatter [tilespmem:s22], [sflag:$0x1], $0x80, $0x38;
	[tilespmem:$0x6080] =	vst v63  }
0xbc: {  	s22 =	simm.s32 $0x5880  }
0xbd: {  	[hbm4b:s0+s2] =	stream.linear.scatter [tilespmem:s22], [sflag:$0x1], $0x80, $0x38;
	[tilespmem:$0x6080] =	vst v63  }
0xbe: {  	s11 =	sadd.s32 $0x80, s0;
	s22 =	simm.s32 $0x5C80  }
0xbf: {  	[hbm4b:s11+s2] =	stream.linear.scatter [tilespmem:s22], [sflag:$0x1], $0x80, $0x38;
	[tilespmem:$0x6080] =	vst v63  }
0xc0: {  	s22 =	simm.s32 $0x5900  }
0xc1: {  	[hbm4b:s1+s2] =	stream.linear.scatter [tilespmem:s22], [sflag:$0x1], $0x80, $0x38;
	[tilespmem:$0x6080] =	vst v63  }
0xc2: {  	s11 =	sadd.s32 $0x80, s1;
	s22 =	simm.s32 $0x5D00  }
0xc3: {  	[hbm4b:s11+s2] =	stream.linear.scatter [tilespmem:s22], [sflag:$0x1], $0x80, $0x38;
	[tilespmem:$0x6080] =	vst v63  }
0xc4: {  	s22 =	simm.s32 $0x5980  }
0xc5: {  	[hbm4b:s3+s2] =	stream.linear.scatter [tilespmem:s22], [sflag:$0x1], $0x80, $0x38;
	[tilespmem:$0x6080] =	vst v63  }
0xc6: {  	s11 =	sadd.s32 $0x80, s3;
	s22 =	simm.s32 $0x5D80  }
0xc7: {  	[hbm4b:s11+s2] =	stream.linear.scatter [tilespmem:s22], [sflag:$0x1], $0x80, $0x38;
	[tilespmem:$0x6080] =	vst v63  }
0xc8: {  	_ =	swait.ge [sflag:s7], $0x100  }
0xc9: {  	[sflag:s7] =	ssyncset.done $0x0  }
0xca: {  	[sflag:s7] =	ssyncadd.s32 $0xFFFFFF00  }
0xcb: {  	_ =	swait.ge [sflag:s7], $0x100  }
0xcc: {  	[sflag:s7] =	ssyncset.done $0x0  }
0xcd: {  	[sflag:s7] =	ssyncadd.s32 $0xFFFFFF00  }
0xce: {  	_ =	swait.ge [sflag:s7], $0x100  }
0xcf: {  	[sflag:s7] =	ssyncset.done $0x0  }
0xd0: {  	[sflag:s7] =	ssyncadd.s32 $0xFFFFFF00  }
0xd1: {  	_ =	swait.ge [sflag:s7], $0x100  }
0xd2: {  	[sflag:s7] =	ssyncset.done $0x0  }
0xd3: {  	[sflag:s7] =	ssyncadd.s32 $0xFFFFFF00  }
0xd4: {  	_ =	swait.ge [sflag:s7], $0x100  }
0xd5: {  	[sflag:s7] =	ssyncset.done $0x0  }
0xd6: {  	[sflag:s7] =	ssyncadd.s32 $0xFFFFFF00  }
0xd7: {  	_ =	swait.ge [sflag:s7], $0x100  }
0xd8: {  	[sflag:s7] =	ssyncset.done $0x0  }
0xd9: {  	[sflag:s7] =	ssyncadd.s32 $0xFFFFFF00  }
0xda: {  	_ =	swait.ge [sflag:s7], $0x100  }
0xdb: {  	[sflag:s7] =	ssyncset.done $0x0  }
0xdc: {  	[sflag:s7] =	ssyncadd.s32 $0xFFFFFF00  }
0xdd: {  	_ =	swait.ge [sflag:s7], $0x100  }
0xde: {  	[sflag:s7] =	ssyncset.done $0x0  }
0xdf: {  	[sflag:s7] =	ssyncadd.s32 $0xFFFFFF00  }
0xe0: {  	_ =	swait.ge [sflag:s7], $0x100  }
0xe1: {  	[sflag:s7] =	ssyncset.done $0x0  }
0xe2: {  	[sflag:s7] =	ssyncadd.s32 $0xFFFFFF00  }
0xe3: {  	_ =	swait.ge [sflag:s7], $0x100  }
0xe4: {  	[sflag:s7] =	ssyncset.done $0x0  }
0xe5: {  	[sflag:s7] =	ssyncadd.s32 $0xFFFFFF00  }
0xe6: {  	_ =	swait.ge [sflag:s7], $0x100  }
0xe7: {  	[sflag:s7] =	ssyncset.done $0x0  }
0xe8: {  	[sflag:s7] =	ssyncadd.s32 $0xFFFFFF00  }
0xe9: {  	_ =	swait.ge [sflag:s7], $0x100  }
0xea: {  	[sflag:s7] =	ssyncset.done $0x0  }
0xeb: {  	[sflag:s7] =	ssyncadd.s32 $0xFFFFFF00  }
0xec: {  	_ =	swait.ge [sflag:s7], $0x100  }
0xed: {  	[sflag:s7] =	ssyncset.done $0x0  }
0xee: {  	[sflag:s7] =	ssyncadd.s32 $0xFFFFFF00  }
0xef: {  	_ =	swait.ge [sflag:s7], $0x100  }
0xf0: {  	[sflag:s7] =	ssyncset.done $0x0  }
0xf1: {  	[sflag:s7] =	ssyncadd.s32 $0xFFFFFF00  }
0xf2: {  	_ =	swait.ge [sflag:s7], $0x100  }
0xf3: {  	[sflag:s7] =	ssyncset.done $0x0  }
0xf4: {  	[sflag:s7] =	ssyncadd.s32 $0xFFFFFF00  }
0xf5: {  	_ =	swait.ge [sflag:s7], $0x100  }
0xf6: {  	[sflag:s7] =	ssyncset.done $0x0  }
0xf7: {  	[sflag:s7] =	ssyncadd.s32 $0xFFFFFF00  }
0xf8: {  	_ =	swait.ge [sflag:s7], $0x100  }
0xf9: {  	[sflag:s7] =	ssyncset.done $0x0  }
0xfa: {  	[sflag:s7] =	ssyncadd.s32 $0xFFFFFF00  }
0xfb: {  	_ =	swait.ge [sflag:s7], $0x100  }
0xfc: {  	[sflag:s7] =	ssyncset.done $0x0  }
0xfd: {  	[sflag:s7] =	ssyncadd.s32 $0xFFFFFF00  }
0xfe: {  	_ =	swait.ge [sflag:s7], $0x100  }
0xff: {  	[sflag:s7] =	ssyncset.done $0x0  }
0x100: {  	[sflag:s7] =	ssyncadd.s32 $0xFFFFFF00  }
0x101: {  	_ =	swait.ge [sflag:s7], $0x100  }
0x102: {  	[sflag:s7] =	ssyncset.done $0x0  }
0x103: {  	[sflag:s7] =	ssyncadd.s32 $0xFFFFFF00  }
0x104: {  	_ =	swait.ge [sflag:s7], $0x100  }
0x105: {  	[sflag:s7] =	ssyncset.done $0x0  }
0x106: {  	[sflag:s7] =	ssyncadd.s32 $0xFFFFFF00  }
0x107: {  	_ =	swait.ge [sflag:s7], $0x100  }
0x108: {  	[sflag:s7] =	ssyncset.done $0x0  }
0x109: {  	[sflag:s7] =	ssyncadd.s32 $0xFFFFFF00  }
0x10a: {  	_ =	swait.ge [sflag:s7], $0x100  }
0x10b: {  	[sflag:s7] =	ssyncset.done $0x0  }
0x10c: {  	[sflag:s7] =	ssyncadd.s32 $0xFFFFFF00  }
0x10d: {  	_ =	swait.ge [sflag:s7], $0x100  }
0x10e: {  	[sflag:s7] =	ssyncset.done $0x0  }
0x10f: {  	[sflag:s7] =	ssyncadd.s32 $0xFFFFFF00  }
0x110: {  	_ =	swait.ge [sflag:s7], $0x100  }
0x111: {  	[sflag:s7] =	ssyncset.done $0x0  }
0x112: {  	[sflag:s7] =	ssyncadd.s32 $0xFFFFFF00  }
0x113: {  	_ =	swait.ge [sflag:s7], $0x100  }
0x114: {  	[sflag:s7] =	ssyncset.done $0x0  }
0x115: {  	[sflag:s7] =	ssyncadd.s32 $0xFFFFFF00  }
0x116: {  	_ =	swait.ge [sflag:s7], $0x100  }
0x117: {  	[sflag:s7] =	ssyncset.done $0x0  }
0x118: {  	[sflag:s7] =	ssyncadd.s32 $0xFFFFFF00  }
0x119: {  	_ =	swait.ge [sflag:s7], $0x100  }
0x11a: {  	s8 =	sadd.s32 $0x1, s8;
	s22 =	rddreg [dreg:$0xb]  }
0x11b: {  	p0 =	sne.s32 s8, s22  }
.Ltmp1:
0x11c: {  	_ = 	snop;
	(pc) =	sbr.rel @p0 .LBB2_1-.Ltmp1, $3  }
0x11d: {  	_ =	sdelay $0x1  }
0x11e: {  	[sflag:s7] =	ssyncset.done $0x0  }
0x11f: {  	[sflag:s7] =	ssyncadd.s32 $0xFFFFFF00  }
0x120: {  	_ =	sfence.sel $0x180000  }
0x121: {  	[bflag:$0x0] =	sbarrier.arrive $0xFFFF  }
0x122: {  	_ =	strace $0x90000047  }
0x123: {  	s0 =	stileid.u32;
	[bflag:$0x2] =	sbarrier.arrive $0xFFFF  }
0x124: {  	p0 =	sne.s32 s0, $0x0;
	s0 =	rddreg [dreg:$0x1]  }
0x125: {  	s0 =	sadd.s32 @!p0 $0x100000, s0  }
0x126: {  	[sflag:s0] =	ssyncadd.tile.s32 @!p0 $0x1;
	_ =	shalt  }
.Lfunc_end2:
_tile_overlayer_lowered:
.L_overlay_start_2:
0x127: {  	(tag) =	ssettag $0x2  }
0x128: {  	s0 =	rddreg [dreg:$0x0];
	s2 =	stileid.u32  }
0x129: {  	s1 =	rddreg [dreg:$0x1];
	p0 =	sne.s32 s2, $0x0  }
0x12a: {  	s3 =	rddreg [dreg:$0x2];
	[bflag:$0x3] =	sbarrier.arrive $0xFFFF;
	s2 =	simm.s32 @!p0 $0x1C02  }
0x12b: {  	[timem:s3], [sflag:s2] =	dma.local @!p0 [hbm:s0], s1  }
0x12c: {  	s0 =	simm.s32 @!p0 $0x2  }
0x12d: {  	_ =	swait.ge @!p0 [sflag:s0], s1  }
0x12e: {  	s1 =	ssub.s32 @!p0 $0x0, s1;
	[sflag:s0] =	ssyncset.done @!p0 $0x0  }
0x12f: {  	[sflag:s0] =	ssyncadd.s32 @!p0 s1  }
0x130: {  	[bflag:$0x3] =	sbarrier.arrive $0xFFFF  }
0x131: {  	_ =	shalt  }

// kernel: kernel.9.cloned.1.call-start
scs
__scs_entry_jumppad:
0x0: {  	(pc) =	sbr.rel $0x88, $3  }
0x1: {  	(tag) =	ssettag $0x0;
	lr =	simm.s32 $0x1  }
0x2: {  	[smem:$0x3F9D] =	sst lr;
	_ =	strace $0xD0000000  }
0x3: {  	_ = 	snop  }
0x4: {  	_ = 	snop  }
0x5: {  	_ = 	snop  }
0x6: {  	_ = 	snop  }
0x7: {  	_ = 	snop  }
__scs_overlays_trampoline_lowered:
0x8: {  	[smem:$0x3FAC] =	sst s0  }
0x9: {  	[smem:$0x3FAD] =	sst s1  }
0xa: {  	[smem:$0x3FAE] =	sst s2  }
0xb: {  	[smem:$0x3FAF] =	sst s3  }
0xc: {  	[smem:$0x3FB0] =	sst s4  }
0xd: {  	[smem:$0x3FB1] =	sst s5  }
0xe: {  	[smem:$0x3FB2] =	sst s6  }
0xf: {  	[smem:$0x3FB3] =	sst s7  }
0x10: {  	[smem:$0x3FB4] =	sst s8  }
0x11: {  	[smem:$0x3FB5] =	sst s9;
	s0 =	simm.s32 @!p0 $0x0  }
0x12: {  	s1 =	sld [smem:$0x3F9B];
	s0 =	simm.s32 @p0 $0x1  }
0x13: {  	[smem:$0x3FB6] =	sst s0;
	s0 =	simm.s32 @!p1 $0x0  }
0x14: {  	s2 =	sld [smem:$0x3F9A];
	s0 =	simm.s32 @p1 $0x1  }
0x15: {  	[smem:$0x3FB7] =	sst s0;
	s0 =	simm.s32 @!p2 $0x0  }
0x16: {  	s3 =	sld [smem:$0x3FDB];
	s0 =	simm.s32 @p2 $0x1  }
0x17: {  	s4 =	simm.s32 $0x1BF5;
	[smem:$0x3FB9] =	sst s0  }
0x18: {  	s0 =	sld [smem:$0x3F9C];
	_ =	swait.ge [sflag:s4], $0x0  }
0x19: {  	s7 =	sld [smem:$0x3F9D]  }
0x1a: {  	s8 =	sadd.s32 $0xFFFFE003, lr  }
0x1b: {  	s9 =	sadd.s32 $0xFFFFFEF7, lr;
	s5 =	simm.s32 $0xFFFFFFFF;
	p2 =	slt.u32 s8, $0xFFFFF086  }
0x1c: {  	p1 =	slt.u32 s9, $0xF7A;
	s5 =	simm.s32 @!p2 $0x0  }
0x1d: {  	s5 =	simm.s32 @p1 $0x1;
	p0 =	seq.s32 s7, s2  }
0x1e: {  	s7 =	smul.u32 @!p0 $0xF7A, s2;
	p2 =	seq.s32 @!p0 s5, $0x0  }
0x1f: {  	s9 =	smul.u32 $0xF7A, s1;
	s8 =	simm.s32 @!p0 $0x1BF5;
	p2 =	por !p2, p0  }
0x20: {  	[sflag:s8] =	ssyncset.s32 @!p0 $0xFFFFF086;
	s6 =	sadd.s32 @!p0 s3, s7;
	s7 =	simm.s32 @!p0 $0x108  }
0x21: {  	s3 =	sadd.s32 s3, s9;
	s6 =	sadd.s32 @!p0 $0x88, s6;
	s7 =	simm.s32 @p2 $0x1082  }
0x22: {  	[simem:s7], [sflag:s8] =	dma.local @!p0 [hbm:s6], $0xF7A  }
0x23: {  	s9 =	sor.u32 $0xD0000000, s2;
	s6 =	simm.s32 $0x108;
	_ =	swait.ge @!p0 [sflag:s8], $0x0  }
0x24: {  	s3 =	sadd.s32 $0x88, s3;
	s6 =	simm.s32 @!p1 $0x1082;
	[sflag:s4] =	ssyncset.s32 $0xFFFFF086  }
0x25: {  	[simem:s6], [sflag:s4] =	dma.local [hbm:s3], $0xF7A  }
0x26: {  	[smem:$0x3F9D] =	sst s1;
	(tag) =	ssettag s2;
	_ =	strace s9  }
0x27: {  	s1 =	sld [smem:$0x3FAD]  }
0x28: {  	s2 =	sld [smem:$0x3FAE]  }
0x29: {  	s4 =	sld [smem:$0x3FB0]  }
0x2a: {  	p0 =	seq.s32 s5, $0x0;
	s5 =	sld [smem:$0x3FB1]  }
0x2b: {  	s6 =	sld [smem:$0x3FB2]  }
0x2c: {  	s7 =	sld [smem:$0x3FB3]  }
0x2d: {  	s3 =	simm.s32 $0x108;
	s8 =	sld [smem:$0x3FB4]  }
0x2e: {  	s3 =	simm.s32 @!p0 $0x1082;
	s9 =	sld [smem:$0x3FB5]  }
0x2f: {  	lr =	sadd.s32 s0, s3;
	s0 =	sld [smem:$0x3FAC]  }
0x30: {  	s3 =	sld [smem:$0x3FAF]  }
0x31: {  	[smem:$0x3FB8] =	sst s10  }
0x32: {  	s10 =	sld [smem:$0x3FB6];
	_ =	sdelay $0x3  }
0x33: {  	p0 =	seq.s32 s10, $0x1;
	s10 =	sld [smem:$0x3FB8];
	_ =	sdelay $0x3  }
0x34: {  	[smem:$0x3FB8] =	sst s10  }
0x35: {  	s10 =	sld [smem:$0x3FB7];
	_ =	sdelay $0x3  }
0x36: {  	p1 =	seq.s32 s10, $0x1;
	s10 =	sld [smem:$0x3FB8];
	_ =	sdelay $0x3  }
0x37: {  	[smem:$0x3FB8] =	sst s10  }
0x38: {  	s10 =	sld [smem:$0x3FB9]  }
0x39: {  	_ = 	snop;
	(pc) =	sbr.ind lr, $3  }
0x3a: {  	_ = 	snop  }
0x3b: {  	_ = 	snop  }
0x3c: {  	p2 =	seq.s32 s10, $0x1;
	s10 =	sld [smem:$0x3FB8]  }
0x3d: {  	_ =	shalt  }
0x3e: {  	_ =	shalt  }
0x3f: {  	_ =	shalt  }
0x40: {  	_ =	shalt  }
0x41: {  	_ =	shalt  }
0x42: {  	_ =	shalt  }
0x43: {  	_ =	shalt  }
0x44: {  	_ =	shalt  }
0x45: {  	_ =	shalt  }
0x46: {  	_ =	shalt  }
0x47: {  	_ =	shalt  }
0x48: {  	_ =	shalt  }
0x49: {  	_ =	shalt  }
0x4a: {  	_ =	shalt  }
0x4b: {  	_ =	shalt  }
0x4c: {  	_ =	shalt  }
0x4d: {  	_ =	shalt  }
0x4e: {  	_ =	shalt  }
0x4f: {  	_ =	shalt  }
0x50: {  	_ =	shalt  }
0x51: {  	_ =	shalt  }
0x52: {  	_ =	shalt  }
0x53: {  	_ =	shalt  }
0x54: {  	_ =	shalt  }
0x55: {  	_ =	shalt  }
0x56: {  	_ =	shalt  }
0x57: {  	_ =	shalt  }
0x58: {  	_ =	shalt  }
0x59: {  	_ =	shalt  }
0x5a: {  	_ =	shalt  }
0x5b: {  	_ =	shalt  }
0x5c: {  	_ =	shalt  }
0x5d: {  	_ =	shalt  }
0x5e: {  	_ =	shalt  }
0x5f: {  	_ =	shalt  }
0x60: {  	_ =	shalt  }
0x61: {  	_ =	shalt  }
0x62: {  	_ =	shalt  }
0x63: {  	_ =	shalt  }
0x64: {  	_ =	shalt  }
0x65: {  	_ =	shalt  }
0x66: {  	_ =	shalt  }
0x67: {  	_ =	shalt  }
0x68: {  	_ =	shalt  }
0x69: {  	_ =	shalt  }
0x6a: {  	_ =	shalt  }
0x6b: {  	_ =	shalt  }
0x6c: {  	_ =	shalt  }
0x6d: {  	_ =	shalt  }
0x6e: {  	_ =	shalt  }
0x6f: {  	_ =	shalt  }
0x70: {  	_ =	shalt  }
0x71: {  	_ =	shalt  }
0x72: {  	_ =	shalt  }
0x73: {  	_ =	shalt  }
0x74: {  	_ =	shalt  }
0x75: {  	_ =	shalt  }
0x76: {  	_ =	shalt  }
0x77: {  	_ =	shalt  }
0x78: {  	_ =	shalt  }
0x79: {  	_ =	shalt  }
0x7a: {  	_ =	shalt  }
0x7b: {  	_ =	shalt  }
0x7c: {  	_ =	shalt  }
0x7d: {  	_ =	shalt  }
0x7e: {  	_ =	shalt  }
0x7f: {  	_ =	shalt  }
0x80: {  	_ =	shalt  }
0x81: {  	_ =	shalt  }
0x82: {  	_ =	shalt  }
0x83: {  	_ =	shalt  }
0x84: {  	_ =	shalt  }
0x85: {  	_ =	shalt  }
0x86: {  	_ =	shalt  }
0x87: {  	_ =	shalt  }
.Lfunc_end0:
.L_simem_size_0:
called_computation.2_lowered:
.L_overlay_start_0:
0x88: {  	s2 =	sld [smem:$0x3FD9]  }
0x89: {  	s3 =	sld [smem:$0x3FFE];
	_ =	sdelay $0x1  }
0x8a: {  	s1 =	srdreg.scid  }
0x8b: {  	s0 =	sand.u32 $0x1, s1  }
0x8c: {  	s17 =	sshll.u32 s0, $0xA;
	s2 =	sadd.s32 s3, s2  }
0x8d: {  	s2 =	sadd.s32 s2, s17  }
0x8e: {  	[smem:$0x3FC4] =	sst s2  }
0x8f: {  	_ = 	snop  }
0x90: {  	(tm) =	ssettm $0x1  }
0x91: {  	s18 =	sld [smem:$0x3FFB];
	_ =	sdelay $0x3  }
0x92: {  	_ =	strace s18  }
0x93: {  	s2 =	sld [smem:$0x3FFC];
	_ =	sdelay $0x3  }
0x94: {  	_ =	strace s2  }
0x95: {  	s2 =	sld [smem:$0x3FFD];
	_ =	sdelay $0x3  }
0x96: {  	_ =	strace s2  }
0x97: {  	_ =	strace $0x8FFFFFFF  }
0x98: {  	s19 =	sld [smem:$0x3FDB];
	_ =	sdelay $0x1  }
0x99: {  	s20 =	simm.s32 $_scs_section_size  }
0x9a: {  	s4 =	simm.s32 $_size__tile_overlayer_lowered;
	s5 =	simm.s32 $_tile_overlayer_lowered  }
0x9b: {  	s6 =	simm.s32 $0x1BFF;
	s21 =	sshll.u32 s5, $0x1;
	s3 =	sadd.s32 s20, s19  }
0x9c: {  	s22 =	simm.s32 $0x0;
	s4 =	sshll.u32 s4, $0x1;
	s5 =	sadd.s32 s21, s3  }
0x9d: {  	[timem:s22], [sflag:s6] =	dma.local [hbm:s5], s4  }
0x9e: {  	_ =	swait.ge [sflag:s6], s4  }
0x9f: {  	s4 =	ssub.s32 $0x0, s4;
	[sflag:s6] =	ssyncset.done $0x0  }
0xa0: {  	[sflag:s6] =	ssyncadd.s32 s4;
	_ =	sdelay $0x1  }
0xa1: {  	s23 =	simm.s32 $0x1B8B  }
0xa2: {  	_ =	swait.ge [sflag:s23], $0x1  }
0xa3: {  	[sflag:s23] =	ssyncset.done $0x0  }
0xa4: {  	[sflag:s23] =	ssyncadd.s32 $0xFFFFFFFF  }
0xa5: {  	s4 =	sld [smem:$0x0]  }
0xa6: {  	s5 =	sand.u32 $0xFFFFFFFE, s1  }
0xa7: {  	p0 =	sne.s32 s1, s5  }
0xa8: {  	s5 =	sshll.u32 @p0 s5, $0xE  }
0xa9: {  	s5 =	sadd.s32 @p0 $0x11B8D, s5;
	s6 =	sshll.u32 @p0 s4, $0x11  }
0xaa: {  	s5 =	sor.u32 @p0 s6, s5  }
0xab: {  	[sflag:s5] =	ssyncadd.remote.s32 @p0 $0x1;
	_ =	sdelay $0x1  }
0xac: {  	s5 =	simm.s32 @p0 $0x1B8D  }
0xad: {  	_ =	swait.eq @p0 [sflag:s5], $0x1  }
0xae: {  	[sflag:s5] =	ssyncadd.s32 @p0 $0xFFFFFFFF  }
0xaf: {  	s6 =	sshll.u32 @!p0 s1, $0xE  }
0xb0: {  	s6 =	sor.u32 @!p0 $0x4000, s6;
	s5 =	simm.s32 @!p0 $0x1B8D  }
0xb1: {  	s4 =	sshll.u32 @!p0 s4, $0x11;
	s6 =	sadd.s32 @!p0 $0x11B8D, s6;
	_ =	swait.eq @!p0 [sflag:s5], $0x1  }
0xb2: {  	s4 =	sor.u32 @!p0 s4, s6;
	[sflag:s5] =	ssyncadd.s32 @!p0 $0xFFFFFFFF  }
0xb3: {  	s25 =	simm.s32 $0x1B8E;
	s24 =	sld [smem:$0x3FFE];
	[sflag:s4] =	ssyncadd.remote.s32 @!p0 $0x1  }
0xb4: {  	s26 =	simm.s32 $execute0_lowered;
	[smem:$0x3FD2] =	sst s25  }
0xb5: {  	s5 =	sshll.u32 s26, $0x1;
	_ =	strace $0x8000004C;
	[dreg:$0x1] =	wrdreg $0xFFFFFFFF  }
0xb6: {  	s28 =	simm.s32 $_size_execute0_lowered;
	s3 =	sadd.s32 s3, s5;
	[dreg:$0x0] =	wrdreg $0x0  }
0xb7: {  	s5 =	sshll.u32 s28, $0x1;
	[dreg:$0x2] =	wrdreg s3  }
0xb8: {  	[dreg:$0x3] =	wrdreg s5  }
0xb9: {  	[dreg:$0x4] =	wrdreg $0xC0  }
0xba: {  	_ =	task [dreg:s22], $0x5FFFF  }
0xbb: {  	[dreg:$0x1] =	wrdreg $0xFFFFFFFF  }
0xbc: {  	[dreg:$0x0] =	wrdreg $0x60  }
0xbd: {  	[dreg:$0x2] =	wrdreg s24  }
0xbe: {  	[dreg:$0x3] =	wrdreg $0xA  }
0xbf: {  	_ =	task.clear_ibuf [dreg:s22], $0x4FFFF;
	_ =	strace $0x9000004C  }
0xc0: {  	s29 =	simm.s32 $0xA;
	_ =	strace $0x8000004E  }
0xc1: {  	_ =	swait.ge [sflag:s29], $0x1  }
0xc2: {  	[sflag:s29] =	ssyncadd.s32 $0xFFFFFFFF  }
0xc3: {  	_ =	strace $0x9000004E  }
0xc4: {  	_ =	sfence  }
0xc5: {  	s30 =	sld [smem:$0x0];
	_ =	sdelay $0x2  }
0xc6: {  	s31 =	sshll.u32 s1, $0xD;
	s1 =	sshrl.u32 s1, $0x2  }
0xc7: {  	s4 =	sand.u32 $0x4000, s31;
	s1 =	sadd.s32 s1, s30  }
0xc8: {  	s0 =	sor.u32 s4, s0;
	s1 =	sshll.u32 s1, $0x11  }
0xc9: {  	s0 =	sor.u32 s1, s0  }
0xca: {  	s0 =	sadd.s32 $0x8F2B, s0  }
0xcb: {  	[sflag:s0] =	ssyncadd.remote.s32 $0x1  }
0xcc: {  	_ =	sfence.sel $0xFFFF  }
0xcd: {  	[dreg:$0x0] =	wrdreg $0xFFFFFFFF;
	(pc) =	sbr.abs _section_cstart, $3  }
0xce: {  	[dreg:$0x1] =	wrdreg $0xFFFFFFFF  }
0xcf: {  	_ =	task.clear_ibuf [dreg:s22], $0x2FFFF;
	_ =	strace $0x9FFFFFFF  }
0xd0: {  	(tm) =	ssettm $0x7FFFFFFF  }
0xd1: {  	_ =	shalt  }
tec
execute0_lowered:
.L_overlay_start_1:
0x0: {  	(tag) =	ssettag $0x1  }
0x1: {  	s4 =	rddreg [dreg:$0x0]  }
0x2: {  	s0 =	rddreg [dreg:$0x1]  }
0x3: {  	s3 =	srdreg.scid;
	s1 =	stileid.u32  }
0x4: {  	s2 =	simm.s32 $0x0;
	s11 =	simm.s32 $0x3000;
	s12 =	simm.s32 $0x80  }
0x5: {  	s13 =	simm.s32 $0x400;
	s14 =	simm.s32 $0x3080;
	s15 =	simm.s32 $0x0  }
0x6: {  	s5 =	sand.u32 $0x1, s3;
	s30 =	sshll.u32 s1, $0x1;
	[smem:$0x7FF] =	sst s2  }
0x7: {  	s7 =	sshll.u32 s1, $0x6;
	s3 =	sadd.s32 $0x11E00, s4;
	p1 =	sgt.u32 s1, $0xD  }
0x8: {  	s8 =	sor.u32 s5, s30;
	_ =	strace $0x8000004D;
	s7 =	sand.u32 $0x300, s7  }
0x9: {  	s5 =	ssub.s32 $0x2, s5;
	s6 =	sshll.u32 s8, $0xA;
	s7 =	sadd.s32 s7, s4  }
.Ltmp0:
0xa: {  	v0 =	vlaneseq.u32;
	s9 =	sshll.u32 s8, $0x4;
	s10 =	sshrl.u32 s5, $0x1;
	(pc) =	sbr.rel .LBB2_1-.Ltmp0, $4  }
0xb: {  	v2 =	vmul.u32 $0x80, v0;
	v1 =	vmov s8;
	p0 =	sne.s32 s8, $0x0;
	s8 =	simm.s32 $0x1;
	s6 =	sadd.s32 s6, s4  }
0xc: {  	s4 =	sadd.s32 $0x2200, s4;
	s9 =	sand.u32 $0x70, s9;
	s10 =	ssub.s32 s5, s10;
	v3 =	vbroadcast v1, $0x0  }
0xd: {  	v4 =	vor.u32 $0x800, v2;
	s5 =	sadd.s32 $0x12000, s6;
	s31 =	sadd.s32 s9, s7;
	s7 =	smax.u32 s10, $0x1  }
0xe: {  	s9 =	simm.s32 $0x3180;
	s10 =	simm.s32 $0x1000;
	s6 =	sadd.s32 $0x1E00, s31;
	v1 =	vor.u32 v2, v3;
	v2 =	vor.u32 v4, v3;
	v3 =	vimm.s32 $0x0  }
.LBB2_6:
0xf: {  	v25 =	vsel vm7, $0x1, v3;
	vm11 =	vge.s32 v38, v27  }
0x10: {  	v26 =	vadd.s32 v41, v42;
	vm12 =	vge.s32 v38, v24;
	vm13 =	vge.s32 v38, v23  }
0x11: {  	vm14 =	vge.s32 v38, v22;
	v51 =	vsel vm5, $0x1, v3;
	v52 =	vsel vm6, $0x1, v3  }
0x12: {  	v53 =	vsub.s32 v37, v40;
	v54 =	vsel vm4, $0x1, v3;
	v56 =	vshll.u32 v39, $0x8  }
0x13: {  	v57 =	vshll.u32 v39, $0x7;
	v27 =	vsel vm11, $0x1, v3;
	v45 =	vadd.s32 v25, v26  }
0x14: {  	v60 =	vsel vm3, $0x1, v3;
	v46 =	vsel vm12, $0x1, v3;
	v47 =	vadd.s32 v27, v45  }
0x15: {  	v61 =	vsel vm2, $0x1, v3;
	v48 =	vsel vm13, $0x1, v3;
	v49 =	vadd.s32 v46, v47  }
0x16: {  	vm8 =	vge.s32 v38, v21;
	v50 =	vsel vm14, $0x1, v3;
	v22 =	vadd.s32 v48, v49  }
0x17: {  	vm9 =	vge.s32 v38, v20;
	vm10 =	vge.s32 v38, v19;
	v22 =	vadd.s32 v50, v22  }
0x18: {  	vm4 =	vge.s32 v38, v13;
	vm15 =	vgt.s32 v53, $0x0;
	v22 =	vadd.s32 v52, v22  }
0x19: {  	v26 =	vand.u32 $0xFFFFF800, v56;
	v55 =	vnsel vm15, $0x0, v53;
	v22 =	vadd.s32 v54, v22  }
0x1a: {  	v27 =	vand.u32 $0x380, v57;
	v24 =	vmin.u32 v55, $0xC7;
	v22 =	vadd.s32 v51, v22  }
0x1b: {  	v26 =	vor.u32 v26, v27;
	v28 =	vand.u32 $0x7F, v24;
	v62 =	vadd.s32 v60, v22  }
0x1c: {  	v63 =	vsel vm8, $0x1, v3;
	v59 =	vor.u32 v28, v26;
	v26 =	vadd.s32 v61, v62  }
0x1d: {  	vm5 =	vge.s32 v38, v12;
	v27 =	vsel vm9, $0x1, v3;
	v28 =	vadd.s32 v63, v26  }
0x1e: {  	v29 =	vsel vm10, $0x1, v3;
	vm11 =	vge.s32 v38, v18;
	v30 =	vadd.s32 v27, v28  }
0x1f: {  	vm12 =	vge.s32 v38, v17;
	v31 =	vsel vm11, $0x1, v3;
	v32 =	vadd.s32 v29, v30  }
0x20: {  	vm13 =	vge.s32 v38, v16;
	v33 =	vsel vm12, $0x1, v3;
	v34 =	vadd.s32 v31, v32  }
0x21: {  	vm14 =	vge.s32 v38, v15;
	v36 =	vsel vm13, $0x1, v3;
	v37 =	vadd.s32 v33, v34  }
0x22: {  	v39 =	vsel vm14, $0x1, v3;
	vm15 =	vge.s32 v38, v14;
	v40 =	vadd.s32 v36, v37  }
0x23: {  	vm6 =	vge.s32 v38, v11;
	v41 =	vsel vm15, $0x1, v3;
	v42 =	vadd.s32 v39, v40  }
0x24: {  	vm7 =	vge.s32 v38, v10;
	v43 =	vsel vm4, $0x1, v3;
	v44 =	vadd.s32 v41, v42  }
0x25: {  	vm8 =	vge.s32 v38, v9;
	v46 =	vsel vm5, $0x1, v3;
	v12 =	vadd.s32 v43, v44  }
0x26: {  	v47 =	vsel vm1, $0x1, v3;
	v24 =	vshll.u32 v24, $0x3;
	v48 =	vadd.s32 v46, v12  }
0x27: {  	v49 =	vsel vm6, $0x1, v3;
	v58 =	vand.u32 $0x400, v24;
	v50 =	vadd.s32 v47, v48  }
0x28: {  	v45 =	vor.u32 v58, v59;
	v51 =	vsel vm7, $0x1, v3;
	v52 =	vadd.s32 v49, v50  }
0x29: {  	v53 =	vsel vm8, $0x1, v3;
	vm9 =	vge.s32 v38, v8;
	v54 =	vadd.s32 v51, v52  }
0x2a: {  	vm10 =	vge.s32 v38, v7;
	v55 =	vsel vm9, $0x1, v3;
	v56 =	vadd.s32 v53, v54  }
0x2b: {  	v57 =	vsel vm10, $0x1, v3;
	vm11 =	vge.s32 v38, v6;
	v58 =	vadd.s32 v55, v56  }
0x2c: {  	vm12 =	vge.s32 v38, v5;
	v59 =	vsel vm11, $0x1, v3;
	v5 =	vadd.s32 v57, v58  }
0x2d: {  	vm13 =	vge.s32 v38, v4;
	v61 =	vsel vm12, $0x1, v3;
	v60 =	vld.idx.msk [tilespmem:v45+s10+$0x0], $0xffff;
	v4 =	vadd.s32 v59, v5  }
0x2e: {  	v5 =	vsel vm13, $0x1, v3;
	v4 =	vadd.s32 v61, v4  }
0x2f: {  	v4 =	vadd.s32 v5, v4;
	_ =	sdelay $0x2  }
0x30: {  	s16 =	sadd.s32 $0x10, s16;
	v5 =	vnsel vm0, $0x3FFFFFFF, v60  }
0x31: {  	[tilespmem:s16+$0x0] =	vst v5  }
0x32: {  	v5 =	vld.idx.msk [tilespmem:v4+s11+$0x0], $0xffff;
	_ =	sdelay $0x4  }
0x33: {  	v5 =	vsub.s32 v38, v5  }
0x34: {  	vm14 =	vgt.s32 v5, $0x0  }
0x35: {  	v62 =	vshll.u32 v4, $0x8;
	v4 =	vshll.u32 v4, $0x7;
	v5 =	vnsel vm14, $0x0, v5  }
0x36: {  	v6 =	vand.u32 $0xFFFFF800, v62;
	v4 =	vand.u32 $0x380, v4;
	v5 =	vmin.u32 v5, $0xC7  }
0x37: {  	v4 =	vor.u32 v6, v4;
	v63 =	vand.u32 $0x7F, v5;
	v5 =	vshll.u32 v5, $0x3  }
0x38: {  	v5 =	vand.u32 $0x400, v5;
	v4 =	vor.u32 v63, v4  }
0x39: {  	v4 =	vor.u32 v5, v4;
	_ =	sdelay $0x4  }
0x3a: {  	v4 =	vld.idx.msk [tilespmem:v4+s10+$0x0], $0xffff;
	_ =	sdelay $0x3  }
0x3b: {  	vm15 =	vlt.s32 v38, v35  }
0x3c: {  	s16 =	sadd.s32 $0x10, s16;
	v4 =	vnsel vm15, $0x3FFFFFFF, v4  }
0x3d: {  	[tilespmem:s16+$0x0] =	vst v4  }
0x3e: {  	[hbm4b:s6+s12] =	stream.strided.scatter [tilespmem:s14], [sflag:$0x1], $0x100, s13, s12, $0x38;
	[tilespmem:$0x3200] =	vst v63  }
0x3f: {  	_ =	swait.ge [sflag:s8], $0x100  }
0x40: {  	[sflag:s8] =	ssyncset.done $0x0  }
0x41: {  	[sflag:s8] =	ssyncadd.s32 $0xFFFFFF00  }
.LBB2_7:
0x42: {  	s15 =	sadd.s32 $0x1, s15  }
0x43: {  	p2 =	sne.s32 s15, s7  }
.Ltmp1:
0x44: {  	_ = 	snop;
	(pc) =	sbr.rel @!p2 .LBB2_8-.Ltmp1, $1  }
0x45: {  	_ =	sdelay $0x3  }
.LBB2_1:
.Ltmp2:
0x46: {  	(pc) =	sbr.rel @p0 .LBB2_3-.Ltmp2, $4  }
0x47: {  	[tilespmem:s2], [sflag:$0x1] =	stream.linear.gather [hbm4b:s3+s2], $0x1000, $0x38;
	[tilespmem:$0x3200] =	vst v63  }
0x48: {  	_ =	swait.ge [sflag:s8], $0x1000  }
0x49: {  	[sflag:s8] =	ssyncset.done $0x0  }
0x4a: {  	[sflag:s8] =	ssyncadd.s32 $0xFFFFF000  }
0x4b: {  	v4 =	vld [tilespmem:$0x0]  }
0x4c: {  	v5 =	vld [tilespmem:$0x10]  }
0x4d: {  	v6 =	vld [tilespmem:$0x80]  }
0x4e: {  	v7 =	vld [tilespmem:$0x90]  }
0x4f: {  	v8 =	vld [tilespmem:$0x100]  }
0x50: {  	v9 =	vld [tilespmem:$0x110]  }
0x51: {  	v10 =	vld [tilespmem:$0x180]  }
0x52: {  	v11 =	vld [tilespmem:$0x190]  }
0x53: {  	v12 =	vld [tilespmem:$0x200]  }
0x54: {  	v13 =	vld [tilespmem:$0x210]  }
0x55: {  	v14 =	vld [tilespmem:$0x280]  }
0x56: {  	v15 =	vld [tilespmem:$0x290]  }
0x57: {  	v16 =	vld [tilespmem:$0x300]  }
0x58: {  	v17 =	vld [tilespmem:$0x310]  }
0x59: {  	v18 =	vld [tilespmem:$0x380]  }
0x5a: {  	v19 =	vld [tilespmem:$0x390]  }
0x5b: {  	v20 =	vld [tilespmem:$0x400]  }
0x5c: {  	v21 =	vld [tilespmem:$0x410]  }
0x5d: {  	v22 =	vld [tilespmem:$0x480]  }
0x5e: {  	v23 =	vld [tilespmem:$0x490]  }
0x5f: {  	v24 =	vld [tilespmem:$0x500]  }
0x60: {  	v25 =	vld [tilespmem:$0x510]  }
0x61: {  	v26 =	vld [tilespmem:$0x580]  }
0x62: {  	v27 =	vld [tilespmem:$0x590]  }
0x63: {  	v28 =	vld [tilespmem:$0x600]  }
0x64: {  	v29 =	vld [tilespmem:$0x610]  }
0x65: {  	v30 =	vld [tilespmem:$0x680]  }
0x66: {  	v31 =	vld [tilespmem:$0x690]  }
0x67: {  	v32 =	vld [tilespmem:$0x700]  }
0x68: {  	v33 =	vld [tilespmem:$0x710]  }
0x69: {  	v34 =	vld [tilespmem:$0x780]  }
0x6a: {  	v35 =	vld [tilespmem:$0x790]  }
0x6b: {  	v36 =	vld [tilespmem:$0x800]  }
0x6c: {  	v37 =	vld [tilespmem:$0x810]  }
0x6d: {  	v38 =	vld [tilespmem:$0x880]  }
0x6e: {  	v39 =	vld [tilespmem:$0x890]  }
0x6f: {  	v40 =	vld [tilespmem:$0x900]  }
0x70: {  	v60 =	vld [tilespmem:$0x910];
	v4 =	vadd.s32 v4, v6  }
0x71: {  	v61 =	vld [tilespmem:$0x980];
	v5 =	vadd.s32 v5, v7;
	v4 =	vadd.s32 v8, v4  }
0x72: {  	v62 =	vld [tilespmem:$0x990];
	v5 =	vadd.s32 v9, v5;
	v4 =	vadd.s32 v10, v4  }
0x73: {  	v63 =	vld [tilespmem:$0xA00];
	v5 =	vadd.s32 v11, v5;
	v4 =	vadd.s32 v12, v4  }
0x74: {  	v41 =	vld [tilespmem:$0xA10];
	v5 =	vadd.s32 v13, v5;
	v4 =	vadd.s32 v14, v4  }
0x75: {  	v42 =	vld [tilespmem:$0xA80];
	v5 =	vadd.s32 v15, v5;
	v4 =	vadd.s32 v16, v4  }
0x76: {  	v43 =	vld [tilespmem:$0xA90];
	v5 =	vadd.s32 v17, v5;
	v4 =	vadd.s32 v18, v4  }
0x77: {  	v44 =	vld [tilespmem:$0xB00];
	v5 =	vadd.s32 v19, v5;
	v4 =	vadd.s32 v20, v4  }
0x78: {  	v45 =	vld [tilespmem:$0xB10];
	v5 =	vadd.s32 v21, v5;
	v4 =	vadd.s32 v22, v4  }
0x79: {  	v46 =	vld [tilespmem:$0xB80];
	v5 =	vadd.s32 v23, v5;
	v4 =	vadd.s32 v24, v4  }
0x7a: {  	v47 =	vld [tilespmem:$0xB90];
	v5 =	vadd.s32 v25, v5;
	v4 =	vadd.s32 v26, v4  }
0x7b: {  	v48 =	vld [tilespmem:$0xC00];
	v5 =	vadd.s32 v27, v5;
	v4 =	vadd.s32 v28, v4  }
0x7c: {  	v49 =	vld [tilespmem:$0xC10];
	v5 =	vadd.s32 v29, v5;
	v4 =	vadd.s32 v30, v4  }
0x7d: {  	v50 =	vld [tilespmem:$0xC80];
	v5 =	vadd.s32 v31, v5;
	v4 =	vadd.s32 v32, v4  }
0x7e: {  	v51 =	vld [tilespmem:$0xC90];
	v5 =	vadd.s32 v33, v5;
	v4 =	vadd.s32 v34, v4  }
0x7f: {  	v52 =	vld [tilespmem:$0xD00];
	v5 =	vadd.s32 v35, v5;
	v4 =	vadd.s32 v36, v4  }
0x80: {  	v53 =	vld [tilespmem:$0xD10];
	v5 =	vadd.s32 v37, v5;
	v4 =	vadd.s32 v38, v4  }
0x81: {  	v54 =	vld [tilespmem:$0xD80];
	v5 =	vadd.s32 v39, v5;
	v4 =	vadd.s32 v40, v4  }
0x82: {  	v55 =	vld [tilespmem:$0xD90];
	v5 =	vadd.s32 v60, v5;
	v4 =	vadd.s32 v61, v4  }
0x83: {  	v56 =	vld [tilespmem:$0xE00];
	v5 =	vadd.s32 v62, v5;
	v4 =	vadd.s32 v63, v4  }
0x84: {  	v57 =	vld [tilespmem:$0xE10];
	v5 =	vadd.s32 v41, v5;
	v4 =	vadd.s32 v42, v4  }
0x85: {  	v58 =	vld [tilespmem:$0xE80];
	v5 =	vadd.s32 v43, v5;
	v4 =	vadd.s32 v44, v4  }
0x86: {  	v59 =	vld [tilespmem:$0xE90];
	v5 =	vadd.s32 v45, v5;
	v4 =	vadd.s32 v46, v4  }
0x87: {  	v60 =	vld [tilespmem:$0xF00];
	v5 =	vadd.s32 v47, v5;
	v4 =	vadd.s32 v48, v4  }
0x88: {  	v61 =	vld [tilespmem:$0xF10];
	v5 =	vadd.s32 v49, v5;
	v4 =	vadd.s32 v50, v4  }
0x89: {  	v62 =	vld [tilespmem:$0xF80];
	v5 =	vadd.s32 v51, v5;
	v4 =	vadd.s32 v52, v4  }
0x8a: {  	v63 =	vld [tilespmem:$0xF90];
	v5 =	vadd.s32 v53, v5;
	v4 =	vadd.s32 v54, v4  }
0x8b: {  	v5 =	vadd.s32 v55, v5;
	v4 =	vadd.s32 v56, v4  }
0x8c: {  	v5 =	vadd.s32 v57, v5;
	v4 =	vadd.s32 v58, v4  }
0x8d: {  	v5 =	vadd.s32 v59, v5;
	v4 =	vadd.s32 v60, v4  }
0x8e: {  	v5 =	vadd.s32 v61, v5;
	v4 =	vadd.s32 v62, v4  }
0x8f: {  	v5 =	vadd.s32 v63, v5;
	[tilespmem:$0x3180] =	vst v4  }
0x90: {  	[tilespmem:$0x3190] =	vst v5  }
0x91: {  	[hbm4b:s4+s2] =	stream.linear.scatter [tilespmem:s9], [sflag:$0x1], $0x80, $0x38;
	[tilespmem:$0x3200] =	vst v63  }
0x92: {  	_ =	swait.ge [sflag:s8], $0x80  }
0x93: {  	[sflag:s8] =	ssyncset.done $0x0  }
0x94: {  	[sflag:s8] =	ssyncadd.s32 $0xFFFFFF80  }
.LBB2_3:
.Ltmp3:
0x95: {  	(pc) =	sbr.rel @p1 .LBB2_7-.Ltmp3, $1  }
0x96: {  	_ =	sdelay $0x3  }
0x97: {  	s16 =	simm.s32 $0x0  }
0x98: {  	[tilespmem:s10], [sflag:$0x1] =	stream.linear.gather [hbm4b:s5+s16], $0x2000, $0x38;
	[tilespmem:$0x3200] =	vst v63  }
0x99: {  	_ =	swait.ge [sflag:s8], $0x2000  }
0x9a: {  	[sflag:s8] =	ssyncset.done $0x0  }
0x9b: {  	[sflag:s8] =	ssyncadd.s32 $0xFFFFE000  }
0x9c: {  	v4 =	vld.idx.msk [tilespmem:v1+s16+$0x0], $0xffff;
	_ =	sdelay $0x4  }
0x9d: {  	(xrf0) =	vadd.scan.msk.s32 $0xffff, v4;
	_ =	sdelay $0x2  }
0x9e: {  	v5 =	vld.idx.msk [tilespmem:v2+s16+$0x0], $0xffff;
	_ =	sdelay $0x2  }
0x9f: {  	v6, _, _ =	vpop (xrf0)  }
0xa0: {  	v40 =	vsub.s32 v6, v4  }
0xa1: {  	(xrf0) =	vadd.scan.msk.s32 $0xffff, v5;
	v7 =	vbroadcast v6, $0xF;
	v25 =	vbroadcast v40, $0x0  }
0xa2: {  	v28 =	vbroadcast v40, $0x1;
	v27 =	vbroadcast v40, $0x2  }
0xa3: {  	v23 =	vbroadcast v40, $0x3;
	v30 =	vbroadcast v40, $0x4  }
0xa4: {  	v32 =	vbroadcast v40, $0x5;
	v34 =	vbroadcast v40, $0x6  }
0xa5: {  	v20 =	vbroadcast v40, $0x7;
	v18 =	vbroadcast v40, $0x8  }
0xa6: {  	v16 =	vbroadcast v40, $0x9;
	v14 =	vbroadcast v40, $0xA  }
0xa7: {  	v8, _, _ =	vpop (xrf0);
	v12 =	vbroadcast v40, $0xB;
	v11 =	vbroadcast v40, $0xC;
	v4 =	vsub.s32 v7, v5  }
0xa8: {  	v9 =	vbroadcast v40, $0xD;
	v7 =	vbroadcast v40, $0xE;
	v39 =	vadd.s32 v8, v4  }
0xa9: {  	v5 =	vbroadcast v40, $0xF;
	v26 =	vbroadcast v39, $0x0  }
0xaa: {  	v29 =	vbroadcast v39, $0x1;
	v24 =	vbroadcast v39, $0x2  }
0xab: {  	v22 =	vbroadcast v39, $0x3;
	v31 =	vbroadcast v39, $0x4  }
0xac: {  	v33 =	vbroadcast v39, $0x5;
	v21 =	vbroadcast v39, $0x6  }
0xad: {  	v38 =	vor.u32 s16, v0;
	v19 =	vbroadcast v39, $0x7;
	v17 =	vbroadcast v39, $0x8  }
0xae: {  	(v2sf) =	vpush v6, $0xF;
	v15 =	vbroadcast v39, $0x9;
	v13 =	vbroadcast v39, $0xA  }
0xaf: {  	(v2sf) =	vpush v8, $0xF;
	v36 =	vbroadcast v39, $0xB;
	v10 =	vbroadcast v39, $0xC  }
0xb0: {  	vm0 =	vge.s32 v38, v25;
	v8 =	vbroadcast v39, $0xD;
	v6 =	vbroadcast v39, $0xE  }
0xb1: {  	v4 =	vbroadcast v39, $0xF;
	v35 =	vsel vm0, $0x1, v3;
	vm0 =	vge.s32 v38, v28  }
0xb2: {  	v41 =	vsel vm0, $0x1, v3;
	vm1 =	vlt.s32 v38, v26;
	vm0 =	vge.s32 v38, v29  }
0xb3: {  	v37 =	vsel vm1, $0xFFFFFFFF, v3;
	v59 =	vsel vm0, $0x1, v3;
	vm0 =	vge.s32 v38, v27  }
0xb4: {  	vm1 =	vge.s32 v38, v30;
	v35 =	vadd.s32 v35, v37;
	v60 =	vsel vm0, $0x1, v3  }
0xb5: {  	s30 =	simm.s32 $0x10;
	vm0 =	vge.s32 v38, v24;
	v44 =	vsel vm1, $0x1, v3;
	vm1 =	vge.s32 v38, v32  }
0xb6: {  	v37 =	vor.u32 s30, v0;
	v35 =	vadd.s32 v41, v35;
	v61 =	vsel vm0, $0x1, v3  }
0xb7: {  	vm0 =	vge.s32 v38, v23;
	v46 =	vsel vm1, $0x1, v3;
	vm1 =	vge.s32 v38, v34  }
0xb8: {  	vm3 =	vge.s32 v37, v31;
	vm4 =	vge.s32 v37, v32;
	vm2 =	vge.s32 v37, v33  }
0xb9: {  	vm5 =	vge.s32 v37, v25;
	vm6 =	vlt.s32 v37, v26;
	v35 =	vadd.s32 v59, v35  }
0xba: {  	v62 =	vsel vm0, $0x1, v3;
	vm0 =	vge.s32 v38, v22;
	v48 =	vsel vm1, $0x1, v3  }
0xbb: {  	vm1 =	vge.s32 v38, v36;
	v35 =	vadd.s32 v60, v35;
	v63 =	vsel vm0, $0x1, v3  }
0xbc: {  	vm0 =	vge.s32 v38, v31;
	v59 =	vsel vm1, $0x1, v3;
	vm1 =	vge.s32 v37, v34  }
0xbd: {  	v35 =	vadd.s32 v61, v35;
	v45 =	vsel vm0, $0x1, v3;
	vm0 =	vge.s32 v38, v33  }
0xbe: {  	v35 =	vadd.s32 v62, v35;
	v47 =	vsel vm0, $0x1, v3;
	vm0 =	vge.s32 v38, v21  }
0xbf: {  	v35 =	vadd.s32 v63, v35;
	v49 =	vsel vm0, $0x1, v3;
	vm0 =	vge.s32 v38, v20  }
0xc0: {  	v35 =	vadd.s32 v44, v35;
	v50 =	vsel vm0, $0x1, v3;
	vm0 =	vge.s32 v38, v19  }
0xc1: {  	v35 =	vadd.s32 v45, v35;
	v51 =	vsel vm0, $0x1, v3;
	vm0 =	vge.s32 v38, v18  }
0xc2: {  	v35 =	vadd.s32 v46, v35;
	v52 =	vsel vm0, $0x1, v3;
	vm0 =	vge.s32 v38, v17  }
0xc3: {  	v35 =	vadd.s32 v47, v35;
	v53 =	vsel vm0, $0x1, v3;
	vm0 =	vge.s32 v38, v16  }
0xc4: {  	v47 =	vsel vm5, $0x1, v3;
	vm5 =	vge.s32 v37, v28;
	v35 =	vadd.s32 v48, v35  }
0xc5: {  	v54 =	vsel vm0, $0x1, v3;
	vm0 =	vge.s32 v38, v15;
	v48 =	vsel vm6, $0xFFFFFFFF, v3  }
0xc6: {  	vm6 =	vge.s32 v37, v30;
	v35 =	vadd.s32 v49, v35;
	v55 =	vsel vm0, $0x1, v3  }
0xc7: {  	vm0 =	vge.s32 v38, v14;
	v49 =	vsel vm5, $0x1, v3;
	vm5 =	vge.s32 v37, v29  }
0xc8: {  	[tilespmem:$0x3000] =	vst v40;
	v40 =	vadd.s32 v47, v48;
	v35 =	vadd.s32 v50, v35;
	v56 =	vsel vm0, $0x1, v3  }
0xc9: {  	vm0 =	vge.s32 v38, v13;
	v43 =	vsel vm5, $0x1, v3;
	vm5 =	vge.s32 v37, v27  }
0xca: {  	[tilespmem:$0x3010] =	vst v39;
	v39 =	vadd.s32 v49, v40;
	v35 =	vadd.s32 v51, v35;
	v57 =	vsel vm0, $0x1, v3  }
0xcb: {  	vm0 =	vge.s32 v38, v12;
	v51 =	vsel vm5, $0x1, v3;
	vm5 =	vge.s32 v37, v24  }
0xcc: {  	v39 =	vadd.s32 v43, v39;
	v35 =	vadd.s32 v52, v35;
	v58 =	vsel vm0, $0x1, v3  }
0xcd: {  	vm0 =	vge.s32 v38, v11;
	v52 =	vsel vm5, $0x1, v3;
	vm5 =	vge.s32 v37, v23  }
0xce: {  	v39 =	vadd.s32 v51, v39;
	v35 =	vadd.s32 v53, v35;
	v60 =	vsel vm0, $0x1, v3  }
0xcf: {  	vm0 =	vge.s32 v38, v10;
	v53 =	vsel vm5, $0x1, v3;
	vm5 =	vge.s32 v37, v22  }
0xd0: {  	v39 =	vadd.s32 v52, v39;
	v35 =	vadd.s32 v54, v35;
	v61 =	vsel vm0, $0x1, v3  }
0xd1: {  	vm0 =	vge.s32 v38, v9;
	v54 =	vsel vm5, $0x1, v3;
	v39 =	vadd.s32 v53, v39  }
0xd2: {  	v35 =	vadd.s32 v55, v35;
	v62 =	vsel vm0, $0x1, v3;
	vm0 =	vge.s32 v38, v8  }
0xd3: {  	v55 =	vsel vm6, $0x1, v3;
	v39 =	vadd.s32 v54, v39;
	v35 =	vadd.s32 v56, v35  }
0xd4: {  	v63 =	vsel vm0, $0x1, v3;
	vm0 =	vge.s32 v38, v7;
	v35 =	vadd.s32 v57, v35  }
0xd5: {  	v56 =	vsel vm4, $0x1, v3;
	v39 =	vadd.s32 v55, v39;
	v35 =	vadd.s32 v58, v35  }
0xd6: {  	v44 =	vsel vm0, $0x1, v3;
	vm0 =	vge.s32 v38, v6;
	v35 =	vadd.s32 v59, v35  }
0xd7: {  	v45 =	vsel vm0, $0x1, v3;
	vm0 =	vge.s32 v38, v5;
	v35 =	vadd.s32 v60, v35  }
0xd8: {  	v46 =	vsel vm0, $0x1, v3;
	vm0 =	vge.s32 v38, v4;
	v35 =	vadd.s32 v61, v35  }
0xd9: {  	v42 =	vsel vm0, $0x1, v3;
	vm0 =	vge.s32 v37, v36;
	v35 =	vadd.s32 v62, v35  }
0xda: {  	v60 =	vsel vm2, $0x1, v3;
	v61 =	vsel vm1, $0x1, v3;
	v35 =	vadd.s32 v63, v35  }
0xdb: {  	vm1 =	vge.s32 v37, v21;
	v53 =	vsel vm0, $0x1, v3;
	v35 =	vadd.s32 v44, v35  }
0xdc: {  	vm0 =	vge.s32 v37, v11;
	v62 =	vsel vm1, $0x1, v3;
	v35 =	vadd.s32 v45, v35  }
0xdd: {  	s29 =	spop (v2sf);
	vm1 =	vge.s32 v37, v20;
	v44 =	vsel vm3, $0x1, v3;
	v41 =	vadd.s32 v46, v35  }
0xde: {  	s17 =	spop (v2sf);
	v54 =	vsel vm0, $0x1, v3;
	v39 =	vadd.s32 v44, v39;
	v41 =	vadd.s32 v42, v41  }
0xdf: {  	s16 =	sadd.s32 s29, s17;
	vm0 =	vge.s32 v37, v10;
	v63 =	vsel vm1, $0x1, v3;
	v39 =	vadd.s32 v56, v39  }
0xe0: {  	p2 =	slt.s32 s16, $0xC8;
	vm1 =	vge.s32 v37, v19;
	v55 =	vsel vm0, $0x1, v3;
	v39 =	vadd.s32 v60, v39  }
0xe1: {  	s16 =	simm.s32 @!p2 $0xC8;
	vm0 =	vge.s32 v37, v9;
	v45 =	vsel vm1, $0x1, v3;
	v39 =	vadd.s32 v61, v39  }
0xe2: {  	vm1 =	vge.s32 v37, v18;
	v35 =	vmov s16;
	v39 =	vadd.s32 v62, v39  }
0xe3: {  	v46 =	vsel vm1, $0x1, v3;
	vm1 =	vge.s32 v37, v17;
	v39 =	vadd.s32 v63, v39;
	v50 =	vld.idx.msk [tilespmem:v41+s11+$0x0], $0xffff  }
0xe4: {  	v47 =	vsel vm1, $0x1, v3;
	vm1 =	vge.s32 v37, v16;
	v39 =	vadd.s32 v45, v39  }
0xe5: {  	v48 =	vsel vm1, $0x1, v3;
	vm1 =	vge.s32 v37, v15;
	v39 =	vadd.s32 v46, v39  }
0xe6: {  	v58 =	vshll.u32 v41, $0x8;
	v49 =	vsel vm1, $0x1, v3;
	v39 =	vadd.s32 v47, v39  }
0xe7: {  	vm1 =	vge.s32 v37, v14;
	v41 =	vshll.u32 v41, $0x7;
	v39 =	vadd.s32 v48, v39  }
0xe8: {  	v41 =	vand.u32 $0x380, v41;
	v39 =	vadd.s32 v49, v39;
	v42 =	vsub.s32 v38, v50  }
0xe9: {  	v50 =	vsel vm1, $0x1, v3;
	vm1 =	vge.s32 v37, v13;
	vm4 =	vgt.s32 v42, $0x0  }
0xea: {  	v51 =	vsel vm1, $0x1, v3;
	vm1 =	vge.s32 v37, v12;
	v39 =	vadd.s32 v50, v39  }
0xeb: {  	v57 =	vnsel vm4, $0x0, v42;
	v42 =	vand.u32 $0xFFFFF800, v58;
	v52 =	vsel vm1, $0x1, v3  }
0xec: {  	v39 =	vadd.s32 v51, v39;
	v40 =	vmin.u32 v57, $0xC7;
	v41 =	vor.u32 v42, v41  }
0xed: {  	v39 =	vadd.s32 v52, v39;
	v59 =	vshll.u32 v40, $0x3;
	v40 =	vand.u32 $0x7F, v40  }
0xee: {  	v39 =	vadd.s32 v53, v39;
	v42 =	vand.u32 $0x400, v59;
	v40 =	vor.u32 v40, v41  }
0xef: {  	v56 =	vsel vm0, $0x1, v3;
	v39 =	vadd.s32 v54, v39;
	v40 =	vor.u32 v42, v40  }
0xf0: {  	vm0 =	vge.s32 v37, v8;
	vm1 =	vlt.s32 v38, v35;
	v39 =	vadd.s32 v55, v39  }
0xf1: {  	v57 =	vsel vm0, $0x1, v3;
	vm0 =	vge.s32 v37, v7;
	v39 =	vadd.s32 v56, v39  }
0xf2: {  	v58 =	vsel vm0, $0x1, v3;
	vm0 =	vge.s32 v37, v6;
	v39 =	vadd.s32 v57, v39  }
0xf3: {  	v59 =	vsel vm0, $0x1, v3;
	vm0 =	vge.s32 v37, v5;
	v39 =	vadd.s32 v58, v39  }
0xf4: {  	s31 =	simm.s32 $0x20;
	v60 =	vsel vm0, $0x1, v3;
	vm0 =	vge.s32 v37, v4;
	v39 =	vadd.s32 v59, v39;
	v40 =	vld.idx.msk [tilespmem:v40+s10+$0x0], $0xffff  }
0xf5: {  	v38 =	vor.u32 s31, v0;
	v61 =	vsel vm0, $0x1, v3;
	v39 =	vadd.s32 v60, v39  }
0xf6: {  	vm2 =	vge.s32 v38, v34;
	v39 =	vadd.s32 v61, v39  }
0xf7: {  	vm4 =	vge.s32 v38, v31;
	vm5 =	vge.s32 v38, v32;
	vm3 =	vge.s32 v38, v33  }
0xf8: {  	vm7 =	vge.s32 v38, v25;
	vm8 =	vlt.s32 v38, v26;
	vm6 =	vge.s32 v38, v30  }
0xf9: {  	s16 =	simm.s32 $0x3080;
	v62 =	vsel vm7, $0x1, v3;
	vm7 =	vge.s32 v38, v28;
	v40 =	vnsel vm1, $0x3FFFFFFF, v40  }
0xfa: {  	v63 =	vsel vm8, $0xFFFFFFFF, v3;
	v41 =	vsel vm7, $0x1, v3;
	vm7 =	vge.s32 v38, v29;
	[tilespmem:s16+$0x0] =	vst v40  }
0xfb: {  	s17 =	simm.s32 $0x30;
	v42 =	vadd.s32 v62, v63;
	vm0 =	vlt.s32 v37, v35;
	vm1 =	vge.s32 v38, v36;
	v40 =	vld.idx.msk [tilespmem:v39+s11+$0x0], $0xffff  }
.LBB2_5:
0xfc: {  	p2 =	sne.s32 s17, $0xC0;
	v43 =	vsel vm7, $0x1, v3;
	vm7 =	vge.s32 v38, v27;
	v41 =	vadd.s32 v41, v42  }
0xfd: {  	v42 =	vsel vm7, $0x1, v3;
	vm7 =	vge.s32 v38, v24;
	v41 =	vadd.s32 v43, v41  }
0xfe: {  	v43 =	vsel vm7, $0x1, v3;
	vm7 =	vge.s32 v38, v23;
	v41 =	vadd.s32 v42, v41  }
0xff: {  	v42 =	vsel vm7, $0x1, v3;
	vm7 =	vge.s32 v38, v22;
	v41 =	vadd.s32 v43, v41  }
0x100: {  	v44 =	vsel vm5, $0x1, v3;
	v43 =	vsel vm7, $0x1, v3;
	v41 =	vadd.s32 v42, v41  }
0x101: {  	v40 =	vsub.s32 v37, v40;
	v37 =	vmovc v38;
	v42 =	vsel vm6, $0x1, v3;
	v41 =	vadd.s32 v43, v41  }
0x102: {  	v38 =	vsel vm4, $0x1, v3;
	vm4 =	vgt.s32 v40, $0x0;
	v41 =	vadd.s32 v42, v41  }
0x103: {  	v40 =	vnsel vm4, $0x0, v40;
	v42 =	vshll.u32 v39, $0x8;
	v39 =	vshll.u32 v39, $0x7  }
0x104: {  	v40 =	vmin.u32 v40, $0xC7;
	v42 =	vand.u32 $0xFFFFF800, v42;
	v39 =	vand.u32 $0x380, v39  }
0x105: {  	v43 =	vand.u32 $0x7F, v40;
	v40 =	vshll.u32 v40, $0x3;
	v39 =	vor.u32 v42, v39  }
0x106: {  	v38 =	vadd.s32 v38, v41;
	v40 =	vand.u32 $0x400, v40;
	v39 =	vor.u32 v43, v39  }
0x107: {  	v41 =	vsel vm3, $0x1, v3;
	v38 =	vadd.s32 v44, v38;
	v39 =	vor.u32 v40, v39  }
0x108: {  	v38 =	vadd.s32 v41, v38;
	v40 =	vsel vm2, $0x1, v3;
	vm2 =	vge.s32 v37, v21  }
0x109: {  	v41 =	vsel vm2, $0x1, v3;
	vm2 =	vge.s32 v37, v20;
	v38 =	vadd.s32 v40, v38  }
0x10a: {  	v40 =	vsel vm2, $0x1, v3;
	vm2 =	vge.s32 v37, v19;
	v38 =	vadd.s32 v41, v38  }
0x10b: {  	v41 =	vsel vm2, $0x1, v3;
	vm2 =	vge.s32 v37, v18;
	v38 =	vadd.s32 v40, v38  }
0x10c: {  	v40 =	vsel vm2, $0x1, v3;
	vm2 =	vge.s32 v37, v17;
	v38 =	vadd.s32 v41, v38;
	v39 =	vld.idx.msk [tilespmem:v39+s10+$0x0], $0xffff  }
0x10d: {  	v41 =	vsel vm2, $0x1, v3;
	vm2 =	vge.s32 v37, v16;
	v38 =	vadd.s32 v40, v38  }
0x10e: {  	v40 =	vsel vm2, $0x1, v3;
	vm2 =	vge.s32 v37, v15;
	v38 =	vadd.s32 v41, v38  }
0x10f: {  	v41 =	vsel vm2, $0x1, v3;
	vm2 =	vge.s32 v37, v14;
	v38 =	vadd.s32 v40, v38  }
0x110: {  	v40 =	vsel vm2, $0x1, v3;
	vm2 =	vge.s32 v37, v13;
	v38 =	vadd.s32 v41, v38  }
0x111: {  	v41 =	vsel vm2, $0x1, v3;
	vm2 =	vge.s32 v37, v12;
	v38 =	vadd.s32 v40, v38  }
0x112: {  	s16 =	sadd.s32 $0x10, s16;
	v40 =	vsel vm2, $0x1, v3;
	v38 =	vadd.s32 v41, v38;
	v39 =	vnsel vm0, $0x3FFFFFFF, v39  }
0x113: {  	v41 =	vsel vm1, $0x1, v3;
	vm0 =	vge.s32 v37, v11;
	v38 =	vadd.s32 v40, v38;
	[tilespmem:s16+$0x0] =	vst v39  }
0x114: {  	v38 =	vadd.s32 v41, v38;
	v39 =	vsel vm0, $0x1, v3;
	vm0 =	vge.s32 v37, v10  }
0x115: {  	v40 =	vsel vm0, $0x1, v3;
	vm0 =	vge.s32 v37, v9;
	v38 =	vadd.s32 v39, v38  }
0x116: {  	v39 =	vsel vm0, $0x1, v3;
	vm0 =	vge.s32 v37, v8;
	v38 =	vadd.s32 v40, v38  }
0x117: {  	v40 =	vsel vm0, $0x1, v3;
	vm0 =	vge.s32 v37, v7;
	v38 =	vadd.s32 v39, v38  }
0x118: {  	v39 =	vsel vm0, $0x1, v3;
	vm0 =	vge.s32 v37, v6;
	v38 =	vadd.s32 v40, v38  }
0x119: {  	v40 =	vsel vm0, $0x1, v3;
	vm0 =	vge.s32 v37, v5;
	v38 =	vadd.s32 v39, v38  }
0x11a: {  	v39 =	vsel vm0, $0x1, v3;
	vm0 =	vge.s32 v37, v4;
	v38 =	vadd.s32 v40, v38  }
0x11b: {  	v40 =	vsel vm0, $0x1, v3;
	v39 =	vadd.s32 v39, v38  }
0x11c: {  	v38 =	vor.u32 s17, v0;
	v39 =	vadd.s32 v40, v39  }
.Ltmp4:
0x11d: {  	vm0 =	vlt.s32 v37, v35;
	vm2 =	vge.s32 v38, v34;
	vm1 =	vge.s32 v38, v36;
	(pc) =	sbr.rel @p2 .LBB2_5-.Ltmp4, $4  }
0x11e: {  	vm4 =	vge.s32 v38, v31;
	vm5 =	vge.s32 v38, v32;
	vm3 =	vge.s32 v38, v33  }
0x11f: {  	vm7 =	vge.s32 v38, v25;
	vm8 =	vlt.s32 v38, v26;
	vm6 =	vge.s32 v38, v30  }
0x120: {  	v40 =	vsel vm7, $0x1, v3;
	vm7 =	vge.s32 v38, v28;
	v42 =	vsel vm8, $0xFFFFFFFF, v3  }
0x121: {  	s17 =	sadd.s32 $0x10, s17;
	v41 =	vsel vm7, $0x1, v3;
	vm7 =	vge.s32 v38, v29;
	v42 =	vadd.s32 v40, v42;
	v40 =	vld.idx.msk [tilespmem:v39+s11+$0x0], $0xffff  }
.Ltmp5:
0x122: {  	_ = 	snop;
	(pc) =	sbr.rel .LBB2_6-.Ltmp5, $1  }
0x123: {  	_ =	sdelay $0x3  }
.LBB2_8:
0x124: {  	_ =	sfence.sel $0x180000  }
0x125: {  	[bflag:$0x0] =	sbarrier.arrive $0xFFFF  }
0x126: {  	p0 =	sne.s32 s1, $0x0;
	_ =	strace $0x9000004D  }
0x127: {  	s0 =	sadd.s32 @!p0 $0x100000, s0;
	[bflag:$0x2] =	sbarrier.arrive $0xFFFF  }
0x128: {  	[sflag:s0] =	ssyncadd.tile.s32 @!p0 $0x1;
	_ =	shalt  }
.Lfunc_end2:
_tile_overlayer_lowered:
.L_overlay_start_2:
0x129: {  	(tag) =	ssettag $0x2  }
0x12a: {  	s0 =	rddreg [dreg:$0x0];
	s2 =	stileid.u32  }
0x12b: {  	s1 =	rddreg [dreg:$0x1];
	p0 =	sne.s32 s2, $0x0  }
0x12c: {  	s3 =	rddreg [dreg:$0x2];
	[bflag:$0x3] =	sbarrier.arrive $0xFFFF;
	s2 =	simm.s32 @!p0 $0x1C01  }
0x12d: {  	[timem:s3], [sflag:s2] =	dma.local @!p0 [hbm:s0], s1  }
0x12e: {  	s0 =	simm.s32 @!p0 $0x1  }
0x12f: {  	_ =	swait.ge @!p0 [sflag:s0], s1  }
0x130: {  	s1 =	ssub.s32 @!p0 $0x0, s1;
	[sflag:s0] =	ssyncset.done @!p0 $0x0  }
0x131: {  	[sflag:s0] =	ssyncadd.s32 @!p0 s1  }
0x132: {  	[bflag:$0x3] =	sbarrier.arrive $0xFFFF  }
0x133: {  	_ =	shalt  }

// kernel: sparse-core-data-format-call.cloned.1.call-start
scs
called_computation_lowered:
.L_overlay_start_0:
0x0: {  	s2 =	sld [smem:$0x3FD9]  }
0x1: {  	s3 =	sld [smem:$0x3FFE];
	_ =	sdelay $0x1  }
0x2: {  	s1 =	srdreg.scid  }
0x3: {  	s0 =	sand.u32 $0x1, s1  }
0x4: {  	s18 =	sshll.u32 s0, $0xA;
	s2 =	sadd.s32 s3, s2  }
0x5: {  	s2 =	sadd.s32 s2, s18  }
0x6: {  	[smem:$0x3FC4] =	sst s2  }
0x7: {  	_ = 	snop  }
0x8: {  	s19 =	sld [smem:$0x3FC9];
	(tm) =	ssettm $0x1  }
0x9: {  	s20 =	sld [smem:$0x3FFB];
	_ =	sdelay $0x3  }
0xa: {  	_ =	strace s20  }
0xb: {  	s2 =	sld [smem:$0x3FFC];
	_ =	sdelay $0x3  }
0xc: {  	_ =	strace s2  }
0xd: {  	s2 =	sld [smem:$0x3FFD];
	_ =	sdelay $0x3  }
0xe: {  	_ =	strace s2  }
0xf: {  	_ =	strace $0x8FFFFFFF  }
0x10: {  	s21 =	sld [smem:$0x3FDB];
	_ =	sdelay $0x1  }
0x11: {  	s4 =	simm.s32 $_scs_section_size  }
0x12: {  	s5 =	simm.s32 $_size__tile_overlayer_lowered;
	s6 =	simm.s32 $_tile_overlayer_lowered  }
0x13: {  	s7 =	simm.s32 $0x1BFF;
	s22 =	sshll.u32 s6, $0x1;
	s4 =	sadd.s32 s4, s21  }
0x14: {  	s23 =	simm.s32 $0x0;
	s5 =	sshll.u32 s5, $0x1;
	s6 =	sadd.s32 s22, s4  }
0x15: {  	[timem:s23], [sflag:s7] =	dma.local [hbm:s6], s5  }
0x16: {  	_ =	swait.ge [sflag:s7], s5  }
0x17: {  	s5 =	ssub.s32 $0x0, s5;
	[sflag:s7] =	ssyncset.done $0x0  }
0x18: {  	[sflag:s7] =	ssyncadd.s32 s5;
	_ =	sdelay $0x1  }
0x19: {  	s24 =	simm.s32 $0x1B8B  }
0x1a: {  	_ =	swait.ge [sflag:s24], $0x1  }
0x1b: {  	[sflag:s24] =	ssyncset.done $0x0  }
0x1c: {  	[sflag:s24] =	ssyncadd.s32 $0xFFFFFFFF  }
0x1d: {  	s5 =	sld [smem:$0x0]  }
0x1e: {  	s6 =	sand.u32 $0xFFFFFFFE, s1  }
0x1f: {  	p0 =	sne.s32 s1, s6  }
0x20: {  	s6 =	sshll.u32 @p0 s6, $0xE  }
0x21: {  	s6 =	sadd.s32 @p0 $0x11B8D, s6;
	s7 =	sshll.u32 @p0 s5, $0x11  }
0x22: {  	s6 =	sor.u32 @p0 s7, s6  }
0x23: {  	[sflag:s6] =	ssyncadd.remote.s32 @p0 $0x1;
	_ =	sdelay $0x1  }
0x24: {  	s6 =	simm.s32 @p0 $0x1B8D  }
0x25: {  	_ =	swait.eq @p0 [sflag:s6], $0x1  }
0x26: {  	[sflag:s6] =	ssyncadd.s32 @p0 $0xFFFFFFFF  }
0x27: {  	s7 =	sshll.u32 @!p0 s1, $0xE  }
0x28: {  	s7 =	sor.u32 @!p0 $0x4000, s7;
	s6 =	simm.s32 @!p0 $0x1B8D  }
0x29: {  	s5 =	sshll.u32 @!p0 s5, $0x11;
	s7 =	sadd.s32 @!p0 $0x11B8D, s7;
	_ =	swait.eq @!p0 [sflag:s6], $0x1  }
0x2a: {  	s5 =	sor.u32 @!p0 s5, s7;
	[sflag:s6] =	ssyncadd.s32 @!p0 $0xFFFFFFFF  }
0x2b: {  	s26 =	simm.s32 $0x1B8E;
	s25 =	sld [smem:$0x3FFE];
	[sflag:s5] =	ssyncadd.remote.s32 @!p0 $0x1  }
0x2c: {  	s27 =	simm.s32 $execute0_lowered;
	[smem:$0x3FD2] =	sst s26  }
0x2d: {  	s6 =	sshll.u32 s27, $0x1;
	_ =	strace $0x80000049;
	[dreg:$0x1] =	wrdreg $0xFFFFFFFF  }
0x2e: {  	s28 =	simm.s32 $_size_execute0_lowered;
	s4 =	sadd.s32 s4, s6;
	[dreg:$0x0] =	wrdreg $0x0  }
0x2f: {  	s6 =	sshll.u32 s28, $0x1;
	[dreg:$0x2] =	wrdreg s4  }
0x30: {  	[dreg:$0x3] =	wrdreg s6  }
0x31: {  	[dreg:$0x4] =	wrdreg $0xC0  }
0x32: {  	_ =	task [dreg:s23], $0x5FFFF  }
0x33: {  	[dreg:$0x1] =	wrdreg $0xFFFFFFFF  }
0x34: {  	[dreg:$0x0] =	wrdreg $0x60  }
0x35: {  	[dreg:$0x2] =	wrdreg s19  }
0x36: {  	[dreg:$0x3] =	wrdreg s25  }
0x37: {  	[dreg:$0x4] =	wrdreg $0x9  }
0x38: {  	_ =	task.clear_ibuf [dreg:s23], $0x5FFFF;
	_ =	strace $0x90000049  }
0x39: {  	s29 =	simm.s32 $0x9;
	_ =	strace $0x8000004B  }
0x3a: {  	_ =	swait.ge [sflag:s29], $0x1  }
0x3b: {  	[sflag:s29] =	ssyncadd.s32 $0xFFFFFFFF  }
0x3c: {  	_ =	strace $0x9000004B  }
0x3d: {  	_ =	sfence  }
0x3e: {  	s30 =	sld [smem:$0x0];
	_ =	sdelay $0x2  }
0x3f: {  	s31 =	sshll.u32 s1, $0xD;
	s1 =	sshrl.u32 s1, $0x2  }
0x40: {  	s4 =	sand.u32 $0x4000, s31;
	s1 =	sadd.s32 s1, s30  }
0x41: {  	s0 =	sor.u32 s4, s0;
	s1 =	sshll.u32 s1, $0x11  }
0x42: {  	s0 =	sor.u32 s1, s0  }
0x43: {  	s0 =	sadd.s32 $0x8F2B, s0  }
0x44: {  	[sflag:s0] =	ssyncadd.remote.s32 $0x1  }
0x45: {  	_ =	sfence.sel $0xFFFF  }
0x46: {  	[dreg:$0x0] =	wrdreg $0xFFFFFFFF;
	(pc) =	sbr.abs _section_cstart, $3  }
0x47: {  	[dreg:$0x1] =	wrdreg $0xFFFFFFFF  }
0x48: {  	_ =	task.clear_ibuf [dreg:s23], $0x2FFFF;
	_ =	strace $0x9FFFFFFF  }
0x49: {  	(tm) =	ssettm $0x7FFFFFFF  }
tec
execute0_lowered:
.L_overlay_start_1:
0x0: {  	(tag) =	ssettag $0x1  }
0x1: {  	s2 =	rddreg [dreg:$0x0]  }
0x2: {  	s4 =	rddreg [dreg:$0x1]  }
0x3: {  	s0 =	rddreg [dreg:$0x2];
	s1 =	stileid.u32  }
0x4: {  	_ =	strace $0x8000004A;
	s5 =	srdreg.scid;
	s9 =	simm.s32 $0x2  }
0x5: {  	s15 =	simm.s32 $0x0;
	p0 =	por $0x0, $0x0;
	s17 =	simm.s32 $0x0  }
0x6: {  	s16 =	simm.s32 $0x0;
	s18 =	simm.s32 $0x0;
	s10 =	simm.s32 $0x0  }
0x7: {  	s12 =	simm.s32 $0x0;
	s14 =	simm.s32 $0x0;
	s3 =	sand.u32 $0x1, s1  }
0x8: {  	s4 =	sadd.s32 $0x19000, s4;
	s5 =	sshll.u32 s5, $0x4;
	s6 =	ssub.s32 $0x2, s3  }
.Ltmp0:
0x9: {  	s5 =	sand.u32 $0x10, s5;
	s7 =	sshrl.u32 s6, $0x1;
	(pc) =	sbr.rel .LBB1_1-.Ltmp0, $4  }
0xa: {  	s6 =	sand.u32 $0x1, s6;
	s8 =	sor.u32 s1, s5;
	s5 =	simm.s32 $0x1  }
0xb: {  	s13 =	smov.u32 s3;
	s6 =	sadd.s32 s6, s7;
	[sflag:s5] =	ssyncpa.u1 $0x0  }
0xc: {  	s7 =	sshrl.u32 s8, $0x1;
	s6 =	sshll.u32 s6, $0x5;
	[sflag:s9] =	ssyncpa.u1 $0x0  }
0xd: {  	s9 =	simm.s32 $0x80;
	s11 =	smov.u32 s7;
	s8 =	sor.u32 $0x1, s6  }
.LBB1_7:
0xe: {  	s19 =	sadd.s32 $0x4, s10  }
0xf: {  	s15 =	sadd.s32 $0x10, s11;
	s20 =	smov.u32 s11;
	p2 =	sgt.s32 s19, $0x7F  }
0x10: {  	s20 =	smov.u32 @p2 s15  }
0x11: {  	s21 =	smov.u32 s12;
	s15 =	sadd.s32 $0x20, s12;
	p3 =	sgt.s32 s20, $0xF  }
0x12: {  	s21 =	smov.u32 @p3 s15  }
0x13: {  	s22 =	smov.u32 s13;
	s15 =	sadd.s32 $0x2, s13;
	p4 =	sgt.s32 s21, $0x1F  }
0x14: {  	p1 =	slt.u32 s14, $0x2;
	s22 =	smov.u32 @p4 s15  }
0x15: {  	s17 =	smov.u32 s11;
	s19 =	simm.s32 @p2 $0x0;
	p2 =	sgt.s32 s22, $0x1  }
0x16: {  	s23 =	simm.s32 @!p1 $0x2;
	s22 =	smov.u32 @p2 s3;
	p2 =	sne.s32 s14, s8  }
.Ltmp1:
0x17: {  	s16 =	smov.u32 s12;
	_ =	swait.ge @!p1 [sflag:s23], $0x4000;
	(pc) =	sbr.rel @!p2 .LBB1_8-.Ltmp1, $4  }
0x18: {  	s18 =	smov.u32 s13;
	[sflag:s23] =	ssyncset.done @!p1 $0x0;
	s20 =	smov.u32 @p3 s7  }
0x19: {  	p0 =	por !p0, !p0;
	[sflag:s23] =	ssyncadd.s32 @!p1 $0xFFFFC000;
	s11 =	smov.u32 s20  }
0x1a: {  	s21 =	simm.s32 @p4 $0x0;
	s15 =	smov.u32 s10;
	s10 =	smov.u32 s19  }
0x1b: {  	s12 =	smov.u32 s21;
	s14 =	sadd.s32 $0x1, s14;
	s13 =	smov.u32 s22  }
.LBB1_1:
0x1c: {  	p1 =	sge.u32 s14, s6  }
0x1d: {  	s31 =	sadd.s32 $0xFFFFFFFF, s14;
	s19 =	sxor.u32 @!p1 $0xFFFFFFFF, s14;
	s20 =	sshll.u32 @!p1 s13, $0x14  }
0x1e: {  	s21 =	sshll.u32 @!p1 s12, $0xF;
	s22 =	sshll.u32 @!p1 s11, $0xB;
	s20 =	sadd.s32 @!p1 s2, s20  }
0x1f: {  	s23 =	sshll.u32 @!p1 s10, $0x4;
	s19 =	sshll.u32 @!p1 s19, $0xE;
	s20 =	sadd.s32 @!p1 s21, s20  }
0x20: {  	s19 =	sand.u32 @!p1 $0x4000, s19;
	s21 =	sand.u32 @!p1 $0x7F0, s23;
	s20 =	sadd.s32 @!p1 s22, s20  }
0x21: {  	s22 =	simm.s32 @!p1 $0x40000;
	s20 =	sadd.s32 @!p1 s21, s20;
	s21 =	simm.s32 @!p1 $0x200  }
0x22: {  	[tilespmem:s19], [sflag:$0x1] =	stream.strided.gather @!p1 [hbm4b:s20+s21], $0x4000, s22, s21, $0x38;
	[tilespmem:$0x10400] =	vst v63  }
0x23: {  	p1 =	sge.u32 s31, s6  }
.Ltmp2:
0x24: {  	_ = 	snop;
	(pc) =	sbr.rel @p1 .LBB1_7-.Ltmp2, $1  }
0x25: {  	_ =	sdelay $0x3  }
0x26: {  	s19 =	simm.s32 $0x1;
	s21 =	sand.u32 $0x1, s14  }
0x27: {  	_ =	swait.ge [sflag:s5], $0x4000;
	s19 =	simm.s32 @!p0 $0x0;
	s22 =	smul.u32 $0x10800, s21  }
0x28: {  	[sflag:s5] =	ssyncset.done $0x0;
	s20 =	smul.u32 $0x10800, s19  }
0x29: {  	s19 =	sshll.u32 s19, $0xE;
	[sflag:s5] =	ssyncadd.s32 $0xFFFFC000  }
0x2a: {  	s21 =	sor.u32 $0x40, s19;
	s31 =	sshrl.u32 s22, $0x2;
	s20 =	sshrl.u32 s20, $0x2  }
0x2b: {  	s22 =	simm.s32 $0x0;
	s19 =	sor.u32 $0x8000, s31;
	s20 =	sor.u32 $0x8000, s20  }
.LBB1_3:
0x2c: {  	v0 =	vld [tilespmem:s21+$0x30]  }
0x2d: {  	v1 =	vld [tilespmem:s21+$0xFFFFFFD0]  }
0x2e: {  	v5 =	vld [tilespmem:s21+$0xFFFFFFE0]  }
0x2f: {  	v6 =	vld [tilespmem:s21+$0xFFFFFFF0]  }
0x30: {  	s23 =	sadd.s32 $0x0, s20;
	v2 =	vld [tilespmem:s21+$0x0]  }
0x31: {  	v3 =	vld [tilespmem:s21+$0x10];
	[tilespmem:s23+$0xE70 ss:$0x21] =	vst.msk $0xffff, v0  }
0x32: {  	v4 =	vld [tilespmem:s21+$0x20];
	[tilespmem:s23+$0x210 ss:$0x21] =	vst.msk $0xffff, v1  }
0x33: {  	s24 =	sadd.s32 $0x80, s21;
	v0 =	vld [tilespmem:s21+$0xFFFFFFC0];
	[tilespmem:s23+$0x420 ss:$0x21] =	vst.msk $0xffff, v5  }
0x34: {  	s25 =	simm.s32 $0x4200;
	s26 =	simm.s32 $0x8400;
	v1 =	vld [tilespmem:s24+$0x30];
	[tilespmem:s23+$0x630 ss:$0x21] =	vst.msk $0xffff, v6  }
.LBB1_4:
0x35: {  	p1 =	sne.s32 s26, $0xC600;
	v5 =	vld [tilespmem:s24+$0xFFFFFFD0];
	[tilespmem:s23+$0x840 ss:$0x21] =	vst.msk $0xffff, v2  }
0x36: {  	v6 =	vld [tilespmem:s24+$0xFFFFFFE0];
	[tilespmem:s23+$0xA50 ss:$0x21] =	vst.msk $0xffff, v3  }
0x37: {  	s27 =	sshra.s32 s25, $0x2;
	s25 =	smov.u32 s26;
	v7 =	vld [tilespmem:s24+$0xFFFFFFF0];
	[tilespmem:s23+$0xC60 ss:$0x21] =	vst.msk $0xffff, v4  }
.Ltmp3:
0x38: {  	v2 =	vld [tilespmem:s24+$0x0];
	[tilespmem:s23+$0x0 ss:$0x21] =	vst.msk $0xffff, v0;
	s23 =	sadd.s32 s27, s20;
	(pc) =	sbr.rel @p1 .LBB1_4-.Ltmp3, $4  }
0x39: {  	v3 =	vld [tilespmem:s24+$0x10];
	[tilespmem:s23+$0xE70 ss:$0x21] =	vst.msk $0xffff, v1  }
0x3a: {  	[tilespmem:s23+$0x210 ss:$0x21] =	vst.msk $0xffff, v5;
	v4 =	vld [tilespmem:s24+$0x20]  }
0x3b: {  	v0 =	vld [tilespmem:s24+$0xFFFFFFC0];
	[tilespmem:s23+$0x420 ss:$0x21] =	vst.msk $0xffff, v6;
	s24 =	sadd.s32 $0x80, s24  }
0x3c: {  	s26 =	sadd.s32 $0x4200, s26;
	v1 =	vld [tilespmem:s24+$0x30];
	[tilespmem:s23+$0x630 ss:$0x21] =	vst.msk $0xffff, v7  }
0x3d: {  	v5 =	vld [tilespmem:s24+$0xFFFFFFD0];
	[tilespmem:s23+$0x840 ss:$0x21] =	vst.msk $0xffff, v2  }
0x3e: {  	v58 =	vld [tilespmem:s24+$0xFFFFFFE0];
	[tilespmem:s23+$0xA50 ss:$0x21] =	vst.msk $0xffff, v3  }
0x3f: {  	s25 =	sshra.s32 s25, $0x2;
	v59 =	vld [tilespmem:s24+$0xFFFFFFF0];
	[tilespmem:s23+$0xC60 ss:$0x21] =	vst.msk $0xffff, v4  }
0x40: {  	v60 =	vld [tilespmem:s24+$0x0];
	s25 =	sadd.s32 s25, s20;
	[tilespmem:s23+$0x0 ss:$0x21] =	vst.msk $0xffff, v0  }
0x41: {  	v61 =	vld [tilespmem:s24+$0x10];
	[tilespmem:s25+$0xE70 ss:$0x21] =	vst.msk $0xffff, v1  }
0x42: {  	v62 =	vld [tilespmem:s24+$0x20];
	s22 =	sadd.s32 $0x1, s22;
	[tilespmem:s25+$0x210 ss:$0x21] =	vst.msk $0xffff, v5  }
0x43: {  	v63 =	vld [tilespmem:s24+$0xFFFFFFC0];
	p1 =	sne.s32 s22, $0x20;
	[tilespmem:s25+$0x420 ss:$0x21] =	vst.msk $0xffff, v58  }
.Ltmp4:
0x44: {  	[tilespmem:s25+$0x630 ss:$0x21] =	vst.msk $0xffff, v59;
	(pc) =	sbr.rel @p1 .LBB1_3-.Ltmp4, $4  }
0x45: {  	[tilespmem:s25+$0x840 ss:$0x21] =	vst.msk $0xffff, v60  }
0x46: {  	[tilespmem:s25+$0xA50 ss:$0x21] =	vst.msk $0xffff, v61  }
0x47: {  	[tilespmem:s25+$0xC60 ss:$0x21] =	vst.msk $0xffff, v62  }
0x48: {  	s21 =	sadd.s32 $0x200, s21;
	s20 =	sadd.s32 $0x1, s20;
	[tilespmem:s25+$0x0 ss:$0x21] =	vst.msk $0xffff, v63  }
0x49: {  	s18 =	sshll.u32 s18, $0x16  }
0x4a: {  	s20 =	sand.u32 $0x780, s16;
	s17 =	sshll.u32 s17, $0x12;
	s18 =	sadd.s32 s4, s18  }
.Ltmp5:
0x4b: {  	s21 =	sshrl.u32 s16, $0x3;
	s18 =	sadd.s32 s20, s18;
	(pc) =	sbr.rel .LBB1_7-.Ltmp5, $4  }
0x4c: {  	s31 =	sand.u32 $0x7, s16;
	s30 =	sand.u32 $0xF, s21;
	s17 =	sadd.s32 s17, s18  }
0x4d: {  	s15 =	sshll.u32 s15, $0xB;
	s16 =	sshll.u32 s31, $0x12;
	s17 =	sadd.s32 s30, s17  }
0x4e: {  	s16 =	sor.u32 $0x20, s16;
	s15 =	sadd.s32 s15, s17  }
0x4f: {  	[hbm4b:s15+s16] =	stream.strided.scatter [tilespmem:s19], [sflag:$0x2], $0x4000, s9, s16, $0x10;
	[tilespmem:$0x10400] =	vst v63  }
.LBB1_8:
0x50: {  	_ =	sfence.sel $0x180000  }
0x51: {  	s2 =	simm.s32 $0x1;
	[bflag:$0x0] =	sbarrier.arrive $0xFFFF  }
0x52: {  	s31 =	simm.s32 $0x2;
	[sflag:s2] =	ssyncpa.u1 $0x1  }
0x53: {  	[sflag:s31] =	ssyncpa.u1 $0x1  }
0x54: {  	p0 =	sne.s32 s1, $0x0;
	_ =	strace $0x9000004A  }
0x55: {  	s0 =	sadd.s32 @!p0 $0x100000, s0;
	[bflag:$0x2] =	sbarrier.arrive $0xFFFF  }
0x56: {  	[sflag:s0] =	ssyncadd.tile.s32 @!p0 $0x1;
	_ =	shalt  }
.Lfunc_end1:
_tile_overlayer_lowered:
.L_overlay_start_2:
0x57: {  	(tag) =	ssettag $0x2  }
0x58: {  	s0 =	rddreg [dreg:$0x0];
	s2 =	stileid.u32  }
0x59: {  	s1 =	rddreg [dreg:$0x1];
	p0 =	sne.s32 s2, $0x0  }
0x5a: {  	s3 =	rddreg [dreg:$0x2];
	[bflag:$0x3] =	sbarrier.arrive $0xFFFF;
	s2 =	simm.s32 @!p0 $0x1C01  }
0x5b: {  	[timem:s3], [sflag:s2] =	dma.local @!p0 [hbm:s0], s1  }
0x5c: {  	s0 =	simm.s32 @!p0 $0x1  }
0x5d: {  	_ =	swait.ge @!p0 [sflag:s0], s1  }
0x5e: {  	s1 =	ssub.s32 @!p0 $0x0, s1;
	[sflag:s0] =	ssyncset.done @!p0 $0x0  }
0x5f: {  	[sflag:s0] =	ssyncadd.s32 @!p0 s1  }
0x60: {  	[bflag:$0x3] =	sbarrier.arrive $0xFFFF  }
0x61: {  	_ =	shalt  }

</sc_bundles>
